<compile_context>
chip_gen: v7x
topology: tpu7x:2x2x1
jax: 0.10.2.dev20260603
libtpu: 0.0.44.dev20260713+nightly
codegen_flags: <defaults>
</compile_context>

<pallas_src>
import functools
import math

import jax
import jax.numpy as jnp
from jax import lax
from jax.experimental import pallas as pl
from jax.experimental.pallas import tpu as pltpu
from jax.experimental.pallas import tpu_sc as plsc

_VOCAB = 100000
_D = 64
_SCALE = math.sqrt(_D)

_NC = 2
_NS = 16
_NW = _NC * _NS

_BATCH = 4096
_T = 200
_BB = _BATCH // _NW
_NG = 5
_NT = 5


def _gather_body(xt_hbm, table_hbm, out_hbm, idx_v, gbuf, tbuf, gsem, wsem):
    wid = lax.axis_index("s") * _NC + lax.axis_index("c")

    pltpu.sync_copy(xt_hbm.at[:, pl.ds(wid * _BB, _BB)], idx_v)

    lane = lax.iota(jnp.int32, 16)

    def _issue_gather(t, g):
        pltpu.async_copy(table_hbm.at[idx_v.at[t]], gbuf.at[g], gsem)

    def _wait_gather(t, g):
        pltpu.make_async_copy(table_hbm.at[idx_v.at[t]], gbuf.at[g], gsem).wait()

    def _issue_write(t, p):
        pltpu.async_copy(
            tbuf.at[p, :, :, pl.ds(0, 128)], out_hbm.at[t, :, wid], wsem
        )

    def _wait_write(t, p):
        pltpu.make_async_copy(
            tbuf.at[p, :, :, pl.ds(0, 128)], out_hbm.at[t, :, wid], wsem
        ).wait()

    zeros16 = jnp.zeros((16,), jnp.int32)
    ds_idx = lane & 7
    dt_idx = [(lane >> 3) + 2 * dg for dg in range(4)]

    def _transpose(g, p):
        @pl.loop(0, _BB // 8)
        def _bq(bq):
            b0 = bq * 8
            pending = []
            for j in range(8):
                b = b0 + j
                bsplat = zeros16 + b
                cur = []
                for dg in range(4):
                    v = gbuf[g, b, pl.ds(dg * 16, 16)]
                    cur.append((dg, bsplat, v * _SCALE))
                if len(pending) >= 2:
                    for dg, bs, v in pending.pop(0):
                        plsc.store_scatter(tbuf.at[p], [dt_idx[dg], ds_idx, bs], v)
                pending.append(cur)
            for batch in pending:
                for dg, bs, v in batch:
                    plsc.store_scatter(tbuf.at[p], [dt_idx[dg], ds_idx, bs], v)

    for g in range(_NG):
        _issue_gather(g, g)

    @pl.loop(0, _T // _NG)
    def _outer(o):
        t0 = o * _NG
        for g in range(_NG):
            t = t0 + g
            _wait_gather(t, g)

            @pl.when(t >= _NT)
            def _():
                _wait_write(jnp.maximum(t - _NT, 0), g)

            _transpose(g, g)
            _issue_write(t, g)

            @pl.when(t + _NG < _T)
            def _():
                _issue_gather(t + _NG, g)

    for g in range(_NG):
        _wait_write(_T - _NG + g, g)


@functools.partial(
    pl.kernel,
    out_type=jax.ShapeDtypeStruct((_T, _D // 8, _NW, 8, 128), jnp.float32),
    mesh=plsc.VectorSubcoreMesh(core_axis_name="c", subcore_axis_name="s"),
    compiler_params=pltpu.CompilerParams(
        use_tc_tiling_on_sc=False, needs_layout_passes=False
    ),
    scratch_types=[
        pltpu.VMEM((_T, _BB), jnp.int32),
        pltpu.VMEM((_NG, _BB, _D), jnp.float32),
        pltpu.VMEM((_NT, _D // 8, 8, 133), jnp.float32),
        pltpu.SemaphoreType.DMA,
        pltpu.SemaphoreType.DMA,
    ],
)
def _gather_rows(xt_hbm, table_hbm, out_hbm, idx_v, gbuf, tbuf, gsem, wsem):
    _gather_body(xt_hbm, table_hbm, out_hbm, idx_v, gbuf, tbuf, gsem, wsem)


def kernel(x, weight):
    out5 = _gather_rows(x.T, weight)
    return out5.transpose(2, 4, 0, 1, 3).reshape(_BATCH, _T, _D)

# --- scband reference (transcript-rebuilt; emitter-appended) ---
"""Pipeline reference for scband-token-embedding-5488968204936 (READ-ONLY COPY).

The authoritative reference and input builder live on the scoring server;
editing this copy changes nothing except your own understanding.
"""

import jax, jax.numpy as jnp
import numpy as np
import math

VOCAB = 100000
D_MODEL = 64
PAD_IDX = 0
SCALE = math.sqrt(D_MODEL)


def setup_inputs(seed: int = 0) -> dict:
    key = jax.random.key(seed)
    k_x, k_w = jax.random.split(key)
    x = jax.random.randint(k_x, (4096, 200), 0, VOCAB, dtype=jnp.int64 if jax.config.jax_enable_x64 else jnp.int32)
    weight = 0.02 * jax.random.normal(k_w, (VOCAB, D_MODEL), dtype=jnp.float32)
    weight = weight.at[PAD_IDX].set(0.0)
    return {"x": x, "weight": weight}


def reference(x, weight):
    # TokenEmbedding.forward: embedding lookup * sqrt(d_model)
    embedded = jnp.take(weight, x, axis=0) * SCALE
    return embedded

if __name__ == "__main__":
    import jax
    _d = setup_inputs()
    print(jax.jit(kernel)(*tuple(_d.values())))

</pallas_src>

<mosaic_0001>
#map = affine_map<(d0, d1) -> (0, 0)>
#map1 = affine_map<(d0, d1) -> (0, 0, 0, 0, 0)>
module attributes {stable_mosaic.version = 14 : i64} {
  func.func @_gather_rows(%arg0: i32, %arg1: i32, %arg2: memref<200x4096xi32, #tpu.memory_space<hbm>>, %arg3: memref<100000x64xf32, #tpu.memory_space<hbm>>, %arg4: memref<200x8x32x8x128xf32, #tpu.memory_space<hbm>>, %arg5: memref<200x128xi32, #tpu.memory_space<vmem>>, %arg6: memref<5x128x64xf32, #tpu.memory_space<vmem>>, %arg7: memref<5x8x8x133xf32, #tpu.memory_space<vmem>>, %arg8: memref<!tpu.dma_semaphore, #tpu.memory_space<semaphore_mem>>, %arg9: memref<!tpu.dma_semaphore, #tpu.memory_space<semaphore_mem>>) attributes {dimension_semantics = [#tpu.dimension_semantics<core_parallel>, #tpu.dimension_semantics<subcore_parallel>], iteration_bounds = array<i64: 2, 16>, scalar_prefetch = 0 : i64, scratch_operands = 5 : i64, tpu.core_type = #tpu.core_type<sc_vector_subcore>, window_params = [{transform_indices = #map}, {transform_indices = #map}, {transform_indices = #map1}]} {
    %mul3A = arith.constant 2 : i32
    %mul3A_0 = arith.muli %arg1, %mul3A : i32
    %add3A = arith.addi %mul3A_0, %arg0 : i32
    %mul3A_1 = arith.constant 128 : i32
    %mul3A_2 = arith.muli %add3A, %mul3A_1 : i32
    "tpu.region"() ({
      %run_scoped3A = tpu.sem_alloc : memref<!tpu.dma_semaphore, #tpu.memory_space<semaphore_mem>>
      %dma_start3A_201 = arith.constant 0 : i32
      %dma_start3A_202 = tpu.memref_slice %arg2[%dma_start3A_201, %mul3A_2] : memref<200x4096xi32, #tpu.memory_space<hbm>> -> memref<200x128xi32, #tpu.memory_space<hbm>>
      %dma_start3A_203 = arith.constant 0 : i32
      %dma_start3A_204 = tpu.memref_slice %arg2[%dma_start3A_203, %mul3A_2] : memref<200x4096xi32, #tpu.memory_space<hbm>> -> memref<200x128xi32, #tpu.memory_space<hbm>>
      tpu.enqueue_dma source(%dma_start3A_204 : memref<200x128xi32, #tpu.memory_space<hbm>>) target(%arg5 : memref<200x128xi32, #tpu.memory_space<vmem>>) target_semaphore(%run_scoped3A : memref<!tpu.dma_semaphore, #tpu.memory_space<semaphore_mem>>)
      %dma_wait3A_205 = arith.constant 0 : i32
      %dma_wait3A_206 = tpu.memref_slice %arg2[%dma_wait3A_205, %mul3A_2] : memref<200x4096xi32, #tpu.memory_space<hbm>> -> memref<200x128xi32, #tpu.memory_space<hbm>>
      %dma_wait3A_207 = arith.constant 0 : i32
      %dma_wait3A_208 = tpu.memref_slice %arg2[%dma_wait3A_207, %mul3A_2] : memref<200x4096xi32, #tpu.memory_space<hbm>> -> memref<200x128xi32, #tpu.memory_space<hbm>>
      tpu.wait_dma2 semaphore(%run_scoped3A : memref<!tpu.dma_semaphore, #tpu.memory_space<semaphore_mem>>) src(%dma_wait3A_208 : memref<200x128xi32, #tpu.memory_space<hbm>>) dst(%arg5 : memref<200x128xi32, #tpu.memory_space<vmem>>)
      tpu.yield
    }) : () -> ()
    %iota3A = tpu.iota {dimensions = array<i32: 0>} : vector<16xi32>
    %broadcast_in_dim3A = arith.constant 0 : i32
    %broadcast_in_dim3A_3 = vector.broadcast %broadcast_in_dim3A : i32 to vector<16xi32>
    %and3A = arith.constant 7 : i32
    %and3A_4 = vector.broadcast %and3A : i32 to vector<16xi32>
    %and3A_5 = arith.andi %iota3A, %and3A_4 : vector<16xi32>
    %shift_right_arithmetic3A = arith.constant 3 : i32
    %shift_right_arithmetic3A_6 = vector.broadcast %shift_right_arithmetic3A : i32 to vector<16xi32>
    %shift_right_arithmetic3A_7 = arith.shrsi %iota3A, %shift_right_arithmetic3A_6 : vector<16xi32>
    %add3A_8 = arith.constant 0 : i32
    %add3A_9 = vector.broadcast %add3A_8 : i32 to vector<16xi32>
    %add3A_10 = arith.addi %shift_right_arithmetic3A_7, %add3A_9 : vector<16xi32>
    %shift_right_arithmetic3A_11 = arith.constant 3 : i32
    %shift_right_arithmetic3A_12 = vector.broadcast %shift_right_arithmetic3A_11 : i32 to vector<16xi32>
    %shift_right_arithmetic3A_13 = arith.shrsi %iota3A, %shift_right_arithmetic3A_12 : vector<16xi32>
    %add3A_14 = arith.constant 2 : i32
    %add3A_15 = vector.broadcast %add3A_14 : i32 to vector<16xi32>
    %add3A_16 = arith.addi %shift_right_arithmetic3A_13, %add3A_15 : vector<16xi32>
    %shift_right_arithmetic3A_17 = arith.constant 3 : i32
    %shift_right_arithmetic3A_18 = vector.broadcast %shift_right_arithmetic3A_17 : i32 to vector<16xi32>
    %shift_right_arithmetic3A_19 = arith.shrsi %iota3A, %shift_right_arithmetic3A_18 : vector<16xi32>
    %add3A_20 = arith.constant 4 : i32
    %add3A_21 = vector.broadcast %add3A_20 : i32 to vector<16xi32>
    %add3A_22 = arith.addi %shift_right_arithmetic3A_19, %add3A_21 : vector<16xi32>
    %shift_right_arithmetic3A_23 = arith.constant 3 : i32
    %shift_right_arithmetic3A_24 = vector.broadcast %shift_right_arithmetic3A_23 : i32 to vector<16xi32>
    %shift_right_arithmetic3A_25 = arith.shrsi %iota3A, %shift_right_arithmetic3A_24 : vector<16xi32>
    %add3A_26 = arith.constant 6 : i32
    %add3A_27 = vector.broadcast %add3A_26 : i32 to vector<16xi32>
    %add3A_28 = arith.addi %shift_right_arithmetic3A_25, %add3A_27 : vector<16xi32>
    %dma_start3A = arith.constant 0 : i32
    %dma_start3A_29 = arith.constant 0 : i32
    %dma_start3A_30 = arith.constant 0 : i32
    %dma_start3A_31 = arith.constant 0 : i32
    %dma_start3A_32 = tpu.memref_slice %arg6[%dma_start3A_29, %dma_start3A_30, %dma_start3A_31] : memref<5x128x64xf32, #tpu.memory_space<vmem>> -> memref<1x128x64xf32, #tpu.memory_space<vmem>>
    %dma_start3A_33 = tpu.memref_squeeze %dma_start3A_32 : memref<1x128x64xf32, #tpu.memory_space<vmem>> -> memref<128x64xf32, #tpu.memory_space<vmem>>
    %dma_start3A_34 = arith.constant 0 : i32
    %dma_start3A_35 = tpu.memref_slice %arg5[%dma_start3A, %dma_start3A_34] : memref<200x128xi32, #tpu.memory_space<vmem>> -> memref<1x128xi32, #tpu.memory_space<vmem>>
    %dma_start3A_36 = tpu.memref_squeeze %dma_start3A_35 : memref<1x128xi32, #tpu.memory_space<vmem>> -> memref<128xi32, #tpu.memory_space<vmem>>
    %dma_start3A_37 = arith.constant 0 : i32
    %dma_start3A_38 = arith.constant 0 : i32
    %dma_start3A_39 = tpu.memref_slice %arg3[%dma_start3A_37, %dma_start3A_38] : memref<100000x64xf32, #tpu.memory_space<hbm>> -> memref<100000x64xf32, #tpu.memory_space<hbm>>
    tpu.enqueue_indirect_dma source(%dma_start3A_39 : memref<100000x64xf32, #tpu.memory_space<hbm>>) target(%dma_start3A_33 : memref<128x64xf32, #tpu.memory_space<vmem>>) offsets(%dma_start3A_36 : memref<128xi32, #tpu.memory_space<vmem>>) semaphore(%arg8 : memref<!tpu.dma_semaphore, #tpu.memory_space<semaphore_mem>>)
    %dma_start3A_40 = arith.constant 1 : i32
    %dma_start3A_41 = arith.constant 1 : i32
    %dma_start3A_42 = arith.constant 0 : i32
    %dma_start3A_43 = arith.constant 0 : i32
    %dma_start3A_44 = tpu.memref_slice %arg6[%dma_start3A_41, %dma_start3A_42, %dma_start3A_43] : memref<5x128x64xf32, #tpu.memory_space<vmem>> -> memref<1x128x64xf32, #tpu.memory_space<vmem>>
    %dma_start3A_45 = tpu.memref_squeeze %dma_start3A_44 : memref<1x128x64xf32, #tpu.memory_space<vmem>> -> memref<128x64xf32, #tpu.memory_space<vmem>>
    %dma_start3A_46 = arith.constant 0 : i32
    %dma_start3A_47 = tpu.memref_slice %arg5[%dma_start3A_40, %dma_start3A_46] : memref<200x128xi32, #tpu.memory_space<vmem>> -> memref<1x128xi32, #tpu.memory_space<vmem>>
    %dma_start3A_48 = tpu.memref_squeeze %dma_start3A_47 : memref<1x128xi32, #tpu.memory_space<vmem>> -> memref<128xi32, #tpu.memory_space<vmem>>
    %dma_start3A_49 = arith.constant 0 : i32
    %dma_start3A_50 = arith.constant 0 : i32
    %dma_start3A_51 = tpu.memref_slice %arg3[%dma_start3A_49, %dma_start3A_50] : memref<100000x64xf32, #tpu.memory_space<hbm>> -> memref<100000x64xf32, #tpu.memory_space<hbm>>
    tpu.enqueue_indirect_dma source(%dma_start3A_51 : memref<100000x64xf32, #tpu.memory_space<hbm>>) target(%dma_start3A_45 : memref<128x64xf32, #tpu.memory_space<vmem>>) offsets(%dma_start3A_48 : memref<128xi32, #tpu.memory_space<vmem>>) semaphore(%arg8 : memref<!tpu.dma_semaphore, #tpu.memory_space<semaphore_mem>>)
    %dma_start3A_52 = arith.constant 2 : i32
    %dma_start3A_53 = arith.constant 2 : i32
    %dma_start3A_54 = arith.constant 0 : i32
    %dma_start3A_55 = arith.constant 0 : i32
    %dma_start3A_56 = tpu.memref_slice %arg6[%dma_start3A_53, %dma_start3A_54, %dma_start3A_55] : memref<5x128x64xf32, #tpu.memory_space<vmem>> -> memref<1x128x64xf32, #tpu.memory_space<vmem>>
    %dma_start3A_57 = tpu.memref_squeeze %dma_start3A_56 : memref<1x128x64xf32, #tpu.memory_space<vmem>> -> memref<128x64xf32, #tpu.memory_space<vmem>>
    %dma_start3A_58 = arith.constant 0 : i32
    %dma_start3A_59 = tpu.memref_slice %arg5[%dma_start3A_52, %dma_start3A_58] : memref<200x128xi32, #tpu.memory_space<vmem>> -> memref<1x128xi32, #tpu.memory_space<vmem>>
    %dma_start3A_60 = tpu.memref_squeeze %dma_start3A_59 : memref<1x128xi32, #tpu.memory_space<vmem>> -> memref<128xi32, #tpu.memory_space<vmem>>
    %dma_start3A_61 = arith.constant 0 : i32
    %dma_start3A_62 = arith.constant 0 : i32
    %dma_start3A_63 = tpu.memref_slice %arg3[%dma_start3A_61, %dma_start3A_62] : memref<100000x64xf32, #tpu.memory_space<hbm>> -> memref<100000x64xf32, #tpu.memory_space<hbm>>
    tpu.enqueue_indirect_dma source(%dma_start3A_63 : memref<100000x64xf32, #tpu.memory_space<hbm>>) target(%dma_start3A_57 : memref<128x64xf32, #tpu.memory_space<vmem>>) offsets(%dma_start3A_60 : memref<128xi32, #tpu.memory_space<vmem>>) semaphore(%arg8 : memref<!tpu.dma_semaphore, #tpu.memory_space<semaphore_mem>>)
    %dma_start3A_64 = arith.constant 3 : i32
    %dma_start3A_65 = arith.constant 3 : i32
    %dma_start3A_66 = arith.constant 0 : i32
    %dma_start3A_67 = arith.constant 0 : i32
    %dma_start3A_68 = tpu.memref_slice %arg6[%dma_start3A_65, %dma_start3A_66, %dma_start3A_67] : memref<5x128x64xf32, #tpu.memory_space<vmem>> -> memref<1x128x64xf32, #tpu.memory_space<vmem>>
    %dma_start3A_69 = tpu.memref_squeeze %dma_start3A_68 : memref<1x128x64xf32, #tpu.memory_space<vmem>> -> memref<128x64xf32, #tpu.memory_space<vmem>>
    %dma_start3A_70 = arith.constant 0 : i32
    %dma_start3A_71 = tpu.memref_slice %arg5[%dma_start3A_64, %dma_start3A_70] : memref<200x128xi32, #tpu.memory_space<vmem>> -> memref<1x128xi32, #tpu.memory_space<vmem>>
    %dma_start3A_72 = tpu.memref_squeeze %dma_start3A_71 : memref<1x128xi32, #tpu.memory_space<vmem>> -> memref<128xi32, #tpu.memory_space<vmem>>
    %dma_start3A_73 = arith.constant 0 : i32
    %dma_start3A_74 = arith.constant 0 : i32
    %dma_start3A_75 = tpu.memref_slice %arg3[%dma_start3A_73, %dma_start3A_74] : memref<100000x64xf32, #tpu.memory_space<hbm>> -> memref<100000x64xf32, #tpu.memory_space<hbm>>
    tpu.enqueue_indirect_dma source(%dma_start3A_75 : memref<100000x64xf32, #tpu.memory_space<hbm>>) target(%dma_start3A_69 : memref<128x64xf32, #tpu.memory_space<vmem>>) offsets(%dma_start3A_72 : memref<128xi32, #tpu.memory_space<vmem>>) semaphore(%arg8 : memref<!tpu.dma_semaphore, #tpu.memory_space<semaphore_mem>>)
    %dma_start3A_76 = arith.constant 4 : i32
    %dma_start3A_77 = arith.constant 4 : i32
    %dma_start3A_78 = arith.constant 0 : i32
    %dma_start3A_79 = arith.constant 0 : i32
    %dma_start3A_80 = tpu.memref_slice %arg6[%dma_start3A_77, %dma_start3A_78, %dma_start3A_79] : memref<5x128x64xf32, #tpu.memory_space<vmem>> -> memref<1x128x64xf32, #tpu.memory_space<vmem>>
    %dma_start3A_81 = tpu.memref_squeeze %dma_start3A_80 : memref<1x128x64xf32, #tpu.memory_space<vmem>> -> memref<128x64xf32, #tpu.memory_space<vmem>>
    %dma_start3A_82 = arith.constant 0 : i32
    %dma_start3A_83 = tpu.memref_slice %arg5[%dma_start3A_76, %dma_start3A_82] : memref<200x128xi32, #tpu.memory_space<vmem>> -> memref<1x128xi32, #tpu.memory_space<vmem>>
    %dma_start3A_84 = tpu.memref_squeeze %dma_start3A_83 : memref<1x128xi32, #tpu.memory_space<vmem>> -> memref<128xi32, #tpu.memory_space<vmem>>
    %dma_start3A_85 = arith.constant 0 : i32
    %dma_start3A_86 = arith.constant 0 : i32
    %dma_start3A_87 = tpu.memref_slice %arg3[%dma_start3A_85, %dma_start3A_86] : memref<100000x64xf32, #tpu.memory_space<hbm>> -> memref<100000x64xf32, #tpu.memory_space<hbm>>
    tpu.enqueue_indirect_dma source(%dma_start3A_87 : memref<100000x64xf32, #tpu.memory_space<hbm>>) target(%dma_start3A_81 : memref<128x64xf32, #tpu.memory_space<vmem>>) offsets(%dma_start3A_84 : memref<128xi32, #tpu.memory_space<vmem>>) semaphore(%arg8 : memref<!tpu.dma_semaphore, #tpu.memory_space<semaphore_mem>>)
    %scan3A = arith.constant 0 : i32
    %scan3A_88 = arith.constant 40 : i32
    %scan3A_89 = arith.addi %scan3A, %scan3A_88 : i32
    %scan3A_90 = arith.constant 1 : i32
    scf.for %scan3A_201 = %scan3A to %scan3A_89 step %scan3A_90  : i32 {
      %mul3A_202 = arith.constant 1 : i32
      %mul3A_203 = arith.muli %scan3A_201, %mul3A_202 : i32
      %add3A_204 = arith.constant 0 : i32
      %add3A_205 = arith.addi %add3A_204, %mul3A_203 : i32
      %mul3A_206 = arith.constant 5 : i32
      %mul3A_207 = arith.muli %add3A_205, %mul3A_206 : i32
      %add3A_208 = arith.constant 0 : i32
      %add3A_209 = arith.addi %mul3A_207, %add3A_208 : i32
      %dma_wait3A_210 = arith.constant 0 : i32
      %dma_wait3A_211 = arith.constant 0 : i32
      %dma_wait3A_212 = arith.constant 0 : i32
      %dma_wait3A_213 = tpu.memref_slice %arg6[%dma_wait3A_210, %dma_wait3A_211, %dma_wait3A_212] : memref<5x128x64xf32, #tpu.memory_space<vmem>> -> memref<1x128x64xf32, #tpu.memory_space<vmem>>
      %dma_wait3A_214 = tpu.memref_squeeze %dma_wait3A_213 : memref<1x128x64xf32, #tpu.memory_space<vmem>> -> memref<128x64xf32, #tpu.memory_space<vmem>>
      %dma_wait3A_215 = arith.constant 0 : i32
      %dma_wait3A_216 = tpu.memref_slice %arg5[%add3A_209, %dma_wait3A_215] : memref<200x128xi32, #tpu.memory_space<vmem>> -> memref<1x128xi32, #tpu.memory_space<vmem>>
      %dma_wait3A_217 = tpu.memref_squeeze %dma_wait3A_216 : memref<1x128xi32, #tpu.memory_space<vmem>> -> memref<128xi32, #tpu.memory_space<vmem>>
      %dma_wait3A_218 = arith.constant 0 : i32
      %dma_wait3A_219 = arith.constant 0 : i32
      %dma_wait3A_220 = tpu.memref_slice %arg3[%dma_wait3A_218, %dma_wait3A_219] : memref<100000x64xf32, #tpu.memory_space<hbm>> -> memref<100000x64xf32, #tpu.memory_space<hbm>>
      tpu.wait_indirect_dma semaphore(%arg8 : memref<!tpu.dma_semaphore, #tpu.memory_space<semaphore_mem>>) src(%dma_wait3A_220 : memref<100000x64xf32, #tpu.memory_space<hbm>>) dst(%dma_wait3A_214 : memref<128x64xf32, #tpu.memory_space<vmem>>)
      %ge3A = arith.constant 5 : i32
      %ge3A_221 = arith.cmpi sge, %add3A_209, %ge3A : i32
      %convert_element_type3A = arith.extui %ge3A_221 : i1 to i32
      %cond3A = arith.constant 0 : i32
      %cond3A_222 = arith.cmpi ne, %convert_element_type3A, %cond3A : i32
      scf.if %cond3A_222 {
        %sub3A = arith.constant 5 : i32
        %sub3A_459 = arith.subi %add3A_209, %sub3A : i32
        %max3A = arith.constant 0 : i32
        %max3A_460 = arith.maxsi %sub3A_459, %max3A : i32
        %dma_wait3A_461 = arith.constant 0 : i32
        %dma_wait3A_462 = arith.constant 0 : i32
        %dma_wait3A_463 = arith.constant 0 : i32
        %dma_wait3A_464 = arith.constant 0 : i32
        %dma_wait3A_465 = tpu.memref_slice %arg7[%dma_wait3A_461, %dma_wait3A_462, %dma_wait3A_463, %dma_wait3A_464] : memref<5x8x8x133xf32, #tpu.memory_space<vmem>> -> memref<1x8x8x128xf32, #tpu.memory_space<vmem>>
        %dma_wait3A_466 = tpu.memref_squeeze %dma_wait3A_465 : memref<1x8x8x128xf32, #tpu.memory_space<vmem>> -> memref<8x8x128xf32, #tpu.memory_space<vmem>>
        %dma_wait3A_467 = arith.constant 0 : i32
        %dma_wait3A_468 = arith.constant 0 : i32
        %dma_wait3A_469 = arith.constant 0 : i32
        %dma_wait3A_470 = tpu.memref_slice %arg4[%max3A_460, %dma_wait3A_467, %add3A, %dma_wait3A_468, %dma_wait3A_469] : memref<200x8x32x8x128xf32, #tpu.memory_space<hbm>> -> memref<1x8x1x8x128xf32, #tpu.memory_space<hbm>>
        %dma_wait3A_471 = tpu.memref_squeeze %dma_wait3A_470 : memref<1x8x1x8x128xf32, #tpu.memory_space<hbm>> -> memref<8x8x128xf32, #tpu.memory_space<hbm>>
        %dma_wait3A_472 = arith.constant 0 : i32
        %dma_wait3A_473 = arith.constant 0 : i32
        %dma_wait3A_474 = arith.constant 0 : i32
        %dma_wait3A_475 = tpu.memref_slice %arg4[%max3A_460, %dma_wait3A_472, %add3A, %dma_wait3A_473, %dma_wait3A_474] : memref<200x8x32x8x128xf32, #tpu.memory_space<hbm>> -> memref<1x8x1x8x128xf32, #tpu.memory_space<hbm>>
        %dma_wait3A_476 = tpu.memref_squeeze %dma_wait3A_475 : memref<1x8x1x8x128xf32, #tpu.memory_space<hbm>> -> memref<8x8x128xf32, #tpu.memory_space<hbm>>
        %dma_wait3A_477 = arith.constant 0 : i32
        %dma_wait3A_478 = arith.constant 0 : i32
        %dma_wait3A_479 = arith.constant 0 : i32
        %dma_wait3A_480 = tpu.memref_slice %arg7[%dma_wait3A_461, %dma_wait3A_477, %dma_wait3A_478, %dma_wait3A_479] : memref<5x8x8x133xf32, #tpu.memory_space<vmem>> -> memref<1x8x8x128xf32, #tpu.memory_space<vmem>>
        %dma_wait3A_481 = tpu.memref_squeeze %dma_wait3A_480 : memref<1x8x8x128xf32, #tpu.memory_space<vmem>> -> memref<8x8x128xf32, #tpu.memory_space<vmem>>
        tpu.wait_dma2 semaphore(%arg9 : memref<!tpu.dma_semaphore, #tpu.memory_space<semaphore_mem>>) src(%dma_wait3A_481 : memref<8x8x128xf32, #tpu.memory_space<vmem>>) dst(%dma_wait3A_476 : memref<8x8x128xf32, #tpu.memory_space<hbm>>)
      } else {
      }
      %scan3A_223 = arith.constant 0 : i32
      %scan3A_224 = arith.constant 16 : i32
      %scan3A_225 = arith.addi %scan3A_223, %scan3A_224 : i32
      %scan3A_226 = arith.constant 1 : i32
      scf.for %scan3A_459 = %scan3A_223 to %scan3A_225 step %scan3A_226  : i32 {
        %mul3A_460 = arith.constant 1 : i32
        %mul3A_461 = arith.muli %scan3A_459, %mul3A_460 : i32
        %add3A_462 = arith.constant 0 : i32
        %add3A_463 = arith.addi %add3A_462, %mul3A_461 : i32
        %mul3A_464 = arith.constant 8 : i32
        %mul3A_465 = arith.muli %add3A_463, %mul3A_464 : i32
        %add3A_466 = arith.constant 0 : i32
        %add3A_467 = arith.addi %mul3A_465, %add3A_466 : i32
        %add3A_468 = vector.broadcast %add3A_467 : i32 to vector<16xi32>
        %add3A_469 = arith.addi %broadcast_in_dim3A_3, %add3A_468 : vector<16xi32>
        %get3A = arith.constant 0 : i32
        %get3A_470 = arith.index_cast %get3A : i32 to index
        %get3A_471 = arith.index_cast %add3A_467 : i32 to index
        %get3A_472 = arith.constant 0 : index
        %get3A_473 = tpu.vector_load %arg6[%get3A_470, %get3A_471, %get3A_472] {strides = array<i32>} : memref<5x128x64xf32, #tpu.memory_space<vmem>>, vector<16xf32>,
        %mul3A_474 = arith.constant 8.000000e+00 : f32
        %mul3A_475 = vector.broadcast %mul3A_474 : f32 to vector<16xf32>
        %mul3A_476 = arith.mulf %get3A_473, %mul3A_475 : vector<16xf32>
        %get3A_477 = arith.constant 0 : i32
        %get3A_478 = arith.index_cast %get3A_477 : i32 to index
        %get3A_479 = arith.index_cast %add3A_467 : i32 to index
        %get3A_480 = arith.constant 16 : index
        %get3A_481 = tpu.vector_load %arg6[%get3A_478, %get3A_479, %get3A_480] {strides = array<i32>} : memref<5x128x64xf32, #tpu.memory_space<vmem>>, vector<16xf32>,
        %mul3A_482 = arith.constant 8.000000e+00 : f32
        %mul3A_483 = vector.broadcast %mul3A_482 : f32 to vector<16xf32>
        %mul3A_484 = arith.mulf %get3A_481, %mul3A_483 : vector<16xf32>
        %get3A_485 = arith.constant 0 : i32
        %get3A_486 = arith.index_cast %get3A_485 : i32 to index
        %get3A_487 = arith.index_cast %add3A_467 : i32 to index
        %get3A_488 = arith.constant 32 : index
        %get3A_489 = tpu.vector_load %arg6[%get3A_486, %get3A_487, %get3A_488] {strides = array<i32>} : memref<5x128x64xf32, #tpu.memory_space<vmem>>, vector<16xf32>,
        %mul3A_490 = arith.constant 8.000000e+00 : f32
        %mul3A_491 = vector.broadcast %mul3A_490 : f32 to vector<16xf32>
        %mul3A_492 = arith.mulf %get3A_489, %mul3A_491 : vector<16xf32>
        %get3A_493 = arith.constant 0 : i32
        %get3A_494 = arith.index_cast %get3A_493 : i32 to index
        %get3A_495 = arith.index_cast %add3A_467 : i32 to index
        %get3A_496 = arith.constant 48 : index
        %get3A_497 = tpu.vector_load %arg6[%get3A_494, %get3A_495, %get3A_496] {strides = array<i32>} : memref<5x128x64xf32, #tpu.memory_space<vmem>>, vector<16xf32>,
        %mul3A_498 = arith.constant 8.000000e+00 : f32
        %mul3A_499 = vector.broadcast %mul3A_498 : f32 to vector<16xf32>
        %mul3A_500 = arith.mulf %get3A_497, %mul3A_499 : vector<16xf32>
        %add3A_501 = arith.constant 1 : i32
        %add3A_502 = arith.addi %mul3A_465, %add3A_501 : i32
        %add3A_503 = vector.broadcast %add3A_502 : i32 to vector<16xi32>
        %add3A_504 = arith.addi %broadcast_in_dim3A_3, %add3A_503 : vector<16xi32>
        %get3A_505 = arith.constant 0 : i32
        %get3A_506 = arith.index_cast %get3A_505 : i32 to index
        %get3A_507 = arith.index_cast %add3A_502 : i32 to index
        %get3A_508 = arith.constant 0 : index
        %get3A_509 = tpu.vector_load %arg6[%get3A_506, %get3A_507, %get3A_508] {strides = array<i32>} : memref<5x128x64xf32, #tpu.memory_space<vmem>>, vector<16xf32>,
        %mul3A_510 = arith.constant 8.000000e+00 : f32
        %mul3A_511 = vector.broadcast %mul3A_510 : f32 to vector<16xf32>
        %mul3A_512 = arith.mulf %get3A_509, %mul3A_511 : vector<16xf32>
        %get3A_513 = arith.constant 0 : i32
        %get3A_514 = arith.index_cast %get3A_513 : i32 to index
        %get3A_515 = arith.index_cast %add3A_502 : i32 to index
        %get3A_516 = arith.constant 16 : index
        %get3A_517 = tpu.vector_load %arg6[%get3A_514, %get3A_515, %get3A_516] {strides = array<i32>} : memref<5x128x64xf32, #tpu.memory_space<vmem>>, vector<16xf32>,
        %mul3A_518 = arith.constant 8.000000e+00 : f32
        %mul3A_519 = vector.broadcast %mul3A_518 : f32 to vector<16xf32>
        %mul3A_520 = arith.mulf %get3A_517, %mul3A_519 : vector<16xf32>
        %get3A_521 = arith.constant 0 : i32
        %get3A_522 = arith.index_cast %get3A_521 : i32 to index
        %get3A_523 = arith.index_cast %add3A_502 : i32 to index
        %get3A_524 = arith.constant 32 : index
        %get3A_525 = tpu.vector_load %arg6[%get3A_522, %get3A_523, %get3A_524] {strides = array<i32>} : memref<5x128x64xf32, #tpu.memory_space<vmem>>, vector<16xf32>,
        %mul3A_526 = arith.constant 8.000000e+00 : f32
        %mul3A_527 = vector.broadcast %mul3A_526 : f32 to vector<16xf32>
        %mul3A_528 = arith.mulf %get3A_525, %mul3A_527 : vector<16xf32>
        %get3A_529 = arith.constant 0 : i32
        %get3A_530 = arith.index_cast %get3A_529 : i32 to index
        %get3A_531 = arith.index_cast %add3A_502 : i32 to index
        %get3A_532 = arith.constant 48 : index
        %get3A_533 = tpu.vector_load %arg6[%get3A_530, %get3A_531, %get3A_532] {strides = array<i32>} : memref<5x128x64xf32, #tpu.memory_space<vmem>>, vector<16xf32>,
        %mul3A_534 = arith.constant 8.000000e+00 : f32
        %mul3A_535 = vector.broadcast %mul3A_534 : f32 to vector<16xf32>
        %mul3A_536 = arith.mulf %get3A_533, %mul3A_535 : vector<16xf32>
        %add3A_537 = arith.constant 2 : i32
        %add3A_538 = arith.addi %mul3A_465, %add3A_537 : i32
        %add3A_539 = vector.broadcast %add3A_538 : i32 to vector<16xi32>
        %add3A_540 = arith.addi %broadcast_in_dim3A_3, %add3A_539 : vector<16xi32>
        %get3A_541 = arith.constant 0 : i32
        %get3A_542 = arith.index_cast %get3A_541 : i32 to index
        %get3A_543 = arith.index_cast %add3A_538 : i32 to index
        %get3A_544 = arith.constant 0 : index
        %get3A_545 = tpu.vector_load %arg6[%get3A_542, %get3A_543, %get3A_544] {strides = array<i32>} : memref<5x128x64xf32, #tpu.memory_space<vmem>>, vector<16xf32>,
        %mul3A_546 = arith.constant 8.000000e+00 : f32
        %mul3A_547 = vector.broadcast %mul3A_546 : f32 to vector<16xf32>
        %mul3A_548 = arith.mulf %get3A_545, %mul3A_547 : vector<16xf32>
        %get3A_549 = arith.constant 0 : i32
        %get3A_550 = arith.index_cast %get3A_549 : i32 to index
        %get3A_551 = arith.index_cast %add3A_538 : i32 to index
        %get3A_552 = arith.constant 16 : index
        %get3A_553 = tpu.vector_load %arg6[%get3A_550, %get3A_551, %get3A_552] {strides = array<i32>} : memref<5x128x64xf32, #tpu.memory_space<vmem>>, vector<16xf32>,
        %mul3A_554 = arith.constant 8.000000e+00 : f32
        %mul3A_555 = vector.broadcast %mul3A_554 : f32 to vector<16xf32>
        %mul3A_556 = arith.mulf %get3A_553, %mul3A_555 : vector<16xf32>
        %get3A_557 = arith.constant 0 : i32
        %get3A_558 = arith.index_cast %get3A_557 : i32 to index
        %get3A_559 = arith.index_cast %add3A_538 : i32 to index
        %get3A_560 = arith.constant 32 : index
        %get3A_561 = tpu.vector_load %arg6[%get3A_558, %get3A_559, %get3A_560] {strides = array<i32>} : memref<5x128x64xf32, #tpu.memory_space<vmem>>, vector<16xf32>,
        %mul3A_562 = arith.constant 8.000000e+00 : f32
        %mul3A_563 = vector.broadcast %mul3A_562 : f32 to vector<16xf32>
        %mul3A_564 = arith.mulf %get3A_561, %mul3A_563 : vector<16xf32>
        %get3A_565 = arith.constant 0 : i32
        %get3A_566 = arith.index_cast %get3A_565 : i32 to index
        %get3A_567 = arith.index_cast %add3A_538 : i32 to index
        %get3A_568 = arith.constant 48 : index
        %get3A_569 = tpu.vector_load %arg6[%get3A_566, %get3A_567, %get3A_568] {strides = array<i32>} : memref<5x128x64xf32, #tpu.memory_space<vmem>>, vector<16xf32>,
        %mul3A_570 = arith.constant 8.000000e+00 : f32
        %mul3A_571 = vector.broadcast %mul3A_570 : f32 to vector<16xf32>
        %mul3A_572 = arith.mulf %get3A_569, %mul3A_571 : vector<16xf32>
        %scatter3A = arith.constant 0 : i32
        %scatter3A_573 = arith.constant 0 : i32
        %scatter3A_574 = arith.constant 0 : i32
        %scatter3A_575 = arith.constant 0 : i32
        %scatter3A_576 = tpu.memref_slice %arg7[%scatter3A, %scatter3A_573, %scatter3A_574, %scatter3A_575] : memref<5x8x8x133xf32, #tpu.memory_space<vmem>> -> memref<1x8x8x133xf32, #tpu.memory_space<vmem>>
        %scatter3A_577 = tpu.memref_squeeze %scatter3A_576 : memref<1x8x8x133xf32, #tpu.memory_space<vmem>> -> memref<8x8x133xf32, #tpu.memory_space<vmem>>
        tpu.vector_store_idx %scatter3A_577[%add3A_10, %and3A_5, %add3A_469], %mul3A_476 : memref<8x8x133xf32, #tpu.memory_space<vmem>>[vector<16xi32>, vector<16xi32>, vector<16xi32>], vector<16xf32>,
        %scatter3A_578 = arith.constant 0 : i32
        %scatter3A_579 = arith.constant 0 : i32
        %scatter3A_580 = arith.constant 0 : i32
        %scatter3A_581 = arith.constant 0 : i32
        %scatter3A_582 = tpu.memref_slice %arg7[%scatter3A_578, %scatter3A_579, %scatter3A_580, %scatter3A_581] : memref<5x8x8x133xf32, #tpu.memory_space<vmem>> -> memref<1x8x8x133xf32, #tpu.memory_space<vmem>>
        %scatter3A_583 = tpu.memref_squeeze %scatter3A_582 : memref<1x8x8x133xf32, #tpu.memory_space<vmem>> -> memref<8x8x133xf32, #tpu.memory_space<vmem>>
        tpu.vector_store_idx %scatter3A_583[%add3A_16, %and3A_5, %add3A_469], %mul3A_484 : memref<8x8x133xf32, #tpu.memory_space<vmem>>[vector<16xi32>, vector<16xi32>, vector<16xi32>], vector<16xf32>,
        %scatter3A_584 = arith.constant 0 : i32
        %scatter3A_585 = arith.constant 0 : i32
        %scatter3A_586 = arith.constant 0 : i32
        %scatter3A_587 = arith.constant 0 : i32
        %scatter3A_588 = tpu.memref_slice %arg7[%scatter3A_584, %scatter3A_585, %scatter3A_586, %scatter3A_587] : memref<5x8x8x133xf32, #tpu.memory_space<vmem>> -> memref<1x8x8x133xf32, #tpu.memory_space<vmem>>
        %scatter3A_589 = tpu.memref_squeeze %scatter3A_588 : memref<1x8x8x133xf32, #tpu.memory_space<vmem>> -> memref<8x8x133xf32, #tpu.memory_space<vmem>>
        tpu.vector_store_idx %scatter3A_589[%add3A_22, %and3A_5, %add3A_469], %mul3A_492 : memref<8x8x133xf32, #tpu.memory_space<vmem>>[vector<16xi32>, vector<16xi32>, vector<16xi32>], vector<16xf32>,
        %scatter3A_590 = arith.constant 0 : i32
        %scatter3A_591 = arith.constant 0 : i32
        %scatter3A_592 = arith.constant 0 : i32
        %scatter3A_593 = arith.constant 0 : i32
        %scatter3A_594 = tpu.memref_slice %arg7[%scatter3A_590, %scatter3A_591, %scatter3A_592, %scatter3A_593] : memref<5x8x8x133xf32, #tpu.memory_space<vmem>> -> memref<1x8x8x133xf32, #tpu.memory_space<vmem>>
        %scatter3A_595 = tpu.memref_squeeze %scatter3A_594 : memref<1x8x8x133xf32, #tpu.memory_space<vmem>> -> memref<8x8x133xf32, #tpu.memory_space<vmem>>
        tpu.vector_store_idx %scatter3A_595[%add3A_28, %and3A_5, %add3A_469], %mul3A_500 : memref<8x8x133xf32, #tpu.memory_space<vmem>>[vector<16xi32>, vector<16xi32>, vector<16xi32>], vector<16xf32>,
        %add3A_596 = arith.constant 3 : i32
        %add3A_597 = arith.addi %mul3A_465, %add3A_596 : i32
        %add3A_598 = vector.broadcast %add3A_597 : i32 to vector<16xi32>
        %add3A_599 = arith.addi %broadcast_in_dim3A_3, %add3A_598 : vector<16xi32>
        %get3A_600 = arith.constant 0 : i32
        %get3A_601 = arith.index_cast %get3A_600 : i32 to index
        %get3A_602 = arith.index_cast %add3A_597 : i32 to index
        %get3A_603 = arith.constant 0 : index
        %get3A_604 = tpu.vector_load %arg6[%get3A_601, %get3A_602, %get3A_603] {strides = array<i32>} : memref<5x128x64xf32, #tpu.memory_space<vmem>>, vector<16xf32>,
        %mul3A_605 = arith.constant 8.000000e+00 : f32
        %mul3A_606 = vector.broadcast %mul3A_605 : f32 to vector<16xf32>
        %mul3A_607 = arith.mulf %get3A_604, %mul3A_606 : vector<16xf32>
        %get3A_608 = arith.constant 0 : i32
        %get3A_609 = arith.index_cast %get3A_608 : i32 to index
        %get3A_610 = arith.index_cast %add3A_597 : i32 to index
        %get3A_611 = arith.constant 16 : index
        %get3A_612 = tpu.vector_load %arg6[%get3A_609, %get3A_610, %get3A_611] {strides = array<i32>} : memref<5x128x64xf32, #tpu.memory_space<vmem>>, vector<16xf32>,
        %mul3A_613 = arith.constant 8.000000e+00 : f32
        %mul3A_614 = vector.broadcast %mul3A_613 : f32 to vector<16xf32>
        %mul3A_615 = arith.mulf %get3A_612, %mul3A_614 : vector<16xf32>
        %get3A_616 = arith.constant 0 : i32
        %get3A_617 = arith.index_cast %get3A_616 : i32 to index
        %get3A_618 = arith.index_cast %add3A_597 : i32 to index
        %get3A_619 = arith.constant 32 : index
        %get3A_620 = tpu.vector_load %arg6[%get3A_617, %get3A_618, %get3A_619] {strides = array<i32>} : memref<5x128x64xf32, #tpu.memory_space<vmem>>, vector<16xf32>,
        %mul3A_621 = arith.constant 8.000000e+00 : f32
        %mul3A_622 = vector.broadcast %mul3A_621 : f32 to vector<16xf32>
        %mul3A_623 = arith.mulf %get3A_620, %mul3A_622 : vector<16xf32>
        %get3A_624 = arith.constant 0 : i32
        %get3A_625 = arith.index_cast %get3A_624 : i32 to index
        %get3A_626 = arith.index_cast %add3A_597 : i32 to index
        %get3A_627 = arith.constant 48 : index
        %get3A_628 = tpu.vector_load %arg6[%get3A_625, %get3A_626, %get3A_627] {strides = array<i32>} : memref<5x128x64xf32, #tpu.memory_space<vmem>>, vector<16xf32>,
        %mul3A_629 = arith.constant 8.000000e+00 : f32
        %mul3A_630 = vector.broadcast %mul3A_629 : f32 to vector<16xf32>
        %mul3A_631 = arith.mulf %get3A_628, %mul3A_630 : vector<16xf32>
        %scatter3A_632 = arith.constant 0 : i32
        %scatter3A_633 = arith.constant 0 : i32
        %scatter3A_634 = arith.constant 0 : i32
        %scatter3A_635 = arith.constant 0 : i32
        %scatter3A_636 = tpu.memref_slice %arg7[%scatter3A_632, %scatter3A_633, %scatter3A_634, %scatter3A_635] : memref<5x8x8x133xf32, #tpu.memory_space<vmem>> -> memref<1x8x8x133xf32, #tpu.memory_space<vmem>>
        %scatter3A_637 = tpu.memref_squeeze %scatter3A_636 : memref<1x8x8x133xf32, #tpu.memory_space<vmem>> -> memref<8x8x133xf32, #tpu.memory_space<vmem>>
        tpu.vector_store_idx %scatter3A_637[%add3A_10, %and3A_5, %add3A_504], %mul3A_512 : memref<8x8x133xf32, #tpu.memory_space<vmem>>[vector<16xi32>, vector<16xi32>, vector<16xi32>], vector<16xf32>,
        %scatter3A_638 = arith.constant 0 : i32
        %scatter3A_639 = arith.constant 0 : i32
        %scatter3A_640 = arith.constant 0 : i32
        %scatter3A_641 = arith.constant 0 : i32
        %scatter3A_642 = tpu.memref_slice %arg7[%scatter3A_638, %scatter3A_639, %scatter3A_640, %scatter3A_641] : memref<5x8x8x133xf32, #tpu.memory_space<vmem>> -> memref<1x8x8x133xf32, #tpu.memory_space<vmem>>
        %scatter3A_643 = tpu.memref_squeeze %scatter3A_642 : memref<1x8x8x133xf32, #tpu.memory_space<vmem>> -> memref<8x8x133xf32, #tpu.memory_space<vmem>>
        tpu.vector_store_idx %scatter3A_643[%add3A_16, %and3A_5, %add3A_504], %mul3A_520 : memref<8x8x133xf32, #tpu.memory_space<vmem>>[vector<16xi32>, vector<16xi32>, vector<16xi32>], vector<16xf32>,
        %scatter3A_644 = arith.constant 0 : i32
        %scatter3A_645 = arith.constant 0 : i32
        %scatter3A_646 = arith.constant 0 : i32
        %scatter3A_647 = arith.constant 0 : i32
        %scatter3A_648 = tpu.memref_slice %arg7[%scatter3A_644, %scatter3A_645, %scatter3A_646, %scatter3A_647] : memref<5x8x8x133xf32, #tpu.memory_space<vmem>> -> memref<1x8x8x133xf32, #tpu.memory_space<vmem>>
        %scatter3A_649 = tpu.memref_squeeze %scatter3A_648 : memref<1x8x8x133xf32, #tpu.memory_space<vmem>> -> memref<8x8x133xf32, #tpu.memory_space<vmem>>
        tpu.vector_store_idx %scatter3A_649[%add3A_22, %and3A_5, %add3A_504], %mul3A_528 : memref<8x8x133xf32, #tpu.memory_space<vmem>>[vector<16xi32>, vector<16xi32>, vector<16xi32>], vector<16xf32>,
        %scatter3A_650 = arith.constant 0 : i32
        %scatter3A_651 = arith.constant 0 : i32
        %scatter3A_652 = arith.constant 0 : i32
        %scatter3A_653 = arith.constant 0 : i32
        %scatter3A_654 = tpu.memref_slice %arg7[%scatter3A_650, %scatter3A_651, %scatter3A_652, %scatter3A_653] : memref<5x8x8x133xf32, #tpu.memory_space<vmem>> -> memref<1x8x8x133xf32, #tpu.memory_space<vmem>>
        %scatter3A_655 = tpu.memref_squeeze %scatter3A_654 : memref<1x8x8x133xf32, #tpu.memory_space<vmem>> -> memref<8x8x133xf32, #tpu.memory_space<vmem>>
        tpu.vector_store_idx %scatter3A_655[%add3A_28, %and3A_5, %add3A_504], %mul3A_536 : memref<8x8x133xf32, #tpu.memory_space<vmem>>[vector<16xi32>, vector<16xi32>, vector<16xi32>], vector<16xf32>,
        %add3A_656 = arith.constant 4 : i32
        %add3A_657 = arith.addi %mul3A_465, %add3A_656 : i32
        %add3A_658 = vector.broadcast %add3A_657 : i32 to vector<16xi32>
        %add3A_659 = arith.addi %broadcast_in_dim3A_3, %add3A_658 : vector<16xi32>
        %get3A_660 = arith.constant 0 : i32
        %get3A_661 = arith.index_cast %get3A_660 : i32 to index
        %get3A_662 = arith.index_cast %add3A_657 : i32 to index
        %get3A_663 = arith.constant 0 : index
        %get3A_664 = tpu.vector_load %arg6[%get3A_661, %get3A_662, %get3A_663] {strides = array<i32>} : memref<5x128x64xf32, #tpu.memory_space<vmem>>, vector<16xf32>,
        %mul3A_665 = arith.constant 8.000000e+00 : f32
        %mul3A_666 = vector.broadcast %mul3A_665 : f32 to vector<16xf32>
        %mul3A_667 = arith.mulf %get3A_664, %mul3A_666 : vector<16xf32>
        %get3A_668 = arith.constant 0 : i32
        %get3A_669 = arith.index_cast %get3A_668 : i32 to index
        %get3A_670 = arith.index_cast %add3A_657 : i32 to index
        %get3A_671 = arith.constant 16 : index
        %get3A_672 = tpu.vector_load %arg6[%get3A_669, %get3A_670, %get3A_671] {strides = array<i32>} : memref<5x128x64xf32, #tpu.memory_space<vmem>>, vector<16xf32>,
        %mul3A_673 = arith.constant 8.000000e+00 : f32
        %mul3A_674 = vector.broadcast %mul3A_673 : f32 to vector<16xf32>
        %mul3A_675 = arith.mulf %get3A_672, %mul3A_674 : vector<16xf32>
        %get3A_676 = arith.constant 0 : i32
        %get3A_677 = arith.index_cast %get3A_676 : i32 to index
        %get3A_678 = arith.index_cast %add3A_657 : i32 to index
        %get3A_679 = arith.constant 32 : index
        %get3A_680 = tpu.vector_load %arg6[%get3A_677, %get3A_678, %get3A_679] {strides = array<i32>} : memref<5x128x64xf32, #tpu.memory_space<vmem>>, vector<16xf32>,
        %mul3A_681 = arith.constant 8.000000e+00 : f32
        %mul3A_682 = vector.broadcast %mul3A_681 : f32 to vector<16xf32>
        %mul3A_683 = arith.mulf %get3A_680, %mul3A_682 : vector<16xf32>
        %get3A_684 = arith.constant 0 : i32
        %get3A_685 = arith.index_cast %get3A_684 : i32 to index
        %get3A_686 = arith.index_cast %add3A_657 : i32 to index
        %get3A_687 = arith.constant 48 : index
        %get3A_688 = tpu.vector_load %arg6[%get3A_685, %get3A_686, %get3A_687] {strides = array<i32>} : memref<5x128x64xf32, #tpu.memory_space<vmem>>, vector<16xf32>,
        %mul3A_689 = arith.constant 8.000000e+00 : f32
        %mul3A_690 = vector.broadcast %mul3A_689 : f32 to vector<16xf32>
        %mul3A_691 = arith.mulf %get3A_688, %mul3A_690 : vector<16xf32>
        %scatter3A_692 = arith.constant 0 : i32
        %scatter3A_693 = arith.constant 0 : i32
        %scatter3A_694 = arith.constant 0 : i32
        %scatter3A_695 = arith.constant 0 : i32
        %scatter3A_696 = tpu.memref_slice %arg7[%scatter3A_692, %scatter3A_693, %scatter3A_694, %scatter3A_695] : memref<5x8x8x133xf32, #tpu.memory_space<vmem>> -> memref<1x8x8x133xf32, #tpu.memory_space<vmem>>
        %scatter3A_697 = tpu.memref_squeeze %scatter3A_696 : memref<1x8x8x133xf32, #tpu.memory_space<vmem>> -> memref<8x8x133xf32, #tpu.memory_space<vmem>>
        tpu.vector_store_idx %scatter3A_697[%add3A_10, %and3A_5, %add3A_540], %mul3A_548 : memref<8x8x133xf32, #tpu.memory_space<vmem>>[vector<16xi32>, vector<16xi32>, vector<16xi32>], vector<16xf32>,
        %scatter3A_698 = arith.constant 0 : i32
        %scatter3A_699 = arith.constant 0 : i32
        %scatter3A_700 = arith.constant 0 : i32
        %scatter3A_701 = arith.constant 0 : i32
        %scatter3A_702 = tpu.memref_slice %arg7[%scatter3A_698, %scatter3A_699, %scatter3A_700, %scatter3A_701] : memref<5x8x8x133xf32, #tpu.memory_space<vmem>> -> memref<1x8x8x133xf32, #tpu.memory_space<vmem>>
        %scatter3A_703 = tpu.memref_squeeze %scatter3A_702 : memref<1x8x8x133xf32, #tpu.memory_space<vmem>> -> memref<8x8x133xf32, #tpu.memory_space<vmem>>
        tpu.vector_store_idx %scatter3A_703[%add3A_16, %and3A_5, %add3A_540], %mul3A_556 : memref<8x8x133xf32, #tpu.memory_space<vmem>>[vector<16xi32>, vector<16xi32>, vector<16xi32>], vector<16xf32>,
        %scatter3A_704 = arith.constant 0 : i32
        %scatter3A_705 = arith.constant 0 : i32
        %scatter3A_706 = arith.constant 0 : i32
        %scatter3A_707 = arith.constant 0 : i32
        %scatter3A_708 = tpu.memref_slice %arg7[%scatter3A_704, %scatter3A_705, %scatter3A_706, %scatter3A_707] : memref<5x8x8x133xf32, #tpu.memory_space<vmem>> -> memref<1x8x8x133xf32, #tpu.memory_space<vmem>>
        %scatter3A_709 = tpu.memref_squeeze %scatter3A_708 : memref<1x8x8x133xf32, #tpu.memory_space<vmem>> -> memref<8x8x133xf32, #tpu.memory_space<vmem>>
        tpu.vector_store_idx %scatter3A_709[%add3A_22, %and3A_5, %add3A_540], %mul3A_564 : memref<8x8x133xf32, #tpu.memory_space<vmem>>[vector<16xi32>, vector<16xi32>, vector<16xi32>], vector<16xf32>,
        %scatter3A_710 = arith.constant 0 : i32
        %scatter3A_711 = arith.constant 0 : i32
        %scatter3A_712 = arith.constant 0 : i32
        %scatter3A_713 = arith.constant 0 : i32
        %scatter3A_714 = tpu.memref_slice %arg7[%scatter3A_710, %scatter3A_711, %scatter3A_712, %scatter3A_713] : memref<5x8x8x133xf32, #tpu.memory_space<vmem>> -> memref<1x8x8x133xf32, #tpu.memory_space<vmem>>
        %scatter3A_715 = tpu.memref_squeeze %scatter3A_714 : memref<1x8x8x133xf32, #tpu.memory_space<vmem>> -> memref<8x8x133xf32, #tpu.memory_space<vmem>>
        tpu.vector_store_idx %scatter3A_715[%add3A_28, %and3A_5, %add3A_540], %mul3A_572 : memref<8x8x133xf32, #tpu.memory_space<vmem>>[vector<16xi32>, vector<16xi32>, vector<16xi32>], vector<16xf32>,
        %add3A_716 = arith.constant 5 : i32
        %add3A_717 = arith.addi %mul3A_465, %add3A_716 : i32
        %add3A_718 = vector.broadcast %add3A_717 : i32 to vector<16xi32>
        %add3A_719 = arith.addi %broadcast_in_dim3A_3, %add3A_718 : vector<16xi32>
        %get3A_720 = arith.constant 0 : i32
        %get3A_721 = arith.index_cast %get3A_720 : i32 to index
        %get3A_722 = arith.index_cast %add3A_717 : i32 to index
        %get3A_723 = arith.constant 0 : index
        %get3A_724 = tpu.vector_load %arg6[%get3A_721, %get3A_722, %get3A_723] {strides = array<i32>} : memref<5x128x64xf32, #tpu.memory_space<vmem>>, vector<16xf32>,
        %mul3A_725 = arith.constant 8.000000e+00 : f32
        %mul3A_726 = vector.broadcast %mul3A_725 : f32 to vector<16xf32>
        %mul3A_727 = arith.mulf %get3A_724, %mul3A_726 : vector<16xf32>
        %get3A_728 = arith.constant 0 : i32
        %get3A_729 = arith.index_cast %get3A_728 : i32 to index
        %get3A_730 = arith.index_cast %add3A_717 : i32 to index
        %get3A_731 = arith.constant 16 : index
        %get3A_732 = tpu.vector_load %arg6[%get3A_729, %get3A_730, %get3A_731] {strides = array<i32>} : memref<5x128x64xf32, #tpu.memory_space<vmem>>, vector<16xf32>,
        %mul3A_733 = arith.constant 8.000000e+00 : f32
        %mul3A_734 = vector.broadcast %mul3A_733 : f32 to vector<16xf32>
        %mul3A_735 = arith.mulf %get3A_732, %mul3A_734 : vector<16xf32>
        %get3A_736 = arith.constant 0 : i32
        %get3A_737 = arith.index_cast %get3A_736 : i32 to index
        %get3A_738 = arith.index_cast %add3A_717 : i32 to index
        %get3A_739 = arith.constant 32 : index
        %get3A_740 = tpu.vector_load %arg6[%get3A_737, %get3A_738, %get3A_739] {strides = array<i32>} : memref<5x128x64xf32, #tpu.memory_space<vmem>>, vector<16xf32>,
        %mul3A_741 = arith.constant 8.000000e+00 : f32
        %mul3A_742 = vector.broadcast %mul3A_741 : f32 to vector<16xf32>
        %mul3A_743 = arith.mulf %get3A_740, %mul3A_742 : vector<16xf32>
        %get3A_744 = arith.constant 0 : i32
        %get3A_745 = arith.index_cast %get3A_744 : i32 to index
        %get3A_746 = arith.index_cast %add3A_717 : i32 to index
        %get3A_747 = arith.constant 48 : index
        %get3A_748 = tpu.vector_load %arg6[%get3A_745, %get3A_746, %get3A_747] {strides = array<i32>} : memref<5x128x64xf32, #tpu.memory_space<vmem>>, vector<16xf32>,
        %mul3A_749 = arith.constant 8.000000e+00 : f32
        %mul3A_750 = vector.broadcast %mul3A_749 : f32 to vector<16xf32>
        %mul3A_751 = arith.mulf %get3A_748, %mul3A_750 : vector<16xf32>
        %scatter3A_752 = arith.constant 0 : i32
        %scatter3A_753 = arith.constant 0 : i32
        %scatter3A_754 = arith.constant 0 : i32
        %scatter3A_755 = arith.constant 0 : i32
        %scatter3A_756 = tpu.memref_slice %arg7[%scatter3A_752, %scatter3A_753, %scatter3A_754, %scatter3A_755] : memref<5x8x8x133xf32, #tpu.memory_space<vmem>> -> memref<1x8x8x133xf32, #tpu.memory_space<vmem>>
        %scatter3A_757 = tpu.memref_squeeze %scatter3A_756 : memref<1x8x8x133xf32, #tpu.memory_space<vmem>> -> memref<8x8x133xf32, #tpu.memory_space<vmem>>
        tpu.vector_store_idx %scatter3A_757[%add3A_10, %and3A_5, %add3A_599], %mul3A_607 : memref<8x8x133xf32, #tpu.memory_space<vmem>>[vector<16xi32>, vector<16xi32>, vector<16xi32>], vector<16xf32>,
        %scatter3A_758 = arith.constant 0 : i32
        %scatter3A_759 = arith.constant 0 : i32
        %scatter3A_760 = arith.constant 0 : i32
        %scatter3A_761 = arith.constant 0 : i32
        %scatter3A_762 = tpu.memref_slice %arg7[%scatter3A_758, %scatter3A_759, %scatter3A_760, %scatter3A_761] : memref<5x8x8x133xf32, #tpu.memory_space<vmem>> -> memref<1x8x8x133xf32, #tpu.memory_space<vmem>>
        %scatter3A_763 = tpu.memref_squeeze %scatter3A_762 : memref<1x8x8x133xf32, #tpu.memory_space<vmem>> -> memref<8x8x133xf32, #tpu.memory_space<vmem>>
        tpu.vector_store_idx %scatter3A_763[%add3A_16, %and3A_5, %add3A_599], %mul3A_615 : memref<8x8x133xf32, #tpu.memory_space<vmem>>[vector<16xi32>, vector<16xi32>, vector<16xi32>], vector<16xf32>,
        %scatter3A_764 = arith.constant 0 : i32
        %scatter3A_765 = arith.constant 0 : i32
        %scatter3A_766 = arith.constant 0 : i32
        %scatter3A_767 = arith.constant 0 : i32
        %scatter3A_768 = tpu.memref_slice %arg7[%scatter3A_764, %scatter3A_765, %scatter3A_766, %scatter3A_767] : memref<5x8x8x133xf32, #tpu.memory_space<vmem>> -> memref<1x8x8x133xf32, #tpu.memory_space<vmem>>
        %scatter3A_769 = tpu.memref_squeeze %scatter3A_768 : memref<1x8x8x133xf32, #tpu.memory_space<vmem>> -> memref<8x8x133xf32, #tpu.memory_space<vmem>>
        tpu.vector_store_idx %scatter3A_769[%add3A_22, %and3A_5, %add3A_599], %mul3A_623 : memref<8x8x133xf32, #tpu.memory_space<vmem>>[vector<16xi32>, vector<16xi32>, vector<16xi32>], vector<16xf32>,
        %scatter3A_770 = arith.constant 0 : i32
        %scatter3A_771 = arith.constant 0 : i32
        %scatter3A_772 = arith.constant 0 : i32
        %scatter3A_773 = arith.constant 0 : i32
        %scatter3A_774 = tpu.memref_slice %arg7[%scatter3A_770, %scatter3A_771, %scatter3A_772, %scatter3A_773] : memref<5x8x8x133xf32, #tpu.memory_space<vmem>> -> memref<1x8x8x133xf32, #tpu.memory_space<vmem>>
        %scatter3A_775 = tpu.memref_squeeze %scatter3A_774 : memref<1x8x8x133xf32, #tpu.memory_space<vmem>> -> memref<8x8x133xf32, #tpu.memory_space<vmem>>
        tpu.vector_store_idx %scatter3A_775[%add3A_28, %and3A_5, %add3A_599], %mul3A_631 : memref<8x8x133xf32, #tpu.memory_space<vmem>>[vector<16xi32>, vector<16xi32>, vector<16xi32>], vector<16xf32>,
        %add3A_776 = arith.constant 6 : i32
        %add3A_777 = arith.addi %mul3A_465, %add3A_776 : i32
        %add3A_778 = vector.broadcast %add3A_777 : i32 to vector<16xi32>
        %add3A_779 = arith.addi %broadcast_in_dim3A_3, %add3A_778 : vector<16xi32>
        %get3A_780 = arith.constant 0 : i32
        %get3A_781 = arith.index_cast %get3A_780 : i32 to index
        %get3A_782 = arith.index_cast %add3A_777 : i32 to index
        %get3A_783 = arith.constant 0 : index
        %get3A_784 = tpu.vector_load %arg6[%get3A_781, %get3A_782, %get3A_783] {strides = array<i32>} : memref<5x128x64xf32, #tpu.memory_space<vmem>>, vector<16xf32>,
        %mul3A_785 = arith.constant 8.000000e+00 : f32
        %mul3A_786 = vector.broadcast %mul3A_785 : f32 to vector<16xf32>
        %mul3A_787 = arith.mulf %get3A_784, %mul3A_786 : vector<16xf32>
        %get3A_788 = arith.constant 0 : i32
        %get3A_789 = arith.index_cast %get3A_788 : i32 to index
        %get3A_790 = arith.index_cast %add3A_777 : i32 to index
        %get3A_791 = arith.constant 16 : index
        %get3A_792 = tpu.vector_load %arg6[%get3A_789, %get3A_790, %get3A_791] {strides = array<i32>} : memref<5x128x64xf32, #tpu.memory_space<vmem>>, vector<16xf32>,
        %mul3A_793 = arith.constant 8.000000e+00 : f32
        %mul3A_794 = vector.broadcast %mul3A_793 : f32 to vector<16xf32>
        %mul3A_795 = arith.mulf %get3A_792, %mul3A_794 : vector<16xf32>
        %get3A_796 = arith.constant 0 : i32
        %get3A_797 = arith.index_cast %get3A_796 : i32 to index
        %get3A_798 = arith.index_cast %add3A_777 : i32 to index
        %get3A_799 = arith.constant 32 : index
        %get3A_800 = tpu.vector_load %arg6[%get3A_797, %get3A_798, %get3A_799] {strides = array<i32>} : memref<5x128x64xf32, #tpu.memory_space<vmem>>, vector<16xf32>,
        %mul3A_801 = arith.constant 8.000000e+00 : f32
        %mul3A_802 = vector.broadcast %mul3A_801 : f32 to vector<16xf32>
        %mul3A_803 = arith.mulf %get3A_800, %mul3A_802 : vector<16xf32>
        %get3A_804 = arith.constant 0 : i32
        %get3A_805 = arith.index_cast %get3A_804 : i32 to index
        %get3A_806 = arith.index_cast %add3A_777 : i32 to index
        %get3A_807 = arith.constant 48 : index
        %get3A_808 = tpu.vector_load %arg6[%get3A_805, %get3A_806, %get3A_807] {strides = array<i32>} : memref<5x128x64xf32, #tpu.memory_space<vmem>>, vector<16xf32>,
        %mul3A_809 = arith.constant 8.000000e+00 : f32
        %mul3A_810 = vector.broadcast %mul3A_809 : f32 to vector<16xf32>
        %mul3A_811 = arith.mulf %get3A_808, %mul3A_810 : vector<16xf32>
        %scatter3A_812 = arith.constant 0 : i32
        %scatter3A_813 = arith.constant 0 : i32
        %scatter3A_814 = arith.constant 0 : i32
        %scatter3A_815 = arith.constant 0 : i32
        %scatter3A_816 = tpu.memref_slice %arg7[%scatter3A_812, %scatter3A_813, %scatter3A_814, %scatter3A_815] : memref<5x8x8x133xf32, #tpu.memory_space<vmem>> -> memref<1x8x8x133xf32, #tpu.memory_space<vmem>>
        %scatter3A_817 = tpu.memref_squeeze %scatter3A_816 : memref<1x8x8x133xf32, #tpu.memory_space<vmem>> -> memref<8x8x133xf32, #tpu.memory_space<vmem>>
        tpu.vector_store_idx %scatter3A_817[%add3A_10, %and3A_5, %add3A_659], %mul3A_667 : memref<8x8x133xf32, #tpu.memory_space<vmem>>[vector<16xi32>, vector<16xi32>, vector<16xi32>], vector<16xf32>,
        %scatter3A_818 = arith.constant 0 : i32
        %scatter3A_819 = arith.constant 0 : i32
        %scatter3A_820 = arith.constant 0 : i32
        %scatter3A_821 = arith.constant 0 : i32
        %scatter3A_822 = tpu.memref_slice %arg7[%scatter3A_818, %scatter3A_819, %scatter3A_820, %scatter3A_821] : memref<5x8x8x133xf32, #tpu.memory_space<vmem>> -> memref<1x8x8x133xf32, #tpu.memory_space<vmem>>
        %scatter3A_823 = tpu.memref_squeeze %scatter3A_822 : memref<1x8x8x133xf32, #tpu.memory_space<vmem>> -> memref<8x8x133xf32, #tpu.memory_space<vmem>>
        tpu.vector_store_idx %scatter3A_823[%add3A_16, %and3A_5, %add3A_659], %mul3A_675 : memref<8x8x133xf32, #tpu.memory_space<vmem>>[vector<16xi32>, vector<16xi32>, vector<16xi32>], vector<16xf32>,
        %scatter3A_824 = arith.constant 0 : i32
        %scatter3A_825 = arith.constant 0 : i32
        %scatter3A_826 = arith.constant 0 : i32
        %scatter3A_827 = arith.constant 0 : i32
        %scatter3A_828 = tpu.memref_slice %arg7[%scatter3A_824, %scatter3A_825, %scatter3A_826, %scatter3A_827] : memref<5x8x8x133xf32, #tpu.memory_space<vmem>> -> memref<1x8x8x133xf32, #tpu.memory_space<vmem>>
        %scatter3A_829 = tpu.memref_squeeze %scatter3A_828 : memref<1x8x8x133xf32, #tpu.memory_space<vmem>> -> memref<8x8x133xf32, #tpu.memory_space<vmem>>
        tpu.vector_store_idx %scatter3A_829[%add3A_22, %and3A_5, %add3A_659], %mul3A_683 : memref<8x8x133xf32, #tpu.memory_space<vmem>>[vector<16xi32>, vector<16xi32>, vector<16xi32>], vector<16xf32>,
        %scatter3A_830 = arith.constant 0 : i32
        %scatter3A_831 = arith.constant 0 : i32
        %scatter3A_832 = arith.constant 0 : i32
        %scatter3A_833 = arith.constant 0 : i32
        %scatter3A_834 = tpu.memref_slice %arg7[%scatter3A_830, %scatter3A_831, %scatter3A_832, %scatter3A_833] : memref<5x8x8x133xf32, #tpu.memory_space<vmem>> -> memref<1x8x8x133xf32, #tpu.memory_space<vmem>>
        %scatter3A_835 = tpu.memref_squeeze %scatter3A_834 : memref<1x8x8x133xf32, #tpu.memory_space<vmem>> -> memref<8x8x133xf32, #tpu.memory_space<vmem>>
        tpu.vector_store_idx %scatter3A_835[%add3A_28, %and3A_5, %add3A_659], %mul3A_691 : memref<8x8x133xf32, #tpu.memory_space<vmem>>[vector<16xi32>, vector<16xi32>, vector<16xi32>], vector<16xf32>,
        %add3A_836 = arith.constant 7 : i32
        %add3A_837 = arith.addi %mul3A_465, %add3A_836 : i32
        %add3A_838 = vector.broadcast %add3A_837 : i32 to vector<16xi32>
        %add3A_839 = arith.addi %broadcast_in_dim3A_3, %add3A_838 : vector<16xi32>
        %get3A_840 = arith.constant 0 : i32
        %get3A_841 = arith.index_cast %get3A_840 : i32 to index
        %get3A_842 = arith.index_cast %add3A_837 : i32 to index
        %get3A_843 = arith.constant 0 : index
        %get3A_844 = tpu.vector_load %arg6[%get3A_841, %get3A_842, %get3A_843] {strides = array<i32>} : memref<5x128x64xf32, #tpu.memory_space<vmem>>, vector<16xf32>,
        %mul3A_845 = arith.constant 8.000000e+00 : f32
        %mul3A_846 = vector.broadcast %mul3A_845 : f32 to vector<16xf32>
        %mul3A_847 = arith.mulf %get3A_844, %mul3A_846 : vector<16xf32>
        %get3A_848 = arith.constant 0 : i32
        %get3A_849 = arith.index_cast %get3A_848 : i32 to index
        %get3A_850 = arith.index_cast %add3A_837 : i32 to index
        %get3A_851 = arith.constant 16 : index
        %get3A_852 = tpu.vector_load %arg6[%get3A_849, %get3A_850, %get3A_851] {strides = array<i32>} : memref<5x128x64xf32, #tpu.memory_space<vmem>>, vector<16xf32>,
        %mul3A_853 = arith.constant 8.000000e+00 : f32
        %mul3A_854 = vector.broadcast %mul3A_853 : f32 to vector<16xf32>
        %mul3A_855 = arith.mulf %get3A_852, %mul3A_854 : vector<16xf32>
        %get3A_856 = arith.constant 0 : i32
        %get3A_857 = arith.index_cast %get3A_856 : i32 to index
        %get3A_858 = arith.index_cast %add3A_837 : i32 to index
        %get3A_859 = arith.constant 32 : index
        %get3A_860 = tpu.vector_load %arg6[%get3A_857, %get3A_858, %get3A_859] {strides = array<i32>} : memref<5x128x64xf32, #tpu.memory_space<vmem>>, vector<16xf32>,
        %mul3A_861 = arith.constant 8.000000e+00 : f32
        %mul3A_862 = vector.broadcast %mul3A_861 : f32 to vector<16xf32>
        %mul3A_863 = arith.mulf %get3A_860, %mul3A_862 : vector<16xf32>
        %get3A_864 = arith.constant 0 : i32
        %get3A_865 = arith.index_cast %get3A_864 : i32 to index
        %get3A_866 = arith.index_cast %add3A_837 : i32 to index
        %get3A_867 = arith.constant 48 : index
        %get3A_868 = tpu.vector_load %arg6[%get3A_865, %get3A_866, %get3A_867] {strides = array<i32>} : memref<5x128x64xf32, #tpu.memory_space<vmem>>, vector<16xf32>,
        %mul3A_869 = arith.constant 8.000000e+00 : f32
        %mul3A_870 = vector.broadcast %mul3A_869 : f32 to vector<16xf32>
        %mul3A_871 = arith.mulf %get3A_868, %mul3A_870 : vector<16xf32>
        %scatter3A_872 = arith.constant 0 : i32
        %scatter3A_873 = arith.constant 0 : i32
        %scatter3A_874 = arith.constant 0 : i32
        %scatter3A_875 = arith.constant 0 : i32
        %scatter3A_876 = tpu.memref_slice %arg7[%scatter3A_872, %scatter3A_873, %scatter3A_874, %scatter3A_875] : memref<5x8x8x133xf32, #tpu.memory_space<vmem>> -> memref<1x8x8x133xf32, #tpu.memory_space<vmem>>
        %scatter3A_877 = tpu.memref_squeeze %scatter3A_876 : memref<1x8x8x133xf32, #tpu.memory_space<vmem>> -> memref<8x8x133xf32, #tpu.memory_space<vmem>>
        tpu.vector_store_idx %scatter3A_877[%add3A_10, %and3A_5, %add3A_719], %mul3A_727 : memref<8x8x133xf32, #tpu.memory_space<vmem>>[vector<16xi32>, vector<16xi32>, vector<16xi32>], vector<16xf32>,
        %scatter3A_878 = arith.constant 0 : i32
        %scatter3A_879 = arith.constant 0 : i32
        %scatter3A_880 = arith.constant 0 : i32
        %scatter3A_881 = arith.constant 0 : i32
        %scatter3A_882 = tpu.memref_slice %arg7[%scatter3A_878, %scatter3A_879, %scatter3A_880, %scatter3A_881] : memref<5x8x8x133xf32, #tpu.memory_space<vmem>> -> memref<1x8x8x133xf32, #tpu.memory_space<vmem>>
        %scatter3A_883 = tpu.memref_squeeze %scatter3A_882 : memref<1x8x8x133xf32, #tpu.memory_space<vmem>> -> memref<8x8x133xf32, #tpu.memory_space<vmem>>
        tpu.vector_store_idx %scatter3A_883[%add3A_16, %and3A_5, %add3A_719], %mul3A_735 : memref<8x8x133xf32, #tpu.memory_space<vmem>>[vector<16xi32>, vector<16xi32>, vector<16xi32>], vector<16xf32>,
        %scatter3A_884 = arith.constant 0 : i32
        %scatter3A_885 = arith.constant 0 : i32
        %scatter3A_886 = arith.constant 0 : i32
        %scatter3A_887 = arith.constant 0 : i32
        %scatter3A_888 = tpu.memref_slice %arg7[%scatter3A_884, %scatter3A_885, %scatter3A_886, %scatter3A_887] : memref<5x8x8x133xf32, #tpu.memory_space<vmem>> -> memref<1x8x8x133xf32, #tpu.memory_space<vmem>>
        %scatter3A_889 = tpu.memref_squeeze %scatter3A_888 : memref<1x8x8x133xf32, #tpu.memory_space<vmem>> -> memref<8x8x133xf32, #tpu.memory_space<vmem>>
        tpu.vector_store_idx %scatter3A_889[%add3A_22, %and3A_5, %add3A_719], %mul3A_743 : memref<8x8x133xf32, #tpu.memory_space<vmem>>[vector<16xi32>, vector<16xi32>, vector<16xi32>], vector<16xf32>,
        %scatter3A_890 = arith.constant 0 : i32
        %scatter3A_891 = arith.constant 0 : i32
        %scatter3A_892 = arith.constant 0 : i32
        %scatter3A_893 = arith.constant 0 : i32
        %scatter3A_894 = tpu.memref_slice %arg7[%scatter3A_890, %scatter3A_891, %scatter3A_892, %scatter3A_893] : memref<5x8x8x133xf32, #tpu.memory_space<vmem>> -> memref<1x8x8x133xf32, #tpu.memory_space<vmem>>
        %scatter3A_895 = tpu.memref_squeeze %scatter3A_894 : memref<1x8x8x133xf32, #tpu.memory_space<vmem>> -> memref<8x8x133xf32, #tpu.memory_space<vmem>>
        tpu.vector_store_idx %scatter3A_895[%add3A_28, %and3A_5, %add3A_719], %mul3A_751 : memref<8x8x133xf32, #tpu.memory_space<vmem>>[vector<16xi32>, vector<16xi32>, vector<16xi32>], vector<16xf32>,
        %scatter3A_896 = arith.constant 0 : i32
        %scatter3A_897 = arith.constant 0 : i32
        %scatter3A_898 = arith.constant 0 : i32
        %scatter3A_899 = arith.constant 0 : i32
        %scatter3A_900 = tpu.memref_slice %arg7[%scatter3A_896, %scatter3A_897, %scatter3A_898, %scatter3A_899] : memref<5x8x8x133xf32, #tpu.memory_space<vmem>> -> memref<1x8x8x133xf32, #tpu.memory_space<vmem>>
        %scatter3A_901 = tpu.memref_squeeze %scatter3A_900 : memref<1x8x8x133xf32, #tpu.memory_space<vmem>> -> memref<8x8x133xf32, #tpu.memory_space<vmem>>
        tpu.vector_store_idx %scatter3A_901[%add3A_10, %and3A_5, %add3A_779], %mul3A_787 : memref<8x8x133xf32, #tpu.memory_space<vmem>>[vector<16xi32>, vector<16xi32>, vector<16xi32>], vector<16xf32>,
        %scatter3A_902 = arith.constant 0 : i32
        %scatter3A_903 = arith.constant 0 : i32
        %scatter3A_904 = arith.constant 0 : i32
        %scatter3A_905 = arith.constant 0 : i32
        %scatter3A_906 = tpu.memref_slice %arg7[%scatter3A_902, %scatter3A_903, %scatter3A_904, %scatter3A_905] : memref<5x8x8x133xf32, #tpu.memory_space<vmem>> -> memref<1x8x8x133xf32, #tpu.memory_space<vmem>>
        %scatter3A_907 = tpu.memref_squeeze %scatter3A_906 : memref<1x8x8x133xf32, #tpu.memory_space<vmem>> -> memref<8x8x133xf32, #tpu.memory_space<vmem>>
        tpu.vector_store_idx %scatter3A_907[%add3A_16, %and3A_5, %add3A_779], %mul3A_795 : memref<8x8x133xf32, #tpu.memory_space<vmem>>[vector<16xi32>, vector<16xi32>, vector<16xi32>], vector<16xf32>,
        %scatter3A_908 = arith.constant 0 : i32
        %scatter3A_909 = arith.constant 0 : i32
        %scatter3A_910 = arith.constant 0 : i32
        %scatter3A_911 = arith.constant 0 : i32
        %scatter3A_912 = tpu.memref_slice %arg7[%scatter3A_908, %scatter3A_909, %scatter3A_910, %scatter3A_911] : memref<5x8x8x133xf32, #tpu.memory_space<vmem>> -> memref<1x8x8x133xf32, #tpu.memory_space<vmem>>
        %scatter3A_913 = tpu.memref_squeeze %scatter3A_912 : memref<1x8x8x133xf32, #tpu.memory_space<vmem>> -> memref<8x8x133xf32, #tpu.memory_space<vmem>>
        tpu.vector_store_idx %scatter3A_913[%add3A_22, %and3A_5, %add3A_779], %mul3A_803 : memref<8x8x133xf32, #tpu.memory_space<vmem>>[vector<16xi32>, vector<16xi32>, vector<16xi32>], vector<16xf32>,
        %scatter3A_914 = arith.constant 0 : i32
        %scatter3A_915 = arith.constant 0 : i32
        %scatter3A_916 = arith.constant 0 : i32
        %scatter3A_917 = arith.constant 0 : i32
        %scatter3A_918 = tpu.memref_slice %arg7[%scatter3A_914, %scatter3A_915, %scatter3A_916, %scatter3A_917] : memref<5x8x8x133xf32, #tpu.memory_space<vmem>> -> memref<1x8x8x133xf32, #tpu.memory_space<vmem>>
        %scatter3A_919 = tpu.memref_squeeze %scatter3A_918 : memref<1x8x8x133xf32, #tpu.memory_space<vmem>> -> memref<8x8x133xf32, #tpu.memory_space<vmem>>
        tpu.vector_store_idx %scatter3A_919[%add3A_28, %and3A_5, %add3A_779], %mul3A_811 : memref<8x8x133xf32, #tpu.memory_space<vmem>>[vector<16xi32>, vector<16xi32>, vector<16xi32>], vector<16xf32>,
        %scatter3A_920 = arith.constant 0 : i32
        %scatter3A_921 = arith.constant 0 : i32
        %scatter3A_922 = arith.constant 0 : i32
        %scatter3A_923 = arith.constant 0 : i32
        %scatter3A_924 = tpu.memref_slice %arg7[%scatter3A_920, %scatter3A_921, %scatter3A_922, %scatter3A_923] : memref<5x8x8x133xf32, #tpu.memory_space<vmem>> -> memref<1x8x8x133xf32, #tpu.memory_space<vmem>>
        %scatter3A_925 = tpu.memref_squeeze %scatter3A_924 : memref<1x8x8x133xf32, #tpu.memory_space<vmem>> -> memref<8x8x133xf32, #tpu.memory_space<vmem>>
        tpu.vector_store_idx %scatter3A_925[%add3A_10, %and3A_5, %add3A_839], %mul3A_847 : memref<8x8x133xf32, #tpu.memory_space<vmem>>[vector<16xi32>, vector<16xi32>, vector<16xi32>], vector<16xf32>,
        %scatter3A_926 = arith.constant 0 : i32
        %scatter3A_927 = arith.constant 0 : i32
        %scatter3A_928 = arith.constant 0 : i32
        %scatter3A_929 = arith.constant 0 : i32
        %scatter3A_930 = tpu.memref_slice %arg7[%scatter3A_926, %scatter3A_927, %scatter3A_928, %scatter3A_929] : memref<5x8x8x133xf32, #tpu.memory_space<vmem>> -> memref<1x8x8x133xf32, #tpu.memory_space<vmem>>
        %scatter3A_931 = tpu.memref_squeeze %scatter3A_930 : memref<1x8x8x133xf32, #tpu.memory_space<vmem>> -> memref<8x8x133xf32, #tpu.memory_space<vmem>>
        tpu.vector_store_idx %scatter3A_931[%add3A_16, %and3A_5, %add3A_839], %mul3A_855 : memref<8x8x133xf32, #tpu.memory_space<vmem>>[vector<16xi32>, vector<16xi32>, vector<16xi32>], vector<16xf32>,
        %scatter3A_932 = arith.constant 0 : i32
        %scatter3A_933 = arith.constant 0 : i32
        %scatter3A_934 = arith.constant 0 : i32
        %scatter3A_935 = arith.constant 0 : i32
        %scatter3A_936 = tpu.memref_slice %arg7[%scatter3A_932, %scatter3A_933, %scatter3A_934, %scatter3A_935] : memref<5x8x8x133xf32, #tpu.memory_space<vmem>> -> memref<1x8x8x133xf32, #tpu.memory_space<vmem>>
        %scatter3A_937 = tpu.memref_squeeze %scatter3A_936 : memref<1x8x8x133xf32, #tpu.memory_space<vmem>> -> memref<8x8x133xf32, #tpu.memory_space<vmem>>
        tpu.vector_store_idx %scatter3A_937[%add3A_22, %and3A_5, %add3A_839], %mul3A_863 : memref<8x8x133xf32, #tpu.memory_space<vmem>>[vector<16xi32>, vector<16xi32>, vector<16xi32>], vector<16xf32>,
        %scatter3A_938 = arith.constant 0 : i32
        %scatter3A_939 = arith.constant 0 : i32
        %scatter3A_940 = arith.constant 0 : i32
        %scatter3A_941 = arith.constant 0 : i32
        %scatter3A_942 = tpu.memref_slice %arg7[%scatter3A_938, %scatter3A_939, %scatter3A_940, %scatter3A_941] : memref<5x8x8x133xf32, #tpu.memory_space<vmem>> -> memref<1x8x8x133xf32, #tpu.memory_space<vmem>>
        %scatter3A_943 = tpu.memref_squeeze %scatter3A_942 : memref<1x8x8x133xf32, #tpu.memory_space<vmem>> -> memref<8x8x133xf32, #tpu.memory_space<vmem>>
        tpu.vector_store_idx %scatter3A_943[%add3A_28, %and3A_5, %add3A_839], %mul3A_871 : memref<8x8x133xf32, #tpu.memory_space<vmem>>[vector<16xi32>, vector<16xi32>, vector<16xi32>], vector<16xf32>,
      }
      %scan3A_227 = arith.constant 16 : i32
      %dma_start3A_228 = arith.constant 0 : i32
      %dma_start3A_229 = arith.constant 0 : i32
      %dma_start3A_230 = arith.constant 0 : i32
      %dma_start3A_231 = arith.constant 0 : i32
      %dma_start3A_232 = tpu.memref_slice %arg7[%dma_start3A_228, %dma_start3A_229, %dma_start3A_230, %dma_start3A_231] : memref<5x8x8x133xf32, #tpu.memory_space<vmem>> -> memref<1x8x8x128xf32, #tpu.memory_space<vmem>>
      %dma_start3A_233 = tpu.memref_squeeze %dma_start3A_232 : memref<1x8x8x128xf32, #tpu.memory_space<vmem>> -> memref<8x8x128xf32, #tpu.memory_space<vmem>>
      %dma_start3A_234 = arith.constant 0 : i32
      %dma_start3A_235 = arith.constant 0 : i32
      %dma_start3A_236 = arith.constant 0 : i32
      %dma_start3A_237 = tpu.memref_slice %arg4[%add3A_209, %dma_start3A_234, %add3A, %dma_start3A_235, %dma_start3A_236] : memref<200x8x32x8x128xf32, #tpu.memory_space<hbm>> -> memref<1x8x1x8x128xf32, #tpu.memory_space<hbm>>
      %dma_start3A_238 = tpu.memref_squeeze %dma_start3A_237 : memref<1x8x1x8x128xf32, #tpu.memory_space<hbm>> -> memref<8x8x128xf32, #tpu.memory_space<hbm>>
      %dma_start3A_239 = arith.constant 0 : i32
      %dma_start3A_240 = arith.constant 0 : i32
      %dma_start3A_241 = arith.constant 0 : i32
      %dma_start3A_242 = tpu.memref_slice %arg4[%add3A_209, %dma_start3A_239, %add3A, %dma_start3A_240, %dma_start3A_241] : memref<200x8x32x8x128xf32, #tpu.memory_space<hbm>> -> memref<1x8x1x8x128xf32, #tpu.memory_space<hbm>>
      %dma_start3A_243 = tpu.memref_squeeze %dma_start3A_242 : memref<1x8x1x8x128xf32, #tpu.memory_space<hbm>> -> memref<8x8x128xf32, #tpu.memory_space<hbm>>
      %dma_start3A_244 = arith.constant 0 : i32
      %dma_start3A_245 = arith.constant 0 : i32
      %dma_start3A_246 = arith.constant 0 : i32
      %dma_start3A_247 = tpu.memref_slice %arg7[%dma_start3A_228, %dma_start3A_244, %dma_start3A_245, %dma_start3A_246] : memref<5x8x8x133xf32, #tpu.memory_space<vmem>> -> memref<1x8x8x128xf32, #tpu.memory_space<vmem>>
      %dma_start3A_248 = tpu.memref_squeeze %dma_start3A_247 : memref<1x8x8x128xf32, #tpu.memory_space<vmem>> -> memref<8x8x128xf32, #tpu.memory_space<vmem>>
      tpu.enqueue_dma source(%dma_start3A_248 : memref<8x8x128xf32, #tpu.memory_space<vmem>>) target(%dma_start3A_243 : memref<8x8x128xf32, #tpu.memory_space<hbm>>) target_semaphore(%arg9 : memref<!tpu.dma_semaphore, #tpu.memory_space<semaphore_mem>>)
      %add3A_249 = arith.constant 5 : i32
      %add3A_250 = arith.addi %add3A_209, %add3A_249 : i32
      %lt3A = arith.constant 200 : i32
      %lt3A_251 = arith.cmpi slt, %add3A_250, %lt3A : i32
      %convert_element_type3A_252 = arith.extui %lt3A_251 : i1 to i32
      %cond3A_253 = arith.constant 0 : i32
      %cond3A_254 = arith.cmpi ne, %convert_element_type3A_252, %cond3A_253 : i32
      scf.if %cond3A_254 {
        %add3A_459 = arith.constant 5 : i32
        %add3A_460 = arith.addi %add3A_209, %add3A_459 : i32
        %dma_start3A_461 = arith.constant 0 : i32
        %dma_start3A_462 = arith.constant 0 : i32
        %dma_start3A_463 = arith.constant 0 : i32
        %dma_start3A_464 = tpu.memref_slice %arg6[%dma_start3A_461, %dma_start3A_462, %dma_start3A_463] : memref<5x128x64xf32, #tpu.memory_space<vmem>> -> memref<1x128x64xf32, #tpu.memory_space<vmem>>
        %dma_start3A_465 = tpu.memref_squeeze %dma_start3A_464 : memref<1x128x64xf32, #tpu.memory_space<vmem>> -> memref<128x64xf32, #tpu.memory_space<vmem>>
        %dma_start3A_466 = arith.constant 0 : i32
        %dma_start3A_467 = tpu.memref_slice %arg5[%add3A_460, %dma_start3A_466] : memref<200x128xi32, #tpu.memory_space<vmem>> -> memref<1x128xi32, #tpu.memory_space<vmem>>
        %dma_start3A_468 = tpu.memref_squeeze %dma_start3A_467 : memref<1x128xi32, #tpu.memory_space<vmem>> -> memref<128xi32, #tpu.memory_space<vmem>>
        %dma_start3A_469 = arith.constant 0 : i32
        %dma_start3A_470 = arith.constant 0 : i32
        %dma_start3A_471 = tpu.memref_slice %arg3[%dma_start3A_469, %dma_start3A_470] : memref<100000x64xf32, #tpu.memory_space<hbm>> -> memref<100000x64xf32, #tpu.memory_space<hbm>>
        tpu.enqueue_indirect_dma source(%dma_start3A_471 : memref<100000x64xf32, #tpu.memory_space<hbm>>) target(%dma_start3A_465 : memref<128x64xf32, #tpu.memory_space<vmem>>) offsets(%dma_start3A_468 : memref<128xi32, #tpu.memory_space<vmem>>) semaphore(%arg8 : memref<!tpu.dma_semaphore, #tpu.memory_space<semaphore_mem>>)
      } else {
      }
      %add3A_255 = arith.constant 1 : i32
      %add3A_256 = arith.addi %mul3A_207, %add3A_255 : i32
      %dma_wait3A_257 = arith.constant 1 : i32
      %dma_wait3A_258 = arith.constant 0 : i32
      %dma_wait3A_259 = arith.constant 0 : i32
      %dma_wait3A_260 = tpu.memref_slice %arg6[%dma_wait3A_257, %dma_wait3A_258, %dma_wait3A_259] : memref<5x128x64xf32, #tpu.memory_space<vmem>> -> memref<1x128x64xf32, #tpu.memory_space<vmem>>
      %dma_wait3A_261 = tpu.memref_squeeze %dma_wait3A_260 : memref<1x128x64xf32, #tpu.memory_space<vmem>> -> memref<128x64xf32, #tpu.memory_space<vmem>>
      %dma_wait3A_262 = arith.constant 0 : i32
      %dma_wait3A_263 = tpu.memref_slice %arg5[%add3A_256, %dma_wait3A_262] : memref<200x128xi32, #tpu.memory_space<vmem>> -> memref<1x128xi32, #tpu.memory_space<vmem>>
      %dma_wait3A_264 = tpu.memref_squeeze %dma_wait3A_263 : memref<1x128xi32, #tpu.memory_space<vmem>> -> memref<128xi32, #tpu.memory_space<vmem>>
      %dma_wait3A_265 = arith.constant 0 : i32
      %dma_wait3A_266 = arith.constant 0 : i32
      %dma_wait3A_267 = tpu.memref_slice %arg3[%dma_wait3A_265, %dma_wait3A_266] : memref<100000x64xf32, #tpu.memory_space<hbm>> -> memref<100000x64xf32, #tpu.memory_space<hbm>>
      tpu.wait_indirect_dma semaphore(%arg8 : memref<!tpu.dma_semaphore, #tpu.memory_space<semaphore_mem>>) src(%dma_wait3A_267 : memref<100000x64xf32, #tpu.memory_space<hbm>>) dst(%dma_wait3A_261 : memref<128x64xf32, #tpu.memory_space<vmem>>)
      %ge3A_268 = arith.constant 5 : i32
      %ge3A_269 = arith.cmpi sge, %add3A_256, %ge3A_268 : i32
      %convert_element_type3A_270 = arith.extui %ge3A_269 : i1 to i32
      %cond3A_271 = arith.constant 0 : i32
      %cond3A_272 = arith.cmpi ne, %convert_element_type3A_270, %cond3A_271 : i32
      scf.if %cond3A_272 {
        %sub3A = arith.constant 5 : i32
        %sub3A_459 = arith.subi %add3A_256, %sub3A : i32
        %max3A = arith.constant 0 : i32
        %max3A_460 = arith.maxsi %sub3A_459, %max3A : i32
        %dma_wait3A_461 = arith.constant 1 : i32
        %dma_wait3A_462 = arith.constant 0 : i32
        %dma_wait3A_463 = arith.constant 0 : i32
        %dma_wait3A_464 = arith.constant 0 : i32
        %dma_wait3A_465 = tpu.memref_slice %arg7[%dma_wait3A_461, %dma_wait3A_462, %dma_wait3A_463, %dma_wait3A_464] : memref<5x8x8x133xf32, #tpu.memory_space<vmem>> -> memref<1x8x8x128xf32, #tpu.memory_space<vmem>>
        %dma_wait3A_466 = tpu.memref_squeeze %dma_wait3A_465 : memref<1x8x8x128xf32, #tpu.memory_space<vmem>> -> memref<8x8x128xf32, #tpu.memory_space<vmem>>
        %dma_wait3A_467 = arith.constant 0 : i32
        %dma_wait3A_468 = arith.constant 0 : i32
        %dma_wait3A_469 = arith.constant 0 : i32
        %dma_wait3A_470 = tpu.memref_slice %arg4[%max3A_460, %dma_wait3A_467, %add3A, %dma_wait3A_468, %dma_wait3A_469] : memref<200x8x32x8x128xf32, #tpu.memory_space<hbm>> -> memref<1x8x1x8x128xf32, #tpu.memory_space<hbm>>
        %dma_wait3A_471 = tpu.memref_squeeze %dma_wait3A_470 : memref<1x8x1x8x128xf32, #tpu.memory_space<hbm>> -> memref<8x8x128xf32, #tpu.memory_space<hbm>>
        %dma_wait3A_472 = arith.constant 0 : i32
        %dma_wait3A_473 = arith.constant 0 : i32
        %dma_wait3A_474 = arith.constant 0 : i32
        %dma_wait3A_475 = tpu.memref_slice %arg4[%max3A_460, %dma_wait3A_472, %add3A, %dma_wait3A_473, %dma_wait3A_474] : memref<200x8x32x8x128xf32, #tpu.memory_space<hbm>> -> memref<1x8x1x8x128xf32, #tpu.memory_space<hbm>>
        %dma_wait3A_476 = tpu.memref_squeeze %dma_wait3A_475 : memref<1x8x1x8x128xf32, #tpu.memory_space<hbm>> -> memref<8x8x128xf32, #tpu.memory_space<hbm>>
        %dma_wait3A_477 = arith.constant 0 : i32
        %dma_wait3A_478 = arith.constant 0 : i32
        %dma_wait3A_479 = arith.constant 0 : i32
        %dma_wait3A_480 = tpu.memref_slice %arg7[%dma_wait3A_461, %dma_wait3A_477, %dma_wait3A_478, %dma_wait3A_479] : memref<5x8x8x133xf32, #tpu.memory_space<vmem>> -> memref<1x8x8x128xf32, #tpu.memory_space<vmem>>
        %dma_wait3A_481 = tpu.memref_squeeze %dma_wait3A_480 : memref<1x8x8x128xf32, #tpu.memory_space<vmem>> -> memref<8x8x128xf32, #tpu.memory_space<vmem>>
        tpu.wait_dma2 semaphore(%arg9 : memref<!tpu.dma_semaphore, #tpu.memory_space<semaphore_mem>>) src(%dma_wait3A_481 : memref<8x8x128xf32, #tpu.memory_space<vmem>>) dst(%dma_wait3A_476 : memref<8x8x128xf32, #tpu.memory_space<hbm>>)
      } else {
      }
      %scan3A_273 = arith.constant 0 : i32
      %scan3A_274 = arith.constant 16 : i32
      %scan3A_275 = arith.addi %scan3A_273, %scan3A_274 : i32
      %scan3A_276 = arith.constant 1 : i32
      scf.for %scan3A_459 = %scan3A_273 to %scan3A_275 step %scan3A_276  : i32 {
        %mul3A_460 = arith.constant 1 : i32
        %mul3A_461 = arith.muli %scan3A_459, %mul3A_460 : i32
        %add3A_462 = arith.constant 0 : i32
        %add3A_463 = arith.addi %add3A_462, %mul3A_461 : i32
        %mul3A_464 = arith.constant 8 : i32
        %mul3A_465 = arith.muli %add3A_463, %mul3A_464 : i32
        %add3A_466 = arith.constant 0 : i32
        %add3A_467 = arith.addi %mul3A_465, %add3A_466 : i32
        %add3A_468 = vector.broadcast %add3A_467 : i32 to vector<16xi32>
        %add3A_469 = arith.addi %broadcast_in_dim3A_3, %add3A_468 : vector<16xi32>
        %get3A = arith.constant 1 : i32
        %get3A_470 = arith.index_cast %get3A : i32 to index
        %get3A_471 = arith.index_cast %add3A_467 : i32 to index
        %get3A_472 = arith.constant 0 : index
        %get3A_473 = tpu.vector_load %arg6[%get3A_470, %get3A_471, %get3A_472] {strides = array<i32>} : memref<5x128x64xf32, #tpu.memory_space<vmem>>, vector<16xf32>,
        %mul3A_474 = arith.constant 8.000000e+00 : f32
        %mul3A_475 = vector.broadcast %mul3A_474 : f32 to vector<16xf32>
        %mul3A_476 = arith.mulf %get3A_473, %mul3A_475 : vector<16xf32>
        %get3A_477 = arith.constant 1 : i32
        %get3A_478 = arith.index_cast %get3A_477 : i32 to index
        %get3A_479 = arith.index_cast %add3A_467 : i32 to index
        %get3A_480 = arith.constant 16 : index
        %get3A_481 = tpu.vector_load %arg6[%get3A_478, %get3A_479, %get3A_480] {strides = array<i32>} : memref<5x128x64xf32, #tpu.memory_space<vmem>>, vector<16xf32>,
        %mul3A_482 = arith.constant 8.000000e+00 : f32
        %mul3A_483 = vector.broadcast %mul3A_482 : f32 to vector<16xf32>
        %mul3A_484 = arith.mulf %get3A_481, %mul3A_483 : vector<16xf32>
        %get3A_485 = arith.constant 1 : i32
        %get3A_486 = arith.index_cast %get3A_485 : i32 to index
        %get3A_487 = arith.index_cast %add3A_467 : i32 to index
        %get3A_488 = arith.constant 32 : index
        %get3A_489 = tpu.vector_load %arg6[%get3A_486, %get3A_487, %get3A_488] {strides = array<i32>} : memref<5x128x64xf32, #tpu.memory_space<vmem>>, vector<16xf32>,
        %mul3A_490 = arith.constant 8.000000e+00 : f32
        %mul3A_491 = vector.broadcast %mul3A_490 : f32 to vector<16xf32>
        %mul3A_492 = arith.mulf %get3A_489, %mul3A_491 : vector<16xf32>
        %get3A_493 = arith.constant 1 : i32
        %get3A_494 = arith.index_cast %get3A_493 : i32 to index
        %get3A_495 = arith.index_cast %add3A_467 : i32 to index
        %get3A_496 = arith.constant 48 : index
        %get3A_497 = tpu.vector_load %arg6[%get3A_494, %get3A_495, %get3A_496] {strides = array<i32>} : memref<5x128x64xf32, #tpu.memory_space<vmem>>, vector<16xf32>,
        %mul3A_498 = arith.constant 8.000000e+00 : f32
        %mul3A_499 = vector.broadcast %mul3A_498 : f32 to vector<16xf32>
        %mul3A_500 = arith.mulf %get3A_497, %mul3A_499 : vector<16xf32>
        %add3A_501 = arith.constant 1 : i32
        %add3A_502 = arith.addi %mul3A_465, %add3A_501 : i32
        %add3A_503 = vector.broadcast %add3A_502 : i32 to vector<16xi32>
        %add3A_504 = arith.addi %broadcast_in_dim3A_3, %add3A_503 : vector<16xi32>
        %get3A_505 = arith.constant 1 : i32
        %get3A_506 = arith.index_cast %get3A_505 : i32 to index
        %get3A_507 = arith.index_cast %add3A_502 : i32 to index
        %get3A_508 = arith.constant 0 : index
        %get3A_509 = tpu.vector_load %arg6[%get3A_506, %get3A_507, %get3A_508] {strides = array<i32>} : memref<5x128x64xf32, #tpu.memory_space<vmem>>, vector<16xf32>,
        %mul3A_510 = arith.constant 8.000000e+00 : f32
        %mul3A_511 = vector.broadcast %mul3A_510 : f32 to vector<16xf32>
        %mul3A_512 = arith.mulf %get3A_509, %mul3A_511 : vector<16xf32>
        %get3A_513 = arith.constant 1 : i32
        %get3A_514 = arith.index_cast %get3A_513 : i32 to index
        %get3A_515 = arith.index_cast %add3A_502 : i32 to index
        %get3A_516 = arith.constant 16 : index
        %get3A_517 = tpu.vector_load %arg6[%get3A_514, %get3A_515, %get3A_516] {strides = array<i32>} : memref<5x128x64xf32, #tpu.memory_space<vmem>>, vector<16xf32>,
        %mul3A_518 = arith.constant 8.000000e+00 : f32
        %mul3A_519 = vector.broadcast %mul3A_518 : f32 to vector<16xf32>
        %mul3A_520 = arith.mulf %get3A_517, %mul3A_519 : vector<16xf32>
        %get3A_521 = arith.constant 1 : i32
        %get3A_522 = arith.index_cast %get3A_521 : i32 to index
        %get3A_523 = arith.index_cast %add3A_502 : i32 to index
        %get3A_524 = arith.constant 32 : index
        %get3A_525 = tpu.vector_load %arg6[%get3A_522, %get3A_523, %get3A_524] {strides = array<i32>} : memref<5x128x64xf32, #tpu.memory_space<vmem>>, vector<16xf32>,
        %mul3A_526 = arith.constant 8.000000e+00 : f32
        %mul3A_527 = vector.broadcast %mul3A_526 : f32 to vector<16xf32>
        %mul3A_528 = arith.mulf %get3A_525, %mul3A_527 : vector<16xf32>
        %get3A_529 = arith.constant 1 : i32
        %get3A_530 = arith.index_cast %get3A_529 : i32 to index
        %get3A_531 = arith.index_cast %add3A_502 : i32 to index
        %get3A_532 = arith.constant 48 : index
        %get3A_533 = tpu.vector_load %arg6[%get3A_530, %get3A_531, %get3A_532] {strides = array<i32>} : memref<5x128x64xf32, #tpu.memory_space<vmem>>, vector<16xf32>,
        %mul3A_534 = arith.constant 8.000000e+00 : f32
        %mul3A_535 = vector.broadcast %mul3A_534 : f32 to vector<16xf32>
        %mul3A_536 = arith.mulf %get3A_533, %mul3A_535 : vector<16xf32>
        %add3A_537 = arith.constant 2 : i32
        %add3A_538 = arith.addi %mul3A_465, %add3A_537 : i32
        %add3A_539 = vector.broadcast %add3A_538 : i32 to vector<16xi32>
        %add3A_540 = arith.addi %broadcast_in_dim3A_3, %add3A_539 : vector<16xi32>
        %get3A_541 = arith.constant 1 : i32
        %get3A_542 = arith.index_cast %get3A_541 : i32 to index
        %get3A_543 = arith.index_cast %add3A_538 : i32 to index
        %get3A_544 = arith.constant 0 : index
        %get3A_545 = tpu.vector_load %arg6[%get3A_542, %get3A_543, %get3A_544] {strides = array<i32>} : memref<5x128x64xf32, #tpu.memory_space<vmem>>, vector<16xf32>,
        %mul3A_546 = arith.constant 8.000000e+00 : f32
        %mul3A_547 = vector.broadcast %mul3A_546 : f32 to vector<16xf32>
        %mul3A_548 = arith.mulf %get3A_545, %mul3A_547 : vector<16xf32>
        %get3A_549 = arith.constant 1 : i32
        %get3A_550 = arith.index_cast %get3A_549 : i32 to index
        %get3A_551 = arith.index_cast %add3A_538 : i32 to index
        %get3A_552 = arith.constant 16 : index
        %get3A_553 = tpu.vector_load %arg6[%get3A_550, %get3A_551, %get3A_552] {strides = array<i32>} : memref<5x128x64xf32, #tpu.memory_space<vmem>>, vector<16xf32>,
        %mul3A_554 = arith.constant 8.000000e+00 : f32
        %mul3A_555 = vector.broadcast %mul3A_554 : f32 to vector<16xf32>
        %mul3A_556 = arith.mulf %get3A_553, %mul3A_555 : vector<16xf32>
        %get3A_557 = arith.constant 1 : i32
        %get3A_558 = arith.index_cast %get3A_557 : i32 to index
        %get3A_559 = arith.index_cast %add3A_538 : i32 to index
        %get3A_560 = arith.constant 32 : index
        %get3A_561 = tpu.vector_load %arg6[%get3A_558, %get3A_559, %get3A_560] {strides = array<i32>} : memref<5x128x64xf32, #tpu.memory_space<vmem>>, vector<16xf32>,
        %mul3A_562 = arith.constant 8.000000e+00 : f32
        %mul3A_563 = vector.broadcast %mul3A_562 : f32 to vector<16xf32>
        %mul3A_564 = arith.mulf %get3A_561, %mul3A_563 : vector<16xf32>
        %get3A_565 = arith.constant 1 : i32
        %get3A_566 = arith.index_cast %get3A_565 : i32 to index
        %get3A_567 = arith.index_cast %add3A_538 : i32 to index
        %get3A_568 = arith.constant 48 : index
        %get3A_569 = tpu.vector_load %arg6[%get3A_566, %get3A_567, %get3A_568] {strides = array<i32>} : memref<5x128x64xf32, #tpu.memory_space<vmem>>, vector<16xf32>,
        %mul3A_570 = arith.constant 8.000000e+00 : f32
        %mul3A_571 = vector.broadcast %mul3A_570 : f32 to vector<16xf32>
        %mul3A_572 = arith.mulf %get3A_569, %mul3A_571 : vector<16xf32>
        %scatter3A = arith.constant 1 : i32
        %scatter3A_573 = arith.constant 0 : i32
        %scatter3A_574 = arith.constant 0 : i32
        %scatter3A_575 = arith.constant 0 : i32
        %scatter3A_576 = tpu.memref_slice %arg7[%scatter3A, %scatter3A_573, %scatter3A_574, %scatter3A_575] : memref<5x8x8x133xf32, #tpu.memory_space<vmem>> -> memref<1x8x8x133xf32, #tpu.memory_space<vmem>>
        %scatter3A_577 = tpu.memref_squeeze %scatter3A_576 : memref<1x8x8x133xf32, #tpu.memory_space<vmem>> -> memref<8x8x133xf32, #tpu.memory_space<vmem>>
        tpu.vector_store_idx %scatter3A_577[%add3A_10, %and3A_5, %add3A_469], %mul3A_476 : memref<8x8x133xf32, #tpu.memory_space<vmem>>[vector<16xi32>, vector<16xi32>, vector<16xi32>], vector<16xf32>,
        %scatter3A_578 = arith.constant 1 : i32
        %scatter3A_579 = arith.constant 0 : i32
        %scatter3A_580 = arith.constant 0 : i32
        %scatter3A_581 = arith.constant 0 : i32
        %scatter3A_582 = tpu.memref_slice %arg7[%scatter3A_578, %scatter3A_579, %scatter3A_580, %scatter3A_581] : memref<5x8x8x133xf32, #tpu.memory_space<vmem>> -> memref<1x8x8x133xf32, #tpu.memory_space<vmem>>
        %scatter3A_583 = tpu.memref_squeeze %scatter3A_582 : memref<1x8x8x133xf32, #tpu.memory_space<vmem>> -> memref<8x8x133xf32, #tpu.memory_space<vmem>>
        tpu.vector_store_idx %scatter3A_583[%add3A_16, %and3A_5, %add3A_469], %mul3A_484 : memref<8x8x133xf32, #tpu.memory_space<vmem>>[vector<16xi32>, vector<16xi32>, vector<16xi32>], vector<16xf32>,
        %scatter3A_584 = arith.constant 1 : i32
        %scatter3A_585 = arith.constant 0 : i32
        %scatter3A_586 = arith.constant 0 : i32
        %scatter3A_587 = arith.constant 0 : i32
        %scatter3A_588 = tpu.memref_slice %arg7[%scatter3A_584, %scatter3A_585, %scatter3A_586, %scatter3A_587] : memref<5x8x8x133xf32, #tpu.memory_space<vmem>> -> memref<1x8x8x133xf32, #tpu.memory_space<vmem>>
        %scatter3A_589 = tpu.memref_squeeze %scatter3A_588 : memref<1x8x8x133xf32, #tpu.memory_space<vmem>> -> memref<8x8x133xf32, #tpu.memory_space<vmem>>
        tpu.vector_store_idx %scatter3A_589[%add3A_22, %and3A_5, %add3A_469], %mul3A_492 : memref<8x8x133xf32, #tpu.memory_space<vmem>>[vector<16xi32>, vector<16xi32>, vector<16xi32>], vector<16xf32>,
        %scatter3A_590 = arith.constant 1 : i32
        %scatter3A_591 = arith.constant 0 : i32
        %scatter3A_592 = arith.constant 0 : i32
        %scatter3A_593 = arith.constant 0 : i32
        %scatter3A_594 = tpu.memref_slice %arg7[%scatter3A_590, %scatter3A_591, %scatter3A_592, %scatter3A_593] : memref<5x8x8x133xf32, #tpu.memory_space<vmem>> -> memref<1x8x8x133xf32, #tpu.memory_space<vmem>>
        %scatter3A_595 = tpu.memref_squeeze %scatter3A_594 : memref<1x8x8x133xf32, #tpu.memory_space<vmem>> -> memref<8x8x133xf32, #tpu.memory_space<vmem>>
        tpu.vector_store_idx %scatter3A_595[%add3A_28, %and3A_5, %add3A_469], %mul3A_500 : memref<8x8x133xf32, #tpu.memory_space<vmem>>[vector<16xi32>, vector<16xi32>, vector<16xi32>], vector<16xf32>,
        %add3A_596 = arith.constant 3 : i32
        %add3A_597 = arith.addi %mul3A_465, %add3A_596 : i32
        %add3A_598 = vector.broadcast %add3A_597 : i32 to vector<16xi32>
        %add3A_599 = arith.addi %broadcast_in_dim3A_3, %add3A_598 : vector<16xi32>
        %get3A_600 = arith.constant 1 : i32
        %get3A_601 = arith.index_cast %get3A_600 : i32 to index
        %get3A_602 = arith.index_cast %add3A_597 : i32 to index
        %get3A_603 = arith.constant 0 : index
        %get3A_604 = tpu.vector_load %arg6[%get3A_601, %get3A_602, %get3A_603] {strides = array<i32>} : memref<5x128x64xf32, #tpu.memory_space<vmem>>, vector<16xf32>,
        %mul3A_605 = arith.constant 8.000000e+00 : f32
        %mul3A_606 = vector.broadcast %mul3A_605 : f32 to vector<16xf32>
        %mul3A_607 = arith.mulf %get3A_604, %mul3A_606 : vector<16xf32>
        %get3A_608 = arith.constant 1 : i32
        %get3A_609 = arith.index_cast %get3A_608 : i32 to index
        %get3A_610 = arith.index_cast %add3A_597 : i32 to index
        %get3A_611 = arith.constant 16 : index
        %get3A_612 = tpu.vector_load %arg6[%get3A_609, %get3A_610, %get3A_611] {strides = array<i32>} : memref<5x128x64xf32, #tpu.memory_space<vmem>>, vector<16xf32>,
        %mul3A_613 = arith.constant 8.000000e+00 : f32
        %mul3A_614 = vector.broadcast %mul3A_613 : f32 to vector<16xf32>
        %mul3A_615 = arith.mulf %get3A_612, %mul3A_614 : vector<16xf32>
        %get3A_616 = arith.constant 1 : i32
        %get3A_617 = arith.index_cast %get3A_616 : i32 to index
        %get3A_618 = arith.index_cast %add3A_597 : i32 to index
        %get3A_619 = arith.constant 32 : index
        %get3A_620 = tpu.vector_load %arg6[%get3A_617, %get3A_618, %get3A_619] {strides = array<i32>} : memref<5x128x64xf32, #tpu.memory_space<vmem>>, vector<16xf32>,
        %mul3A_621 = arith.constant 8.000000e+00 : f32
        %mul3A_622 = vector.broadcast %mul3A_621 : f32 to vector<16xf32>
        %mul3A_623 = arith.mulf %get3A_620, %mul3A_622 : vector<16xf32>
        %get3A_624 = arith.constant 1 : i32
        %get3A_625 = arith.index_cast %get3A_624 : i32 to index
        %get3A_626 = arith.index_cast %add3A_597 : i32 to index
        %get3A_627 = arith.constant 48 : index
        %get3A_628 = tpu.vector_load %arg6[%get3A_625, %get3A_626, %get3A_627] {strides = array<i32>} : memref<5x128x64xf32, #tpu.memory_space<vmem>>, vector<16xf32>,
        %mul3A_629 = arith.constant 8.000000e+00 : f32
        %mul3A_630 = vector.broadcast %mul3A_629 : f32 to vector<16xf32>
        %mul3A_631 = arith.mulf %get3A_628, %mul3A_630 : vector<16xf32>
        %scatter3A_632 = arith.constant 1 : i32
        %scatter3A_633 = arith.constant 0 : i32
        %scatter3A_634 = arith.constant 0 : i32
        %scatter3A_635 = arith.constant 0 : i32
        %scatter3A_636 = tpu.memref_slice %arg7[%scatter3A_632, %scatter3A_633, %scatter3A_634, %scatter3A_635] : memref<5x8x8x133xf32, #tpu.memory_space<vmem>> -> memref<1x8x8x133xf32, #tpu.memory_space<vmem>>
        %scatter3A_637 = tpu.memref_squeeze %scatter3A_636 : memref<1x8x8x133xf32, #tpu.memory_space<vmem>> -> memref<8x8x133xf32, #tpu.memory_space<vmem>>
        tpu.vector_store_idx %scatter3A_637[%add3A_10, %and3A_5, %add3A_504], %mul3A_512 : memref<8x8x133xf32, #tpu.memory_space<vmem>>[vector<16xi32>, vector<16xi32>, vector<16xi32>], vector<16xf32>,
        %scatter3A_638 = arith.constant 1 : i32
        %scatter3A_639 = arith.constant 0 : i32
        %scatter3A_640 = arith.constant 0 : i32
        %scatter3A_641 = arith.constant 0 : i32
        %scatter3A_642 = tpu.memref_slice %arg7[%scatter3A_638, %scatter3A_639, %scatter3A_640, %scatter3A_641] : memref<5x8x8x133xf32, #tpu.memory_space<vmem>> -> memref<1x8x8x133xf32, #tpu.memory_space<vmem>>
        %scatter3A_643 = tpu.memref_squeeze %scatter3A_642 : memref<1x8x8x133xf32, #tpu.memory_space<vmem>> -> memref<8x8x133xf32, #tpu.memory_space<vmem>>
        tpu.vector_store_idx %scatter3A_643[%add3A_16, %and3A_5, %add3A_504], %mul3A_520 : memref<8x8x133xf32, #tpu.memory_space<vmem>>[vector<16xi32>, vector<16xi32>, vector<16xi32>], vector<16xf32>,
        %scatter3A_644 = arith.constant 1 : i32
        %scatter3A_645 = arith.constant 0 : i32
        %scatter3A_646 = arith.constant 0 : i32
        %scatter3A_647 = arith.constant 0 : i32
        %scatter3A_648 = tpu.memref_slice %arg7[%scatter3A_644, %scatter3A_645, %scatter3A_646, %scatter3A_647] : memref<5x8x8x133xf32, #tpu.memory_space<vmem>> -> memref<1x8x8x133xf32, #tpu.memory_space<vmem>>
        %scatter3A_649 = tpu.memref_squeeze %scatter3A_648 : memref<1x8x8x133xf32, #tpu.memory_space<vmem>> -> memref<8x8x133xf32, #tpu.memory_space<vmem>>
        tpu.vector_store_idx %scatter3A_649[%add3A_22, %and3A_5, %add3A_504], %mul3A_528 : memref<8x8x133xf32, #tpu.memory_space<vmem>>[vector<16xi32>, vector<16xi32>, vector<16xi32>], vector<16xf32>,
        %scatter3A_650 = arith.constant 1 : i32
        %scatter3A_651 = arith.constant 0 : i32
        %scatter3A_652 = arith.constant 0 : i32
        %scatter3A_653 = arith.constant 0 : i32
        %scatter3A_654 = tpu.memref_slice %arg7[%scatter3A_650, %scatter3A_651, %scatter3A_652, %scatter3A_653] : memref<5x8x8x133xf32, #tpu.memory_space<vmem>> -> memref<1x8x8x133xf32, #tpu.memory_space<vmem>>
        %scatter3A_655 = tpu.memref_squeeze %scatter3A_654 : memref<1x8x8x133xf32, #tpu.memory_space<vmem>> -> memref<8x8x133xf32, #tpu.memory_space<vmem>>
        tpu.vector_store_idx %scatter3A_655[%add3A_28, %and3A_5, %add3A_504], %mul3A_536 : memref<8x8x133xf32, #tpu.memory_space<vmem>>[vector<16xi32>, vector<16xi32>, vector<16xi32>], vector<16xf32>,
        %add3A_656 = arith.constant 4 : i32
        %add3A_657 = arith.addi %mul3A_465, %add3A_656 : i32
        %add3A_658 = vector.broadcast %add3A_657 : i32 to vector<16xi32>
        %add3A_659 = arith.addi %broadcast_in_dim3A_3, %add3A_658 : vector<16xi32>
        %get3A_660 = arith.constant 1 : i32
        %get3A_661 = arith.index_cast %get3A_660 : i32 to index
        %get3A_662 = arith.index_cast %add3A_657 : i32 to index
        %get3A_663 = arith.constant 0 : index
        %get3A_664 = tpu.vector_load %arg6[%get3A_661, %get3A_662, %get3A_663] {strides = array<i32>} : memref<5x128x64xf32, #tpu.memory_space<vmem>>, vector<16xf32>,
        %mul3A_665 = arith.constant 8.000000e+00 : f32
        %mul3A_666 = vector.broadcast %mul3A_665 : f32 to vector<16xf32>
        %mul3A_667 = arith.mulf %get3A_664, %mul3A_666 : vector<16xf32>
        %get3A_668 = arith.constant 1 : i32
        %get3A_669 = arith.index_cast %get3A_668 : i32 to index
        %get3A_670 = arith.index_cast %add3A_657 : i32 to index
        %get3A_671 = arith.constant 16 : index
        %get3A_672 = tpu.vector_load %arg6[%get3A_669, %get3A_670, %get3A_671] {strides = array<i32>} : memref<5x128x64xf32, #tpu.memory_space<vmem>>, vector<16xf32>,
        %mul3A_673 = arith.constant 8.000000e+00 : f32
        %mul3A_674 = vector.broadcast %mul3A_673 : f32 to vector<16xf32>
        %mul3A_675 = arith.mulf %get3A_672, %mul3A_674 : vector<16xf32>
        %get3A_676 = arith.constant 1 : i32
        %get3A_677 = arith.index_cast %get3A_676 : i32 to index
        %get3A_678 = arith.index_cast %add3A_657 : i32 to index
        %get3A_679 = arith.constant 32 : index
        %get3A_680 = tpu.vector_load %arg6[%get3A_677, %get3A_678, %get3A_679] {strides = array<i32>} : memref<5x128x64xf32, #tpu.memory_space<vmem>>, vector<16xf32>,
        %mul3A_681 = arith.constant 8.000000e+00 : f32
        %mul3A_682 = vector.broadcast %mul3A_681 : f32 to vector<16xf32>
        %mul3A_683 = arith.mulf %get3A_680, %mul3A_682 : vector<16xf32>
        %get3A_684 = arith.constant 1 : i32
        %get3A_685 = arith.index_cast %get3A_684 : i32 to index
        %get3A_686 = arith.index_cast %add3A_657 : i32 to index
        %get3A_687 = arith.constant 48 : index
        %get3A_688 = tpu.vector_load %arg6[%get3A_685, %get3A_686, %get3A_687] {strides = array<i32>} : memref<5x128x64xf32, #tpu.memory_space<vmem>>, vector<16xf32>,
        %mul3A_689 = arith.constant 8.000000e+00 : f32
        %mul3A_690 = vector.broadcast %mul3A_689 : f32 to vector<16xf32>
        %mul3A_691 = arith.mulf %get3A_688, %mul3A_690 : vector<16xf32>
        %scatter3A_692 = arith.constant 1 : i32
        %scatter3A_693 = arith.constant 0 : i32
        %scatter3A_694 = arith.constant 0 : i32
        %scatter3A_695 = arith.constant 0 : i32
        %scatter3A_696 = tpu.memref_slice %arg7[%scatter3A_692, %scatter3A_693, %scatter3A_694, %scatter3A_695] : memref<5x8x8x133xf32, #tpu.memory_space<vmem>> -> memref<1x8x8x133xf32, #tpu.memory_space<vmem>>
        %scatter3A_697 = tpu.memref_squeeze %scatter3A_696 : memref<1x8x8x133xf32, #tpu.memory_space<vmem>> -> memref<8x8x133xf32, #tpu.memory_space<vmem>>
        tpu.vector_store_idx %scatter3A_697[%add3A_10, %and3A_5, %add3A_540], %mul3A_548 : memref<8x8x133xf32, #tpu.memory_space<vmem>>[vector<16xi32>, vector<16xi32>, vector<16xi32>], vector<16xf32>,
        %scatter3A_698 = arith.constant 1 : i32
        %scatter3A_699 = arith.constant 0 : i32
        %scatter3A_700 = arith.constant 0 : i32
        %scatter3A_701 = arith.constant 0 : i32
        %scatter3A_702 = tpu.memref_slice %arg7[%scatter3A_698, %scatter3A_699, %scatter3A_700, %scatter3A_701] : memref<5x8x8x133xf32, #tpu.memory_space<vmem>> -> memref<1x8x8x133xf32, #tpu.memory_space<vmem>>
        %scatter3A_703 = tpu.memref_squeeze %scatter3A_702 : memref<1x8x8x133xf32, #tpu.memory_space<vmem>> -> memref<8x8x133xf32, #tpu.memory_space<vmem>>
        tpu.vector_store_idx %scatter3A_703[%add3A_16, %and3A_5, %add3A_540], %mul3A_556 : memref<8x8x133xf32, #tpu.memory_space<vmem>>[vector<16xi32>, vector<16xi32>, vector<16xi32>], vector<16xf32>,
        %scatter3A_704 = arith.constant 1 : i32
        %scatter3A_705 = arith.constant 0 : i32
        %scatter3A_706 = arith.constant 0 : i32
        %scatter3A_707 = arith.constant 0 : i32
        %scatter3A_708 = tpu.memref_slice %arg7[%scatter3A_704, %scatter3A_705, %scatter3A_706, %scatter3A_707] : memref<5x8x8x133xf32, #tpu.memory_space<vmem>> -> memref<1x8x8x133xf32, #tpu.memory_space<vmem>>
        %scatter3A_709 = tpu.memref_squeeze %scatter3A_708 : memref<1x8x8x133xf32, #tpu.memory_space<vmem>> -> memref<8x8x133xf32, #tpu.memory_space<vmem>>
        tpu.vector_store_idx %scatter3A_709[%add3A_22, %and3A_5, %add3A_540], %mul3A_564 : memref<8x8x133xf32, #tpu.memory_space<vmem>>[vector<16xi32>, vector<16xi32>, vector<16xi32>], vector<16xf32>,
        %scatter3A_710 = arith.constant 1 : i32
        %scatter3A_711 = arith.constant 0 : i32
        %scatter3A_712 = arith.constant 0 : i32
        %scatter3A_713 = arith.constant 0 : i32
        %scatter3A_714 = tpu.memref_slice %arg7[%scatter3A_710, %scatter3A_711, %scatter3A_712, %scatter3A_713] : memref<5x8x8x133xf32, #tpu.memory_space<vmem>> -> memref<1x8x8x133xf32, #tpu.memory_space<vmem>>
        %scatter3A_715 = tpu.memref_squeeze %scatter3A_714 : memref<1x8x8x133xf32, #tpu.memory_space<vmem>> -> memref<8x8x133xf32, #tpu.memory_space<vmem>>
        tpu.vector_store_idx %scatter3A_715[%add3A_28, %and3A_5, %add3A_540], %mul3A_572 : memref<8x8x133xf32, #tpu.memory_space<vmem>>[vector<16xi32>, vector<16xi32>, vector<16xi32>], vector<16xf32>,
        %add3A_716 = arith.constant 5 : i32
        %add3A_717 = arith.addi %mul3A_465, %add3A_716 : i32
        %add3A_718 = vector.broadcast %add3A_717 : i32 to vector<16xi32>
        %add3A_719 = arith.addi %broadcast_in_dim3A_3, %add3A_718 : vector<16xi32>
        %get3A_720 = arith.constant 1 : i32
        %get3A_721 = arith.index_cast %get3A_720 : i32 to index
        %get3A_722 = arith.index_cast %add3A_717 : i32 to index
        %get3A_723 = arith.constant 0 : index
        %get3A_724 = tpu.vector_load %arg6[%get3A_721, %get3A_722, %get3A_723] {strides = array<i32>} : memref<5x128x64xf32, #tpu.memory_space<vmem>>, vector<16xf32>,
        %mul3A_725 = arith.constant 8.000000e+00 : f32
        %mul3A_726 = vector.broadcast %mul3A_725 : f32 to vector<16xf32>
        %mul3A_727 = arith.mulf %get3A_724, %mul3A_726 : vector<16xf32>
        %get3A_728 = arith.constant 1 : i32
        %get3A_729 = arith.index_cast %get3A_728 : i32 to index
        %get3A_730 = arith.index_cast %add3A_717 : i32 to index
        %get3A_731 = arith.constant 16 : index
        %get3A_732 = tpu.vector_load %arg6[%get3A_729, %get3A_730, %get3A_731] {strides = array<i32>} : memref<5x128x64xf32, #tpu.memory_space<vmem>>, vector<16xf32>,
        %mul3A_733 = arith.constant 8.000000e+00 : f32
        %mul3A_734 = vector.broadcast %mul3A_733 : f32 to vector<16xf32>
        %mul3A_735 = arith.mulf %get3A_732, %mul3A_734 : vector<16xf32>
        %get3A_736 = arith.constant 1 : i32
        %get3A_737 = arith.index_cast %get3A_736 : i32 to index
        %get3A_738 = arith.index_cast %add3A_717 : i32 to index
        %get3A_739 = arith.constant 32 : index
        %get3A_740 = tpu.vector_load %arg6[%get3A_737, %get3A_738, %get3A_739] {strides = array<i32>} : memref<5x128x64xf32, #tpu.memory_space<vmem>>, vector<16xf32>,
        %mul3A_741 = arith.constant 8.000000e+00 : f32
        %mul3A_742 = vector.broadcast %mul3A_741 : f32 to vector<16xf32>
        %mul3A_743 = arith.mulf %get3A_740, %mul3A_742 : vector<16xf32>
        %get3A_744 = arith.constant 1 : i32
        %get3A_745 = arith.index_cast %get3A_744 : i32 to index
        %get3A_746 = arith.index_cast %add3A_717 : i32 to index
        %get3A_747 = arith.constant 48 : index
        %get3A_748 = tpu.vector_load %arg6[%get3A_745, %get3A_746, %get3A_747] {strides = array<i32>} : memref<5x128x64xf32, #tpu.memory_space<vmem>>, vector<16xf32>,
        %mul3A_749 = arith.constant 8.000000e+00 : f32
        %mul3A_750 = vector.broadcast %mul3A_749 : f32 to vector<16xf32>
        %mul3A_751 = arith.mulf %get3A_748, %mul3A_750 : vector<16xf32>
        %scatter3A_752 = arith.constant 1 : i32
        %scatter3A_753 = arith.constant 0 : i32
        %scatter3A_754 = arith.constant 0 : i32
        %scatter3A_755 = arith.constant 0 : i32
        %scatter3A_756 = tpu.memref_slice %arg7[%scatter3A_752, %scatter3A_753, %scatter3A_754, %scatter3A_755] : memref<5x8x8x133xf32, #tpu.memory_space<vmem>> -> memref<1x8x8x133xf32, #tpu.memory_space<vmem>>
        %scatter3A_757 = tpu.memref_squeeze %scatter3A_756 : memref<1x8x8x133xf32, #tpu.memory_space<vmem>> -> memref<8x8x133xf32, #tpu.memory_space<vmem>>
        tpu.vector_store_idx %scatter3A_757[%add3A_10, %and3A_5, %add3A_599], %mul3A_607 : memref<8x8x133xf32, #tpu.memory_space<vmem>>[vector<16xi32>, vector<16xi32>, vector<16xi32>], vector<16xf32>,
        %scatter3A_758 = arith.constant 1 : i32
        %scatter3A_759 = arith.constant 0 : i32
        %scatter3A_760 = arith.constant 0 : i32
        %scatter3A_761 = arith.constant 0 : i32
        %scatter3A_762 = tpu.memref_slice %arg7[%scatter3A_758, %scatter3A_759, %scatter3A_760, %scatter3A_761] : memref<5x8x8x133xf32, #tpu.memory_space<vmem>> -> memref<1x8x8x133xf32, #tpu.memory_space<vmem>>
        %scatter3A_763 = tpu.memref_squeeze %scatter3A_762 : memref<1x8x8x133xf32, #tpu.memory_space<vmem>> -> memref<8x8x133xf32, #tpu.memory_space<vmem>>
        tpu.vector_store_idx %scatter3A_763[%add3A_16, %and3A_5, %add3A_599], %mul3A_615 : memref<8x8x133xf32, #tpu.memory_space<vmem>>[vector<16xi32>, vector<16xi32>, vector<16xi32>], vector<16xf32>,
        %scatter3A_764 = arith.constant 1 : i32
        %scatter3A_765 = arith.constant 0 : i32
        %scatter3A_766 = arith.constant 0 : i32
        %scatter3A_767 = arith.constant 0 : i32
        %scatter3A_768 = tpu.memref_slice %arg7[%scatter3A_764, %scatter3A_765, %scatter3A_766, %scatter3A_767] : memref<5x8x8x133xf32, #tpu.memory_space<vmem>> -> memref<1x8x8x133xf32, #tpu.memory_space<vmem>>
        %scatter3A_769 = tpu.memref_squeeze %scatter3A_768 : memref<1x8x8x133xf32, #tpu.memory_space<vmem>> -> memref<8x8x133xf32, #tpu.memory_space<vmem>>
        tpu.vector_store_idx %scatter3A_769[%add3A_22, %and3A_5, %add3A_599], %mul3A_623 : memref<8x8x133xf32, #tpu.memory_space<vmem>>[vector<16xi32>, vector<16xi32>, vector<16xi32>], vector<16xf32>,
        %scatter3A_770 = arith.constant 1 : i32
        %scatter3A_771 = arith.constant 0 : i32
        %scatter3A_772 = arith.constant 0 : i32
        %scatter3A_773 = arith.constant 0 : i32
        %scatter3A_774 = tpu.memref_slice %arg7[%scatter3A_770, %scatter3A_771, %scatter3A_772, %scatter3A_773] : memref<5x8x8x133xf32, #tpu.memory_space<vmem>> -> memref<1x8x8x133xf32, #tpu.memory_space<vmem>>
        %scatter3A_775 = tpu.memref_squeeze %scatter3A_774 : memref<1x8x8x133xf32, #tpu.memory_space<vmem>> -> memref<8x8x133xf32, #tpu.memory_space<vmem>>
        tpu.vector_store_idx %scatter3A_775[%add3A_28, %and3A_5, %add3A_599], %mul3A_631 : memref<8x8x133xf32, #tpu.memory_space<vmem>>[vector<16xi32>, vector<16xi32>, vector<16xi32>], vector<16xf32>,
        %add3A_776 = arith.constant 6 : i32
        %add3A_777 = arith.addi %mul3A_465, %add3A_776 : i32
        %add3A_778 = vector.broadcast %add3A_777 : i32 to vector<16xi32>
        %add3A_779 = arith.addi %broadcast_in_dim3A_3, %add3A_778 : vector<16xi32>
        %get3A_780 = arith.constant 1 : i32
        %get3A_781 = arith.index_cast %get3A_780 : i32 to index
        %get3A_782 = arith.index_cast %add3A_777 : i32 to index
        %get3A_783 = arith.constant 0 : index
        %get3A_784 = tpu.vector_load %arg6[%get3A_781, %get3A_782, %get3A_783] {strides = array<i32>} : memref<5x128x64xf32, #tpu.memory_space<vmem>>, vector<16xf32>,
        %mul3A_785 = arith.constant 8.000000e+00 : f32
        %mul3A_786 = vector.broadcast %mul3A_785 : f32 to vector<16xf32>
        %mul3A_787 = arith.mulf %get3A_784, %mul3A_786 : vector<16xf32>
        %get3A_788 = arith.constant 1 : i32
        %get3A_789 = arith.index_cast %get3A_788 : i32 to index
        %get3A_790 = arith.index_cast %add3A_777 : i32 to index
        %get3A_791 = arith.constant 16 : index
        %get3A_792 = tpu.vector_load %arg6[%get3A_789, %get3A_790, %get3A_791] {strides = array<i32>} : memref<5x128x64xf32, #tpu.memory_space<vmem>>, vector<16xf32>,
        %mul3A_793 = arith.constant 8.000000e+00 : f32
        %mul3A_794 = vector.broadcast %mul3A_793 : f32 to vector<16xf32>
        %mul3A_795 = arith.mulf %get3A_792, %mul3A_794 : vector<16xf32>
        %get3A_796 = arith.constant 1 : i32
        %get3A_797 = arith.index_cast %get3A_796 : i32 to index
        %get3A_798 = arith.index_cast %add3A_777 : i32 to index
        %get3A_799 = arith.constant 32 : index
        %get3A_800 = tpu.vector_load %arg6[%get3A_797, %get3A_798, %get3A_799] {strides = array<i32>} : memref<5x128x64xf32, #tpu.memory_space<vmem>>, vector<16xf32>,
        %mul3A_801 = arith.constant 8.000000e+00 : f32
        %mul3A_802 = vector.broadcast %mul3A_801 : f32 to vector<16xf32>
        %mul3A_803 = arith.mulf %get3A_800, %mul3A_802 : vector<16xf32>
        %get3A_804 = arith.constant 1 : i32
        %get3A_805 = arith.index_cast %get3A_804 : i32 to index
        %get3A_806 = arith.index_cast %add3A_777 : i32 to index
        %get3A_807 = arith.constant 48 : index
        %get3A_808 = tpu.vector_load %arg6[%get3A_805, %get3A_806, %get3A_807] {strides = array<i32>} : memref<5x128x64xf32, #tpu.memory_space<vmem>>, vector<16xf32>,
        %mul3A_809 = arith.constant 8.000000e+00 : f32
        %mul3A_810 = vector.broadcast %mul3A_809 : f32 to vector<16xf32>
        %mul3A_811 = arith.mulf %get3A_808, %mul3A_810 : vector<16xf32>
        %scatter3A_812 = arith.constant 1 : i32
        %scatter3A_813 = arith.constant 0 : i32
        %scatter3A_814 = arith.constant 0 : i32
        %scatter3A_815 = arith.constant 0 : i32
        %scatter3A_816 = tpu.memref_slice %arg7[%scatter3A_812, %scatter3A_813, %scatter3A_814, %scatter3A_815] : memref<5x8x8x133xf32, #tpu.memory_space<vmem>> -> memref<1x8x8x133xf32, #tpu.memory_space<vmem>>
        %scatter3A_817 = tpu.memref_squeeze %scatter3A_816 : memref<1x8x8x133xf32, #tpu.memory_space<vmem>> -> memref<8x8x133xf32, #tpu.memory_space<vmem>>
        tpu.vector_store_idx %scatter3A_817[%add3A_10, %and3A_5, %add3A_659], %mul3A_667 : memref<8x8x133xf32, #tpu.memory_space<vmem>>[vector<16xi32>, vector<16xi32>, vector<16xi32>], vector<16xf32>,
        %scatter3A_818 = arith.constant 1 : i32
        %scatter3A_819 = arith.constant 0 : i32
        %scatter3A_820 = arith.constant 0 : i32
        %scatter3A_821 = arith.constant 0 : i32
        %scatter3A_822 = tpu.memref_slice %arg7[%scatter3A_818, %scatter3A_819, %scatter3A_820, %scatter3A_821] : memref<5x8x8x133xf32, #tpu.memory_space<vmem>> -> memref<1x8x8x133xf32, #tpu.memory_space<vmem>>
        %scatter3A_823 = tpu.memref_squeeze %scatter3A_822 : memref<1x8x8x133xf32, #tpu.memory_space<vmem>> -> memref<8x8x133xf32, #tpu.memory_space<vmem>>
        tpu.vector_store_idx %scatter3A_823[%add3A_16, %and3A_5, %add3A_659], %mul3A_675 : memref<8x8x133xf32, #tpu.memory_space<vmem>>[vector<16xi32>, vector<16xi32>, vector<16xi32>], vector<16xf32>,
        %scatter3A_824 = arith.constant 1 : i32
        %scatter3A_825 = arith.constant 0 : i32
        %scatter3A_826 = arith.constant 0 : i32
        %scatter3A_827 = arith.constant 0 : i32
        %scatter3A_828 = tpu.memref_slice %arg7[%scatter3A_824, %scatter3A_825, %scatter3A_826, %scatter3A_827] : memref<5x8x8x133xf32, #tpu.memory_space<vmem>> -> memref<1x8x8x133xf32, #tpu.memory_space<vmem>>
        %scatter3A_829 = tpu.memref_squeeze %scatter3A_828 : memref<1x8x8x133xf32, #tpu.memory_space<vmem>> -> memref<8x8x133xf32, #tpu.memory_space<vmem>>
        tpu.vector_store_idx %scatter3A_829[%add3A_22, %and3A_5, %add3A_659], %mul3A_683 : memref<8x8x133xf32, #tpu.memory_space<vmem>>[vector<16xi32>, vector<16xi32>, vector<16xi32>], vector<16xf32>,
        %scatter3A_830 = arith.constant 1 : i32
        %scatter3A_831 = arith.constant 0 : i32
        %scatter3A_832 = arith.constant 0 : i32
        %scatter3A_833 = arith.constant 0 : i32
        %scatter3A_834 = tpu.memref_slice %arg7[%scatter3A_830, %scatter3A_831, %scatter3A_832, %scatter3A_833] : memref<5x8x8x133xf32, #tpu.memory_space<vmem>> -> memref<1x8x8x133xf32, #tpu.memory_space<vmem>>
        %scatter3A_835 = tpu.memref_squeeze %scatter3A_834 : memref<1x8x8x133xf32, #tpu.memory_space<vmem>> -> memref<8x8x133xf32, #tpu.memory_space<vmem>>
        tpu.vector_store_idx %scatter3A_835[%add3A_28, %and3A_5, %add3A_659], %mul3A_691 : memref<8x8x133xf32, #tpu.memory_space<vmem>>[vector<16xi32>, vector<16xi32>, vector<16xi32>], vector<16xf32>,
        %add3A_836 = arith.constant 7 : i32
        %add3A_837 = arith.addi %mul3A_465, %add3A_836 : i32
        %add3A_838 = vector.broadcast %add3A_837 : i32 to vector<16xi32>
        %add3A_839 = arith.addi %broadcast_in_dim3A_3, %add3A_838 : vector<16xi32>
        %get3A_840 = arith.constant 1 : i32
        %get3A_841 = arith.index_cast %get3A_840 : i32 to index
        %get3A_842 = arith.index_cast %add3A_837 : i32 to index
        %get3A_843 = arith.constant 0 : index
        %get3A_844 = tpu.vector_load %arg6[%get3A_841, %get3A_842, %get3A_843] {strides = array<i32>} : memref<5x128x64xf32, #tpu.memory_space<vmem>>, vector<16xf32>,
        %mul3A_845 = arith.constant 8.000000e+00 : f32
        %mul3A_846 = vector.broadcast %mul3A_845 : f32 to vector<16xf32>
        %mul3A_847 = arith.mulf %get3A_844, %mul3A_846 : vector<16xf32>
        %get3A_848 = arith.constant 1 : i32
        %get3A_849 = arith.index_cast %get3A_848 : i32 to index
        %get3A_850 = arith.index_cast %add3A_837 : i32 to index
        %get3A_851 = arith.constant 16 : index
        %get3A_852 = tpu.vector_load %arg6[%get3A_849, %get3A_850, %get3A_851] {strides = array<i32>} : memref<5x128x64xf32, #tpu.memory_space<vmem>>, vector<16xf32>,
        %mul3A_853 = arith.constant 8.000000e+00 : f32
        %mul3A_854 = vector.broadcast %mul3A_853 : f32 to vector<16xf32>
        %mul3A_855 = arith.mulf %get3A_852, %mul3A_854 : vector<16xf32>
        %get3A_856 = arith.constant 1 : i32
        %get3A_857 = arith.index_cast %get3A_856 : i32 to index
        %get3A_858 = arith.index_cast %add3A_837 : i32 to index
        %get3A_859 = arith.constant 32 : index
        %get3A_860 = tpu.vector_load %arg6[%get3A_857, %get3A_858, %get3A_859] {strides = array<i32>} : memref<5x128x64xf32, #tpu.memory_space<vmem>>, vector<16xf32>,
        %mul3A_861 = arith.constant 8.000000e+00 : f32
        %mul3A_862 = vector.broadcast %mul3A_861 : f32 to vector<16xf32>
        %mul3A_863 = arith.mulf %get3A_860, %mul3A_862 : vector<16xf32>
        %get3A_864 = arith.constant 1 : i32
        %get3A_865 = arith.index_cast %get3A_864 : i32 to index
        %get3A_866 = arith.index_cast %add3A_837 : i32 to index
        %get3A_867 = arith.constant 48 : index
        %get3A_868 = tpu.vector_load %arg6[%get3A_865, %get3A_866, %get3A_867] {strides = array<i32>} : memref<5x128x64xf32, #tpu.memory_space<vmem>>, vector<16xf32>,
        %mul3A_869 = arith.constant 8.000000e+00 : f32
        %mul3A_870 = vector.broadcast %mul3A_869 : f32 to vector<16xf32>
        %mul3A_871 = arith.mulf %get3A_868, %mul3A_870 : vector<16xf32>
        %scatter3A_872 = arith.constant 1 : i32
        %scatter3A_873 = arith.constant 0 : i32
        %scatter3A_874 = arith.constant 0 : i32
        %scatter3A_875 = arith.constant 0 : i32
        %scatter3A_876 = tpu.memref_slice %arg7[%scatter3A_872, %scatter3A_873, %scatter3A_874, %scatter3A_875] : memref<5x8x8x133xf32, #tpu.memory_space<vmem>> -> memref<1x8x8x133xf32, #tpu.memory_space<vmem>>
        %scatter3A_877 = tpu.memref_squeeze %scatter3A_876 : memref<1x8x8x133xf32, #tpu.memory_space<vmem>> -> memref<8x8x133xf32, #tpu.memory_space<vmem>>
        tpu.vector_store_idx %scatter3A_877[%add3A_10, %and3A_5, %add3A_719], %mul3A_727 : memref<8x8x133xf32, #tpu.memory_space<vmem>>[vector<16xi32>, vector<16xi32>, vector<16xi32>], vector<16xf32>,
        %scatter3A_878 = arith.constant 1 : i32
        %scatter3A_879 = arith.constant 0 : i32
        %scatter3A_880 = arith.constant 0 : i32
        %scatter3A_881 = arith.constant 0 : i32
        %scatter3A_882 = tpu.memref_slice %arg7[%scatter3A_878, %scatter3A_879, %scatter3A_880, %scatter3A_881] : memref<5x8x8x133xf32, #tpu.memory_space<vmem>> -> memref<1x8x8x133xf32, #tpu.memory_space<vmem>>
        %scatter3A_883 = tpu.memref_squeeze %scatter3A_882 : memref<1x8x8x133xf32, #tpu.memory_space<vmem>> -> memref<8x8x133xf32, #tpu.memory_space<vmem>>
        tpu.vector_store_idx %scatter3A_883[%add3A_16, %and3A_5, %add3A_719], %mul3A_735 : memref<8x8x133xf32, #tpu.memory_space<vmem>>[vector<16xi32>, vector<16xi32>, vector<16xi32>], vector<16xf32>,
        %scatter3A_884 = arith.constant 1 : i32
        %scatter3A_885 = arith.constant 0 : i32
        %scatter3A_886 = arith.constant 0 : i32
        %scatter3A_887 = arith.constant 0 : i32
        %scatter3A_888 = tpu.memref_slice %arg7[%scatter3A_884, %scatter3A_885, %scatter3A_886, %scatter3A_887] : memref<5x8x8x133xf32, #tpu.memory_space<vmem>> -> memref<1x8x8x133xf32, #tpu.memory_space<vmem>>
        %scatter3A_889 = tpu.memref_squeeze %scatter3A_888 : memref<1x8x8x133xf32, #tpu.memory_space<vmem>> -> memref<8x8x133xf32, #tpu.memory_space<vmem>>
        tpu.vector_store_idx %scatter3A_889[%add3A_22, %and3A_5, %add3A_719], %mul3A_743 : memref<8x8x133xf32, #tpu.memory_space<vmem>>[vector<16xi32>, vector<16xi32>, vector<16xi32>], vector<16xf32>,
        %scatter3A_890 = arith.constant 1 : i32
        %scatter3A_891 = arith.constant 0 : i32
        %scatter3A_892 = arith.constant 0 : i32
        %scatter3A_893 = arith.constant 0 : i32
        %scatter3A_894 = tpu.memref_slice %arg7[%scatter3A_890, %scatter3A_891, %scatter3A_892, %scatter3A_893] : memref<5x8x8x133xf32, #tpu.memory_space<vmem>> -> memref<1x8x8x133xf32, #tpu.memory_space<vmem>>
        %scatter3A_895 = tpu.memref_squeeze %scatter3A_894 : memref<1x8x8x133xf32, #tpu.memory_space<vmem>> -> memref<8x8x133xf32, #tpu.memory_space<vmem>>
        tpu.vector_store_idx %scatter3A_895[%add3A_28, %and3A_5, %add3A_719], %mul3A_751 : memref<8x8x133xf32, #tpu.memory_space<vmem>>[vector<16xi32>, vector<16xi32>, vector<16xi32>], vector<16xf32>,
        %scatter3A_896 = arith.constant 1 : i32
        %scatter3A_897 = arith.constant 0 : i32
        %scatter3A_898 = arith.constant 0 : i32
        %scatter3A_899 = arith.constant 0 : i32
        %scatter3A_900 = tpu.memref_slice %arg7[%scatter3A_896, %scatter3A_897, %scatter3A_898, %scatter3A_899] : memref<5x8x8x133xf32, #tpu.memory_space<vmem>> -> memref<1x8x8x133xf32, #tpu.memory_space<vmem>>
        %scatter3A_901 = tpu.memref_squeeze %scatter3A_900 : memref<1x8x8x133xf32, #tpu.memory_space<vmem>> -> memref<8x8x133xf32, #tpu.memory_space<vmem>>
        tpu.vector_store_idx %scatter3A_901[%add3A_10, %and3A_5, %add3A_779], %mul3A_787 : memref<8x8x133xf32, #tpu.memory_space<vmem>>[vector<16xi32>, vector<16xi32>, vector<16xi32>], vector<16xf32>,
        %scatter3A_902 = arith.constant 1 : i32
        %scatter3A_903 = arith.constant 0 : i32
        %scatter3A_904 = arith.constant 0 : i32
        %scatter3A_905 = arith.constant 0 : i32
        %scatter3A_906 = tpu.memref_slice %arg7[%scatter3A_902, %scatter3A_903, %scatter3A_904, %scatter3A_905] : memref<5x8x8x133xf32, #tpu.memory_space<vmem>> -> memref<1x8x8x133xf32, #tpu.memory_space<vmem>>
        %scatter3A_907 = tpu.memref_squeeze %scatter3A_906 : memref<1x8x8x133xf32, #tpu.memory_space<vmem>> -> memref<8x8x133xf32, #tpu.memory_space<vmem>>
        tpu.vector_store_idx %scatter3A_907[%add3A_16, %and3A_5, %add3A_779], %mul3A_795 : memref<8x8x133xf32, #tpu.memory_space<vmem>>[vector<16xi32>, vector<16xi32>, vector<16xi32>], vector<16xf32>,
        %scatter3A_908 = arith.constant 1 : i32
        %scatter3A_909 = arith.constant 0 : i32
        %scatter3A_910 = arith.constant 0 : i32
        %scatter3A_911 = arith.constant 0 : i32
        %scatter3A_912 = tpu.memref_slice %arg7[%scatter3A_908, %scatter3A_909, %scatter3A_910, %scatter3A_911] : memref<5x8x8x133xf32, #tpu.memory_space<vmem>> -> memref<1x8x8x133xf32, #tpu.memory_space<vmem>>
        %scatter3A_913 = tpu.memref_squeeze %scatter3A_912 : memref<1x8x8x133xf32, #tpu.memory_space<vmem>> -> memref<8x8x133xf32, #tpu.memory_space<vmem>>
        tpu.vector_store_idx %scatter3A_913[%add3A_22, %and3A_5, %add3A_779], %mul3A_803 : memref<8x8x133xf32, #tpu.memory_space<vmem>>[vector<16xi32>, vector<16xi32>, vector<16xi32>], vector<16xf32>,
        %scatter3A_914 = arith.constant 1 : i32
        %scatter3A_915 = arith.constant 0 : i32
        %scatter3A_916 = arith.constant 0 : i32
        %scatter3A_917 = arith.constant 0 : i32
        %scatter3A_918 = tpu.memref_slice %arg7[%scatter3A_914, %scatter3A_915, %scatter3A_916, %scatter3A_917] : memref<5x8x8x133xf32, #tpu.memory_space<vmem>> -> memref<1x8x8x133xf32, #tpu.memory_space<vmem>>
        %scatter3A_919 = tpu.memref_squeeze %scatter3A_918 : memref<1x8x8x133xf32, #tpu.memory_space<vmem>> -> memref<8x8x133xf32, #tpu.memory_space<vmem>>
        tpu.vector_store_idx %scatter3A_919[%add3A_28, %and3A_5, %add3A_779], %mul3A_811 : memref<8x8x133xf32, #tpu.memory_space<vmem>>[vector<16xi32>, vector<16xi32>, vector<16xi32>], vector<16xf32>,
        %scatter3A_920 = arith.constant 1 : i32
        %scatter3A_921 = arith.constant 0 : i32
        %scatter3A_922 = arith.constant 0 : i32
        %scatter3A_923 = arith.constant 0 : i32
        %scatter3A_924 = tpu.memref_slice %arg7[%scatter3A_920, %scatter3A_921, %scatter3A_922, %scatter3A_923] : memref<5x8x8x133xf32, #tpu.memory_space<vmem>> -> memref<1x8x8x133xf32, #tpu.memory_space<vmem>>
        %scatter3A_925 = tpu.memref_squeeze %scatter3A_924 : memref<1x8x8x133xf32, #tpu.memory_space<vmem>> -> memref<8x8x133xf32, #tpu.memory_space<vmem>>
        tpu.vector_store_idx %scatter3A_925[%add3A_10, %and3A_5, %add3A_839], %mul3A_847 : memref<8x8x133xf32, #tpu.memory_space<vmem>>[vector<16xi32>, vector<16xi32>, vector<16xi32>], vector<16xf32>,
        %scatter3A_926 = arith.constant 1 : i32
        %scatter3A_927 = arith.constant 0 : i32
        %scatter3A_928 = arith.constant 0 : i32
        %scatter3A_929 = arith.constant 0 : i32
        %scatter3A_930 = tpu.memref_slice %arg7[%scatter3A_926, %scatter3A_927, %scatter3A_928, %scatter3A_929] : memref<5x8x8x133xf32, #tpu.memory_space<vmem>> -> memref<1x8x8x133xf32, #tpu.memory_space<vmem>>
        %scatter3A_931 = tpu.memref_squeeze %scatter3A_930 : memref<1x8x8x133xf32, #tpu.memory_space<vmem>> -> memref<8x8x133xf32, #tpu.memory_space<vmem>>
        tpu.vector_store_idx %scatter3A_931[%add3A_16, %and3A_5, %add3A_839], %mul3A_855 : memref<8x8x133xf32, #tpu.memory_space<vmem>>[vector<16xi32>, vector<16xi32>, vector<16xi32>], vector<16xf32>,
        %scatter3A_932 = arith.constant 1 : i32
        %scatter3A_933 = arith.constant 0 : i32
        %scatter3A_934 = arith.constant 0 : i32
        %scatter3A_935 = arith.constant 0 : i32
        %scatter3A_936 = tpu.memref_slice %arg7[%scatter3A_932, %scatter3A_933, %scatter3A_934, %scatter3A_935] : memref<5x8x8x133xf32, #tpu.memory_space<vmem>> -> memref<1x8x8x133xf32, #tpu.memory_space<vmem>>
        %scatter3A_937 = tpu.memref_squeeze %scatter3A_936 : memref<1x8x8x133xf32, #tpu.memory_space<vmem>> -> memref<8x8x133xf32, #tpu.memory_space<vmem>>
        tpu.vector_store_idx %scatter3A_937[%add3A_22, %and3A_5, %add3A_839], %mul3A_863 : memref<8x8x133xf32, #tpu.memory_space<vmem>>[vector<16xi32>, vector<16xi32>, vector<16xi32>], vector<16xf32>,
        %scatter3A_938 = arith.constant 1 : i32
        %scatter3A_939 = arith.constant 0 : i32
        %scatter3A_940 = arith.constant 0 : i32
        %scatter3A_941 = arith.constant 0 : i32
        %scatter3A_942 = tpu.memref_slice %arg7[%scatter3A_938, %scatter3A_939, %scatter3A_940, %scatter3A_941] : memref<5x8x8x133xf32, #tpu.memory_space<vmem>> -> memref<1x8x8x133xf32, #tpu.memory_space<vmem>>
        %scatter3A_943 = tpu.memref_squeeze %scatter3A_942 : memref<1x8x8x133xf32, #tpu.memory_space<vmem>> -> memref<8x8x133xf32, #tpu.memory_space<vmem>>
        tpu.vector_store_idx %scatter3A_943[%add3A_28, %and3A_5, %add3A_839], %mul3A_871 : memref<8x8x133xf32, #tpu.memory_space<vmem>>[vector<16xi32>, vector<16xi32>, vector<16xi32>], vector<16xf32>,
      }
      %scan3A_277 = arith.constant 16 : i32
      %dma_start3A_278 = arith.constant 1 : i32
      %dma_start3A_279 = arith.constant 0 : i32
      %dma_start3A_280 = arith.constant 0 : i32
      %dma_start3A_281 = arith.constant 0 : i32
      %dma_start3A_282 = tpu.memref_slice %arg7[%dma_start3A_278, %dma_start3A_279, %dma_start3A_280, %dma_start3A_281] : memref<5x8x8x133xf32, #tpu.memory_space<vmem>> -> memref<1x8x8x128xf32, #tpu.memory_space<vmem>>
      %dma_start3A_283 = tpu.memref_squeeze %dma_start3A_282 : memref<1x8x8x128xf32, #tpu.memory_space<vmem>> -> memref<8x8x128xf32, #tpu.memory_space<vmem>>
      %dma_start3A_284 = arith.constant 0 : i32
      %dma_start3A_285 = arith.constant 0 : i32
      %dma_start3A_286 = arith.constant 0 : i32
      %dma_start3A_287 = tpu.memref_slice %arg4[%add3A_256, %dma_start3A_284, %add3A, %dma_start3A_285, %dma_start3A_286] : memref<200x8x32x8x128xf32, #tpu.memory_space<hbm>> -> memref<1x8x1x8x128xf32, #tpu.memory_space<hbm>>
      %dma_start3A_288 = tpu.memref_squeeze %dma_start3A_287 : memref<1x8x1x8x128xf32, #tpu.memory_space<hbm>> -> memref<8x8x128xf32, #tpu.memory_space<hbm>>
      %dma_start3A_289 = arith.constant 0 : i32
      %dma_start3A_290 = arith.constant 0 : i32
      %dma_start3A_291 = arith.constant 0 : i32
      %dma_start3A_292 = tpu.memref_slice %arg4[%add3A_256, %dma_start3A_289, %add3A, %dma_start3A_290, %dma_start3A_291] : memref<200x8x32x8x128xf32, #tpu.memory_space<hbm>> -> memref<1x8x1x8x128xf32, #tpu.memory_space<hbm>>
      %dma_start3A_293 = tpu.memref_squeeze %dma_start3A_292 : memref<1x8x1x8x128xf32, #tpu.memory_space<hbm>> -> memref<8x8x128xf32, #tpu.memory_space<hbm>>
      %dma_start3A_294 = arith.constant 0 : i32
      %dma_start3A_295 = arith.constant 0 : i32
      %dma_start3A_296 = arith.constant 0 : i32
      %dma_start3A_297 = tpu.memref_slice %arg7[%dma_start3A_278, %dma_start3A_294, %dma_start3A_295, %dma_start3A_296] : memref<5x8x8x133xf32, #tpu.memory_space<vmem>> -> memref<1x8x8x128xf32, #tpu.memory_space<vmem>>
      %dma_start3A_298 = tpu.memref_squeeze %dma_start3A_297 : memref<1x8x8x128xf32, #tpu.memory_space<vmem>> -> memref<8x8x128xf32, #tpu.memory_space<vmem>>
      tpu.enqueue_dma source(%dma_start3A_298 : memref<8x8x128xf32, #tpu.memory_space<vmem>>) target(%dma_start3A_293 : memref<8x8x128xf32, #tpu.memory_space<hbm>>) target_semaphore(%arg9 : memref<!tpu.dma_semaphore, #tpu.memory_space<semaphore_mem>>)
      %add3A_299 = arith.constant 5 : i32
      %add3A_300 = arith.addi %add3A_256, %add3A_299 : i32
      %lt3A_301 = arith.constant 200 : i32
      %lt3A_302 = arith.cmpi slt, %add3A_300, %lt3A_301 : i32
      %convert_element_type3A_303 = arith.extui %lt3A_302 : i1 to i32
      %cond3A_304 = arith.constant 0 : i32
      %cond3A_305 = arith.cmpi ne, %convert_element_type3A_303, %cond3A_304 : i32
      scf.if %cond3A_305 {
        %add3A_459 = arith.constant 5 : i32
        %add3A_460 = arith.addi %add3A_256, %add3A_459 : i32
        %dma_start3A_461 = arith.constant 1 : i32
        %dma_start3A_462 = arith.constant 0 : i32
        %dma_start3A_463 = arith.constant 0 : i32
        %dma_start3A_464 = tpu.memref_slice %arg6[%dma_start3A_461, %dma_start3A_462, %dma_start3A_463] : memref<5x128x64xf32, #tpu.memory_space<vmem>> -> memref<1x128x64xf32, #tpu.memory_space<vmem>>
        %dma_start3A_465 = tpu.memref_squeeze %dma_start3A_464 : memref<1x128x64xf32, #tpu.memory_space<vmem>> -> memref<128x64xf32, #tpu.memory_space<vmem>>
        %dma_start3A_466 = arith.constant 0 : i32
        %dma_start3A_467 = tpu.memref_slice %arg5[%add3A_460, %dma_start3A_466] : memref<200x128xi32, #tpu.memory_space<vmem>> -> memref<1x128xi32, #tpu.memory_space<vmem>>
        %dma_start3A_468 = tpu.memref_squeeze %dma_start3A_467 : memref<1x128xi32, #tpu.memory_space<vmem>> -> memref<128xi32, #tpu.memory_space<vmem>>
        %dma_start3A_469 = arith.constant 0 : i32
        %dma_start3A_470 = arith.constant 0 : i32
        %dma_start3A_471 = tpu.memref_slice %arg3[%dma_start3A_469, %dma_start3A_470] : memref<100000x64xf32, #tpu.memory_space<hbm>> -> memref<100000x64xf32, #tpu.memory_space<hbm>>
        tpu.enqueue_indirect_dma source(%dma_start3A_471 : memref<100000x64xf32, #tpu.memory_space<hbm>>) target(%dma_start3A_465 : memref<128x64xf32, #tpu.memory_space<vmem>>) offsets(%dma_start3A_468 : memref<128xi32, #tpu.memory_space<vmem>>) semaphore(%arg8 : memref<!tpu.dma_semaphore, #tpu.memory_space<semaphore_mem>>)
      } else {
      }
      %add3A_306 = arith.constant 2 : i32
      %add3A_307 = arith.addi %mul3A_207, %add3A_306 : i32
      %dma_wait3A_308 = arith.constant 2 : i32
      %dma_wait3A_309 = arith.constant 0 : i32
      %dma_wait3A_310 = arith.constant 0 : i32
      %dma_wait3A_311 = tpu.memref_slice %arg6[%dma_wait3A_308, %dma_wait3A_309, %dma_wait3A_310] : memref<5x128x64xf32, #tpu.memory_space<vmem>> -> memref<1x128x64xf32, #tpu.memory_space<vmem>>
      %dma_wait3A_312 = tpu.memref_squeeze %dma_wait3A_311 : memref<1x128x64xf32, #tpu.memory_space<vmem>> -> memref<128x64xf32, #tpu.memory_space<vmem>>
      %dma_wait3A_313 = arith.constant 0 : i32
      %dma_wait3A_314 = tpu.memref_slice %arg5[%add3A_307, %dma_wait3A_313] : memref<200x128xi32, #tpu.memory_space<vmem>> -> memref<1x128xi32, #tpu.memory_space<vmem>>
      %dma_wait3A_315 = tpu.memref_squeeze %dma_wait3A_314 : memref<1x128xi32, #tpu.memory_space<vmem>> -> memref<128xi32, #tpu.memory_space<vmem>>
      %dma_wait3A_316 = arith.constant 0 : i32
      %dma_wait3A_317 = arith.constant 0 : i32
      %dma_wait3A_318 = tpu.memref_slice %arg3[%dma_wait3A_316, %dma_wait3A_317] : memref<100000x64xf32, #tpu.memory_space<hbm>> -> memref<100000x64xf32, #tpu.memory_space<hbm>>
      tpu.wait_indirect_dma semaphore(%arg8 : memref<!tpu.dma_semaphore, #tpu.memory_space<semaphore_mem>>) src(%dma_wait3A_318 : memref<100000x64xf32, #tpu.memory_space<hbm>>) dst(%dma_wait3A_312 : memref<128x64xf32, #tpu.memory_space<vmem>>)
      %ge3A_319 = arith.constant 5 : i32
      %ge3A_320 = arith.cmpi sge, %add3A_307, %ge3A_319 : i32
      %convert_element_type3A_321 = arith.extui %ge3A_320 : i1 to i32
      %cond3A_322 = arith.constant 0 : i32
      %cond3A_323 = arith.cmpi ne, %convert_element_type3A_321, %cond3A_322 : i32
      scf.if %cond3A_323 {
        %sub3A = arith.constant 5 : i32
        %sub3A_459 = arith.subi %add3A_307, %sub3A : i32
        %max3A = arith.constant 0 : i32
        %max3A_460 = arith.maxsi %sub3A_459, %max3A : i32
        %dma_wait3A_461 = arith.constant 2 : i32
        %dma_wait3A_462 = arith.constant 0 : i32
        %dma_wait3A_463 = arith.constant 0 : i32
        %dma_wait3A_464 = arith.constant 0 : i32
        %dma_wait3A_465 = tpu.memref_slice %arg7[%dma_wait3A_461, %dma_wait3A_462, %dma_wait3A_463, %dma_wait3A_464] : memref<5x8x8x133xf32, #tpu.memory_space<vmem>> -> memref<1x8x8x128xf32, #tpu.memory_space<vmem>>
        %dma_wait3A_466 = tpu.memref_squeeze %dma_wait3A_465 : memref<1x8x8x128xf32, #tpu.memory_space<vmem>> -> memref<8x8x128xf32, #tpu.memory_space<vmem>>
        %dma_wait3A_467 = arith.constant 0 : i32
        %dma_wait3A_468 = arith.constant 0 : i32
        %dma_wait3A_469 = arith.constant 0 : i32
        %dma_wait3A_470 = tpu.memref_slice %arg4[%max3A_460, %dma_wait3A_467, %add3A, %dma_wait3A_468, %dma_wait3A_469] : memref<200x8x32x8x128xf32, #tpu.memory_space<hbm>> -> memref<1x8x1x8x128xf32, #tpu.memory_space<hbm>>
        %dma_wait3A_471 = tpu.memref_squeeze %dma_wait3A_470 : memref<1x8x1x8x128xf32, #tpu.memory_space<hbm>> -> memref<8x8x128xf32, #tpu.memory_space<hbm>>
        %dma_wait3A_472 = arith.constant 0 : i32
        %dma_wait3A_473 = arith.constant 0 : i32
        %dma_wait3A_474 = arith.constant 0 : i32
        %dma_wait3A_475 = tpu.memref_slice %arg4[%max3A_460, %dma_wait3A_472, %add3A, %dma_wait3A_473, %dma_wait3A_474] : memref<200x8x32x8x128xf32, #tpu.memory_space<hbm>> -> memref<1x8x1x8x128xf32, #tpu.memory_space<hbm>>
        %dma_wait3A_476 = tpu.memref_squeeze %dma_wait3A_475 : memref<1x8x1x8x128xf32, #tpu.memory_space<hbm>> -> memref<8x8x128xf32, #tpu.memory_space<hbm>>
        %dma_wait3A_477 = arith.constant 0 : i32
        %dma_wait3A_478 = arith.constant 0 : i32
        %dma_wait3A_479 = arith.constant 0 : i32
        %dma_wait3A_480 = tpu.memref_slice %arg7[%dma_wait3A_461, %dma_wait3A_477, %dma_wait3A_478, %dma_wait3A_479] : memref<5x8x8x133xf32, #tpu.memory_space<vmem>> -> memref<1x8x8x128xf32, #tpu.memory_space<vmem>>
        %dma_wait3A_481 = tpu.memref_squeeze %dma_wait3A_480 : memref<1x8x8x128xf32, #tpu.memory_space<vmem>> -> memref<8x8x128xf32, #tpu.memory_space<vmem>>
        tpu.wait_dma2 semaphore(%arg9 : memref<!tpu.dma_semaphore, #tpu.memory_space<semaphore_mem>>) src(%dma_wait3A_481 : memref<8x8x128xf32, #tpu.memory_space<vmem>>) dst(%dma_wait3A_476 : memref<8x8x128xf32, #tpu.memory_space<hbm>>)
      } else {
      }
      %scan3A_324 = arith.constant 0 : i32
      %scan3A_325 = arith.constant 16 : i32
      %scan3A_326 = arith.addi %scan3A_324, %scan3A_325 : i32
      %scan3A_327 = arith.constant 1 : i32
      scf.for %scan3A_459 = %scan3A_324 to %scan3A_326 step %scan3A_327  : i32 {
        %mul3A_460 = arith.constant 1 : i32
        %mul3A_461 = arith.muli %scan3A_459, %mul3A_460 : i32
        %add3A_462 = arith.constant 0 : i32
        %add3A_463 = arith.addi %add3A_462, %mul3A_461 : i32
        %mul3A_464 = arith.constant 8 : i32
        %mul3A_465 = arith.muli %add3A_463, %mul3A_464 : i32
        %add3A_466 = arith.constant 0 : i32
        %add3A_467 = arith.addi %mul3A_465, %add3A_466 : i32
        %add3A_468 = vector.broadcast %add3A_467 : i32 to vector<16xi32>
        %add3A_469 = arith.addi %broadcast_in_dim3A_3, %add3A_468 : vector<16xi32>
        %get3A = arith.constant 2 : i32
        %get3A_470 = arith.index_cast %get3A : i32 to index
        %get3A_471 = arith.index_cast %add3A_467 : i32 to index
        %get3A_472 = arith.constant 0 : index
        %get3A_473 = tpu.vector_load %arg6[%get3A_470, %get3A_471, %get3A_472] {strides = array<i32>} : memref<5x128x64xf32, #tpu.memory_space<vmem>>, vector<16xf32>,
        %mul3A_474 = arith.constant 8.000000e+00 : f32
        %mul3A_475 = vector.broadcast %mul3A_474 : f32 to vector<16xf32>
        %mul3A_476 = arith.mulf %get3A_473, %mul3A_475 : vector<16xf32>
        %get3A_477 = arith.constant 2 : i32
        %get3A_478 = arith.index_cast %get3A_477 : i32 to index
        %get3A_479 = arith.index_cast %add3A_467 : i32 to index
        %get3A_480 = arith.constant 16 : index
        %get3A_481 = tpu.vector_load %arg6[%get3A_478, %get3A_479, %get3A_480] {strides = array<i32>} : memref<5x128x64xf32, #tpu.memory_space<vmem>>, vector<16xf32>,
        %mul3A_482 = arith.constant 8.000000e+00 : f32
        %mul3A_483 = vector.broadcast %mul3A_482 : f32 to vector<16xf32>
        %mul3A_484 = arith.mulf %get3A_481, %mul3A_483 : vector<16xf32>
        %get3A_485 = arith.constant 2 : i32
        %get3A_486 = arith.index_cast %get3A_485 : i32 to index
        %get3A_487 = arith.index_cast %add3A_467 : i32 to index
        %get3A_488 = arith.constant 32 : index
        %get3A_489 = tpu.vector_load %arg6[%get3A_486, %get3A_487, %get3A_488] {strides = array<i32>} : memref<5x128x64xf32, #tpu.memory_space<vmem>>, vector<16xf32>,
        %mul3A_490 = arith.constant 8.000000e+00 : f32
        %mul3A_491 = vector.broadcast %mul3A_490 : f32 to vector<16xf32>
        %mul3A_492 = arith.mulf %get3A_489, %mul3A_491 : vector<16xf32>
        %get3A_493 = arith.constant 2 : i32
        %get3A_494 = arith.index_cast %get3A_493 : i32 to index
        %get3A_495 = arith.index_cast %add3A_467 : i32 to index
        %get3A_496 = arith.constant 48 : index
        %get3A_497 = tpu.vector_load %arg6[%get3A_494, %get3A_495, %get3A_496] {strides = array<i32>} : memref<5x128x64xf32, #tpu.memory_space<vmem>>, vector<16xf32>,
        %mul3A_498 = arith.constant 8.000000e+00 : f32
        %mul3A_499 = vector.broadcast %mul3A_498 : f32 to vector<16xf32>
        %mul3A_500 = arith.mulf %get3A_497, %mul3A_499 : vector<16xf32>
        %add3A_501 = arith.constant 1 : i32
        %add3A_502 = arith.addi %mul3A_465, %add3A_501 : i32
        %add3A_503 = vector.broadcast %add3A_502 : i32 to vector<16xi32>
        %add3A_504 = arith.addi %broadcast_in_dim3A_3, %add3A_503 : vector<16xi32>
        %get3A_505 = arith.constant 2 : i32
        %get3A_506 = arith.index_cast %get3A_505 : i32 to index
        %get3A_507 = arith.index_cast %add3A_502 : i32 to index
        %get3A_508 = arith.constant 0 : index
        %get3A_509 = tpu.vector_load %arg6[%get3A_506, %get3A_507, %get3A_508] {strides = array<i32>} : memref<5x128x64xf32, #tpu.memory_space<vmem>>, vector<16xf32>,
        %mul3A_510 = arith.constant 8.000000e+00 : f32
        %mul3A_511 = vector.broadcast %mul3A_510 : f32 to vector<16xf32>
        %mul3A_512 = arith.mulf %get3A_509, %mul3A_511 : vector<16xf32>
        %get3A_513 = arith.constant 2 : i32
        %get3A_514 = arith.index_cast %get3A_513 : i32 to index
        %get3A_515 = arith.index_cast %add3A_502 : i32 to index
        %get3A_516 = arith.constant 16 : index
        %get3A_517 = tpu.vector_load %arg6[%get3A_514, %get3A_515, %get3A_516] {strides = array<i32>} : memref<5x128x64xf32, #tpu.memory_space<vmem>>, vector<16xf32>,
        %mul3A_518 = arith.constant 8.000000e+00 : f32
        %mul3A_519 = vector.broadcast %mul3A_518 : f32 to vector<16xf32>
        %mul3A_520 = arith.mulf %get3A_517, %mul3A_519 : vector<16xf32>
        %get3A_521 = arith.constant 2 : i32
        %get3A_522 = arith.index_cast %get3A_521 : i32 to index
        %get3A_523 = arith.index_cast %add3A_502 : i32 to index
        %get3A_524 = arith.constant 32 : index
        %get3A_525 = tpu.vector_load %arg6[%get3A_522, %get3A_523, %get3A_524] {strides = array<i32>} : memref<5x128x64xf32, #tpu.memory_space<vmem>>, vector<16xf32>,
        %mul3A_526 = arith.constant 8.000000e+00 : f32
        %mul3A_527 = vector.broadcast %mul3A_526 : f32 to vector<16xf32>
        %mul3A_528 = arith.mulf %get3A_525, %mul3A_527 : vector<16xf32>
        %get3A_529 = arith.constant 2 : i32
        %get3A_530 = arith.index_cast %get3A_529 : i32 to index
        %get3A_531 = arith.index_cast %add3A_502 : i32 to index
        %get3A_532 = arith.constant 48 : index
        %get3A_533 = tpu.vector_load %arg6[%get3A_530, %get3A_531, %get3A_532] {strides = array<i32>} : memref<5x128x64xf32, #tpu.memory_space<vmem>>, vector<16xf32>,
        %mul3A_534 = arith.constant 8.000000e+00 : f32
        %mul3A_535 = vector.broadcast %mul3A_534 : f32 to vector<16xf32>
        %mul3A_536 = arith.mulf %get3A_533, %mul3A_535 : vector<16xf32>
        %add3A_537 = arith.constant 2 : i32
        %add3A_538 = arith.addi %mul3A_465, %add3A_537 : i32
        %add3A_539 = vector.broadcast %add3A_538 : i32 to vector<16xi32>
        %add3A_540 = arith.addi %broadcast_in_dim3A_3, %add3A_539 : vector<16xi32>
        %get3A_541 = arith.constant 2 : i32
        %get3A_542 = arith.index_cast %get3A_541 : i32 to index
        %get3A_543 = arith.index_cast %add3A_538 : i32 to index
        %get3A_544 = arith.constant 0 : index
        %get3A_545 = tpu.vector_load %arg6[%get3A_542, %get3A_543, %get3A_544] {strides = array<i32>} : memref<5x128x64xf32, #tpu.memory_space<vmem>>, vector<16xf32>,
        %mul3A_546 = arith.constant 8.000000e+00 : f32
        %mul3A_547 = vector.broadcast %mul3A_546 : f32 to vector<16xf32>
        %mul3A_548 = arith.mulf %get3A_545, %mul3A_547 : vector<16xf32>
        %get3A_549 = arith.constant 2 : i32
        %get3A_550 = arith.index_cast %get3A_549 : i32 to index
        %get3A_551 = arith.index_cast %add3A_538 : i32 to index
        %get3A_552 = arith.constant 16 : index
        %get3A_553 = tpu.vector_load %arg6[%get3A_550, %get3A_551, %get3A_552] {strides = array<i32>} : memref<5x128x64xf32, #tpu.memory_space<vmem>>, vector<16xf32>,
        %mul3A_554 = arith.constant 8.000000e+00 : f32
        %mul3A_555 = vector.broadcast %mul3A_554 : f32 to vector<16xf32>
        %mul3A_556 = arith.mulf %get3A_553, %mul3A_555 : vector<16xf32>
        %get3A_557 = arith.constant 2 : i32
        %get3A_558 = arith.index_cast %get3A_557 : i32 to index
        %get3A_559 = arith.index_cast %add3A_538 : i32 to index
        %get3A_560 = arith.constant 32 : index
        %get3A_561 = tpu.vector_load %arg6[%get3A_558, %get3A_559, %get3A_560] {strides = array<i32>} : memref<5x128x64xf32, #tpu.memory_space<vmem>>, vector<16xf32>,
        %mul3A_562 = arith.constant 8.000000e+00 : f32
        %mul3A_563 = vector.broadcast %mul3A_562 : f32 to vector<16xf32>
        %mul3A_564 = arith.mulf %get3A_561, %mul3A_563 : vector<16xf32>
        %get3A_565 = arith.constant 2 : i32
        %get3A_566 = arith.index_cast %get3A_565 : i32 to index
        %get3A_567 = arith.index_cast %add3A_538 : i32 to index
        %get3A_568 = arith.constant 48 : index
        %get3A_569 = tpu.vector_load %arg6[%get3A_566, %get3A_567, %get3A_568] {strides = array<i32>} : memref<5x128x64xf32, #tpu.memory_space<vmem>>, vector<16xf32>,
        %mul3A_570 = arith.constant 8.000000e+00 : f32
        %mul3A_571 = vector.broadcast %mul3A_570 : f32 to vector<16xf32>
        %mul3A_572 = arith.mulf %get3A_569, %mul3A_571 : vector<16xf32>
        %scatter3A = arith.constant 2 : i32
        %scatter3A_573 = arith.constant 0 : i32
        %scatter3A_574 = arith.constant 0 : i32
        %scatter3A_575 = arith.constant 0 : i32
        %scatter3A_576 = tpu.memref_slice %arg7[%scatter3A, %scatter3A_573, %scatter3A_574, %scatter3A_575] : memref<5x8x8x133xf32, #tpu.memory_space<vmem>> -> memref<1x8x8x133xf32, #tpu.memory_space<vmem>>
        %scatter3A_577 = tpu.memref_squeeze %scatter3A_576 : memref<1x8x8x133xf32, #tpu.memory_space<vmem>> -> memref<8x8x133xf32, #tpu.memory_space<vmem>>
        tpu.vector_store_idx %scatter3A_577[%add3A_10, %and3A_5, %add3A_469], %mul3A_476 : memref<8x8x133xf32, #tpu.memory_space<vmem>>[vector<16xi32>, vector<16xi32>, vector<16xi32>], vector<16xf32>,
        %scatter3A_578 = arith.constant 2 : i32
        %scatter3A_579 = arith.constant 0 : i32
        %scatter3A_580 = arith.constant 0 : i32
        %scatter3A_581 = arith.constant 0 : i32
        %scatter3A_582 = tpu.memref_slice %arg7[%scatter3A_578, %scatter3A_579, %scatter3A_580, %scatter3A_581] : memref<5x8x8x133xf32, #tpu.memory_space<vmem>> -> memref<1x8x8x133xf32, #tpu.memory_space<vmem>>
        %scatter3A_583 = tpu.memref_squeeze %scatter3A_582 : memref<1x8x8x133xf32, #tpu.memory_space<vmem>> -> memref<8x8x133xf32, #tpu.memory_space<vmem>>
        tpu.vector_store_idx %scatter3A_583[%add3A_16, %and3A_5, %add3A_469], %mul3A_484 : memref<8x8x133xf32, #tpu.memory_space<vmem>>[vector<16xi32>, vector<16xi32>, vector<16xi32>], vector<16xf32>,
        %scatter3A_584 = arith.constant 2 : i32
        %scatter3A_585 = arith.constant 0 : i32
        %scatter3A_586 = arith.constant 0 : i32
        %scatter3A_587 = arith.constant 0 : i32
        %scatter3A_588 = tpu.memref_slice %arg7[%scatter3A_584, %scatter3A_585, %scatter3A_586, %scatter3A_587] : memref<5x8x8x133xf32, #tpu.memory_space<vmem>> -> memref<1x8x8x133xf32, #tpu.memory_space<vmem>>
        %scatter3A_589 = tpu.memref_squeeze %scatter3A_588 : memref<1x8x8x133xf32, #tpu.memory_space<vmem>> -> memref<8x8x133xf32, #tpu.memory_space<vmem>>
        tpu.vector_store_idx %scatter3A_589[%add3A_22, %and3A_5, %add3A_469], %mul3A_492 : memref<8x8x133xf32, #tpu.memory_space<vmem>>[vector<16xi32>, vector<16xi32>, vector<16xi32>], vector<16xf32>,
        %scatter3A_590 = arith.constant 2 : i32
        %scatter3A_591 = arith.constant 0 : i32
        %scatter3A_592 = arith.constant 0 : i32
        %scatter3A_593 = arith.constant 0 : i32
        %scatter3A_594 = tpu.memref_slice %arg7[%scatter3A_590, %scatter3A_591, %scatter3A_592, %scatter3A_593] : memref<5x8x8x133xf32, #tpu.memory_space<vmem>> -> memref<1x8x8x133xf32, #tpu.memory_space<vmem>>
        %scatter3A_595 = tpu.memref_squeeze %scatter3A_594 : memref<1x8x8x133xf32, #tpu.memory_space<vmem>> -> memref<8x8x133xf32, #tpu.memory_space<vmem>>
        tpu.vector_store_idx %scatter3A_595[%add3A_28, %and3A_5, %add3A_469], %mul3A_500 : memref<8x8x133xf32, #tpu.memory_space<vmem>>[vector<16xi32>, vector<16xi32>, vector<16xi32>], vector<16xf32>,
        %add3A_596 = arith.constant 3 : i32
        %add3A_597 = arith.addi %mul3A_465, %add3A_596 : i32
        %add3A_598 = vector.broadcast %add3A_597 : i32 to vector<16xi32>
        %add3A_599 = arith.addi %broadcast_in_dim3A_3, %add3A_598 : vector<16xi32>
        %get3A_600 = arith.constant 2 : i32
        %get3A_601 = arith.index_cast %get3A_600 : i32 to index
        %get3A_602 = arith.index_cast %add3A_597 : i32 to index
        %get3A_603 = arith.constant 0 : index
        %get3A_604 = tpu.vector_load %arg6[%get3A_601, %get3A_602, %get3A_603] {strides = array<i32>} : memref<5x128x64xf32, #tpu.memory_space<vmem>>, vector<16xf32>,
        %mul3A_605 = arith.constant 8.000000e+00 : f32
        %mul3A_606 = vector.broadcast %mul3A_605 : f32 to vector<16xf32>
        %mul3A_607 = arith.mulf %get3A_604, %mul3A_606 : vector<16xf32>
        %get3A_608 = arith.constant 2 : i32
        %get3A_609 = arith.index_cast %get3A_608 : i32 to index
        %get3A_610 = arith.index_cast %add3A_597 : i32 to index
        %get3A_611 = arith.constant 16 : index
        %get3A_612 = tpu.vector_load %arg6[%get3A_609, %get3A_610, %get3A_611] {strides = array<i32>} : memref<5x128x64xf32, #tpu.memory_space<vmem>>, vector<16xf32>,
        %mul3A_613 = arith.constant 8.000000e+00 : f32
        %mul3A_614 = vector.broadcast %mul3A_613 : f32 to vector<16xf32>
        %mul3A_615 = arith.mulf %get3A_612, %mul3A_614 : vector<16xf32>
        %get3A_616 = arith.constant 2 : i32
        %get3A_617 = arith.index_cast %get3A_616 : i32 to index
        %get3A_618 = arith.index_cast %add3A_597 : i32 to index
        %get3A_619 = arith.constant 32 : index
        %get3A_620 = tpu.vector_load %arg6[%get3A_617, %get3A_618, %get3A_619] {strides = array<i32>} : memref<5x128x64xf32, #tpu.memory_space<vmem>>, vector<16xf32>,
        %mul3A_621 = arith.constant 8.000000e+00 : f32
        %mul3A_622 = vector.broadcast %mul3A_621 : f32 to vector<16xf32>
        %mul3A_623 = arith.mulf %get3A_620, %mul3A_622 : vector<16xf32>
        %get3A_624 = arith.constant 2 : i32
        %get3A_625 = arith.index_cast %get3A_624 : i32 to index
        %get3A_626 = arith.index_cast %add3A_597 : i32 to index
        %get3A_627 = arith.constant 48 : index
        %get3A_628 = tpu.vector_load %arg6[%get3A_625, %get3A_626, %get3A_627] {strides = array<i32>} : memref<5x128x64xf32, #tpu.memory_space<vmem>>, vector<16xf32>,
        %mul3A_629 = arith.constant 8.000000e+00 : f32
        %mul3A_630 = vector.broadcast %mul3A_629 : f32 to vector<16xf32>
        %mul3A_631 = arith.mulf %get3A_628, %mul3A_630 : vector<16xf32>
        %scatter3A_632 = arith.constant 2 : i32
        %scatter3A_633 = arith.constant 0 : i32
        %scatter3A_634 = arith.constant 0 : i32
        %scatter3A_635 = arith.constant 0 : i32
        %scatter3A_636 = tpu.memref_slice %arg7[%scatter3A_632, %scatter3A_633, %scatter3A_634, %scatter3A_635] : memref<5x8x8x133xf32, #tpu.memory_space<vmem>> -> memref<1x8x8x133xf32, #tpu.memory_space<vmem>>
        %scatter3A_637 = tpu.memref_squeeze %scatter3A_636 : memref<1x8x8x133xf32, #tpu.memory_space<vmem>> -> memref<8x8x133xf32, #tpu.memory_space<vmem>>
        tpu.vector_store_idx %scatter3A_637[%add3A_10, %and3A_5, %add3A_504], %mul3A_512 : memref<8x8x133xf32, #tpu.memory_space<vmem>>[vector<16xi32>, vector<16xi32>, vector<16xi32>], vector<16xf32>,
        %scatter3A_638 = arith.constant 2 : i32
        %scatter3A_639 = arith.constant 0 : i32
        %scatter3A_640 = arith.constant 0 : i32
        %scatter3A_641 = arith.constant 0 : i32
        %scatter3A_642 = tpu.memref_slice %arg7[%scatter3A_638, %scatter3A_639, %scatter3A_640, %scatter3A_641] : memref<5x8x8x133xf32, #tpu.memory_space<vmem>> -> memref<1x8x8x133xf32, #tpu.memory_space<vmem>>
        %scatter3A_643 = tpu.memref_squeeze %scatter3A_642 : memref<1x8x8x133xf32, #tpu.memory_space<vmem>> -> memref<8x8x133xf32, #tpu.memory_space<vmem>>
        tpu.vector_store_idx %scatter3A_643[%add3A_16, %and3A_5, %add3A_504], %mul3A_520 : memref<8x8x133xf32, #tpu.memory_space<vmem>>[vector<16xi32>, vector<16xi32>, vector<16xi32>], vector<16xf32>,
        %scatter3A_644 = arith.constant 2 : i32
        %scatter3A_645 = arith.constant 0 : i32
        %scatter3A_646 = arith.constant 0 : i32
        %scatter3A_647 = arith.constant 0 : i32
        %scatter3A_648 = tpu.memref_slice %arg7[%scatter3A_644, %scatter3A_645, %scatter3A_646, %scatter3A_647] : memref<5x8x8x133xf32, #tpu.memory_space<vmem>> -> memref<1x8x8x133xf32, #tpu.memory_space<vmem>>
        %scatter3A_649 = tpu.memref_squeeze %scatter3A_648 : memref<1x8x8x133xf32, #tpu.memory_space<vmem>> -> memref<8x8x133xf32, #tpu.memory_space<vmem>>
        tpu.vector_store_idx %scatter3A_649[%add3A_22, %and3A_5, %add3A_504], %mul3A_528 : memref<8x8x133xf32, #tpu.memory_space<vmem>>[vector<16xi32>, vector<16xi32>, vector<16xi32>], vector<16xf32>,
        %scatter3A_650 = arith.constant 2 : i32
        %scatter3A_651 = arith.constant 0 : i32
        %scatter3A_652 = arith.constant 0 : i32
        %scatter3A_653 = arith.constant 0 : i32
        %scatter3A_654 = tpu.memref_slice %arg7[%scatter3A_650, %scatter3A_651, %scatter3A_652, %scatter3A_653] : memref<5x8x8x133xf32, #tpu.memory_space<vmem>> -> memref<1x8x8x133xf32, #tpu.memory_space<vmem>>
        %scatter3A_655 = tpu.memref_squeeze %scatter3A_654 : memref<1x8x8x133xf32, #tpu.memory_space<vmem>> -> memref<8x8x133xf32, #tpu.memory_space<vmem>>
        tpu.vector_store_idx %scatter3A_655[%add3A_28, %and3A_5, %add3A_504], %mul3A_536 : memref<8x8x133xf32, #tpu.memory_space<vmem>>[vector<16xi32>, vector<16xi32>, vector<16xi32>], vector<16xf32>,
        %add3A_656 = arith.constant 4 : i32
        %add3A_657 = arith.addi %mul3A_465, %add3A_656 : i32
        %add3A_658 = vector.broadcast %add3A_657 : i32 to vector<16xi32>
        %add3A_659 = arith.addi %broadcast_in_dim3A_3, %add3A_658 : vector<16xi32>
        %get3A_660 = arith.constant 2 : i32
        %get3A_661 = arith.index_cast %get3A_660 : i32 to index
        %get3A_662 = arith.index_cast %add3A_657 : i32 to index
        %get3A_663 = arith.constant 0 : index
        %get3A_664 = tpu.vector_load %arg6[%get3A_661, %get3A_662, %get3A_663] {strides = array<i32>} : memref<5x128x64xf32, #tpu.memory_space<vmem>>, vector<16xf32>,
        %mul3A_665 = arith.constant 8.000000e+00 : f32
        %mul3A_666 = vector.broadcast %mul3A_665 : f32 to vector<16xf32>
        %mul3A_667 = arith.mulf %get3A_664, %mul3A_666 : vector<16xf32>
        %get3A_668 = arith.constant 2 : i32
        %get3A_669 = arith.index_cast %get3A_668 : i32 to index
        %get3A_670 = arith.index_cast %add3A_657 : i32 to index
        %get3A_671 = arith.constant 16 : index
        %get3A_672 = tpu.vector_load %arg6[%get3A_669, %get3A_670, %get3A_671] {strides = array<i32>} : memref<5x128x64xf32, #tpu.memory_space<vmem>>, vector<16xf32>,
        %mul3A_673 = arith.constant 8.000000e+00 : f32
        %mul3A_674 = vector.broadcast %mul3A_673 : f32 to vector<16xf32>
        %mul3A_675 = arith.mulf %get3A_672, %mul3A_674 : vector<16xf32>
        %get3A_676 = arith.constant 2 : i32
        %get3A_677 = arith.index_cast %get3A_676 : i32 to index
        %get3A_678 = arith.index_cast %add3A_657 : i32 to index
        %get3A_679 = arith.constant 32 : index
        %get3A_680 = tpu.vector_load %arg6[%get3A_677, %get3A_678, %get3A_679] {strides = array<i32>} : memref<5x128x64xf32, #tpu.memory_space<vmem>>, vector<16xf32>,
        %mul3A_681 = arith.constant 8.000000e+00 : f32
        %mul3A_682 = vector.broadcast %mul3A_681 : f32 to vector<16xf32>
        %mul3A_683 = arith.mulf %get3A_680, %mul3A_682 : vector<16xf32>
        %get3A_684 = arith.constant 2 : i32
        %get3A_685 = arith.index_cast %get3A_684 : i32 to index
        %get3A_686 = arith.index_cast %add3A_657 : i32 to index
        %get3A_687 = arith.constant 48 : index
        %get3A_688 = tpu.vector_load %arg6[%get3A_685, %get3A_686, %get3A_687] {strides = array<i32>} : memref<5x128x64xf32, #tpu.memory_space<vmem>>, vector<16xf32>,
        %mul3A_689 = arith.constant 8.000000e+00 : f32
        %mul3A_690 = vector.broadcast %mul3A_689 : f32 to vector<16xf32>
        %mul3A_691 = arith.mulf %get3A_688, %mul3A_690 : vector<16xf32>
        %scatter3A_692 = arith.constant 2 : i32
        %scatter3A_693 = arith.constant 0 : i32
        %scatter3A_694 = arith.constant 0 : i32
        %scatter3A_695 = arith.constant 0 : i32
        %scatter3A_696 = tpu.memref_slice %arg7[%scatter3A_692, %scatter3A_693, %scatter3A_694, %scatter3A_695] : memref<5x8x8x133xf32, #tpu.memory_space<vmem>> -> memref<1x8x8x133xf32, #tpu.memory_space<vmem>>
        %scatter3A_697 = tpu.memref_squeeze %scatter3A_696 : memref<1x8x8x133xf32, #tpu.memory_space<vmem>> -> memref<8x8x133xf32, #tpu.memory_space<vmem>>
        tpu.vector_store_idx %scatter3A_697[%add3A_10, %and3A_5, %add3A_540], %mul3A_548 : memref<8x8x133xf32, #tpu.memory_space<vmem>>[vector<16xi32>, vector<16xi32>, vector<16xi32>], vector<16xf32>,
        %scatter3A_698 = arith.constant 2 : i32
        %scatter3A_699 = arith.constant 0 : i32
        %scatter3A_700 = arith.constant 0 : i32
        %scatter3A_701 = arith.constant 0 : i32
        %scatter3A_702 = tpu.memref_slice %arg7[%scatter3A_698, %scatter3A_699, %scatter3A_700, %scatter3A_701] : memref<5x8x8x133xf32, #tpu.memory_space<vmem>> -> memref<1x8x8x133xf32, #tpu.memory_space<vmem>>
        %scatter3A_703 = tpu.memref_squeeze %scatter3A_702 : memref<1x8x8x133xf32, #tpu.memory_space<vmem>> -> memref<8x8x133xf32, #tpu.memory_space<vmem>>
        tpu.vector_store_idx %scatter3A_703[%add3A_16, %and3A_5, %add3A_540], %mul3A_556 : memref<8x8x133xf32, #tpu.memory_space<vmem>>[vector<16xi32>, vector<16xi32>, vector<16xi32>], vector<16xf32>,
        %scatter3A_704 = arith.constant 2 : i32
        %scatter3A_705 = arith.constant 0 : i32
        %scatter3A_706 = arith.constant 0 : i32
        %scatter3A_707 = arith.constant 0 : i32
        %scatter3A_708 = tpu.memref_slice %arg7[%scatter3A_704, %scatter3A_705, %scatter3A_706, %scatter3A_707] : memref<5x8x8x133xf32, #tpu.memory_space<vmem>> -> memref<1x8x8x133xf32, #tpu.memory_space<vmem>>
        %scatter3A_709 = tpu.memref_squeeze %scatter3A_708 : memref<1x8x8x133xf32, #tpu.memory_space<vmem>> -> memref<8x8x133xf32, #tpu.memory_space<vmem>>
        tpu.vector_store_idx %scatter3A_709[%add3A_22, %and3A_5, %add3A_540], %mul3A_564 : memref<8x8x133xf32, #tpu.memory_space<vmem>>[vector<16xi32>, vector<16xi32>, vector<16xi32>], vector<16xf32>,
        %scatter3A_710 = arith.constant 2 : i32
        %scatter3A_711 = arith.constant 0 : i32
        %scatter3A_712 = arith.constant 0 : i32
        %scatter3A_713 = arith.constant 0 : i32
        %scatter3A_714 = tpu.memref_slice %arg7[%scatter3A_710, %scatter3A_711, %scatter3A_712, %scatter3A_713] : memref<5x8x8x133xf32, #tpu.memory_space<vmem>> -> memref<1x8x8x133xf32, #tpu.memory_space<vmem>>
        %scatter3A_715 = tpu.memref_squeeze %scatter3A_714 : memref<1x8x8x133xf32, #tpu.memory_space<vmem>> -> memref<8x8x133xf32, #tpu.memory_space<vmem>>
        tpu.vector_store_idx %scatter3A_715[%add3A_28, %and3A_5, %add3A_540], %mul3A_572 : memref<8x8x133xf32, #tpu.memory_space<vmem>>[vector<16xi32>, vector<16xi32>, vector<16xi32>], vector<16xf32>,
        %add3A_716 = arith.constant 5 : i32
        %add3A_717 = arith.addi %mul3A_465, %add3A_716 : i32
        %add3A_718 = vector.broadcast %add3A_717 : i32 to vector<16xi32>
        %add3A_719 = arith.addi %broadcast_in_dim3A_3, %add3A_718 : vector<16xi32>
        %get3A_720 = arith.constant 2 : i32
        %get3A_721 = arith.index_cast %get3A_720 : i32 to index
        %get3A_722 = arith.index_cast %add3A_717 : i32 to index
        %get3A_723 = arith.constant 0 : index
        %get3A_724 = tpu.vector_load %arg6[%get3A_721, %get3A_722, %get3A_723] {strides = array<i32>} : memref<5x128x64xf32, #tpu.memory_space<vmem>>, vector<16xf32>,
        %mul3A_725 = arith.constant 8.000000e+00 : f32
        %mul3A_726 = vector.broadcast %mul3A_725 : f32 to vector<16xf32>
        %mul3A_727 = arith.mulf %get3A_724, %mul3A_726 : vector<16xf32>
        %get3A_728 = arith.constant 2 : i32
        %get3A_729 = arith.index_cast %get3A_728 : i32 to index
        %get3A_730 = arith.index_cast %add3A_717 : i32 to index
        %get3A_731 = arith.constant 16 : index
        %get3A_732 = tpu.vector_load %arg6[%get3A_729, %get3A_730, %get3A_731] {strides = array<i32>} : memref<5x128x64xf32, #tpu.memory_space<vmem>>, vector<16xf32>,
        %mul3A_733 = arith.constant 8.000000e+00 : f32
        %mul3A_734 = vector.broadcast %mul3A_733 : f32 to vector<16xf32>
        %mul3A_735 = arith.mulf %get3A_732, %mul3A_734 : vector<16xf32>
        %get3A_736 = arith.constant 2 : i32
        %get3A_737 = arith.index_cast %get3A_736 : i32 to index
        %get3A_738 = arith.index_cast %add3A_717 : i32 to index
        %get3A_739 = arith.constant 32 : index
        %get3A_740 = tpu.vector_load %arg6[%get3A_737, %get3A_738, %get3A_739] {strides = array<i32>} : memref<5x128x64xf32, #tpu.memory_space<vmem>>, vector<16xf32>,
        %mul3A_741 = arith.constant 8.000000e+00 : f32
        %mul3A_742 = vector.broadcast %mul3A_741 : f32 to vector<16xf32>
        %mul3A_743 = arith.mulf %get3A_740, %mul3A_742 : vector<16xf32>
        %get3A_744 = arith.constant 2 : i32
        %get3A_745 = arith.index_cast %get3A_744 : i32 to index
        %get3A_746 = arith.index_cast %add3A_717 : i32 to index
        %get3A_747 = arith.constant 48 : index
        %get3A_748 = tpu.vector_load %arg6[%get3A_745, %get3A_746, %get3A_747] {strides = array<i32>} : memref<5x128x64xf32, #tpu.memory_space<vmem>>, vector<16xf32>,
        %mul3A_749 = arith.constant 8.000000e+00 : f32
        %mul3A_750 = vector.broadcast %mul3A_749 : f32 to vector<16xf32>
        %mul3A_751 = arith.mulf %get3A_748, %mul3A_750 : vector<16xf32>
        %scatter3A_752 = arith.constant 2 : i32
        %scatter3A_753 = arith.constant 0 : i32
        %scatter3A_754 = arith.constant 0 : i32
        %scatter3A_755 = arith.constant 0 : i32
        %scatter3A_756 = tpu.memref_slice %arg7[%scatter3A_752, %scatter3A_753, %scatter3A_754, %scatter3A_755] : memref<5x8x8x133xf32, #tpu.memory_space<vmem>> -> memref<1x8x8x133xf32, #tpu.memory_space<vmem>>
        %scatter3A_757 = tpu.memref_squeeze %scatter3A_756 : memref<1x8x8x133xf32, #tpu.memory_space<vmem>> -> memref<8x8x133xf32, #tpu.memory_space<vmem>>
        tpu.vector_store_idx %scatter3A_757[%add3A_10, %and3A_5, %add3A_599], %mul3A_607 : memref<8x8x133xf32, #tpu.memory_space<vmem>>[vector<16xi32>, vector<16xi32>, vector<16xi32>], vector<16xf32>,
        %scatter3A_758 = arith.constant 2 : i32
        %scatter3A_759 = arith.constant 0 : i32
        %scatter3A_760 = arith.constant 0 : i32
        %scatter3A_761 = arith.constant 0 : i32
        %scatter3A_762 = tpu.memref_slice %arg7[%scatter3A_758, %scatter3A_759, %scatter3A_760, %scatter3A_761] : memref<5x8x8x133xf32, #tpu.memory_space<vmem>> -> memref<1x8x8x133xf32, #tpu.memory_space<vmem>>
        %scatter3A_763 = tpu.memref_squeeze %scatter3A_762 : memref<1x8x8x133xf32, #tpu.memory_space<vmem>> -> memref<8x8x133xf32, #tpu.memory_space<vmem>>
        tpu.vector_store_idx %scatter3A_763[%add3A_16, %and3A_5, %add3A_599], %mul3A_615 : memref<8x8x133xf32, #tpu.memory_space<vmem>>[vector<16xi32>, vector<16xi32>, vector<16xi32>], vector<16xf32>,
        %scatter3A_764 = arith.constant 2 : i32
        %scatter3A_765 = arith.constant 0 : i32
        %scatter3A_766 = arith.constant 0 : i32
        %scatter3A_767 = arith.constant 0 : i32
        %scatter3A_768 = tpu.memref_slice %arg7[%scatter3A_764, %scatter3A_765, %scatter3A_766, %scatter3A_767] : memref<5x8x8x133xf32, #tpu.memory_space<vmem>> -> memref<1x8x8x133xf32, #tpu.memory_space<vmem>>
        %scatter3A_769 = tpu.memref_squeeze %scatter3A_768 : memref<1x8x8x133xf32, #tpu.memory_space<vmem>> -> memref<8x8x133xf32, #tpu.memory_space<vmem>>
        tpu.vector_store_idx %scatter3A_769[%add3A_22, %and3A_5, %add3A_599], %mul3A_623 : memref<8x8x133xf32, #tpu.memory_space<vmem>>[vector<16xi32>, vector<16xi32>, vector<16xi32>], vector<16xf32>,
        %scatter3A_770 = arith.constant 2 : i32
        %scatter3A_771 = arith.constant 0 : i32
        %scatter3A_772 = arith.constant 0 : i32
        %scatter3A_773 = arith.constant 0 : i32
        %scatter3A_774 = tpu.memref_slice %arg7[%scatter3A_770, %scatter3A_771, %scatter3A_772, %scatter3A_773] : memref<5x8x8x133xf32, #tpu.memory_space<vmem>> -> memref<1x8x8x133xf32, #tpu.memory_space<vmem>>
        %scatter3A_775 = tpu.memref_squeeze %scatter3A_774 : memref<1x8x8x133xf32, #tpu.memory_space<vmem>> -> memref<8x8x133xf32, #tpu.memory_space<vmem>>
        tpu.vector_store_idx %scatter3A_775[%add3A_28, %and3A_5, %add3A_599], %mul3A_631 : memref<8x8x133xf32, #tpu.memory_space<vmem>>[vector<16xi32>, vector<16xi32>, vector<16xi32>], vector<16xf32>,
        %add3A_776 = arith.constant 6 : i32
        %add3A_777 = arith.addi %mul3A_465, %add3A_776 : i32
        %add3A_778 = vector.broadcast %add3A_777 : i32 to vector<16xi32>
        %add3A_779 = arith.addi %broadcast_in_dim3A_3, %add3A_778 : vector<16xi32>
        %get3A_780 = arith.constant 2 : i32
        %get3A_781 = arith.index_cast %get3A_780 : i32 to index
        %get3A_782 = arith.index_cast %add3A_777 : i32 to index
        %get3A_783 = arith.constant 0 : index
        %get3A_784 = tpu.vector_load %arg6[%get3A_781, %get3A_782, %get3A_783] {strides = array<i32>} : memref<5x128x64xf32, #tpu.memory_space<vmem>>, vector<16xf32>,
        %mul3A_785 = arith.constant 8.000000e+00 : f32
        %mul3A_786 = vector.broadcast %mul3A_785 : f32 to vector<16xf32>
        %mul3A_787 = arith.mulf %get3A_784, %mul3A_786 : vector<16xf32>
        %get3A_788 = arith.constant 2 : i32
        %get3A_789 = arith.index_cast %get3A_788 : i32 to index
        %get3A_790 = arith.index_cast %add3A_777 : i32 to index
        %get3A_791 = arith.constant 16 : index
        %get3A_792 = tpu.vector_load %arg6[%get3A_789, %get3A_790, %get3A_791] {strides = array<i32>} : memref<5x128x64xf32, #tpu.memory_space<vmem>>, vector<16xf32>,
        %mul3A_793 = arith.constant 8.000000e+00 : f32
        %mul3A_794 = vector.broadcast %mul3A_793 : f32 to vector<16xf32>
        %mul3A_795 = arith.mulf %get3A_792, %mul3A_794 : vector<16xf32>
        %get3A_796 = arith.constant 2 : i32
        %get3A_797 = arith.index_cast %get3A_796 : i32 to index
        %get3A_798 = arith.index_cast %add3A_777 : i32 to index
        %get3A_799 = arith.constant 32 : index
        %get3A_800 = tpu.vector_load %arg6[%get3A_797, %get3A_798, %get3A_799] {strides = array<i32>} : memref<5x128x64xf32, #tpu.memory_space<vmem>>, vector<16xf32>,
        %mul3A_801 = arith.constant 8.000000e+00 : f32
        %mul3A_802 = vector.broadcast %mul3A_801 : f32 to vector<16xf32>
        %mul3A_803 = arith.mulf %get3A_800, %mul3A_802 : vector<16xf32>
        %get3A_804 = arith.constant 2 : i32
        %get3A_805 = arith.index_cast %get3A_804 : i32 to index
        %get3A_806 = arith.index_cast %add3A_777 : i32 to index
        %get3A_807 = arith.constant 48 : index
        %get3A_808 = tpu.vector_load %arg6[%get3A_805, %get3A_806, %get3A_807] {strides = array<i32>} : memref<5x128x64xf32, #tpu.memory_space<vmem>>, vector<16xf32>,
        %mul3A_809 = arith.constant 8.000000e+00 : f32
        %mul3A_810 = vector.broadcast %mul3A_809 : f32 to vector<16xf32>
        %mul3A_811 = arith.mulf %get3A_808, %mul3A_810 : vector<16xf32>
        %scatter3A_812 = arith.constant 2 : i32
        %scatter3A_813 = arith.constant 0 : i32
        %scatter3A_814 = arith.constant 0 : i32
        %scatter3A_815 = arith.constant 0 : i32
        %scatter3A_816 = tpu.memref_slice %arg7[%scatter3A_812, %scatter3A_813, %scatter3A_814, %scatter3A_815] : memref<5x8x8x133xf32, #tpu.memory_space<vmem>> -> memref<1x8x8x133xf32, #tpu.memory_space<vmem>>
        %scatter3A_817 = tpu.memref_squeeze %scatter3A_816 : memref<1x8x8x133xf32, #tpu.memory_space<vmem>> -> memref<8x8x133xf32, #tpu.memory_space<vmem>>
        tpu.vector_store_idx %scatter3A_817[%add3A_10, %and3A_5, %add3A_659], %mul3A_667 : memref<8x8x133xf32, #tpu.memory_space<vmem>>[vector<16xi32>, vector<16xi32>, vector<16xi32>], vector<16xf32>,
        %scatter3A_818 = arith.constant 2 : i32
        %scatter3A_819 = arith.constant 0 : i32
        %scatter3A_820 = arith.constant 0 : i32
        %scatter3A_821 = arith.constant 0 : i32
        %scatter3A_822 = tpu.memref_slice %arg7[%scatter3A_818, %scatter3A_819, %scatter3A_820, %scatter3A_821] : memref<5x8x8x133xf32, #tpu.memory_space<vmem>> -> memref<1x8x8x133xf32, #tpu.memory_space<vmem>>
        %scatter3A_823 = tpu.memref_squeeze %scatter3A_822 : memref<1x8x8x133xf32, #tpu.memory_space<vmem>> -> memref<8x8x133xf32, #tpu.memory_space<vmem>>
        tpu.vector_store_idx %scatter3A_823[%add3A_16, %and3A_5, %add3A_659], %mul3A_675 : memref<8x8x133xf32, #tpu.memory_space<vmem>>[vector<16xi32>, vector<16xi32>, vector<16xi32>], vector<16xf32>,
        %scatter3A_824 = arith.constant 2 : i32
        %scatter3A_825 = arith.constant 0 : i32
        %scatter3A_826 = arith.constant 0 : i32
        %scatter3A_827 = arith.constant 0 : i32
        %scatter3A_828 = tpu.memref_slice %arg7[%scatter3A_824, %scatter3A_825, %scatter3A_826, %scatter3A_827] : memref<5x8x8x133xf32, #tpu.memory_space<vmem>> -> memref<1x8x8x133xf32, #tpu.memory_space<vmem>>
        %scatter3A_829 = tpu.memref_squeeze %scatter3A_828 : memref<1x8x8x133xf32, #tpu.memory_space<vmem>> -> memref<8x8x133xf32, #tpu.memory_space<vmem>>
        tpu.vector_store_idx %scatter3A_829[%add3A_22, %and3A_5, %add3A_659], %mul3A_683 : memref<8x8x133xf32, #tpu.memory_space<vmem>>[vector<16xi32>, vector<16xi32>, vector<16xi32>], vector<16xf32>,
        %scatter3A_830 = arith.constant 2 : i32
        %scatter3A_831 = arith.constant 0 : i32
        %scatter3A_832 = arith.constant 0 : i32
        %scatter3A_833 = arith.constant 0 : i32
        %scatter3A_834 = tpu.memref_slice %arg7[%scatter3A_830, %scatter3A_831, %scatter3A_832, %scatter3A_833] : memref<5x8x8x133xf32, #tpu.memory_space<vmem>> -> memref<1x8x8x133xf32, #tpu.memory_space<vmem>>
        %scatter3A_835 = tpu.memref_squeeze %scatter3A_834 : memref<1x8x8x133xf32, #tpu.memory_space<vmem>> -> memref<8x8x133xf32, #tpu.memory_space<vmem>>
        tpu.vector_store_idx %scatter3A_835[%add3A_28, %and3A_5, %add3A_659], %mul3A_691 : memref<8x8x133xf32, #tpu.memory_space<vmem>>[vector<16xi32>, vector<16xi32>, vector<16xi32>], vector<16xf32>,
        %add3A_836 = arith.constant 7 : i32
        %add3A_837 = arith.addi %mul3A_465, %add3A_836 : i32
        %add3A_838 = vector.broadcast %add3A_837 : i32 to vector<16xi32>
        %add3A_839 = arith.addi %broadcast_in_dim3A_3, %add3A_838 : vector<16xi32>
        %get3A_840 = arith.constant 2 : i32
        %get3A_841 = arith.index_cast %get3A_840 : i32 to index
        %get3A_842 = arith.index_cast %add3A_837 : i32 to index
        %get3A_843 = arith.constant 0 : index
        %get3A_844 = tpu.vector_load %arg6[%get3A_841, %get3A_842, %get3A_843] {strides = array<i32>} : memref<5x128x64xf32, #tpu.memory_space<vmem>>, vector<16xf32>,
        %mul3A_845 = arith.constant 8.000000e+00 : f32
        %mul3A_846 = vector.broadcast %mul3A_845 : f32 to vector<16xf32>
        %mul3A_847 = arith.mulf %get3A_844, %mul3A_846 : vector<16xf32>
        %get3A_848 = arith.constant 2 : i32
        %get3A_849 = arith.index_cast %get3A_848 : i32 to index
        %get3A_850 = arith.index_cast %add3A_837 : i32 to index
        %get3A_851 = arith.constant 16 : index
        %get3A_852 = tpu.vector_load %arg6[%get3A_849, %get3A_850, %get3A_851] {strides = array<i32>} : memref<5x128x64xf32, #tpu.memory_space<vmem>>, vector<16xf32>,
        %mul3A_853 = arith.constant 8.000000e+00 : f32
        %mul3A_854 = vector.broadcast %mul3A_853 : f32 to vector<16xf32>
        %mul3A_855 = arith.mulf %get3A_852, %mul3A_854 : vector<16xf32>
        %get3A_856 = arith.constant 2 : i32
        %get3A_857 = arith.index_cast %get3A_856 : i32 to index
        %get3A_858 = arith.index_cast %add3A_837 : i32 to index
        %get3A_859 = arith.constant 32 : index
        %get3A_860 = tpu.vector_load %arg6[%get3A_857, %get3A_858, %get3A_859] {strides = array<i32>} : memref<5x128x64xf32, #tpu.memory_space<vmem>>, vector<16xf32>,
        %mul3A_861 = arith.constant 8.000000e+00 : f32
        %mul3A_862 = vector.broadcast %mul3A_861 : f32 to vector<16xf32>
        %mul3A_863 = arith.mulf %get3A_860, %mul3A_862 : vector<16xf32>
        %get3A_864 = arith.constant 2 : i32
        %get3A_865 = arith.index_cast %get3A_864 : i32 to index
        %get3A_866 = arith.index_cast %add3A_837 : i32 to index
        %get3A_867 = arith.constant 48 : index
        %get3A_868 = tpu.vector_load %arg6[%get3A_865, %get3A_866, %get3A_867] {strides = array<i32>} : memref<5x128x64xf32, #tpu.memory_space<vmem>>, vector<16xf32>,
        %mul3A_869 = arith.constant 8.000000e+00 : f32
        %mul3A_870 = vector.broadcast %mul3A_869 : f32 to vector<16xf32>
        %mul3A_871 = arith.mulf %get3A_868, %mul3A_870 : vector<16xf32>
        %scatter3A_872 = arith.constant 2 : i32
        %scatter3A_873 = arith.constant 0 : i32
        %scatter3A_874 = arith.constant 0 : i32
        %scatter3A_875 = arith.constant 0 : i32
        %scatter3A_876 = tpu.memref_slice %arg7[%scatter3A_872, %scatter3A_873, %scatter3A_874, %scatter3A_875] : memref<5x8x8x133xf32, #tpu.memory_space<vmem>> -> memref<1x8x8x133xf32, #tpu.memory_space<vmem>>
        %scatter3A_877 = tpu.memref_squeeze %scatter3A_876 : memref<1x8x8x133xf32, #tpu.memory_space<vmem>> -> memref<8x8x133xf32, #tpu.memory_space<vmem>>
        tpu.vector_store_idx %scatter3A_877[%add3A_10, %and3A_5, %add3A_719], %mul3A_727 : memref<8x8x133xf32, #tpu.memory_space<vmem>>[vector<16xi32>, vector<16xi32>, vector<16xi32>], vector<16xf32>,
        %scatter3A_878 = arith.constant 2 : i32
        %scatter3A_879 = arith.constant 0 : i32
        %scatter3A_880 = arith.constant 0 : i32
        %scatter3A_881 = arith.constant 0 : i32
        %scatter3A_882 = tpu.memref_slice %arg7[%scatter3A_878, %scatter3A_879, %scatter3A_880, %scatter3A_881] : memref<5x8x8x133xf32, #tpu.memory_space<vmem>> -> memref<1x8x8x133xf32, #tpu.memory_space<vmem>>
        %scatter3A_883 = tpu.memref_squeeze %scatter3A_882 : memref<1x8x8x133xf32, #tpu.memory_space<vmem>> -> memref<8x8x133xf32, #tpu.memory_space<vmem>>
        tpu.vector_store_idx %scatter3A_883[%add3A_16, %and3A_5, %add3A_719], %mul3A_735 : memref<8x8x133xf32, #tpu.memory_space<vmem>>[vector<16xi32>, vector<16xi32>, vector<16xi32>], vector<16xf32>,
        %scatter3A_884 = arith.constant 2 : i32
        %scatter3A_885 = arith.constant 0 : i32
        %scatter3A_886 = arith.constant 0 : i32
        %scatter3A_887 = arith.constant 0 : i32
        %scatter3A_888 = tpu.memref_slice %arg7[%scatter3A_884, %scatter3A_885, %scatter3A_886, %scatter3A_887] : memref<5x8x8x133xf32, #tpu.memory_space<vmem>> -> memref<1x8x8x133xf32, #tpu.memory_space<vmem>>
        %scatter3A_889 = tpu.memref_squeeze %scatter3A_888 : memref<1x8x8x133xf32, #tpu.memory_space<vmem>> -> memref<8x8x133xf32, #tpu.memory_space<vmem>>
        tpu.vector_store_idx %scatter3A_889[%add3A_22, %and3A_5, %add3A_719], %mul3A_743 : memref<8x8x133xf32, #tpu.memory_space<vmem>>[vector<16xi32>, vector<16xi32>, vector<16xi32>], vector<16xf32>,
        %scatter3A_890 = arith.constant 2 : i32
        %scatter3A_891 = arith.constant 0 : i32
        %scatter3A_892 = arith.constant 0 : i32
        %scatter3A_893 = arith.constant 0 : i32
        %scatter3A_894 = tpu.memref_slice %arg7[%scatter3A_890, %scatter3A_891, %scatter3A_892, %scatter3A_893] : memref<5x8x8x133xf32, #tpu.memory_space<vmem>> -> memref<1x8x8x133xf32, #tpu.memory_space<vmem>>
        %scatter3A_895 = tpu.memref_squeeze %scatter3A_894 : memref<1x8x8x133xf32, #tpu.memory_space<vmem>> -> memref<8x8x133xf32, #tpu.memory_space<vmem>>
        tpu.vector_store_idx %scatter3A_895[%add3A_28, %and3A_5, %add3A_719], %mul3A_751 : memref<8x8x133xf32, #tpu.memory_space<vmem>>[vector<16xi32>, vector<16xi32>, vector<16xi32>], vector<16xf32>,
        %scatter3A_896 = arith.constant 2 : i32
        %scatter3A_897 = arith.constant 0 : i32
        %scatter3A_898 = arith.constant 0 : i32
        %scatter3A_899 = arith.constant 0 : i32
        %scatter3A_900 = tpu.memref_slice %arg7[%scatter3A_896, %scatter3A_897, %scatter3A_898, %scatter3A_899] : memref<5x8x8x133xf32, #tpu.memory_space<vmem>> -> memref<1x8x8x133xf32, #tpu.memory_space<vmem>>
        %scatter3A_901 = tpu.memref_squeeze %scatter3A_900 : memref<1x8x8x133xf32, #tpu.memory_space<vmem>> -> memref<8x8x133xf32, #tpu.memory_space<vmem>>
        tpu.vector_store_idx %scatter3A_901[%add3A_10, %and3A_5, %add3A_779], %mul3A_787 : memref<8x8x133xf32, #tpu.memory_space<vmem>>[vector<16xi32>, vector<16xi32>, vector<16xi32>], vector<16xf32>,
        %scatter3A_902 = arith.constant 2 : i32
        %scatter3A_903 = arith.constant 0 : i32
        %scatter3A_904 = arith.constant 0 : i32
        %scatter3A_905 = arith.constant 0 : i32
        %scatter3A_906 = tpu.memref_slice %arg7[%scatter3A_902, %scatter3A_903, %scatter3A_904, %scatter3A_905] : memref<5x8x8x133xf32, #tpu.memory_space<vmem>> -> memref<1x8x8x133xf32, #tpu.memory_space<vmem>>
        %scatter3A_907 = tpu.memref_squeeze %scatter3A_906 : memref<1x8x8x133xf32, #tpu.memory_space<vmem>> -> memref<8x8x133xf32, #tpu.memory_space<vmem>>
        tpu.vector_store_idx %scatter3A_907[%add3A_16, %and3A_5, %add3A_779], %mul3A_795 : memref<8x8x133xf32, #tpu.memory_space<vmem>>[vector<16xi32>, vector<16xi32>, vector<16xi32>], vector<16xf32>,
        %scatter3A_908 = arith.constant 2 : i32
        %scatter3A_909 = arith.constant 0 : i32
        %scatter3A_910 = arith.constant 0 : i32
        %scatter3A_911 = arith.constant 0 : i32
        %scatter3A_912 = tpu.memref_slice %arg7[%scatter3A_908, %scatter3A_909, %scatter3A_910, %scatter3A_911] : memref<5x8x8x133xf32, #tpu.memory_space<vmem>> -> memref<1x8x8x133xf32, #tpu.memory_space<vmem>>
        %scatter3A_913 = tpu.memref_squeeze %scatter3A_912 : memref<1x8x8x133xf32, #tpu.memory_space<vmem>> -> memref<8x8x133xf32, #tpu.memory_space<vmem>>
        tpu.vector_store_idx %scatter3A_913[%add3A_22, %and3A_5, %add3A_779], %mul3A_803 : memref<8x8x133xf32, #tpu.memory_space<vmem>>[vector<16xi32>, vector<16xi32>, vector<16xi32>], vector<16xf32>,
        %scatter3A_914 = arith.constant 2 : i32
        %scatter3A_915 = arith.constant 0 : i32
        %scatter3A_916 = arith.constant 0 : i32
        %scatter3A_917 = arith.constant 0 : i32
        %scatter3A_918 = tpu.memref_slice %arg7[%scatter3A_914, %scatter3A_915, %scatter3A_916, %scatter3A_917] : memref<5x8x8x133xf32, #tpu.memory_space<vmem>> -> memref<1x8x8x133xf32, #tpu.memory_space<vmem>>
        %scatter3A_919 = tpu.memref_squeeze %scatter3A_918 : memref<1x8x8x133xf32, #tpu.memory_space<vmem>> -> memref<8x8x133xf32, #tpu.memory_space<vmem>>
        tpu.vector_store_idx %scatter3A_919[%add3A_28, %and3A_5, %add3A_779], %mul3A_811 : memref<8x8x133xf32, #tpu.memory_space<vmem>>[vector<16xi32>, vector<16xi32>, vector<16xi32>], vector<16xf32>,
        %scatter3A_920 = arith.constant 2 : i32
        %scatter3A_921 = arith.constant 0 : i32
        %scatter3A_922 = arith.constant 0 : i32
        %scatter3A_923 = arith.constant 0 : i32
        %scatter3A_924 = tpu.memref_slice %arg7[%scatter3A_920, %scatter3A_921, %scatter3A_922, %scatter3A_923] : memref<5x8x8x133xf32, #tpu.memory_space<vmem>> -> memref<1x8x8x133xf32, #tpu.memory_space<vmem>>
        %scatter3A_925 = tpu.memref_squeeze %scatter3A_924 : memref<1x8x8x133xf32, #tpu.memory_space<vmem>> -> memref<8x8x133xf32, #tpu.memory_space<vmem>>
        tpu.vector_store_idx %scatter3A_925[%add3A_10, %and3A_5, %add3A_839], %mul3A_847 : memref<8x8x133xf32, #tpu.memory_space<vmem>>[vector<16xi32>, vector<16xi32>, vector<16xi32>], vector<16xf32>,
        %scatter3A_926 = arith.constant 2 : i32
        %scatter3A_927 = arith.constant 0 : i32
        %scatter3A_928 = arith.constant 0 : i32
        %scatter3A_929 = arith.constant 0 : i32
        %scatter3A_930 = tpu.memref_slice %arg7[%scatter3A_926, %scatter3A_927, %scatter3A_928, %scatter3A_929] : memref<5x8x8x133xf32, #tpu.memory_space<vmem>> -> memref<1x8x8x133xf32, #tpu.memory_space<vmem>>
        %scatter3A_931 = tpu.memref_squeeze %scatter3A_930 : memref<1x8x8x133xf32, #tpu.memory_space<vmem>> -> memref<8x8x133xf32, #tpu.memory_space<vmem>>
        tpu.vector_store_idx %scatter3A_931[%add3A_16, %and3A_5, %add3A_839], %mul3A_855 : memref<8x8x133xf32, #tpu.memory_space<vmem>>[vector<16xi32>, vector<16xi32>, vector<16xi32>], vector<16xf32>,
        %scatter3A_932 = arith.constant 2 : i32
        %scatter3A_933 = arith.constant 0 : i32
        %scatter3A_934 = arith.constant 0 : i32
        %scatter3A_935 = arith.constant 0 : i32
        %scatter3A_936 = tpu.memref_slice %arg7[%scatter3A_932, %scatter3A_933, %scatter3A_934, %scatter3A_935] : memref<5x8x8x133xf32, #tpu.memory_space<vmem>> -> memref<1x8x8x133xf32, #tpu.memory_space<vmem>>
        %scatter3A_937 = tpu.memref_squeeze %scatter3A_936 : memref<1x8x8x133xf32, #tpu.memory_space<vmem>> -> memref<8x8x133xf32, #tpu.memory_space<vmem>>
        tpu.vector_store_idx %scatter3A_937[%add3A_22, %and3A_5, %add3A_839], %mul3A_863 : memref<8x8x133xf32, #tpu.memory_space<vmem>>[vector<16xi32>, vector<16xi32>, vector<16xi32>], vector<16xf32>,
        %scatter3A_938 = arith.constant 2 : i32
        %scatter3A_939 = arith.constant 0 : i32
        %scatter3A_940 = arith.constant 0 : i32
        %scatter3A_941 = arith.constant 0 : i32
        %scatter3A_942 = tpu.memref_slice %arg7[%scatter3A_938, %scatter3A_939, %scatter3A_940, %scatter3A_941] : memref<5x8x8x133xf32, #tpu.memory_space<vmem>> -> memref<1x8x8x133xf32, #tpu.memory_space<vmem>>
        %scatter3A_943 = tpu.memref_squeeze %scatter3A_942 : memref<1x8x8x133xf32, #tpu.memory_space<vmem>> -> memref<8x8x133xf32, #tpu.memory_space<vmem>>
        tpu.vector_store_idx %scatter3A_943[%add3A_28, %and3A_5, %add3A_839], %mul3A_871 : memref<8x8x133xf32, #tpu.memory_space<vmem>>[vector<16xi32>, vector<16xi32>, vector<16xi32>], vector<16xf32>,
      }
      %scan3A_328 = arith.constant 16 : i32
      %dma_start3A_329 = arith.constant 2 : i32
      %dma_start3A_330 = arith.constant 0 : i32
      %dma_start3A_331 = arith.constant 0 : i32
      %dma_start3A_332 = arith.constant 0 : i32
      %dma_start3A_333 = tpu.memref_slice %arg7[%dma_start3A_329, %dma_start3A_330, %dma_start3A_331, %dma_start3A_332] : memref<5x8x8x133xf32, #tpu.memory_space<vmem>> -> memref<1x8x8x128xf32, #tpu.memory_space<vmem>>
      %dma_start3A_334 = tpu.memref_squeeze %dma_start3A_333 : memref<1x8x8x128xf32, #tpu.memory_space<vmem>> -> memref<8x8x128xf32, #tpu.memory_space<vmem>>
      %dma_start3A_335 = arith.constant 0 : i32
      %dma_start3A_336 = arith.constant 0 : i32
      %dma_start3A_337 = arith.constant 0 : i32
      %dma_start3A_338 = tpu.memref_slice %arg4[%add3A_307, %dma_start3A_335, %add3A, %dma_start3A_336, %dma_start3A_337] : memref<200x8x32x8x128xf32, #tpu.memory_space<hbm>> -> memref<1x8x1x8x128xf32, #tpu.memory_space<hbm>>
      %dma_start3A_339 = tpu.memref_squeeze %dma_start3A_338 : memref<1x8x1x8x128xf32, #tpu.memory_space<hbm>> -> memref<8x8x128xf32, #tpu.memory_space<hbm>>
      %dma_start3A_340 = arith.constant 0 : i32
      %dma_start3A_341 = arith.constant 0 : i32
      %dma_start3A_342 = arith.constant 0 : i32
      %dma_start3A_343 = tpu.memref_slice %arg4[%add3A_307, %dma_start3A_340, %add3A, %dma_start3A_341, %dma_start3A_342] : memref<200x8x32x8x128xf32, #tpu.memory_space<hbm>> -> memref<1x8x1x8x128xf32, #tpu.memory_space<hbm>>
      %dma_start3A_344 = tpu.memref_squeeze %dma_start3A_343 : memref<1x8x1x8x128xf32, #tpu.memory_space<hbm>> -> memref<8x8x128xf32, #tpu.memory_space<hbm>>
      %dma_start3A_345 = arith.constant 0 : i32
      %dma_start3A_346 = arith.constant 0 : i32
      %dma_start3A_347 = arith.constant 0 : i32
      %dma_start3A_348 = tpu.memref_slice %arg7[%dma_start3A_329, %dma_start3A_345, %dma_start3A_346, %dma_start3A_347] : memref<5x8x8x133xf32, #tpu.memory_space<vmem>> -> memref<1x8x8x128xf32, #tpu.memory_space<vmem>>
      %dma_start3A_349 = tpu.memref_squeeze %dma_start3A_348 : memref<1x8x8x128xf32, #tpu.memory_space<vmem>> -> memref<8x8x128xf32, #tpu.memory_space<vmem>>
      tpu.enqueue_dma source(%dma_start3A_349 : memref<8x8x128xf32, #tpu.memory_space<vmem>>) target(%dma_start3A_344 : memref<8x8x128xf32, #tpu.memory_space<hbm>>) target_semaphore(%arg9 : memref<!tpu.dma_semaphore, #tpu.memory_space<semaphore_mem>>)
      %add3A_350 = arith.constant 5 : i32
      %add3A_351 = arith.addi %add3A_307, %add3A_350 : i32
      %lt3A_352 = arith.constant 200 : i32
      %lt3A_353 = arith.cmpi slt, %add3A_351, %lt3A_352 : i32
      %convert_element_type3A_354 = arith.extui %lt3A_353 : i1 to i32
      %cond3A_355 = arith.constant 0 : i32
      %cond3A_356 = arith.cmpi ne, %convert_element_type3A_354, %cond3A_355 : i32
      scf.if %cond3A_356 {
        %add3A_459 = arith.constant 5 : i32
        %add3A_460 = arith.addi %add3A_307, %add3A_459 : i32
        %dma_start3A_461 = arith.constant 2 : i32
        %dma_start3A_462 = arith.constant 0 : i32
        %dma_start3A_463 = arith.constant 0 : i32
        %dma_start3A_464 = tpu.memref_slice %arg6[%dma_start3A_461, %dma_start3A_462, %dma_start3A_463] : memref<5x128x64xf32, #tpu.memory_space<vmem>> -> memref<1x128x64xf32, #tpu.memory_space<vmem>>
        %dma_start3A_465 = tpu.memref_squeeze %dma_start3A_464 : memref<1x128x64xf32, #tpu.memory_space<vmem>> -> memref<128x64xf32, #tpu.memory_space<vmem>>
        %dma_start3A_466 = arith.constant 0 : i32
        %dma_start3A_467 = tpu.memref_slice %arg5[%add3A_460, %dma_start3A_466] : memref<200x128xi32, #tpu.memory_space<vmem>> -> memref<1x128xi32, #tpu.memory_space<vmem>>
        %dma_start3A_468 = tpu.memref_squeeze %dma_start3A_467 : memref<1x128xi32, #tpu.memory_space<vmem>> -> memref<128xi32, #tpu.memory_space<vmem>>
        %dma_start3A_469 = arith.constant 0 : i32
        %dma_start3A_470 = arith.constant 0 : i32
        %dma_start3A_471 = tpu.memref_slice %arg3[%dma_start3A_469, %dma_start3A_470] : memref<100000x64xf32, #tpu.memory_space<hbm>> -> memref<100000x64xf32, #tpu.memory_space<hbm>>
        tpu.enqueue_indirect_dma source(%dma_start3A_471 : memref<100000x64xf32, #tpu.memory_space<hbm>>) target(%dma_start3A_465 : memref<128x64xf32, #tpu.memory_space<vmem>>) offsets(%dma_start3A_468 : memref<128xi32, #tpu.memory_space<vmem>>) semaphore(%arg8 : memref<!tpu.dma_semaphore, #tpu.memory_space<semaphore_mem>>)
      } else {
      }
      %add3A_357 = arith.constant 3 : i32
      %add3A_358 = arith.addi %mul3A_207, %add3A_357 : i32
      %dma_wait3A_359 = arith.constant 3 : i32
      %dma_wait3A_360 = arith.constant 0 : i32
      %dma_wait3A_361 = arith.constant 0 : i32
      %dma_wait3A_362 = tpu.memref_slice %arg6[%dma_wait3A_359, %dma_wait3A_360, %dma_wait3A_361] : memref<5x128x64xf32, #tpu.memory_space<vmem>> -> memref<1x128x64xf32, #tpu.memory_space<vmem>>
      %dma_wait3A_363 = tpu.memref_squeeze %dma_wait3A_362 : memref<1x128x64xf32, #tpu.memory_space<vmem>> -> memref<128x64xf32, #tpu.memory_space<vmem>>
      %dma_wait3A_364 = arith.constant 0 : i32
      %dma_wait3A_365 = tpu.memref_slice %arg5[%add3A_358, %dma_wait3A_364] : memref<200x128xi32, #tpu.memory_space<vmem>> -> memref<1x128xi32, #tpu.memory_space<vmem>>
      %dma_wait3A_366 = tpu.memref_squeeze %dma_wait3A_365 : memref<1x128xi32, #tpu.memory_space<vmem>> -> memref<128xi32, #tpu.memory_space<vmem>>
      %dma_wait3A_367 = arith.constant 0 : i32
      %dma_wait3A_368 = arith.constant 0 : i32
      %dma_wait3A_369 = tpu.memref_slice %arg3[%dma_wait3A_367, %dma_wait3A_368] : memref<100000x64xf32, #tpu.memory_space<hbm>> -> memref<100000x64xf32, #tpu.memory_space<hbm>>
      tpu.wait_indirect_dma semaphore(%arg8 : memref<!tpu.dma_semaphore, #tpu.memory_space<semaphore_mem>>) src(%dma_wait3A_369 : memref<100000x64xf32, #tpu.memory_space<hbm>>) dst(%dma_wait3A_363 : memref<128x64xf32, #tpu.memory_space<vmem>>)
      %ge3A_370 = arith.constant 5 : i32
      %ge3A_371 = arith.cmpi sge, %add3A_358, %ge3A_370 : i32
      %convert_element_type3A_372 = arith.extui %ge3A_371 : i1 to i32
      %cond3A_373 = arith.constant 0 : i32
      %cond3A_374 = arith.cmpi ne, %convert_element_type3A_372, %cond3A_373 : i32
      scf.if %cond3A_374 {
        %sub3A = arith.constant 5 : i32
        %sub3A_459 = arith.subi %add3A_358, %sub3A : i32
        %max3A = arith.constant 0 : i32
        %max3A_460 = arith.maxsi %sub3A_459, %max3A : i32
        %dma_wait3A_461 = arith.constant 3 : i32
        %dma_wait3A_462 = arith.constant 0 : i32
        %dma_wait3A_463 = arith.constant 0 : i32
        %dma_wait3A_464 = arith.constant 0 : i32
        %dma_wait3A_465 = tpu.memref_slice %arg7[%dma_wait3A_461, %dma_wait3A_462, %dma_wait3A_463, %dma_wait3A_464] : memref<5x8x8x133xf32, #tpu.memory_space<vmem>> -> memref<1x8x8x128xf32, #tpu.memory_space<vmem>>
        %dma_wait3A_466 = tpu.memref_squeeze %dma_wait3A_465 : memref<1x8x8x128xf32, #tpu.memory_space<vmem>> -> memref<8x8x128xf32, #tpu.memory_space<vmem>>
        %dma_wait3A_467 = arith.constant 0 : i32
        %dma_wait3A_468 = arith.constant 0 : i32
        %dma_wait3A_469 = arith.constant 0 : i32
        %dma_wait3A_470 = tpu.memref_slice %arg4[%max3A_460, %dma_wait3A_467, %add3A, %dma_wait3A_468, %dma_wait3A_469] : memref<200x8x32x8x128xf32, #tpu.memory_space<hbm>> -> memref<1x8x1x8x128xf32, #tpu.memory_space<hbm>>
        %dma_wait3A_471 = tpu.memref_squeeze %dma_wait3A_470 : memref<1x8x1x8x128xf32, #tpu.memory_space<hbm>> -> memref<8x8x128xf32, #tpu.memory_space<hbm>>
        %dma_wait3A_472 = arith.constant 0 : i32
        %dma_wait3A_473 = arith.constant 0 : i32
        %dma_wait3A_474 = arith.constant 0 : i32
        %dma_wait3A_475 = tpu.memref_slice %arg4[%max3A_460, %dma_wait3A_472, %add3A, %dma_wait3A_473, %dma_wait3A_474] : memref<200x8x32x8x128xf32, #tpu.memory_space<hbm>> -> memref<1x8x1x8x128xf32, #tpu.memory_space<hbm>>
        %dma_wait3A_476 = tpu.memref_squeeze %dma_wait3A_475 : memref<1x8x1x8x128xf32, #tpu.memory_space<hbm>> -> memref<8x8x128xf32, #tpu.memory_space<hbm>>
        %dma_wait3A_477 = arith.constant 0 : i32
        %dma_wait3A_478 = arith.constant 0 : i32
        %dma_wait3A_479 = arith.constant 0 : i32
        %dma_wait3A_480 = tpu.memref_slice %arg7[%dma_wait3A_461, %dma_wait3A_477, %dma_wait3A_478, %dma_wait3A_479] : memref<5x8x8x133xf32, #tpu.memory_space<vmem>> -> memref<1x8x8x128xf32, #tpu.memory_space<vmem>>
        %dma_wait3A_481 = tpu.memref_squeeze %dma_wait3A_480 : memref<1x8x8x128xf32, #tpu.memory_space<vmem>> -> memref<8x8x128xf32, #tpu.memory_space<vmem>>
        tpu.wait_dma2 semaphore(%arg9 : memref<!tpu.dma_semaphore, #tpu.memory_space<semaphore_mem>>) src(%dma_wait3A_481 : memref<8x8x128xf32, #tpu.memory_space<vmem>>) dst(%dma_wait3A_476 : memref<8x8x128xf32, #tpu.memory_space<hbm>>)
      } else {
      }
      %scan3A_375 = arith.constant 0 : i32
      %scan3A_376 = arith.constant 16 : i32
      %scan3A_377 = arith.addi %scan3A_375, %scan3A_376 : i32
      %scan3A_378 = arith.constant 1 : i32
      scf.for %scan3A_459 = %scan3A_375 to %scan3A_377 step %scan3A_378  : i32 {
        %mul3A_460 = arith.constant 1 : i32
        %mul3A_461 = arith.muli %scan3A_459, %mul3A_460 : i32
        %add3A_462 = arith.constant 0 : i32
        %add3A_463 = arith.addi %add3A_462, %mul3A_461 : i32
        %mul3A_464 = arith.constant 8 : i32
        %mul3A_465 = arith.muli %add3A_463, %mul3A_464 : i32
        %add3A_466 = arith.constant 0 : i32
        %add3A_467 = arith.addi %mul3A_465, %add3A_466 : i32
        %add3A_468 = vector.broadcast %add3A_467 : i32 to vector<16xi32>
        %add3A_469 = arith.addi %broadcast_in_dim3A_3, %add3A_468 : vector<16xi32>
        %get3A = arith.constant 3 : i32
        %get3A_470 = arith.index_cast %get3A : i32 to index
        %get3A_471 = arith.index_cast %add3A_467 : i32 to index
        %get3A_472 = arith.constant 0 : index
        %get3A_473 = tpu.vector_load %arg6[%get3A_470, %get3A_471, %get3A_472] {strides = array<i32>} : memref<5x128x64xf32, #tpu.memory_space<vmem>>, vector<16xf32>,
        %mul3A_474 = arith.constant 8.000000e+00 : f32
        %mul3A_475 = vector.broadcast %mul3A_474 : f32 to vector<16xf32>
        %mul3A_476 = arith.mulf %get3A_473, %mul3A_475 : vector<16xf32>
        %get3A_477 = arith.constant 3 : i32
        %get3A_478 = arith.index_cast %get3A_477 : i32 to index
        %get3A_479 = arith.index_cast %add3A_467 : i32 to index
        %get3A_480 = arith.constant 16 : index
        %get3A_481 = tpu.vector_load %arg6[%get3A_478, %get3A_479, %get3A_480] {strides = array<i32>} : memref<5x128x64xf32, #tpu.memory_space<vmem>>, vector<16xf32>,
        %mul3A_482 = arith.constant 8.000000e+00 : f32
        %mul3A_483 = vector.broadcast %mul3A_482 : f32 to vector<16xf32>
        %mul3A_484 = arith.mulf %get3A_481, %mul3A_483 : vector<16xf32>
        %get3A_485 = arith.constant 3 : i32
        %get3A_486 = arith.index_cast %get3A_485 : i32 to index
        %get3A_487 = arith.index_cast %add3A_467 : i32 to index
        %get3A_488 = arith.constant 32 : index
        %get3A_489 = tpu.vector_load %arg6[%get3A_486, %get3A_487, %get3A_488] {strides = array<i32>} : memref<5x128x64xf32, #tpu.memory_space<vmem>>, vector<16xf32>,
        %mul3A_490 = arith.constant 8.000000e+00 : f32
        %mul3A_491 = vector.broadcast %mul3A_490 : f32 to vector<16xf32>
        %mul3A_492 = arith.mulf %get3A_489, %mul3A_491 : vector<16xf32>
        %get3A_493 = arith.constant 3 : i32
        %get3A_494 = arith.index_cast %get3A_493 : i32 to index
        %get3A_495 = arith.index_cast %add3A_467 : i32 to index
        %get3A_496 = arith.constant 48 : index
        %get3A_497 = tpu.vector_load %arg6[%get3A_494, %get3A_495, %get3A_496] {strides = array<i32>} : memref<5x128x64xf32, #tpu.memory_space<vmem>>, vector<16xf32>,
        %mul3A_498 = arith.constant 8.000000e+00 : f32
        %mul3A_499 = vector.broadcast %mul3A_498 : f32 to vector<16xf32>
        %mul3A_500 = arith.mulf %get3A_497, %mul3A_499 : vector<16xf32>
        %add3A_501 = arith.constant 1 : i32
        %add3A_502 = arith.addi %mul3A_465, %add3A_501 : i32
        %add3A_503 = vector.broadcast %add3A_502 : i32 to vector<16xi32>
        %add3A_504 = arith.addi %broadcast_in_dim3A_3, %add3A_503 : vector<16xi32>
        %get3A_505 = arith.constant 3 : i32
        %get3A_506 = arith.index_cast %get3A_505 : i32 to index
        %get3A_507 = arith.index_cast %add3A_502 : i32 to index
        %get3A_508 = arith.constant 0 : index
        %get3A_509 = tpu.vector_load %arg6[%get3A_506, %get3A_507, %get3A_508] {strides = array<i32>} : memref<5x128x64xf32, #tpu.memory_space<vmem>>, vector<16xf32>,
        %mul3A_510 = arith.constant 8.000000e+00 : f32
        %mul3A_511 = vector.broadcast %mul3A_510 : f32 to vector<16xf32>
        %mul3A_512 = arith.mulf %get3A_509, %mul3A_511 : vector<16xf32>
        %get3A_513 = arith.constant 3 : i32
        %get3A_514 = arith.index_cast %get3A_513 : i32 to index
        %get3A_515 = arith.index_cast %add3A_502 : i32 to index
        %get3A_516 = arith.constant 16 : index
        %get3A_517 = tpu.vector_load %arg6[%get3A_514, %get3A_515, %get3A_516] {strides = array<i32>} : memref<5x128x64xf32, #tpu.memory_space<vmem>>, vector<16xf32>,
        %mul3A_518 = arith.constant 8.000000e+00 : f32
        %mul3A_519 = vector.broadcast %mul3A_518 : f32 to vector<16xf32>
        %mul3A_520 = arith.mulf %get3A_517, %mul3A_519 : vector<16xf32>
        %get3A_521 = arith.constant 3 : i32
        %get3A_522 = arith.index_cast %get3A_521 : i32 to index
        %get3A_523 = arith.index_cast %add3A_502 : i32 to index
        %get3A_524 = arith.constant 32 : index
        %get3A_525 = tpu.vector_load %arg6[%get3A_522, %get3A_523, %get3A_524] {strides = array<i32>} : memref<5x128x64xf32, #tpu.memory_space<vmem>>, vector<16xf32>,
        %mul3A_526 = arith.constant 8.000000e+00 : f32
        %mul3A_527 = vector.broadcast %mul3A_526 : f32 to vector<16xf32>
        %mul3A_528 = arith.mulf %get3A_525, %mul3A_527 : vector<16xf32>
        %get3A_529 = arith.constant 3 : i32
        %get3A_530 = arith.index_cast %get3A_529 : i32 to index
        %get3A_531 = arith.index_cast %add3A_502 : i32 to index
        %get3A_532 = arith.constant 48 : index
        %get3A_533 = tpu.vector_load %arg6[%get3A_530, %get3A_531, %get3A_532] {strides = array<i32>} : memref<5x128x64xf32, #tpu.memory_space<vmem>>, vector<16xf32>,
        %mul3A_534 = arith.constant 8.000000e+00 : f32
        %mul3A_535 = vector.broadcast %mul3A_534 : f32 to vector<16xf32>
        %mul3A_536 = arith.mulf %get3A_533, %mul3A_535 : vector<16xf32>
        %add3A_537 = arith.constant 2 : i32
        %add3A_538 = arith.addi %mul3A_465, %add3A_537 : i32
        %add3A_539 = vector.broadcast %add3A_538 : i32 to vector<16xi32>
        %add3A_540 = arith.addi %broadcast_in_dim3A_3, %add3A_539 : vector<16xi32>
        %get3A_541 = arith.constant 3 : i32
        %get3A_542 = arith.index_cast %get3A_541 : i32 to index
        %get3A_543 = arith.index_cast %add3A_538 : i32 to index
        %get3A_544 = arith.constant 0 : index
        %get3A_545 = tpu.vector_load %arg6[%get3A_542, %get3A_543, %get3A_544] {strides = array<i32>} : memref<5x128x64xf32, #tpu.memory_space<vmem>>, vector<16xf32>,
        %mul3A_546 = arith.constant 8.000000e+00 : f32
        %mul3A_547 = vector.broadcast %mul3A_546 : f32 to vector<16xf32>
        %mul3A_548 = arith.mulf %get3A_545, %mul3A_547 : vector<16xf32>
        %get3A_549 = arith.constant 3 : i32
        %get3A_550 = arith.index_cast %get3A_549 : i32 to index
        %get3A_551 = arith.index_cast %add3A_538 : i32 to index
        %get3A_552 = arith.constant 16 : index
        %get3A_553 = tpu.vector_load %arg6[%get3A_550, %get3A_551, %get3A_552] {strides = array<i32>} : memref<5x128x64xf32, #tpu.memory_space<vmem>>, vector<16xf32>,
        %mul3A_554 = arith.constant 8.000000e+00 : f32
        %mul3A_555 = vector.broadcast %mul3A_554 : f32 to vector<16xf32>
        %mul3A_556 = arith.mulf %get3A_553, %mul3A_555 : vector<16xf32>
        %get3A_557 = arith.constant 3 : i32
        %get3A_558 = arith.index_cast %get3A_557 : i32 to index
        %get3A_559 = arith.index_cast %add3A_538 : i32 to index
        %get3A_560 = arith.constant 32 : index
        %get3A_561 = tpu.vector_load %arg6[%get3A_558, %get3A_559, %get3A_560] {strides = array<i32>} : memref<5x128x64xf32, #tpu.memory_space<vmem>>, vector<16xf32>,
        %mul3A_562 = arith.constant 8.000000e+00 : f32
        %mul3A_563 = vector.broadcast %mul3A_562 : f32 to vector<16xf32>
        %mul3A_564 = arith.mulf %get3A_561, %mul3A_563 : vector<16xf32>
        %get3A_565 = arith.constant 3 : i32
        %get3A_566 = arith.index_cast %get3A_565 : i32 to index
        %get3A_567 = arith.index_cast %add3A_538 : i32 to index
        %get3A_568 = arith.constant 48 : index
        %get3A_569 = tpu.vector_load %arg6[%get3A_566, %get3A_567, %get3A_568] {strides = array<i32>} : memref<5x128x64xf32, #tpu.memory_space<vmem>>, vector<16xf32>,
        %mul3A_570 = arith.constant 8.000000e+00 : f32
        %mul3A_571 = vector.broadcast %mul3A_570 : f32 to vector<16xf32>
        %mul3A_572 = arith.mulf %get3A_569, %mul3A_571 : vector<16xf32>
        %scatter3A = arith.constant 3 : i32
        %scatter3A_573 = arith.constant 0 : i32
        %scatter3A_574 = arith.constant 0 : i32
        %scatter3A_575 = arith.constant 0 : i32
        %scatter3A_576 = tpu.memref_slice %arg7[%scatter3A, %scatter3A_573, %scatter3A_574, %scatter3A_575] : memref<5x8x8x133xf32, #tpu.memory_space<vmem>> -> memref<1x8x8x133xf32, #tpu.memory_space<vmem>>
        %scatter3A_577 = tpu.memref_squeeze %scatter3A_576 : memref<1x8x8x133xf32, #tpu.memory_space<vmem>> -> memref<8x8x133xf32, #tpu.memory_space<vmem>>
        tpu.vector_store_idx %scatter3A_577[%add3A_10, %and3A_5, %add3A_469], %mul3A_476 : memref<8x8x133xf32, #tpu.memory_space<vmem>>[vector<16xi32>, vector<16xi32>, vector<16xi32>], vector<16xf32>,
        %scatter3A_578 = arith.constant 3 : i32
        %scatter3A_579 = arith.constant 0 : i32
        %scatter3A_580 = arith.constant 0 : i32
        %scatter3A_581 = arith.constant 0 : i32
        %scatter3A_582 = tpu.memref_slice %arg7[%scatter3A_578, %scatter3A_579, %scatter3A_580, %scatter3A_581] : memref<5x8x8x133xf32, #tpu.memory_space<vmem>> -> memref<1x8x8x133xf32, #tpu.memory_space<vmem>>
        %scatter3A_583 = tpu.memref_squeeze %scatter3A_582 : memref<1x8x8x133xf32, #tpu.memory_space<vmem>> -> memref<8x8x133xf32, #tpu.memory_space<vmem>>
        tpu.vector_store_idx %scatter3A_583[%add3A_16, %and3A_5, %add3A_469], %mul3A_484 : memref<8x8x133xf32, #tpu.memory_space<vmem>>[vector<16xi32>, vector<16xi32>, vector<16xi32>], vector<16xf32>,
        %scatter3A_584 = arith.constant 3 : i32
        %scatter3A_585 = arith.constant 0 : i32
        %scatter3A_586 = arith.constant 0 : i32
        %scatter3A_587 = arith.constant 0 : i32
        %scatter3A_588 = tpu.memref_slice %arg7[%scatter3A_584, %scatter3A_585, %scatter3A_586, %scatter3A_587] : memref<5x8x8x133xf32, #tpu.memory_space<vmem>> -> memref<1x8x8x133xf32, #tpu.memory_space<vmem>>
        %scatter3A_589 = tpu.memref_squeeze %scatter3A_588 : memref<1x8x8x133xf32, #tpu.memory_space<vmem>> -> memref<8x8x133xf32, #tpu.memory_space<vmem>>
        tpu.vector_store_idx %scatter3A_589[%add3A_22, %and3A_5, %add3A_469], %mul3A_492 : memref<8x8x133xf32, #tpu.memory_space<vmem>>[vector<16xi32>, vector<16xi32>, vector<16xi32>], vector<16xf32>,
        %scatter3A_590 = arith.constant 3 : i32
        %scatter3A_591 = arith.constant 0 : i32
        %scatter3A_592 = arith.constant 0 : i32
        %scatter3A_593 = arith.constant 0 : i32
        %scatter3A_594 = tpu.memref_slice %arg7[%scatter3A_590, %scatter3A_591, %scatter3A_592, %scatter3A_593] : memref<5x8x8x133xf32, #tpu.memory_space<vmem>> -> memref<1x8x8x133xf32, #tpu.memory_space<vmem>>
        %scatter3A_595 = tpu.memref_squeeze %scatter3A_594 : memref<1x8x8x133xf32, #tpu.memory_space<vmem>> -> memref<8x8x133xf32, #tpu.memory_space<vmem>>
        tpu.vector_store_idx %scatter3A_595[%add3A_28, %and3A_5, %add3A_469], %mul3A_500 : memref<8x8x133xf32, #tpu.memory_space<vmem>>[vector<16xi32>, vector<16xi32>, vector<16xi32>], vector<16xf32>,
        %add3A_596 = arith.constant 3 : i32
        %add3A_597 = arith.addi %mul3A_465, %add3A_596 : i32
        %add3A_598 = vector.broadcast %add3A_597 : i32 to vector<16xi32>
        %add3A_599 = arith.addi %broadcast_in_dim3A_3, %add3A_598 : vector<16xi32>
        %get3A_600 = arith.constant 3 : i32
        %get3A_601 = arith.index_cast %get3A_600 : i32 to index
        %get3A_602 = arith.index_cast %add3A_597 : i32 to index
        %get3A_603 = arith.constant 0 : index
        %get3A_604 = tpu.vector_load %arg6[%get3A_601, %get3A_602, %get3A_603] {strides = array<i32>} : memref<5x128x64xf32, #tpu.memory_space<vmem>>, vector<16xf32>,
        %mul3A_605 = arith.constant 8.000000e+00 : f32
        %mul3A_606 = vector.broadcast %mul3A_605 : f32 to vector<16xf32>
        %mul3A_607 = arith.mulf %get3A_604, %mul3A_606 : vector<16xf32>
        %get3A_608 = arith.constant 3 : i32
        %get3A_609 = arith.index_cast %get3A_608 : i32 to index
        %get3A_610 = arith.index_cast %add3A_597 : i32 to index
        %get3A_611 = arith.constant 16 : index
        %get3A_612 = tpu.vector_load %arg6[%get3A_609, %get3A_610, %get3A_611] {strides = array<i32>} : memref<5x128x64xf32, #tpu.memory_space<vmem>>, vector<16xf32>,
        %mul3A_613 = arith.constant 8.000000e+00 : f32
        %mul3A_614 = vector.broadcast %mul3A_613 : f32 to vector<16xf32>
        %mul3A_615 = arith.mulf %get3A_612, %mul3A_614 : vector<16xf32>
        %get3A_616 = arith.constant 3 : i32
        %get3A_617 = arith.index_cast %get3A_616 : i32 to index
        %get3A_618 = arith.index_cast %add3A_597 : i32 to index
        %get3A_619 = arith.constant 32 : index
        %get3A_620 = tpu.vector_load %arg6[%get3A_617, %get3A_618, %get3A_619] {strides = array<i32>} : memref<5x128x64xf32, #tpu.memory_space<vmem>>, vector<16xf32>,
        %mul3A_621 = arith.constant 8.000000e+00 : f32
        %mul3A_622 = vector.broadcast %mul3A_621 : f32 to vector<16xf32>
        %mul3A_623 = arith.mulf %get3A_620, %mul3A_622 : vector<16xf32>
        %get3A_624 = arith.constant 3 : i32
        %get3A_625 = arith.index_cast %get3A_624 : i32 to index
        %get3A_626 = arith.index_cast %add3A_597 : i32 to index
        %get3A_627 = arith.constant 48 : index
        %get3A_628 = tpu.vector_load %arg6[%get3A_625, %get3A_626, %get3A_627] {strides = array<i32>} : memref<5x128x64xf32, #tpu.memory_space<vmem>>, vector<16xf32>,
        %mul3A_629 = arith.constant 8.000000e+00 : f32
        %mul3A_630 = vector.broadcast %mul3A_629 : f32 to vector<16xf32>
        %mul3A_631 = arith.mulf %get3A_628, %mul3A_630 : vector<16xf32>
        %scatter3A_632 = arith.constant 3 : i32
        %scatter3A_633 = arith.constant 0 : i32
        %scatter3A_634 = arith.constant 0 : i32
        %scatter3A_635 = arith.constant 0 : i32
        %scatter3A_636 = tpu.memref_slice %arg7[%scatter3A_632, %scatter3A_633, %scatter3A_634, %scatter3A_635] : memref<5x8x8x133xf32, #tpu.memory_space<vmem>> -> memref<1x8x8x133xf32, #tpu.memory_space<vmem>>
        %scatter3A_637 = tpu.memref_squeeze %scatter3A_636 : memref<1x8x8x133xf32, #tpu.memory_space<vmem>> -> memref<8x8x133xf32, #tpu.memory_space<vmem>>
        tpu.vector_store_idx %scatter3A_637[%add3A_10, %and3A_5, %add3A_504], %mul3A_512 : memref<8x8x133xf32, #tpu.memory_space<vmem>>[vector<16xi32>, vector<16xi32>, vector<16xi32>], vector<16xf32>,
        %scatter3A_638 = arith.constant 3 : i32
        %scatter3A_639 = arith.constant 0 : i32
        %scatter3A_640 = arith.constant 0 : i32
        %scatter3A_641 = arith.constant 0 : i32
        %scatter3A_642 = tpu.memref_slice %arg7[%scatter3A_638, %scatter3A_639, %scatter3A_640, %scatter3A_641] : memref<5x8x8x133xf32, #tpu.memory_space<vmem>> -> memref<1x8x8x133xf32, #tpu.memory_space<vmem>>
        %scatter3A_643 = tpu.memref_squeeze %scatter3A_642 : memref<1x8x8x133xf32, #tpu.memory_space<vmem>> -> memref<8x8x133xf32, #tpu.memory_space<vmem>>
        tpu.vector_store_idx %scatter3A_643[%add3A_16, %and3A_5, %add3A_504], %mul3A_520 : memref<8x8x133xf32, #tpu.memory_space<vmem>>[vector<16xi32>, vector<16xi32>, vector<16xi32>], vector<16xf32>,
        %scatter3A_644 = arith.constant 3 : i32
        %scatter3A_645 = arith.constant 0 : i32
        %scatter3A_646 = arith.constant 0 : i32
        %scatter3A_647 = arith.constant 0 : i32
        %scatter3A_648 = tpu.memref_slice %arg7[%scatter3A_644, %scatter3A_645, %scatter3A_646, %scatter3A_647] : memref<5x8x8x133xf32, #tpu.memory_space<vmem>> -> memref<1x8x8x133xf32, #tpu.memory_space<vmem>>
        %scatter3A_649 = tpu.memref_squeeze %scatter3A_648 : memref<1x8x8x133xf32, #tpu.memory_space<vmem>> -> memref<8x8x133xf32, #tpu.memory_space<vmem>>
        tpu.vector_store_idx %scatter3A_649[%add3A_22, %and3A_5, %add3A_504], %mul3A_528 : memref<8x8x133xf32, #tpu.memory_space<vmem>>[vector<16xi32>, vector<16xi32>, vector<16xi32>], vector<16xf32>,
        %scatter3A_650 = arith.constant 3 : i32
        %scatter3A_651 = arith.constant 0 : i32
        %scatter3A_652 = arith.constant 0 : i32
        %scatter3A_653 = arith.constant 0 : i32
        %scatter3A_654 = tpu.memref_slice %arg7[%scatter3A_650, %scatter3A_651, %scatter3A_652, %scatter3A_653] : memref<5x8x8x133xf32, #tpu.memory_space<vmem>> -> memref<1x8x8x133xf32, #tpu.memory_space<vmem>>
        %scatter3A_655 = tpu.memref_squeeze %scatter3A_654 : memref<1x8x8x133xf32, #tpu.memory_space<vmem>> -> memref<8x8x133xf32, #tpu.memory_space<vmem>>
        tpu.vector_store_idx %scatter3A_655[%add3A_28, %and3A_5, %add3A_504], %mul3A_536 : memref<8x8x133xf32, #tpu.memory_space<vmem>>[vector<16xi32>, vector<16xi32>, vector<16xi32>], vector<16xf32>,
        %add3A_656 = arith.constant 4 : i32
        %add3A_657 = arith.addi %mul3A_465, %add3A_656 : i32
        %add3A_658 = vector.broadcast %add3A_657 : i32 to vector<16xi32>
        %add3A_659 = arith.addi %broadcast_in_dim3A_3, %add3A_658 : vector<16xi32>
        %get3A_660 = arith.constant 3 : i32
        %get3A_661 = arith.index_cast %get3A_660 : i32 to index
        %get3A_662 = arith.index_cast %add3A_657 : i32 to index
        %get3A_663 = arith.constant 0 : index
        %get3A_664 = tpu.vector_load %arg6[%get3A_661, %get3A_662, %get3A_663] {strides = array<i32>} : memref<5x128x64xf32, #tpu.memory_space<vmem>>, vector<16xf32>,
        %mul3A_665 = arith.constant 8.000000e+00 : f32
        %mul3A_666 = vector.broadcast %mul3A_665 : f32 to vector<16xf32>
        %mul3A_667 = arith.mulf %get3A_664, %mul3A_666 : vector<16xf32>
        %get3A_668 = arith.constant 3 : i32
        %get3A_669 = arith.index_cast %get3A_668 : i32 to index
        %get3A_670 = arith.index_cast %add3A_657 : i32 to index
        %get3A_671 = arith.constant 16 : index
        %get3A_672 = tpu.vector_load %arg6[%get3A_669, %get3A_670, %get3A_671] {strides = array<i32>} : memref<5x128x64xf32, #tpu.memory_space<vmem>>, vector<16xf32>,
        %mul3A_673 = arith.constant 8.000000e+00 : f32
        %mul3A_674 = vector.broadcast %mul3A_673 : f32 to vector<16xf32>
        %mul3A_675 = arith.mulf %get3A_672, %mul3A_674 : vector<16xf32>
        %get3A_676 = arith.constant 3 : i32
        %get3A_677 = arith.index_cast %get3A_676 : i32 to index
        %get3A_678 = arith.index_cast %add3A_657 : i32 to index
        %get3A_679 = arith.constant 32 : index
        %get3A_680 = tpu.vector_load %arg6[%get3A_677, %get3A_678, %get3A_679] {strides = array<i32>} : memref<5x128x64xf32, #tpu.memory_space<vmem>>, vector<16xf32>,
        %mul3A_681 = arith.constant 8.000000e+00 : f32
        %mul3A_682 = vector.broadcast %mul3A_681 : f32 to vector<16xf32>
        %mul3A_683 = arith.mulf %get3A_680, %mul3A_682 : vector<16xf32>
        %get3A_684 = arith.constant 3 : i32
        %get3A_685 = arith.index_cast %get3A_684 : i32 to index
        %get3A_686 = arith.index_cast %add3A_657 : i32 to index
        %get3A_687 = arith.constant 48 : index
        %get3A_688 = tpu.vector_load %arg6[%get3A_685, %get3A_686, %get3A_687] {strides = array<i32>} : memref<5x128x64xf32, #tpu.memory_space<vmem>>, vector<16xf32>,
        %mul3A_689 = arith.constant 8.000000e+00 : f32
        %mul3A_690 = vector.broadcast %mul3A_689 : f32 to vector<16xf32>
        %mul3A_691 = arith.mulf %get3A_688, %mul3A_690 : vector<16xf32>
        %scatter3A_692 = arith.constant 3 : i32
        %scatter3A_693 = arith.constant 0 : i32
        %scatter3A_694 = arith.constant 0 : i32
        %scatter3A_695 = arith.constant 0 : i32
        %scatter3A_696 = tpu.memref_slice %arg7[%scatter3A_692, %scatter3A_693, %scatter3A_694, %scatter3A_695] : memref<5x8x8x133xf32, #tpu.memory_space<vmem>> -> memref<1x8x8x133xf32, #tpu.memory_space<vmem>>
        %scatter3A_697 = tpu.memref_squeeze %scatter3A_696 : memref<1x8x8x133xf32, #tpu.memory_space<vmem>> -> memref<8x8x133xf32, #tpu.memory_space<vmem>>
        tpu.vector_store_idx %scatter3A_697[%add3A_10, %and3A_5, %add3A_540], %mul3A_548 : memref<8x8x133xf32, #tpu.memory_space<vmem>>[vector<16xi32>, vector<16xi32>, vector<16xi32>], vector<16xf32>,
        %scatter3A_698 = arith.constant 3 : i32
        %scatter3A_699 = arith.constant 0 : i32
        %scatter3A_700 = arith.constant 0 : i32
        %scatter3A_701 = arith.constant 0 : i32
        %scatter3A_702 = tpu.memref_slice %arg7[%scatter3A_698, %scatter3A_699, %scatter3A_700, %scatter3A_701] : memref<5x8x8x133xf32, #tpu.memory_space<vmem>> -> memref<1x8x8x133xf32, #tpu.memory_space<vmem>>
        %scatter3A_703 = tpu.memref_squeeze %scatter3A_702 : memref<1x8x8x133xf32, #tpu.memory_space<vmem>> -> memref<8x8x133xf32, #tpu.memory_space<vmem>>
        tpu.vector_store_idx %scatter3A_703[%add3A_16, %and3A_5, %add3A_540], %mul3A_556 : memref<8x8x133xf32, #tpu.memory_space<vmem>>[vector<16xi32>, vector<16xi32>, vector<16xi32>], vector<16xf32>,
        %scatter3A_704 = arith.constant 3 : i32
        %scatter3A_705 = arith.constant 0 : i32
        %scatter3A_706 = arith.constant 0 : i32
        %scatter3A_707 = arith.constant 0 : i32
        %scatter3A_708 = tpu.memref_slice %arg7[%scatter3A_704, %scatter3A_705, %scatter3A_706, %scatter3A_707] : memref<5x8x8x133xf32, #tpu.memory_space<vmem>> -> memref<1x8x8x133xf32, #tpu.memory_space<vmem>>
        %scatter3A_709 = tpu.memref_squeeze %scatter3A_708 : memref<1x8x8x133xf32, #tpu.memory_space<vmem>> -> memref<8x8x133xf32, #tpu.memory_space<vmem>>
        tpu.vector_store_idx %scatter3A_709[%add3A_22, %and3A_5, %add3A_540], %mul3A_564 : memref<8x8x133xf32, #tpu.memory_space<vmem>>[vector<16xi32>, vector<16xi32>, vector<16xi32>], vector<16xf32>,
        %scatter3A_710 = arith.constant 3 : i32
        %scatter3A_711 = arith.constant 0 : i32
        %scatter3A_712 = arith.constant 0 : i32
        %scatter3A_713 = arith.constant 0 : i32
        %scatter3A_714 = tpu.memref_slice %arg7[%scatter3A_710, %scatter3A_711, %scatter3A_712, %scatter3A_713] : memref<5x8x8x133xf32, #tpu.memory_space<vmem>> -> memref<1x8x8x133xf32, #tpu.memory_space<vmem>>
        %scatter3A_715 = tpu.memref_squeeze %scatter3A_714 : memref<1x8x8x133xf32, #tpu.memory_space<vmem>> -> memref<8x8x133xf32, #tpu.memory_space<vmem>>
        tpu.vector_store_idx %scatter3A_715[%add3A_28, %and3A_5, %add3A_540], %mul3A_572 : memref<8x8x133xf32, #tpu.memory_space<vmem>>[vector<16xi32>, vector<16xi32>, vector<16xi32>], vector<16xf32>,
        %add3A_716 = arith.constant 5 : i32
        %add3A_717 = arith.addi %mul3A_465, %add3A_716 : i32
        %add3A_718 = vector.broadcast %add3A_717 : i32 to vector<16xi32>
        %add3A_719 = arith.addi %broadcast_in_dim3A_3, %add3A_718 : vector<16xi32>
        %get3A_720 = arith.constant 3 : i32
        %get3A_721 = arith.index_cast %get3A_720 : i32 to index
        %get3A_722 = arith.index_cast %add3A_717 : i32 to index
        %get3A_723 = arith.constant 0 : index
        %get3A_724 = tpu.vector_load %arg6[%get3A_721, %get3A_722, %get3A_723] {strides = array<i32>} : memref<5x128x64xf32, #tpu.memory_space<vmem>>, vector<16xf32>,
        %mul3A_725 = arith.constant 8.000000e+00 : f32
        %mul3A_726 = vector.broadcast %mul3A_725 : f32 to vector<16xf32>
        %mul3A_727 = arith.mulf %get3A_724, %mul3A_726 : vector<16xf32>
        %get3A_728 = arith.constant 3 : i32
        %get3A_729 = arith.index_cast %get3A_728 : i32 to index
        %get3A_730 = arith.index_cast %add3A_717 : i32 to index
        %get3A_731 = arith.constant 16 : index
        %get3A_732 = tpu.vector_load %arg6[%get3A_729, %get3A_730, %get3A_731] {strides = array<i32>} : memref<5x128x64xf32, #tpu.memory_space<vmem>>, vector<16xf32>,
        %mul3A_733 = arith.constant 8.000000e+00 : f32
        %mul3A_734 = vector.broadcast %mul3A_733 : f32 to vector<16xf32>
        %mul3A_735 = arith.mulf %get3A_732, %mul3A_734 : vector<16xf32>
        %get3A_736 = arith.constant 3 : i32
        %get3A_737 = arith.index_cast %get3A_736 : i32 to index
        %get3A_738 = arith.index_cast %add3A_717 : i32 to index
        %get3A_739 = arith.constant 32 : index
        %get3A_740 = tpu.vector_load %arg6[%get3A_737, %get3A_738, %get3A_739] {strides = array<i32>} : memref<5x128x64xf32, #tpu.memory_space<vmem>>, vector<16xf32>,
        %mul3A_741 = arith.constant 8.000000e+00 : f32
        %mul3A_742 = vector.broadcast %mul3A_741 : f32 to vector<16xf32>
        %mul3A_743 = arith.mulf %get3A_740, %mul3A_742 : vector<16xf32>
        %get3A_744 = arith.constant 3 : i32
        %get3A_745 = arith.index_cast %get3A_744 : i32 to index
        %get3A_746 = arith.index_cast %add3A_717 : i32 to index
        %get3A_747 = arith.constant 48 : index
        %get3A_748 = tpu.vector_load %arg6[%get3A_745, %get3A_746, %get3A_747] {strides = array<i32>} : memref<5x128x64xf32, #tpu.memory_space<vmem>>, vector<16xf32>,
        %mul3A_749 = arith.constant 8.000000e+00 : f32
        %mul3A_750 = vector.broadcast %mul3A_749 : f32 to vector<16xf32>
        %mul3A_751 = arith.mulf %get3A_748, %mul3A_750 : vector<16xf32>
        %scatter3A_752 = arith.constant 3 : i32
        %scatter3A_753 = arith.constant 0 : i32
        %scatter3A_754 = arith.constant 0 : i32
        %scatter3A_755 = arith.constant 0 : i32
        %scatter3A_756 = tpu.memref_slice %arg7[%scatter3A_752, %scatter3A_753, %scatter3A_754, %scatter3A_755] : memref<5x8x8x133xf32, #tpu.memory_space<vmem>> -> memref<1x8x8x133xf32, #tpu.memory_space<vmem>>
        %scatter3A_757 = tpu.memref_squeeze %scatter3A_756 : memref<1x8x8x133xf32, #tpu.memory_space<vmem>> -> memref<8x8x133xf32, #tpu.memory_space<vmem>>
        tpu.vector_store_idx %scatter3A_757[%add3A_10, %and3A_5, %add3A_599], %mul3A_607 : memref<8x8x133xf32, #tpu.memory_space<vmem>>[vector<16xi32>, vector<16xi32>, vector<16xi32>], vector<16xf32>,
        %scatter3A_758 = arith.constant 3 : i32
        %scatter3A_759 = arith.constant 0 : i32
        %scatter3A_760 = arith.constant 0 : i32
        %scatter3A_761 = arith.constant 0 : i32
        %scatter3A_762 = tpu.memref_slice %arg7[%scatter3A_758, %scatter3A_759, %scatter3A_760, %scatter3A_761] : memref<5x8x8x133xf32, #tpu.memory_space<vmem>> -> memref<1x8x8x133xf32, #tpu.memory_space<vmem>>
        %scatter3A_763 = tpu.memref_squeeze %scatter3A_762 : memref<1x8x8x133xf32, #tpu.memory_space<vmem>> -> memref<8x8x133xf32, #tpu.memory_space<vmem>>
        tpu.vector_store_idx %scatter3A_763[%add3A_16, %and3A_5, %add3A_599], %mul3A_615 : memref<8x8x133xf32, #tpu.memory_space<vmem>>[vector<16xi32>, vector<16xi32>, vector<16xi32>], vector<16xf32>,
        %scatter3A_764 = arith.constant 3 : i32
        %scatter3A_765 = arith.constant 0 : i32
        %scatter3A_766 = arith.constant 0 : i32
        %scatter3A_767 = arith.constant 0 : i32
        %scatter3A_768 = tpu.memref_slice %arg7[%scatter3A_764, %scatter3A_765, %scatter3A_766, %scatter3A_767] : memref<5x8x8x133xf32, #tpu.memory_space<vmem>> -> memref<1x8x8x133xf32, #tpu.memory_space<vmem>>
        %scatter3A_769 = tpu.memref_squeeze %scatter3A_768 : memref<1x8x8x133xf32, #tpu.memory_space<vmem>> -> memref<8x8x133xf32, #tpu.memory_space<vmem>>
        tpu.vector_store_idx %scatter3A_769[%add3A_22, %and3A_5, %add3A_599], %mul3A_623 : memref<8x8x133xf32, #tpu.memory_space<vmem>>[vector<16xi32>, vector<16xi32>, vector<16xi32>], vector<16xf32>,
        %scatter3A_770 = arith.constant 3 : i32
        %scatter3A_771 = arith.constant 0 : i32
        %scatter3A_772 = arith.constant 0 : i32
        %scatter3A_773 = arith.constant 0 : i32
        %scatter3A_774 = tpu.memref_slice %arg7[%scatter3A_770, %scatter3A_771, %scatter3A_772, %scatter3A_773] : memref<5x8x8x133xf32, #tpu.memory_space<vmem>> -> memref<1x8x8x133xf32, #tpu.memory_space<vmem>>
        %scatter3A_775 = tpu.memref_squeeze %scatter3A_774 : memref<1x8x8x133xf32, #tpu.memory_space<vmem>> -> memref<8x8x133xf32, #tpu.memory_space<vmem>>
        tpu.vector_store_idx %scatter3A_775[%add3A_28, %and3A_5, %add3A_599], %mul3A_631 : memref<8x8x133xf32, #tpu.memory_space<vmem>>[vector<16xi32>, vector<16xi32>, vector<16xi32>], vector<16xf32>,
        %add3A_776 = arith.constant 6 : i32
        %add3A_777 = arith.addi %mul3A_465, %add3A_776 : i32
        %add3A_778 = vector.broadcast %add3A_777 : i32 to vector<16xi32>
        %add3A_779 = arith.addi %broadcast_in_dim3A_3, %add3A_778 : vector<16xi32>
        %get3A_780 = arith.constant 3 : i32
        %get3A_781 = arith.index_cast %get3A_780 : i32 to index
        %get3A_782 = arith.index_cast %add3A_777 : i32 to index
        %get3A_783 = arith.constant 0 : index
        %get3A_784 = tpu.vector_load %arg6[%get3A_781, %get3A_782, %get3A_783] {strides = array<i32>} : memref<5x128x64xf32, #tpu.memory_space<vmem>>, vector<16xf32>,
        %mul3A_785 = arith.constant 8.000000e+00 : f32
        %mul3A_786 = vector.broadcast %mul3A_785 : f32 to vector<16xf32>
        %mul3A_787 = arith.mulf %get3A_784, %mul3A_786 : vector<16xf32>
        %get3A_788 = arith.constant 3 : i32
        %get3A_789 = arith.index_cast %get3A_788 : i32 to index
        %get3A_790 = arith.index_cast %add3A_777 : i32 to index
        %get3A_791 = arith.constant 16 : index
        %get3A_792 = tpu.vector_load %arg6[%get3A_789, %get3A_790, %get3A_791] {strides = array<i32>} : memref<5x128x64xf32, #tpu.memory_space<vmem>>, vector<16xf32>,
        %mul3A_793 = arith.constant 8.000000e+00 : f32
        %mul3A_794 = vector.broadcast %mul3A_793 : f32 to vector<16xf32>
        %mul3A_795 = arith.mulf %get3A_792, %mul3A_794 : vector<16xf32>
        %get3A_796 = arith.constant 3 : i32
        %get3A_797 = arith.index_cast %get3A_796 : i32 to index
        %get3A_798 = arith.index_cast %add3A_777 : i32 to index
        %get3A_799 = arith.constant 32 : index
        %get3A_800 = tpu.vector_load %arg6[%get3A_797, %get3A_798, %get3A_799] {strides = array<i32>} : memref<5x128x64xf32, #tpu.memory_space<vmem>>, vector<16xf32>,
        %mul3A_801 = arith.constant 8.000000e+00 : f32
        %mul3A_802 = vector.broadcast %mul3A_801 : f32 to vector<16xf32>
        %mul3A_803 = arith.mulf %get3A_800, %mul3A_802 : vector<16xf32>
        %get3A_804 = arith.constant 3 : i32
        %get3A_805 = arith.index_cast %get3A_804 : i32 to index
        %get3A_806 = arith.index_cast %add3A_777 : i32 to index
        %get3A_807 = arith.constant 48 : index
        %get3A_808 = tpu.vector_load %arg6[%get3A_805, %get3A_806, %get3A_807] {strides = array<i32>} : memref<5x128x64xf32, #tpu.memory_space<vmem>>, vector<16xf32>,
        %mul3A_809 = arith.constant 8.000000e+00 : f32
        %mul3A_810 = vector.broadcast %mul3A_809 : f32 to vector<16xf32>
        %mul3A_811 = arith.mulf %get3A_808, %mul3A_810 : vector<16xf32>
        %scatter3A_812 = arith.constant 3 : i32
        %scatter3A_813 = arith.constant 0 : i32
        %scatter3A_814 = arith.constant 0 : i32
        %scatter3A_815 = arith.constant 0 : i32
        %scatter3A_816 = tpu.memref_slice %arg7[%scatter3A_812, %scatter3A_813, %scatter3A_814, %scatter3A_815] : memref<5x8x8x133xf32, #tpu.memory_space<vmem>> -> memref<1x8x8x133xf32, #tpu.memory_space<vmem>>
        %scatter3A_817 = tpu.memref_squeeze %scatter3A_816 : memref<1x8x8x133xf32, #tpu.memory_space<vmem>> -> memref<8x8x133xf32, #tpu.memory_space<vmem>>
        tpu.vector_store_idx %scatter3A_817[%add3A_10, %and3A_5, %add3A_659], %mul3A_667 : memref<8x8x133xf32, #tpu.memory_space<vmem>>[vector<16xi32>, vector<16xi32>, vector<16xi32>], vector<16xf32>,
        %scatter3A_818 = arith.constant 3 : i32
        %scatter3A_819 = arith.constant 0 : i32
        %scatter3A_820 = arith.constant 0 : i32
        %scatter3A_821 = arith.constant 0 : i32
        %scatter3A_822 = tpu.memref_slice %arg7[%scatter3A_818, %scatter3A_819, %scatter3A_820, %scatter3A_821] : memref<5x8x8x133xf32, #tpu.memory_space<vmem>> -> memref<1x8x8x133xf32, #tpu.memory_space<vmem>>
        %scatter3A_823 = tpu.memref_squeeze %scatter3A_822 : memref<1x8x8x133xf32, #tpu.memory_space<vmem>> -> memref<8x8x133xf32, #tpu.memory_space<vmem>>
        tpu.vector_store_idx %scatter3A_823[%add3A_16, %and3A_5, %add3A_659], %mul3A_675 : memref<8x8x133xf32, #tpu.memory_space<vmem>>[vector<16xi32>, vector<16xi32>, vector<16xi32>], vector<16xf32>,
        %scatter3A_824 = arith.constant 3 : i32
        %scatter3A_825 = arith.constant 0 : i32
        %scatter3A_826 = arith.constant 0 : i32
        %scatter3A_827 = arith.constant 0 : i32
        %scatter3A_828 = tpu.memref_slice %arg7[%scatter3A_824, %scatter3A_825, %scatter3A_826, %scatter3A_827] : memref<5x8x8x133xf32, #tpu.memory_space<vmem>> -> memref<1x8x8x133xf32, #tpu.memory_space<vmem>>
        %scatter3A_829 = tpu.memref_squeeze %scatter3A_828 : memref<1x8x8x133xf32, #tpu.memory_space<vmem>> -> memref<8x8x133xf32, #tpu.memory_space<vmem>>
        tpu.vector_store_idx %scatter3A_829[%add3A_22, %and3A_5, %add3A_659], %mul3A_683 : memref<8x8x133xf32, #tpu.memory_space<vmem>>[vector<16xi32>, vector<16xi32>, vector<16xi32>], vector<16xf32>,
        %scatter3A_830 = arith.constant 3 : i32
        %scatter3A_831 = arith.constant 0 : i32
        %scatter3A_832 = arith.constant 0 : i32
        %scatter3A_833 = arith.constant 0 : i32
        %scatter3A_834 = tpu.memref_slice %arg7[%scatter3A_830, %scatter3A_831, %scatter3A_832, %scatter3A_833] : memref<5x8x8x133xf32, #tpu.memory_space<vmem>> -> memref<1x8x8x133xf32, #tpu.memory_space<vmem>>
        %scatter3A_835 = tpu.memref_squeeze %scatter3A_834 : memref<1x8x8x133xf32, #tpu.memory_space<vmem>> -> memref<8x8x133xf32, #tpu.memory_space<vmem>>
        tpu.vector_store_idx %scatter3A_835[%add3A_28, %and3A_5, %add3A_659], %mul3A_691 : memref<8x8x133xf32, #tpu.memory_space<vmem>>[vector<16xi32>, vector<16xi32>, vector<16xi32>], vector<16xf32>,
        %add3A_836 = arith.constant 7 : i32
        %add3A_837 = arith.addi %mul3A_465, %add3A_836 : i32
        %add3A_838 = vector.broadcast %add3A_837 : i32 to vector<16xi32>
        %add3A_839 = arith.addi %broadcast_in_dim3A_3, %add3A_838 : vector<16xi32>
        %get3A_840 = arith.constant 3 : i32
        %get3A_841 = arith.index_cast %get3A_840 : i32 to index
        %get3A_842 = arith.index_cast %add3A_837 : i32 to index
        %get3A_843 = arith.constant 0 : index
        %get3A_844 = tpu.vector_load %arg6[%get3A_841, %get3A_842, %get3A_843] {strides = array<i32>} : memref<5x128x64xf32, #tpu.memory_space<vmem>>, vector<16xf32>,
        %mul3A_845 = arith.constant 8.000000e+00 : f32
        %mul3A_846 = vector.broadcast %mul3A_845 : f32 to vector<16xf32>
        %mul3A_847 = arith.mulf %get3A_844, %mul3A_846 : vector<16xf32>
        %get3A_848 = arith.constant 3 : i32
        %get3A_849 = arith.index_cast %get3A_848 : i32 to index
        %get3A_850 = arith.index_cast %add3A_837 : i32 to index
        %get3A_851 = arith.constant 16 : index
        %get3A_852 = tpu.vector_load %arg6[%get3A_849, %get3A_850, %get3A_851] {strides = array<i32>} : memref<5x128x64xf32, #tpu.memory_space<vmem>>, vector<16xf32>,
        %mul3A_853 = arith.constant 8.000000e+00 : f32
        %mul3A_854 = vector.broadcast %mul3A_853 : f32 to vector<16xf32>
        %mul3A_855 = arith.mulf %get3A_852, %mul3A_854 : vector<16xf32>
        %get3A_856 = arith.constant 3 : i32
        %get3A_857 = arith.index_cast %get3A_856 : i32 to index
        %get3A_858 = arith.index_cast %add3A_837 : i32 to index
        %get3A_859 = arith.constant 32 : index
        %get3A_860 = tpu.vector_load %arg6[%get3A_857, %get3A_858, %get3A_859] {strides = array<i32>} : memref<5x128x64xf32, #tpu.memory_space<vmem>>, vector<16xf32>,
        %mul3A_861 = arith.constant 8.000000e+00 : f32
        %mul3A_862 = vector.broadcast %mul3A_861 : f32 to vector<16xf32>
        %mul3A_863 = arith.mulf %get3A_860, %mul3A_862 : vector<16xf32>
        %get3A_864 = arith.constant 3 : i32
        %get3A_865 = arith.index_cast %get3A_864 : i32 to index
        %get3A_866 = arith.index_cast %add3A_837 : i32 to index
        %get3A_867 = arith.constant 48 : index
        %get3A_868 = tpu.vector_load %arg6[%get3A_865, %get3A_866, %get3A_867] {strides = array<i32>} : memref<5x128x64xf32, #tpu.memory_space<vmem>>, vector<16xf32>,
        %mul3A_869 = arith.constant 8.000000e+00 : f32
        %mul3A_870 = vector.broadcast %mul3A_869 : f32 to vector<16xf32>
        %mul3A_871 = arith.mulf %get3A_868, %mul3A_870 : vector<16xf32>
        %scatter3A_872 = arith.constant 3 : i32
        %scatter3A_873 = arith.constant 0 : i32
        %scatter3A_874 = arith.constant 0 : i32
        %scatter3A_875 = arith.constant 0 : i32
        %scatter3A_876 = tpu.memref_slice %arg7[%scatter3A_872, %scatter3A_873, %scatter3A_874, %scatter3A_875] : memref<5x8x8x133xf32, #tpu.memory_space<vmem>> -> memref<1x8x8x133xf32, #tpu.memory_space<vmem>>
        %scatter3A_877 = tpu.memref_squeeze %scatter3A_876 : memref<1x8x8x133xf32, #tpu.memory_space<vmem>> -> memref<8x8x133xf32, #tpu.memory_space<vmem>>
        tpu.vector_store_idx %scatter3A_877[%add3A_10, %and3A_5, %add3A_719], %mul3A_727 : memref<8x8x133xf32, #tpu.memory_space<vmem>>[vector<16xi32>, vector<16xi32>, vector<16xi32>], vector<16xf32>,
        %scatter3A_878 = arith.constant 3 : i32
        %scatter3A_879 = arith.constant 0 : i32
        %scatter3A_880 = arith.constant 0 : i32
        %scatter3A_881 = arith.constant 0 : i32
        %scatter3A_882 = tpu.memref_slice %arg7[%scatter3A_878, %scatter3A_879, %scatter3A_880, %scatter3A_881] : memref<5x8x8x133xf32, #tpu.memory_space<vmem>> -> memref<1x8x8x133xf32, #tpu.memory_space<vmem>>
        %scatter3A_883 = tpu.memref_squeeze %scatter3A_882 : memref<1x8x8x133xf32, #tpu.memory_space<vmem>> -> memref<8x8x133xf32, #tpu.memory_space<vmem>>
        tpu.vector_store_idx %scatter3A_883[%add3A_16, %and3A_5, %add3A_719], %mul3A_735 : memref<8x8x133xf32, #tpu.memory_space<vmem>>[vector<16xi32>, vector<16xi32>, vector<16xi32>], vector<16xf32>,
        %scatter3A_884 = arith.constant 3 : i32
        %scatter3A_885 = arith.constant 0 : i32
        %scatter3A_886 = arith.constant 0 : i32
        %scatter3A_887 = arith.constant 0 : i32
        %scatter3A_888 = tpu.memref_slice %arg7[%scatter3A_884, %scatter3A_885, %scatter3A_886, %scatter3A_887] : memref<5x8x8x133xf32, #tpu.memory_space<vmem>> -> memref<1x8x8x133xf32, #tpu.memory_space<vmem>>
        %scatter3A_889 = tpu.memref_squeeze %scatter3A_888 : memref<1x8x8x133xf32, #tpu.memory_space<vmem>> -> memref<8x8x133xf32, #tpu.memory_space<vmem>>
        tpu.vector_store_idx %scatter3A_889[%add3A_22, %and3A_5, %add3A_719], %mul3A_743 : memref<8x8x133xf32, #tpu.memory_space<vmem>>[vector<16xi32>, vector<16xi32>, vector<16xi32>], vector<16xf32>,
        %scatter3A_890 = arith.constant 3 : i32
        %scatter3A_891 = arith.constant 0 : i32
        %scatter3A_892 = arith.constant 0 : i32
        %scatter3A_893 = arith.constant 0 : i32
        %scatter3A_894 = tpu.memref_slice %arg7[%scatter3A_890, %scatter3A_891, %scatter3A_892, %scatter3A_893] : memref<5x8x8x133xf32, #tpu.memory_space<vmem>> -> memref<1x8x8x133xf32, #tpu.memory_space<vmem>>
        %scatter3A_895 = tpu.memref_squeeze %scatter3A_894 : memref<1x8x8x133xf32, #tpu.memory_space<vmem>> -> memref<8x8x133xf32, #tpu.memory_space<vmem>>
        tpu.vector_store_idx %scatter3A_895[%add3A_28, %and3A_5, %add3A_719], %mul3A_751 : memref<8x8x133xf32, #tpu.memory_space<vmem>>[vector<16xi32>, vector<16xi32>, vector<16xi32>], vector<16xf32>,
        %scatter3A_896 = arith.constant 3 : i32
        %scatter3A_897 = arith.constant 0 : i32
        %scatter3A_898 = arith.constant 0 : i32
        %scatter3A_899 = arith.constant 0 : i32
        %scatter3A_900 = tpu.memref_slice %arg7[%scatter3A_896, %scatter3A_897, %scatter3A_898, %scatter3A_899] : memref<5x8x8x133xf32, #tpu.memory_space<vmem>> -> memref<1x8x8x133xf32, #tpu.memory_space<vmem>>
        %scatter3A_901 = tpu.memref_squeeze %scatter3A_900 : memref<1x8x8x133xf32, #tpu.memory_space<vmem>> -> memref<8x8x133xf32, #tpu.memory_space<vmem>>
        tpu.vector_store_idx %scatter3A_901[%add3A_10, %and3A_5, %add3A_779], %mul3A_787 : memref<8x8x133xf32, #tpu.memory_space<vmem>>[vector<16xi32>, vector<16xi32>, vector<16xi32>], vector<16xf32>,
        %scatter3A_902 = arith.constant 3 : i32
        %scatter3A_903 = arith.constant 0 : i32
        %scatter3A_904 = arith.constant 0 : i32
        %scatter3A_905 = arith.constant 0 : i32
        %scatter3A_906 = tpu.memref_slice %arg7[%scatter3A_902, %scatter3A_903, %scatter3A_904, %scatter3A_905] : memref<5x8x8x133xf32, #tpu.memory_space<vmem>> -> memref<1x8x8x133xf32, #tpu.memory_space<vmem>>
        %scatter3A_907 = tpu.memref_squeeze %scatter3A_906 : memref<1x8x8x133xf32, #tpu.memory_space<vmem>> -> memref<8x8x133xf32, #tpu.memory_space<vmem>>
        tpu.vector_store_idx %scatter3A_907[%add3A_16, %and3A_5, %add3A_779], %mul3A_795 : memref<8x8x133xf32, #tpu.memory_space<vmem>>[vector<16xi32>, vector<16xi32>, vector<16xi32>], vector<16xf32>,
        %scatter3A_908 = arith.constant 3 : i32
        %scatter3A_909 = arith.constant 0 : i32
        %scatter3A_910 = arith.constant 0 : i32
        %scatter3A_911 = arith.constant 0 : i32
        %scatter3A_912 = tpu.memref_slice %arg7[%scatter3A_908, %scatter3A_909, %scatter3A_910, %scatter3A_911] : memref<5x8x8x133xf32, #tpu.memory_space<vmem>> -> memref<1x8x8x133xf32, #tpu.memory_space<vmem>>
        %scatter3A_913 = tpu.memref_squeeze %scatter3A_912 : memref<1x8x8x133xf32, #tpu.memory_space<vmem>> -> memref<8x8x133xf32, #tpu.memory_space<vmem>>
        tpu.vector_store_idx %scatter3A_913[%add3A_22, %and3A_5, %add3A_779], %mul3A_803 : memref<8x8x133xf32, #tpu.memory_space<vmem>>[vector<16xi32>, vector<16xi32>, vector<16xi32>], vector<16xf32>,
        %scatter3A_914 = arith.constant 3 : i32
        %scatter3A_915 = arith.constant 0 : i32
        %scatter3A_916 = arith.constant 0 : i32
        %scatter3A_917 = arith.constant 0 : i32
        %scatter3A_918 = tpu.memref_slice %arg7[%scatter3A_914, %scatter3A_915, %scatter3A_916, %scatter3A_917] : memref<5x8x8x133xf32, #tpu.memory_space<vmem>> -> memref<1x8x8x133xf32, #tpu.memory_space<vmem>>
        %scatter3A_919 = tpu.memref_squeeze %scatter3A_918 : memref<1x8x8x133xf32, #tpu.memory_space<vmem>> -> memref<8x8x133xf32, #tpu.memory_space<vmem>>
        tpu.vector_store_idx %scatter3A_919[%add3A_28, %and3A_5, %add3A_779], %mul3A_811 : memref<8x8x133xf32, #tpu.memory_space<vmem>>[vector<16xi32>, vector<16xi32>, vector<16xi32>], vector<16xf32>,
        %scatter3A_920 = arith.constant 3 : i32
        %scatter3A_921 = arith.constant 0 : i32
        %scatter3A_922 = arith.constant 0 : i32
        %scatter3A_923 = arith.constant 0 : i32
        %scatter3A_924 = tpu.memref_slice %arg7[%scatter3A_920, %scatter3A_921, %scatter3A_922, %scatter3A_923] : memref<5x8x8x133xf32, #tpu.memory_space<vmem>> -> memref<1x8x8x133xf32, #tpu.memory_space<vmem>>
        %scatter3A_925 = tpu.memref_squeeze %scatter3A_924 : memref<1x8x8x133xf32, #tpu.memory_space<vmem>> -> memref<8x8x133xf32, #tpu.memory_space<vmem>>
        tpu.vector_store_idx %scatter3A_925[%add3A_10, %and3A_5, %add3A_839], %mul3A_847 : memref<8x8x133xf32, #tpu.memory_space<vmem>>[vector<16xi32>, vector<16xi32>, vector<16xi32>], vector<16xf32>,
        %scatter3A_926 = arith.constant 3 : i32
        %scatter3A_927 = arith.constant 0 : i32
        %scatter3A_928 = arith.constant 0 : i32
        %scatter3A_929 = arith.constant 0 : i32
        %scatter3A_930 = tpu.memref_slice %arg7[%scatter3A_926, %scatter3A_927, %scatter3A_928, %scatter3A_929] : memref<5x8x8x133xf32, #tpu.memory_space<vmem>> -> memref<1x8x8x133xf32, #tpu.memory_space<vmem>>
        %scatter3A_931 = tpu.memref_squeeze %scatter3A_930 : memref<1x8x8x133xf32, #tpu.memory_space<vmem>> -> memref<8x8x133xf32, #tpu.memory_space<vmem>>
        tpu.vector_store_idx %scatter3A_931[%add3A_16, %and3A_5, %add3A_839], %mul3A_855 : memref<8x8x133xf32, #tpu.memory_space<vmem>>[vector<16xi32>, vector<16xi32>, vector<16xi32>], vector<16xf32>,
        %scatter3A_932 = arith.constant 3 : i32
        %scatter3A_933 = arith.constant 0 : i32
        %scatter3A_934 = arith.constant 0 : i32
        %scatter3A_935 = arith.constant 0 : i32
        %scatter3A_936 = tpu.memref_slice %arg7[%scatter3A_932, %scatter3A_933, %scatter3A_934, %scatter3A_935] : memref<5x8x8x133xf32, #tpu.memory_space<vmem>> -> memref<1x8x8x133xf32, #tpu.memory_space<vmem>>
        %scatter3A_937 = tpu.memref_squeeze %scatter3A_936 : memref<1x8x8x133xf32, #tpu.memory_space<vmem>> -> memref<8x8x133xf32, #tpu.memory_space<vmem>>
        tpu.vector_store_idx %scatter3A_937[%add3A_22, %and3A_5, %add3A_839], %mul3A_863 : memref<8x8x133xf32, #tpu.memory_space<vmem>>[vector<16xi32>, vector<16xi32>, vector<16xi32>], vector<16xf32>,
        %scatter3A_938 = arith.constant 3 : i32
        %scatter3A_939 = arith.constant 0 : i32
        %scatter3A_940 = arith.constant 0 : i32
        %scatter3A_941 = arith.constant 0 : i32
        %scatter3A_942 = tpu.memref_slice %arg7[%scatter3A_938, %scatter3A_939, %scatter3A_940, %scatter3A_941] : memref<5x8x8x133xf32, #tpu.memory_space<vmem>> -> memref<1x8x8x133xf32, #tpu.memory_space<vmem>>
        %scatter3A_943 = tpu.memref_squeeze %scatter3A_942 : memref<1x8x8x133xf32, #tpu.memory_space<vmem>> -> memref<8x8x133xf32, #tpu.memory_space<vmem>>
        tpu.vector_store_idx %scatter3A_943[%add3A_28, %and3A_5, %add3A_839], %mul3A_871 : memref<8x8x133xf32, #tpu.memory_space<vmem>>[vector<16xi32>, vector<16xi32>, vector<16xi32>], vector<16xf32>,
      }
      %scan3A_379 = arith.constant 16 : i32
      %dma_start3A_380 = arith.constant 3 : i32
      %dma_start3A_381 = arith.constant 0 : i32
      %dma_start3A_382 = arith.constant 0 : i32
      %dma_start3A_383 = arith.constant 0 : i32
      %dma_start3A_384 = tpu.memref_slice %arg7[%dma_start3A_380, %dma_start3A_381, %dma_start3A_382, %dma_start3A_383] : memref<5x8x8x133xf32, #tpu.memory_space<vmem>> -> memref<1x8x8x128xf32, #tpu.memory_space<vmem>>
      %dma_start3A_385 = tpu.memref_squeeze %dma_start3A_384 : memref<1x8x8x128xf32, #tpu.memory_space<vmem>> -> memref<8x8x128xf32, #tpu.memory_space<vmem>>
      %dma_start3A_386 = arith.constant 0 : i32
      %dma_start3A_387 = arith.constant 0 : i32
      %dma_start3A_388 = arith.constant 0 : i32
      %dma_start3A_389 = tpu.memref_slice %arg4[%add3A_358, %dma_start3A_386, %add3A, %dma_start3A_387, %dma_start3A_388] : memref<200x8x32x8x128xf32, #tpu.memory_space<hbm>> -> memref<1x8x1x8x128xf32, #tpu.memory_space<hbm>>
      %dma_start3A_390 = tpu.memref_squeeze %dma_start3A_389 : memref<1x8x1x8x128xf32, #tpu.memory_space<hbm>> -> memref<8x8x128xf32, #tpu.memory_space<hbm>>
      %dma_start3A_391 = arith.constant 0 : i32
      %dma_start3A_392 = arith.constant 0 : i32
      %dma_start3A_393 = arith.constant 0 : i32
      %dma_start3A_394 = tpu.memref_slice %arg4[%add3A_358, %dma_start3A_391, %add3A, %dma_start3A_392, %dma_start3A_393] : memref<200x8x32x8x128xf32, #tpu.memory_space<hbm>> -> memref<1x8x1x8x128xf32, #tpu.memory_space<hbm>>
      %dma_start3A_395 = tpu.memref_squeeze %dma_start3A_394 : memref<1x8x1x8x128xf32, #tpu.memory_space<hbm>> -> memref<8x8x128xf32, #tpu.memory_space<hbm>>
      %dma_start3A_396 = arith.constant 0 : i32
      %dma_start3A_397 = arith.constant 0 : i32
      %dma_start3A_398 = arith.constant 0 : i32
      %dma_start3A_399 = tpu.memref_slice %arg7[%dma_start3A_380, %dma_start3A_396, %dma_start3A_397, %dma_start3A_398] : memref<5x8x8x133xf32, #tpu.memory_space<vmem>> -> memref<1x8x8x128xf32, #tpu.memory_space<vmem>>
      %dma_start3A_400 = tpu.memref_squeeze %dma_start3A_399 : memref<1x8x8x128xf32, #tpu.memory_space<vmem>> -> memref<8x8x128xf32, #tpu.memory_space<vmem>>
      tpu.enqueue_dma source(%dma_start3A_400 : memref<8x8x128xf32, #tpu.memory_space<vmem>>) target(%dma_start3A_395 : memref<8x8x128xf32, #tpu.memory_space<hbm>>) target_semaphore(%arg9 : memref<!tpu.dma_semaphore, #tpu.memory_space<semaphore_mem>>)
      %add3A_401 = arith.constant 5 : i32
      %add3A_402 = arith.addi %add3A_358, %add3A_401 : i32
      %lt3A_403 = arith.constant 200 : i32
      %lt3A_404 = arith.cmpi slt, %add3A_402, %lt3A_403 : i32
      %convert_element_type3A_405 = arith.extui %lt3A_404 : i1 to i32
      %cond3A_406 = arith.constant 0 : i32
      %cond3A_407 = arith.cmpi ne, %convert_element_type3A_405, %cond3A_406 : i32
      scf.if %cond3A_407 {
        %add3A_459 = arith.constant 5 : i32
        %add3A_460 = arith.addi %add3A_358, %add3A_459 : i32
        %dma_start3A_461 = arith.constant 3 : i32
        %dma_start3A_462 = arith.constant 0 : i32
        %dma_start3A_463 = arith.constant 0 : i32
        %dma_start3A_464 = tpu.memref_slice %arg6[%dma_start3A_461, %dma_start3A_462, %dma_start3A_463] : memref<5x128x64xf32, #tpu.memory_space<vmem>> -> memref<1x128x64xf32, #tpu.memory_space<vmem>>
        %dma_start3A_465 = tpu.memref_squeeze %dma_start3A_464 : memref<1x128x64xf32, #tpu.memory_space<vmem>> -> memref<128x64xf32, #tpu.memory_space<vmem>>
        %dma_start3A_466 = arith.constant 0 : i32
        %dma_start3A_467 = tpu.memref_slice %arg5[%add3A_460, %dma_start3A_466] : memref<200x128xi32, #tpu.memory_space<vmem>> -> memref<1x128xi32, #tpu.memory_space<vmem>>
        %dma_start3A_468 = tpu.memref_squeeze %dma_start3A_467 : memref<1x128xi32, #tpu.memory_space<vmem>> -> memref<128xi32, #tpu.memory_space<vmem>>
        %dma_start3A_469 = arith.constant 0 : i32
        %dma_start3A_470 = arith.constant 0 : i32
        %dma_start3A_471 = tpu.memref_slice %arg3[%dma_start3A_469, %dma_start3A_470] : memref<100000x64xf32, #tpu.memory_space<hbm>> -> memref<100000x64xf32, #tpu.memory_space<hbm>>
        tpu.enqueue_indirect_dma source(%dma_start3A_471 : memref<100000x64xf32, #tpu.memory_space<hbm>>) target(%dma_start3A_465 : memref<128x64xf32, #tpu.memory_space<vmem>>) offsets(%dma_start3A_468 : memref<128xi32, #tpu.memory_space<vmem>>) semaphore(%arg8 : memref<!tpu.dma_semaphore, #tpu.memory_space<semaphore_mem>>)
      } else {
      }
      %add3A_408 = arith.constant 4 : i32
      %add3A_409 = arith.addi %mul3A_207, %add3A_408 : i32
      %dma_wait3A_410 = arith.constant 4 : i32
      %dma_wait3A_411 = arith.constant 0 : i32
      %dma_wait3A_412 = arith.constant 0 : i32
      %dma_wait3A_413 = tpu.memref_slice %arg6[%dma_wait3A_410, %dma_wait3A_411, %dma_wait3A_412] : memref<5x128x64xf32, #tpu.memory_space<vmem>> -> memref<1x128x64xf32, #tpu.memory_space<vmem>>
      %dma_wait3A_414 = tpu.memref_squeeze %dma_wait3A_413 : memref<1x128x64xf32, #tpu.memory_space<vmem>> -> memref<128x64xf32, #tpu.memory_space<vmem>>
      %dma_wait3A_415 = arith.constant 0 : i32
      %dma_wait3A_416 = tpu.memref_slice %arg5[%add3A_409, %dma_wait3A_415] : memref<200x128xi32, #tpu.memory_space<vmem>> -> memref<1x128xi32, #tpu.memory_space<vmem>>
      %dma_wait3A_417 = tpu.memref_squeeze %dma_wait3A_416 : memref<1x128xi32, #tpu.memory_space<vmem>> -> memref<128xi32, #tpu.memory_space<vmem>>
      %dma_wait3A_418 = arith.constant 0 : i32
      %dma_wait3A_419 = arith.constant 0 : i32
      %dma_wait3A_420 = tpu.memref_slice %arg3[%dma_wait3A_418, %dma_wait3A_419] : memref<100000x64xf32, #tpu.memory_space<hbm>> -> memref<100000x64xf32, #tpu.memory_space<hbm>>
      tpu.wait_indirect_dma semaphore(%arg8 : memref<!tpu.dma_semaphore, #tpu.memory_space<semaphore_mem>>) src(%dma_wait3A_420 : memref<100000x64xf32, #tpu.memory_space<hbm>>) dst(%dma_wait3A_414 : memref<128x64xf32, #tpu.memory_space<vmem>>)
      %ge3A_421 = arith.constant 5 : i32
      %ge3A_422 = arith.cmpi sge, %add3A_409, %ge3A_421 : i32
      %convert_element_type3A_423 = arith.extui %ge3A_422 : i1 to i32
      %cond3A_424 = arith.constant 0 : i32
      %cond3A_425 = arith.cmpi ne, %convert_element_type3A_423, %cond3A_424 : i32
      scf.if %cond3A_425 {
        %sub3A = arith.constant 5 : i32
        %sub3A_459 = arith.subi %add3A_409, %sub3A : i32
        %max3A = arith.constant 0 : i32
        %max3A_460 = arith.maxsi %sub3A_459, %max3A : i32
        %dma_wait3A_461 = arith.constant 4 : i32
        %dma_wait3A_462 = arith.constant 0 : i32
        %dma_wait3A_463 = arith.constant 0 : i32
        %dma_wait3A_464 = arith.constant 0 : i32
        %dma_wait3A_465 = tpu.memref_slice %arg7[%dma_wait3A_461, %dma_wait3A_462, %dma_wait3A_463, %dma_wait3A_464] : memref<5x8x8x133xf32, #tpu.memory_space<vmem>> -> memref<1x8x8x128xf32, #tpu.memory_space<vmem>>
        %dma_wait3A_466 = tpu.memref_squeeze %dma_wait3A_465 : memref<1x8x8x128xf32, #tpu.memory_space<vmem>> -> memref<8x8x128xf32, #tpu.memory_space<vmem>>
        %dma_wait3A_467 = arith.constant 0 : i32
        %dma_wait3A_468 = arith.constant 0 : i32
        %dma_wait3A_469 = arith.constant 0 : i32
        %dma_wait3A_470 = tpu.memref_slice %arg4[%max3A_460, %dma_wait3A_467, %add3A, %dma_wait3A_468, %dma_wait3A_469] : memref<200x8x32x8x128xf32, #tpu.memory_space<hbm>> -> memref<1x8x1x8x128xf32, #tpu.memory_space<hbm>>
        %dma_wait3A_471 = tpu.memref_squeeze %dma_wait3A_470 : memref<1x8x1x8x128xf32, #tpu.memory_space<hbm>> -> memref<8x8x128xf32, #tpu.memory_space<hbm>>
        %dma_wait3A_472 = arith.constant 0 : i32
        %dma_wait3A_473 = arith.constant 0 : i32
        %dma_wait3A_474 = arith.constant 0 : i32
        %dma_wait3A_475 = tpu.memref_slice %arg4[%max3A_460, %dma_wait3A_472, %add3A, %dma_wait3A_473, %dma_wait3A_474] : memref<200x8x32x8x128xf32, #tpu.memory_space<hbm>> -> memref<1x8x1x8x128xf32, #tpu.memory_space<hbm>>
        %dma_wait3A_476 = tpu.memref_squeeze %dma_wait3A_475 : memref<1x8x1x8x128xf32, #tpu.memory_space<hbm>> -> memref<8x8x128xf32, #tpu.memory_space<hbm>>
        %dma_wait3A_477 = arith.constant 0 : i32
        %dma_wait3A_478 = arith.constant 0 : i32
        %dma_wait3A_479 = arith.constant 0 : i32
        %dma_wait3A_480 = tpu.memref_slice %arg7[%dma_wait3A_461, %dma_wait3A_477, %dma_wait3A_478, %dma_wait3A_479] : memref<5x8x8x133xf32, #tpu.memory_space<vmem>> -> memref<1x8x8x128xf32, #tpu.memory_space<vmem>>
        %dma_wait3A_481 = tpu.memref_squeeze %dma_wait3A_480 : memref<1x8x8x128xf32, #tpu.memory_space<vmem>> -> memref<8x8x128xf32, #tpu.memory_space<vmem>>
        tpu.wait_dma2 semaphore(%arg9 : memref<!tpu.dma_semaphore, #tpu.memory_space<semaphore_mem>>) src(%dma_wait3A_481 : memref<8x8x128xf32, #tpu.memory_space<vmem>>) dst(%dma_wait3A_476 : memref<8x8x128xf32, #tpu.memory_space<hbm>>)
      } else {
      }
      %scan3A_426 = arith.constant 0 : i32
      %scan3A_427 = arith.constant 16 : i32
      %scan3A_428 = arith.addi %scan3A_426, %scan3A_427 : i32
      %scan3A_429 = arith.constant 1 : i32
      scf.for %scan3A_459 = %scan3A_426 to %scan3A_428 step %scan3A_429  : i32 {
        %mul3A_460 = arith.constant 1 : i32
        %mul3A_461 = arith.muli %scan3A_459, %mul3A_460 : i32
        %add3A_462 = arith.constant 0 : i32
        %add3A_463 = arith.addi %add3A_462, %mul3A_461 : i32
        %mul3A_464 = arith.constant 8 : i32
        %mul3A_465 = arith.muli %add3A_463, %mul3A_464 : i32
        %add3A_466 = arith.constant 0 : i32
        %add3A_467 = arith.addi %mul3A_465, %add3A_466 : i32
        %add3A_468 = vector.broadcast %add3A_467 : i32 to vector<16xi32>
        %add3A_469 = arith.addi %broadcast_in_dim3A_3, %add3A_468 : vector<16xi32>
        %get3A = arith.constant 4 : i32
        %get3A_470 = arith.index_cast %get3A : i32 to index
        %get3A_471 = arith.index_cast %add3A_467 : i32 to index
        %get3A_472 = arith.constant 0 : index
        %get3A_473 = tpu.vector_load %arg6[%get3A_470, %get3A_471, %get3A_472] {strides = array<i32>} : memref<5x128x64xf32, #tpu.memory_space<vmem>>, vector<16xf32>,
        %mul3A_474 = arith.constant 8.000000e+00 : f32
        %mul3A_475 = vector.broadcast %mul3A_474 : f32 to vector<16xf32>
        %mul3A_476 = arith.mulf %get3A_473, %mul3A_475 : vector<16xf32>
        %get3A_477 = arith.constant 4 : i32
        %get3A_478 = arith.index_cast %get3A_477 : i32 to index
        %get3A_479 = arith.index_cast %add3A_467 : i32 to index
        %get3A_480 = arith.constant 16 : index
        %get3A_481 = tpu.vector_load %arg6[%get3A_478, %get3A_479, %get3A_480] {strides = array<i32>} : memref<5x128x64xf32, #tpu.memory_space<vmem>>, vector<16xf32>,
        %mul3A_482 = arith.constant 8.000000e+00 : f32
        %mul3A_483 = vector.broadcast %mul3A_482 : f32 to vector<16xf32>
        %mul3A_484 = arith.mulf %get3A_481, %mul3A_483 : vector<16xf32>
        %get3A_485 = arith.constant 4 : i32
        %get3A_486 = arith.index_cast %get3A_485 : i32 to index
        %get3A_487 = arith.index_cast %add3A_467 : i32 to index
        %get3A_488 = arith.constant 32 : index
        %get3A_489 = tpu.vector_load %arg6[%get3A_486, %get3A_487, %get3A_488] {strides = array<i32>} : memref<5x128x64xf32, #tpu.memory_space<vmem>>, vector<16xf32>,
        %mul3A_490 = arith.constant 8.000000e+00 : f32
        %mul3A_491 = vector.broadcast %mul3A_490 : f32 to vector<16xf32>
        %mul3A_492 = arith.mulf %get3A_489, %mul3A_491 : vector<16xf32>
        %get3A_493 = arith.constant 4 : i32
        %get3A_494 = arith.index_cast %get3A_493 : i32 to index
        %get3A_495 = arith.index_cast %add3A_467 : i32 to index
        %get3A_496 = arith.constant 48 : index
        %get3A_497 = tpu.vector_load %arg6[%get3A_494, %get3A_495, %get3A_496] {strides = array<i32>} : memref<5x128x64xf32, #tpu.memory_space<vmem>>, vector<16xf32>,
        %mul3A_498 = arith.constant 8.000000e+00 : f32
        %mul3A_499 = vector.broadcast %mul3A_498 : f32 to vector<16xf32>
        %mul3A_500 = arith.mulf %get3A_497, %mul3A_499 : vector<16xf32>
        %add3A_501 = arith.constant 1 : i32
        %add3A_502 = arith.addi %mul3A_465, %add3A_501 : i32
        %add3A_503 = vector.broadcast %add3A_502 : i32 to vector<16xi32>
        %add3A_504 = arith.addi %broadcast_in_dim3A_3, %add3A_503 : vector<16xi32>
        %get3A_505 = arith.constant 4 : i32
        %get3A_506 = arith.index_cast %get3A_505 : i32 to index
        %get3A_507 = arith.index_cast %add3A_502 : i32 to index
        %get3A_508 = arith.constant 0 : index
        %get3A_509 = tpu.vector_load %arg6[%get3A_506, %get3A_507, %get3A_508] {strides = array<i32>} : memref<5x128x64xf32, #tpu.memory_space<vmem>>, vector<16xf32>,
        %mul3A_510 = arith.constant 8.000000e+00 : f32
        %mul3A_511 = vector.broadcast %mul3A_510 : f32 to vector<16xf32>
        %mul3A_512 = arith.mulf %get3A_509, %mul3A_511 : vector<16xf32>
        %get3A_513 = arith.constant 4 : i32
        %get3A_514 = arith.index_cast %get3A_513 : i32 to index
        %get3A_515 = arith.index_cast %add3A_502 : i32 to index
        %get3A_516 = arith.constant 16 : index
        %get3A_517 = tpu.vector_load %arg6[%get3A_514, %get3A_515, %get3A_516] {strides = array<i32>} : memref<5x128x64xf32, #tpu.memory_space<vmem>>, vector<16xf32>,
        %mul3A_518 = arith.constant 8.000000e+00 : f32
        %mul3A_519 = vector.broadcast %mul3A_518 : f32 to vector<16xf32>
        %mul3A_520 = arith.mulf %get3A_517, %mul3A_519 : vector<16xf32>
        %get3A_521 = arith.constant 4 : i32
        %get3A_522 = arith.index_cast %get3A_521 : i32 to index
        %get3A_523 = arith.index_cast %add3A_502 : i32 to index
        %get3A_524 = arith.constant 32 : index
        %get3A_525 = tpu.vector_load %arg6[%get3A_522, %get3A_523, %get3A_524] {strides = array<i32>} : memref<5x128x64xf32, #tpu.memory_space<vmem>>, vector<16xf32>,
        %mul3A_526 = arith.constant 8.000000e+00 : f32
        %mul3A_527 = vector.broadcast %mul3A_526 : f32 to vector<16xf32>
        %mul3A_528 = arith.mulf %get3A_525, %mul3A_527 : vector<16xf32>
        %get3A_529 = arith.constant 4 : i32
        %get3A_530 = arith.index_cast %get3A_529 : i32 to index
        %get3A_531 = arith.index_cast %add3A_502 : i32 to index
        %get3A_532 = arith.constant 48 : index
        %get3A_533 = tpu.vector_load %arg6[%get3A_530, %get3A_531, %get3A_532] {strides = array<i32>} : memref<5x128x64xf32, #tpu.memory_space<vmem>>, vector<16xf32>,
        %mul3A_534 = arith.constant 8.000000e+00 : f32
        %mul3A_535 = vector.broadcast %mul3A_534 : f32 to vector<16xf32>
        %mul3A_536 = arith.mulf %get3A_533, %mul3A_535 : vector<16xf32>
        %add3A_537 = arith.constant 2 : i32
        %add3A_538 = arith.addi %mul3A_465, %add3A_537 : i32
        %add3A_539 = vector.broadcast %add3A_538 : i32 to vector<16xi32>
        %add3A_540 = arith.addi %broadcast_in_dim3A_3, %add3A_539 : vector<16xi32>
        %get3A_541 = arith.constant 4 : i32
        %get3A_542 = arith.index_cast %get3A_541 : i32 to index
        %get3A_543 = arith.index_cast %add3A_538 : i32 to index
        %get3A_544 = arith.constant 0 : index
        %get3A_545 = tpu.vector_load %arg6[%get3A_542, %get3A_543, %get3A_544] {strides = array<i32>} : memref<5x128x64xf32, #tpu.memory_space<vmem>>, vector<16xf32>,
        %mul3A_546 = arith.constant 8.000000e+00 : f32
        %mul3A_547 = vector.broadcast %mul3A_546 : f32 to vector<16xf32>
        %mul3A_548 = arith.mulf %get3A_545, %mul3A_547 : vector<16xf32>
        %get3A_549 = arith.constant 4 : i32
        %get3A_550 = arith.index_cast %get3A_549 : i32 to index
        %get3A_551 = arith.index_cast %add3A_538 : i32 to index
        %get3A_552 = arith.constant 16 : index
        %get3A_553 = tpu.vector_load %arg6[%get3A_550, %get3A_551, %get3A_552] {strides = array<i32>} : memref<5x128x64xf32, #tpu.memory_space<vmem>>, vector<16xf32>,
        %mul3A_554 = arith.constant 8.000000e+00 : f32
        %mul3A_555 = vector.broadcast %mul3A_554 : f32 to vector<16xf32>
        %mul3A_556 = arith.mulf %get3A_553, %mul3A_555 : vector<16xf32>
        %get3A_557 = arith.constant 4 : i32
        %get3A_558 = arith.index_cast %get3A_557 : i32 to index
        %get3A_559 = arith.index_cast %add3A_538 : i32 to index
        %get3A_560 = arith.constant 32 : index
        %get3A_561 = tpu.vector_load %arg6[%get3A_558, %get3A_559, %get3A_560] {strides = array<i32>} : memref<5x128x64xf32, #tpu.memory_space<vmem>>, vector<16xf32>,
        %mul3A_562 = arith.constant 8.000000e+00 : f32
        %mul3A_563 = vector.broadcast %mul3A_562 : f32 to vector<16xf32>
        %mul3A_564 = arith.mulf %get3A_561, %mul3A_563 : vector<16xf32>
        %get3A_565 = arith.constant 4 : i32
        %get3A_566 = arith.index_cast %get3A_565 : i32 to index
        %get3A_567 = arith.index_cast %add3A_538 : i32 to index
        %get3A_568 = arith.constant 48 : index
        %get3A_569 = tpu.vector_load %arg6[%get3A_566, %get3A_567, %get3A_568] {strides = array<i32>} : memref<5x128x64xf32, #tpu.memory_space<vmem>>, vector<16xf32>,
        %mul3A_570 = arith.constant 8.000000e+00 : f32
        %mul3A_571 = vector.broadcast %mul3A_570 : f32 to vector<16xf32>
        %mul3A_572 = arith.mulf %get3A_569, %mul3A_571 : vector<16xf32>
        %scatter3A = arith.constant 4 : i32
        %scatter3A_573 = arith.constant 0 : i32
        %scatter3A_574 = arith.constant 0 : i32
        %scatter3A_575 = arith.constant 0 : i32
        %scatter3A_576 = tpu.memref_slice %arg7[%scatter3A, %scatter3A_573, %scatter3A_574, %scatter3A_575] : memref<5x8x8x133xf32, #tpu.memory_space<vmem>> -> memref<1x8x8x133xf32, #tpu.memory_space<vmem>>
        %scatter3A_577 = tpu.memref_squeeze %scatter3A_576 : memref<1x8x8x133xf32, #tpu.memory_space<vmem>> -> memref<8x8x133xf32, #tpu.memory_space<vmem>>
        tpu.vector_store_idx %scatter3A_577[%add3A_10, %and3A_5, %add3A_469], %mul3A_476 : memref<8x8x133xf32, #tpu.memory_space<vmem>>[vector<16xi32>, vector<16xi32>, vector<16xi32>], vector<16xf32>,
        %scatter3A_578 = arith.constant 4 : i32
        %scatter3A_579 = arith.constant 0 : i32
        %scatter3A_580 = arith.constant 0 : i32
        %scatter3A_581 = arith.constant 0 : i32
        %scatter3A_582 = tpu.memref_slice %arg7[%scatter3A_578, %scatter3A_579, %scatter3A_580, %scatter3A_581] : memref<5x8x8x133xf32, #tpu.memory_space<vmem>> -> memref<1x8x8x133xf32, #tpu.memory_space<vmem>>
        %scatter3A_583 = tpu.memref_squeeze %scatter3A_582 : memref<1x8x8x133xf32, #tpu.memory_space<vmem>> -> memref<8x8x133xf32, #tpu.memory_space<vmem>>
        tpu.vector_store_idx %scatter3A_583[%add3A_16, %and3A_5, %add3A_469], %mul3A_484 : memref<8x8x133xf32, #tpu.memory_space<vmem>>[vector<16xi32>, vector<16xi32>, vector<16xi32>], vector<16xf32>,
        %scatter3A_584 = arith.constant 4 : i32
        %scatter3A_585 = arith.constant 0 : i32
        %scatter3A_586 = arith.constant 0 : i32
        %scatter3A_587 = arith.constant 0 : i32
        %scatter3A_588 = tpu.memref_slice %arg7[%scatter3A_584, %scatter3A_585, %scatter3A_586, %scatter3A_587] : memref<5x8x8x133xf32, #tpu.memory_space<vmem>> -> memref<1x8x8x133xf32, #tpu.memory_space<vmem>>
        %scatter3A_589 = tpu.memref_squeeze %scatter3A_588 : memref<1x8x8x133xf32, #tpu.memory_space<vmem>> -> memref<8x8x133xf32, #tpu.memory_space<vmem>>
        tpu.vector_store_idx %scatter3A_589[%add3A_22, %and3A_5, %add3A_469], %mul3A_492 : memref<8x8x133xf32, #tpu.memory_space<vmem>>[vector<16xi32>, vector<16xi32>, vector<16xi32>], vector<16xf32>,
        %scatter3A_590 = arith.constant 4 : i32
        %scatter3A_591 = arith.constant 0 : i32
        %scatter3A_592 = arith.constant 0 : i32
        %scatter3A_593 = arith.constant 0 : i32
        %scatter3A_594 = tpu.memref_slice %arg7[%scatter3A_590, %scatter3A_591, %scatter3A_592, %scatter3A_593] : memref<5x8x8x133xf32, #tpu.memory_space<vmem>> -> memref<1x8x8x133xf32, #tpu.memory_space<vmem>>
        %scatter3A_595 = tpu.memref_squeeze %scatter3A_594 : memref<1x8x8x133xf32, #tpu.memory_space<vmem>> -> memref<8x8x133xf32, #tpu.memory_space<vmem>>
        tpu.vector_store_idx %scatter3A_595[%add3A_28, %and3A_5, %add3A_469], %mul3A_500 : memref<8x8x133xf32, #tpu.memory_space<vmem>>[vector<16xi32>, vector<16xi32>, vector<16xi32>], vector<16xf32>,
        %add3A_596 = arith.constant 3 : i32
        %add3A_597 = arith.addi %mul3A_465, %add3A_596 : i32
        %add3A_598 = vector.broadcast %add3A_597 : i32 to vector<16xi32>
        %add3A_599 = arith.addi %broadcast_in_dim3A_3, %add3A_598 : vector<16xi32>
        %get3A_600 = arith.constant 4 : i32
        %get3A_601 = arith.index_cast %get3A_600 : i32 to index
        %get3A_602 = arith.index_cast %add3A_597 : i32 to index
        %get3A_603 = arith.constant 0 : index
        %get3A_604 = tpu.vector_load %arg6[%get3A_601, %get3A_602, %get3A_603] {strides = array<i32>} : memref<5x128x64xf32, #tpu.memory_space<vmem>>, vector<16xf32>,
        %mul3A_605 = arith.constant 8.000000e+00 : f32
        %mul3A_606 = vector.broadcast %mul3A_605 : f32 to vector<16xf32>
        %mul3A_607 = arith.mulf %get3A_604, %mul3A_606 : vector<16xf32>
        %get3A_608 = arith.constant 4 : i32
        %get3A_609 = arith.index_cast %get3A_608 : i32 to index
        %get3A_610 = arith.index_cast %add3A_597 : i32 to index
        %get3A_611 = arith.constant 16 : index
        %get3A_612 = tpu.vector_load %arg6[%get3A_609, %get3A_610, %get3A_611] {strides = array<i32>} : memref<5x128x64xf32, #tpu.memory_space<vmem>>, vector<16xf32>,
        %mul3A_613 = arith.constant 8.000000e+00 : f32
        %mul3A_614 = vector.broadcast %mul3A_613 : f32 to vector<16xf32>
        %mul3A_615 = arith.mulf %get3A_612, %mul3A_614 : vector<16xf32>
        %get3A_616 = arith.constant 4 : i32
        %get3A_617 = arith.index_cast %get3A_616 : i32 to index
        %get3A_618 = arith.index_cast %add3A_597 : i32 to index
        %get3A_619 = arith.constant 32 : index
        %get3A_620 = tpu.vector_load %arg6[%get3A_617, %get3A_618, %get3A_619] {strides = array<i32>} : memref<5x128x64xf32, #tpu.memory_space<vmem>>, vector<16xf32>,
        %mul3A_621 = arith.constant 8.000000e+00 : f32
        %mul3A_622 = vector.broadcast %mul3A_621 : f32 to vector<16xf32>
        %mul3A_623 = arith.mulf %get3A_620, %mul3A_622 : vector<16xf32>
        %get3A_624 = arith.constant 4 : i32
        %get3A_625 = arith.index_cast %get3A_624 : i32 to index
        %get3A_626 = arith.index_cast %add3A_597 : i32 to index
        %get3A_627 = arith.constant 48 : index
        %get3A_628 = tpu.vector_load %arg6[%get3A_625, %get3A_626, %get3A_627] {strides = array<i32>} : memref<5x128x64xf32, #tpu.memory_space<vmem>>, vector<16xf32>,
        %mul3A_629 = arith.constant 8.000000e+00 : f32
        %mul3A_630 = vector.broadcast %mul3A_629 : f32 to vector<16xf32>
        %mul3A_631 = arith.mulf %get3A_628, %mul3A_630 : vector<16xf32>
        %scatter3A_632 = arith.constant 4 : i32
        %scatter3A_633 = arith.constant 0 : i32
        %scatter3A_634 = arith.constant 0 : i32
        %scatter3A_635 = arith.constant 0 : i32
        %scatter3A_636 = tpu.memref_slice %arg7[%scatter3A_632, %scatter3A_633, %scatter3A_634, %scatter3A_635] : memref<5x8x8x133xf32, #tpu.memory_space<vmem>> -> memref<1x8x8x133xf32, #tpu.memory_space<vmem>>
        %scatter3A_637 = tpu.memref_squeeze %scatter3A_636 : memref<1x8x8x133xf32, #tpu.memory_space<vmem>> -> memref<8x8x133xf32, #tpu.memory_space<vmem>>
        tpu.vector_store_idx %scatter3A_637[%add3A_10, %and3A_5, %add3A_504], %mul3A_512 : memref<8x8x133xf32, #tpu.memory_space<vmem>>[vector<16xi32>, vector<16xi32>, vector<16xi32>], vector<16xf32>,
        %scatter3A_638 = arith.constant 4 : i32
        %scatter3A_639 = arith.constant 0 : i32
        %scatter3A_640 = arith.constant 0 : i32
        %scatter3A_641 = arith.constant 0 : i32
        %scatter3A_642 = tpu.memref_slice %arg7[%scatter3A_638, %scatter3A_639, %scatter3A_640, %scatter3A_641] : memref<5x8x8x133xf32, #tpu.memory_space<vmem>> -> memref<1x8x8x133xf32, #tpu.memory_space<vmem>>
        %scatter3A_643 = tpu.memref_squeeze %scatter3A_642 : memref<1x8x8x133xf32, #tpu.memory_space<vmem>> -> memref<8x8x133xf32, #tpu.memory_space<vmem>>
        tpu.vector_store_idx %scatter3A_643[%add3A_16, %and3A_5, %add3A_504], %mul3A_520 : memref<8x8x133xf32, #tpu.memory_space<vmem>>[vector<16xi32>, vector<16xi32>, vector<16xi32>], vector<16xf32>,
        %scatter3A_644 = arith.constant 4 : i32
        %scatter3A_645 = arith.constant 0 : i32
        %scatter3A_646 = arith.constant 0 : i32
        %scatter3A_647 = arith.constant 0 : i32
        %scatter3A_648 = tpu.memref_slice %arg7[%scatter3A_644, %scatter3A_645, %scatter3A_646, %scatter3A_647] : memref<5x8x8x133xf32, #tpu.memory_space<vmem>> -> memref<1x8x8x133xf32, #tpu.memory_space<vmem>>
        %scatter3A_649 = tpu.memref_squeeze %scatter3A_648 : memref<1x8x8x133xf32, #tpu.memory_space<vmem>> -> memref<8x8x133xf32, #tpu.memory_space<vmem>>
        tpu.vector_store_idx %scatter3A_649[%add3A_22, %and3A_5, %add3A_504], %mul3A_528 : memref<8x8x133xf32, #tpu.memory_space<vmem>>[vector<16xi32>, vector<16xi32>, vector<16xi32>], vector<16xf32>,
        %scatter3A_650 = arith.constant 4 : i32
        %scatter3A_651 = arith.constant 0 : i32
        %scatter3A_652 = arith.constant 0 : i32
        %scatter3A_653 = arith.constant 0 : i32
        %scatter3A_654 = tpu.memref_slice %arg7[%scatter3A_650, %scatter3A_651, %scatter3A_652, %scatter3A_653] : memref<5x8x8x133xf32, #tpu.memory_space<vmem>> -> memref<1x8x8x133xf32, #tpu.memory_space<vmem>>
        %scatter3A_655 = tpu.memref_squeeze %scatter3A_654 : memref<1x8x8x133xf32, #tpu.memory_space<vmem>> -> memref<8x8x133xf32, #tpu.memory_space<vmem>>
        tpu.vector_store_idx %scatter3A_655[%add3A_28, %and3A_5, %add3A_504], %mul3A_536 : memref<8x8x133xf32, #tpu.memory_space<vmem>>[vector<16xi32>, vector<16xi32>, vector<16xi32>], vector<16xf32>,
        %add3A_656 = arith.constant 4 : i32
        %add3A_657 = arith.addi %mul3A_465, %add3A_656 : i32
        %add3A_658 = vector.broadcast %add3A_657 : i32 to vector<16xi32>
        %add3A_659 = arith.addi %broadcast_in_dim3A_3, %add3A_658 : vector<16xi32>
        %get3A_660 = arith.constant 4 : i32
        %get3A_661 = arith.index_cast %get3A_660 : i32 to index
        %get3A_662 = arith.index_cast %add3A_657 : i32 to index
        %get3A_663 = arith.constant 0 : index
        %get3A_664 = tpu.vector_load %arg6[%get3A_661, %get3A_662, %get3A_663] {strides = array<i32>} : memref<5x128x64xf32, #tpu.memory_space<vmem>>, vector<16xf32>,
        %mul3A_665 = arith.constant 8.000000e+00 : f32
        %mul3A_666 = vector.broadcast %mul3A_665 : f32 to vector<16xf32>
        %mul3A_667 = arith.mulf %get3A_664, %mul3A_666 : vector<16xf32>
        %get3A_668 = arith.constant 4 : i32
        %get3A_669 = arith.index_cast %get3A_668 : i32 to index
        %get3A_670 = arith.index_cast %add3A_657 : i32 to index
        %get3A_671 = arith.constant 16 : index
        %get3A_672 = tpu.vector_load %arg6[%get3A_669, %get3A_670, %get3A_671] {strides = array<i32>} : memref<5x128x64xf32, #tpu.memory_space<vmem>>, vector<16xf32>,
        %mul3A_673 = arith.constant 8.000000e+00 : f32
        %mul3A_674 = vector.broadcast %mul3A_673 : f32 to vector<16xf32>
        %mul3A_675 = arith.mulf %get3A_672, %mul3A_674 : vector<16xf32>
        %get3A_676 = arith.constant 4 : i32
        %get3A_677 = arith.index_cast %get3A_676 : i32 to index
        %get3A_678 = arith.index_cast %add3A_657 : i32 to index
        %get3A_679 = arith.constant 32 : index
        %get3A_680 = tpu.vector_load %arg6[%get3A_677, %get3A_678, %get3A_679] {strides = array<i32>} : memref<5x128x64xf32, #tpu.memory_space<vmem>>, vector<16xf32>,
        %mul3A_681 = arith.constant 8.000000e+00 : f32
        %mul3A_682 = vector.broadcast %mul3A_681 : f32 to vector<16xf32>
        %mul3A_683 = arith.mulf %get3A_680, %mul3A_682 : vector<16xf32>
        %get3A_684 = arith.constant 4 : i32
        %get3A_685 = arith.index_cast %get3A_684 : i32 to index
        %get3A_686 = arith.index_cast %add3A_657 : i32 to index
        %get3A_687 = arith.constant 48 : index
        %get3A_688 = tpu.vector_load %arg6[%get3A_685, %get3A_686, %get3A_687] {strides = array<i32>} : memref<5x128x64xf32, #tpu.memory_space<vmem>>, vector<16xf32>,
        %mul3A_689 = arith.constant 8.000000e+00 : f32
        %mul3A_690 = vector.broadcast %mul3A_689 : f32 to vector<16xf32>
        %mul3A_691 = arith.mulf %get3A_688, %mul3A_690 : vector<16xf32>
        %scatter3A_692 = arith.constant 4 : i32
        %scatter3A_693 = arith.constant 0 : i32
        %scatter3A_694 = arith.constant 0 : i32
        %scatter3A_695 = arith.constant 0 : i32
        %scatter3A_696 = tpu.memref_slice %arg7[%scatter3A_692, %scatter3A_693, %scatter3A_694, %scatter3A_695] : memref<5x8x8x133xf32, #tpu.memory_space<vmem>> -> memref<1x8x8x133xf32, #tpu.memory_space<vmem>>
        %scatter3A_697 = tpu.memref_squeeze %scatter3A_696 : memref<1x8x8x133xf32, #tpu.memory_space<vmem>> -> memref<8x8x133xf32, #tpu.memory_space<vmem>>
        tpu.vector_store_idx %scatter3A_697[%add3A_10, %and3A_5, %add3A_540], %mul3A_548 : memref<8x8x133xf32, #tpu.memory_space<vmem>>[vector<16xi32>, vector<16xi32>, vector<16xi32>], vector<16xf32>,
        %scatter3A_698 = arith.constant 4 : i32
        %scatter3A_699 = arith.constant 0 : i32
        %scatter3A_700 = arith.constant 0 : i32
        %scatter3A_701 = arith.constant 0 : i32
        %scatter3A_702 = tpu.memref_slice %arg7[%scatter3A_698, %scatter3A_699, %scatter3A_700, %scatter3A_701] : memref<5x8x8x133xf32, #tpu.memory_space<vmem>> -> memref<1x8x8x133xf32, #tpu.memory_space<vmem>>
        %scatter3A_703 = tpu.memref_squeeze %scatter3A_702 : memref<1x8x8x133xf32, #tpu.memory_space<vmem>> -> memref<8x8x133xf32, #tpu.memory_space<vmem>>
        tpu.vector_store_idx %scatter3A_703[%add3A_16, %and3A_5, %add3A_540], %mul3A_556 : memref<8x8x133xf32, #tpu.memory_space<vmem>>[vector<16xi32>, vector<16xi32>, vector<16xi32>], vector<16xf32>,
        %scatter3A_704 = arith.constant 4 : i32
        %scatter3A_705 = arith.constant 0 : i32
        %scatter3A_706 = arith.constant 0 : i32
        %scatter3A_707 = arith.constant 0 : i32
        %scatter3A_708 = tpu.memref_slice %arg7[%scatter3A_704, %scatter3A_705, %scatter3A_706, %scatter3A_707] : memref<5x8x8x133xf32, #tpu.memory_space<vmem>> -> memref<1x8x8x133xf32, #tpu.memory_space<vmem>>
        %scatter3A_709 = tpu.memref_squeeze %scatter3A_708 : memref<1x8x8x133xf32, #tpu.memory_space<vmem>> -> memref<8x8x133xf32, #tpu.memory_space<vmem>>
        tpu.vector_store_idx %scatter3A_709[%add3A_22, %and3A_5, %add3A_540], %mul3A_564 : memref<8x8x133xf32, #tpu.memory_space<vmem>>[vector<16xi32>, vector<16xi32>, vector<16xi32>], vector<16xf32>,
        %scatter3A_710 = arith.constant 4 : i32
        %scatter3A_711 = arith.constant 0 : i32
        %scatter3A_712 = arith.constant 0 : i32
        %scatter3A_713 = arith.constant 0 : i32
        %scatter3A_714 = tpu.memref_slice %arg7[%scatter3A_710, %scatter3A_711, %scatter3A_712, %scatter3A_713] : memref<5x8x8x133xf32, #tpu.memory_space<vmem>> -> memref<1x8x8x133xf32, #tpu.memory_space<vmem>>
        %scatter3A_715 = tpu.memref_squeeze %scatter3A_714 : memref<1x8x8x133xf32, #tpu.memory_space<vmem>> -> memref<8x8x133xf32, #tpu.memory_space<vmem>>
        tpu.vector_store_idx %scatter3A_715[%add3A_28, %and3A_5, %add3A_540], %mul3A_572 : memref<8x8x133xf32, #tpu.memory_space<vmem>>[vector<16xi32>, vector<16xi32>, vector<16xi32>], vector<16xf32>,
        %add3A_716 = arith.constant 5 : i32
        %add3A_717 = arith.addi %mul3A_465, %add3A_716 : i32
        %add3A_718 = vector.broadcast %add3A_717 : i32 to vector<16xi32>
        %add3A_719 = arith.addi %broadcast_in_dim3A_3, %add3A_718 : vector<16xi32>
        %get3A_720 = arith.constant 4 : i32
        %get3A_721 = arith.index_cast %get3A_720 : i32 to index
        %get3A_722 = arith.index_cast %add3A_717 : i32 to index
        %get3A_723 = arith.constant 0 : index
        %get3A_724 = tpu.vector_load %arg6[%get3A_721, %get3A_722, %get3A_723] {strides = array<i32>} : memref<5x128x64xf32, #tpu.memory_space<vmem>>, vector<16xf32>,
        %mul3A_725 = arith.constant 8.000000e+00 : f32
        %mul3A_726 = vector.broadcast %mul3A_725 : f32 to vector<16xf32>
        %mul3A_727 = arith.mulf %get3A_724, %mul3A_726 : vector<16xf32>
        %get3A_728 = arith.constant 4 : i32
        %get3A_729 = arith.index_cast %get3A_728 : i32 to index
        %get3A_730 = arith.index_cast %add3A_717 : i32 to index
        %get3A_731 = arith.constant 16 : index
        %get3A_732 = tpu.vector_load %arg6[%get3A_729, %get3A_730, %get3A_731] {strides = array<i32>} : memref<5x128x64xf32, #tpu.memory_space<vmem>>, vector<16xf32>,
        %mul3A_733 = arith.constant 8.000000e+00 : f32
        %mul3A_734 = vector.broadcast %mul3A_733 : f32 to vector<16xf32>
        %mul3A_735 = arith.mulf %get3A_732, %mul3A_734 : vector<16xf32>
        %get3A_736 = arith.constant 4 : i32
        %get3A_737 = arith.index_cast %get3A_736 : i32 to index
        %get3A_738 = arith.index_cast %add3A_717 : i32 to index
        %get3A_739 = arith.constant 32 : index
        %get3A_740 = tpu.vector_load %arg6[%get3A_737, %get3A_738, %get3A_739] {strides = array<i32>} : memref<5x128x64xf32, #tpu.memory_space<vmem>>, vector<16xf32>,
        %mul3A_741 = arith.constant 8.000000e+00 : f32
        %mul3A_742 = vector.broadcast %mul3A_741 : f32 to vector<16xf32>
        %mul3A_743 = arith.mulf %get3A_740, %mul3A_742 : vector<16xf32>
        %get3A_744 = arith.constant 4 : i32
        %get3A_745 = arith.index_cast %get3A_744 : i32 to index
        %get3A_746 = arith.index_cast %add3A_717 : i32 to index
        %get3A_747 = arith.constant 48 : index
        %get3A_748 = tpu.vector_load %arg6[%get3A_745, %get3A_746, %get3A_747] {strides = array<i32>} : memref<5x128x64xf32, #tpu.memory_space<vmem>>, vector<16xf32>,
        %mul3A_749 = arith.constant 8.000000e+00 : f32
        %mul3A_750 = vector.broadcast %mul3A_749 : f32 to vector<16xf32>
        %mul3A_751 = arith.mulf %get3A_748, %mul3A_750 : vector<16xf32>
        %scatter3A_752 = arith.constant 4 : i32
        %scatter3A_753 = arith.constant 0 : i32
        %scatter3A_754 = arith.constant 0 : i32
        %scatter3A_755 = arith.constant 0 : i32
        %scatter3A_756 = tpu.memref_slice %arg7[%scatter3A_752, %scatter3A_753, %scatter3A_754, %scatter3A_755] : memref<5x8x8x133xf32, #tpu.memory_space<vmem>> -> memref<1x8x8x133xf32, #tpu.memory_space<vmem>>
        %scatter3A_757 = tpu.memref_squeeze %scatter3A_756 : memref<1x8x8x133xf32, #tpu.memory_space<vmem>> -> memref<8x8x133xf32, #tpu.memory_space<vmem>>
        tpu.vector_store_idx %scatter3A_757[%add3A_10, %and3A_5, %add3A_599], %mul3A_607 : memref<8x8x133xf32, #tpu.memory_space<vmem>>[vector<16xi32>, vector<16xi32>, vector<16xi32>], vector<16xf32>,
        %scatter3A_758 = arith.constant 4 : i32
        %scatter3A_759 = arith.constant 0 : i32
        %scatter3A_760 = arith.constant 0 : i32
        %scatter3A_761 = arith.constant 0 : i32
        %scatter3A_762 = tpu.memref_slice %arg7[%scatter3A_758, %scatter3A_759, %scatter3A_760, %scatter3A_761] : memref<5x8x8x133xf32, #tpu.memory_space<vmem>> -> memref<1x8x8x133xf32, #tpu.memory_space<vmem>>
        %scatter3A_763 = tpu.memref_squeeze %scatter3A_762 : memref<1x8x8x133xf32, #tpu.memory_space<vmem>> -> memref<8x8x133xf32, #tpu.memory_space<vmem>>
        tpu.vector_store_idx %scatter3A_763[%add3A_16, %and3A_5, %add3A_599], %mul3A_615 : memref<8x8x133xf32, #tpu.memory_space<vmem>>[vector<16xi32>, vector<16xi32>, vector<16xi32>], vector<16xf32>,
        %scatter3A_764 = arith.constant 4 : i32
        %scatter3A_765 = arith.constant 0 : i32
        %scatter3A_766 = arith.constant 0 : i32
        %scatter3A_767 = arith.constant 0 : i32
        %scatter3A_768 = tpu.memref_slice %arg7[%scatter3A_764, %scatter3A_765, %scatter3A_766, %scatter3A_767] : memref<5x8x8x133xf32, #tpu.memory_space<vmem>> -> memref<1x8x8x133xf32, #tpu.memory_space<vmem>>
        %scatter3A_769 = tpu.memref_squeeze %scatter3A_768 : memref<1x8x8x133xf32, #tpu.memory_space<vmem>> -> memref<8x8x133xf32, #tpu.memory_space<vmem>>
        tpu.vector_store_idx %scatter3A_769[%add3A_22, %and3A_5, %add3A_599], %mul3A_623 : memref<8x8x133xf32, #tpu.memory_space<vmem>>[vector<16xi32>, vector<16xi32>, vector<16xi32>], vector<16xf32>,
        %scatter3A_770 = arith.constant 4 : i32
        %scatter3A_771 = arith.constant 0 : i32
        %scatter3A_772 = arith.constant 0 : i32
        %scatter3A_773 = arith.constant 0 : i32
        %scatter3A_774 = tpu.memref_slice %arg7[%scatter3A_770, %scatter3A_771, %scatter3A_772, %scatter3A_773] : memref<5x8x8x133xf32, #tpu.memory_space<vmem>> -> memref<1x8x8x133xf32, #tpu.memory_space<vmem>>
        %scatter3A_775 = tpu.memref_squeeze %scatter3A_774 : memref<1x8x8x133xf32, #tpu.memory_space<vmem>> -> memref<8x8x133xf32, #tpu.memory_space<vmem>>
        tpu.vector_store_idx %scatter3A_775[%add3A_28, %and3A_5, %add3A_599], %mul3A_631 : memref<8x8x133xf32, #tpu.memory_space<vmem>>[vector<16xi32>, vector<16xi32>, vector<16xi32>], vector<16xf32>,
        %add3A_776 = arith.constant 6 : i32
        %add3A_777 = arith.addi %mul3A_465, %add3A_776 : i32
        %add3A_778 = vector.broadcast %add3A_777 : i32 to vector<16xi32>
        %add3A_779 = arith.addi %broadcast_in_dim3A_3, %add3A_778 : vector<16xi32>
        %get3A_780 = arith.constant 4 : i32
        %get3A_781 = arith.index_cast %get3A_780 : i32 to index
        %get3A_782 = arith.index_cast %add3A_777 : i32 to index
        %get3A_783 = arith.constant 0 : index
        %get3A_784 = tpu.vector_load %arg6[%get3A_781, %get3A_782, %get3A_783] {strides = array<i32>} : memref<5x128x64xf32, #tpu.memory_space<vmem>>, vector<16xf32>,
        %mul3A_785 = arith.constant 8.000000e+00 : f32
        %mul3A_786 = vector.broadcast %mul3A_785 : f32 to vector<16xf32>
        %mul3A_787 = arith.mulf %get3A_784, %mul3A_786 : vector<16xf32>
        %get3A_788 = arith.constant 4 : i32
        %get3A_789 = arith.index_cast %get3A_788 : i32 to index
        %get3A_790 = arith.index_cast %add3A_777 : i32 to index
        %get3A_791 = arith.constant 16 : index
        %get3A_792 = tpu.vector_load %arg6[%get3A_789, %get3A_790, %get3A_791] {strides = array<i32>} : memref<5x128x64xf32, #tpu.memory_space<vmem>>, vector<16xf32>,
        %mul3A_793 = arith.constant 8.000000e+00 : f32
        %mul3A_794 = vector.broadcast %mul3A_793 : f32 to vector<16xf32>
        %mul3A_795 = arith.mulf %get3A_792, %mul3A_794 : vector<16xf32>
        %get3A_796 = arith.constant 4 : i32
        %get3A_797 = arith.index_cast %get3A_796 : i32 to index
        %get3A_798 = arith.index_cast %add3A_777 : i32 to index
        %get3A_799 = arith.constant 32 : index
        %get3A_800 = tpu.vector_load %arg6[%get3A_797, %get3A_798, %get3A_799] {strides = array<i32>} : memref<5x128x64xf32, #tpu.memory_space<vmem>>, vector<16xf32>,
        %mul3A_801 = arith.constant 8.000000e+00 : f32
        %mul3A_802 = vector.broadcast %mul3A_801 : f32 to vector<16xf32>
        %mul3A_803 = arith.mulf %get3A_800, %mul3A_802 : vector<16xf32>
        %get3A_804 = arith.constant 4 : i32
        %get3A_805 = arith.index_cast %get3A_804 : i32 to index
        %get3A_806 = arith.index_cast %add3A_777 : i32 to index
        %get3A_807 = arith.constant 48 : index
        %get3A_808 = tpu.vector_load %arg6[%get3A_805, %get3A_806, %get3A_807] {strides = array<i32>} : memref<5x128x64xf32, #tpu.memory_space<vmem>>, vector<16xf32>,
        %mul3A_809 = arith.constant 8.000000e+00 : f32
        %mul3A_810 = vector.broadcast %mul3A_809 : f32 to vector<16xf32>
        %mul3A_811 = arith.mulf %get3A_808, %mul3A_810 : vector<16xf32>
        %scatter3A_812 = arith.constant 4 : i32
        %scatter3A_813 = arith.constant 0 : i32
        %scatter3A_814 = arith.constant 0 : i32
        %scatter3A_815 = arith.constant 0 : i32
        %scatter3A_816 = tpu.memref_slice %arg7[%scatter3A_812, %scatter3A_813, %scatter3A_814, %scatter3A_815] : memref<5x8x8x133xf32, #tpu.memory_space<vmem>> -> memref<1x8x8x133xf32, #tpu.memory_space<vmem>>
        %scatter3A_817 = tpu.memref_squeeze %scatter3A_816 : memref<1x8x8x133xf32, #tpu.memory_space<vmem>> -> memref<8x8x133xf32, #tpu.memory_space<vmem>>
        tpu.vector_store_idx %scatter3A_817[%add3A_10, %and3A_5, %add3A_659], %mul3A_667 : memref<8x8x133xf32, #tpu.memory_space<vmem>>[vector<16xi32>, vector<16xi32>, vector<16xi32>], vector<16xf32>,
        %scatter3A_818 = arith.constant 4 : i32
        %scatter3A_819 = arith.constant 0 : i32
        %scatter3A_820 = arith.constant 0 : i32
        %scatter3A_821 = arith.constant 0 : i32
        %scatter3A_822 = tpu.memref_slice %arg7[%scatter3A_818, %scatter3A_819, %scatter3A_820, %scatter3A_821] : memref<5x8x8x133xf32, #tpu.memory_space<vmem>> -> memref<1x8x8x133xf32, #tpu.memory_space<vmem>>
        %scatter3A_823 = tpu.memref_squeeze %scatter3A_822 : memref<1x8x8x133xf32, #tpu.memory_space<vmem>> -> memref<8x8x133xf32, #tpu.memory_space<vmem>>
        tpu.vector_store_idx %scatter3A_823[%add3A_16, %and3A_5, %add3A_659], %mul3A_675 : memref<8x8x133xf32, #tpu.memory_space<vmem>>[vector<16xi32>, vector<16xi32>, vector<16xi32>], vector<16xf32>,
        %scatter3A_824 = arith.constant 4 : i32
        %scatter3A_825 = arith.constant 0 : i32
        %scatter3A_826 = arith.constant 0 : i32
        %scatter3A_827 = arith.constant 0 : i32
        %scatter3A_828 = tpu.memref_slice %arg7[%scatter3A_824, %scatter3A_825, %scatter3A_826, %scatter3A_827] : memref<5x8x8x133xf32, #tpu.memory_space<vmem>> -> memref<1x8x8x133xf32, #tpu.memory_space<vmem>>
        %scatter3A_829 = tpu.memref_squeeze %scatter3A_828 : memref<1x8x8x133xf32, #tpu.memory_space<vmem>> -> memref<8x8x133xf32, #tpu.memory_space<vmem>>
        tpu.vector_store_idx %scatter3A_829[%add3A_22, %and3A_5, %add3A_659], %mul3A_683 : memref<8x8x133xf32, #tpu.memory_space<vmem>>[vector<16xi32>, vector<16xi32>, vector<16xi32>], vector<16xf32>,
        %scatter3A_830 = arith.constant 4 : i32
        %scatter3A_831 = arith.constant 0 : i32
        %scatter3A_832 = arith.constant 0 : i32
        %scatter3A_833 = arith.constant 0 : i32
        %scatter3A_834 = tpu.memref_slice %arg7[%scatter3A_830, %scatter3A_831, %scatter3A_832, %scatter3A_833] : memref<5x8x8x133xf32, #tpu.memory_space<vmem>> -> memref<1x8x8x133xf32, #tpu.memory_space<vmem>>
        %scatter3A_835 = tpu.memref_squeeze %scatter3A_834 : memref<1x8x8x133xf32, #tpu.memory_space<vmem>> -> memref<8x8x133xf32, #tpu.memory_space<vmem>>
        tpu.vector_store_idx %scatter3A_835[%add3A_28, %and3A_5, %add3A_659], %mul3A_691 : memref<8x8x133xf32, #tpu.memory_space<vmem>>[vector<16xi32>, vector<16xi32>, vector<16xi32>], vector<16xf32>,
        %add3A_836 = arith.constant 7 : i32
        %add3A_837 = arith.addi %mul3A_465, %add3A_836 : i32
        %add3A_838 = vector.broadcast %add3A_837 : i32 to vector<16xi32>
        %add3A_839 = arith.addi %broadcast_in_dim3A_3, %add3A_838 : vector<16xi32>
        %get3A_840 = arith.constant 4 : i32
        %get3A_841 = arith.index_cast %get3A_840 : i32 to index
        %get3A_842 = arith.index_cast %add3A_837 : i32 to index
        %get3A_843 = arith.constant 0 : index
        %get3A_844 = tpu.vector_load %arg6[%get3A_841, %get3A_842, %get3A_843] {strides = array<i32>} : memref<5x128x64xf32, #tpu.memory_space<vmem>>, vector<16xf32>,
        %mul3A_845 = arith.constant 8.000000e+00 : f32
        %mul3A_846 = vector.broadcast %mul3A_845 : f32 to vector<16xf32>
        %mul3A_847 = arith.mulf %get3A_844, %mul3A_846 : vector<16xf32>
        %get3A_848 = arith.constant 4 : i32
        %get3A_849 = arith.index_cast %get3A_848 : i32 to index
        %get3A_850 = arith.index_cast %add3A_837 : i32 to index
        %get3A_851 = arith.constant 16 : index
        %get3A_852 = tpu.vector_load %arg6[%get3A_849, %get3A_850, %get3A_851] {strides = array<i32>} : memref<5x128x64xf32, #tpu.memory_space<vmem>>, vector<16xf32>,
        %mul3A_853 = arith.constant 8.000000e+00 : f32
        %mul3A_854 = vector.broadcast %mul3A_853 : f32 to vector<16xf32>
        %mul3A_855 = arith.mulf %get3A_852, %mul3A_854 : vector<16xf32>
        %get3A_856 = arith.constant 4 : i32
        %get3A_857 = arith.index_cast %get3A_856 : i32 to index
        %get3A_858 = arith.index_cast %add3A_837 : i32 to index
        %get3A_859 = arith.constant 32 : index
        %get3A_860 = tpu.vector_load %arg6[%get3A_857, %get3A_858, %get3A_859] {strides = array<i32>} : memref<5x128x64xf32, #tpu.memory_space<vmem>>, vector<16xf32>,
        %mul3A_861 = arith.constant 8.000000e+00 : f32
        %mul3A_862 = vector.broadcast %mul3A_861 : f32 to vector<16xf32>
        %mul3A_863 = arith.mulf %get3A_860, %mul3A_862 : vector<16xf32>
        %get3A_864 = arith.constant 4 : i32
        %get3A_865 = arith.index_cast %get3A_864 : i32 to index
        %get3A_866 = arith.index_cast %add3A_837 : i32 to index
        %get3A_867 = arith.constant 48 : index
        %get3A_868 = tpu.vector_load %arg6[%get3A_865, %get3A_866, %get3A_867] {strides = array<i32>} : memref<5x128x64xf32, #tpu.memory_space<vmem>>, vector<16xf32>,
        %mul3A_869 = arith.constant 8.000000e+00 : f32
        %mul3A_870 = vector.broadcast %mul3A_869 : f32 to vector<16xf32>
        %mul3A_871 = arith.mulf %get3A_868, %mul3A_870 : vector<16xf32>
        %scatter3A_872 = arith.constant 4 : i32
        %scatter3A_873 = arith.constant 0 : i32
        %scatter3A_874 = arith.constant 0 : i32
        %scatter3A_875 = arith.constant 0 : i32
        %scatter3A_876 = tpu.memref_slice %arg7[%scatter3A_872, %scatter3A_873, %scatter3A_874, %scatter3A_875] : memref<5x8x8x133xf32, #tpu.memory_space<vmem>> -> memref<1x8x8x133xf32, #tpu.memory_space<vmem>>
        %scatter3A_877 = tpu.memref_squeeze %scatter3A_876 : memref<1x8x8x133xf32, #tpu.memory_space<vmem>> -> memref<8x8x133xf32, #tpu.memory_space<vmem>>
        tpu.vector_store_idx %scatter3A_877[%add3A_10, %and3A_5, %add3A_719], %mul3A_727 : memref<8x8x133xf32, #tpu.memory_space<vmem>>[vector<16xi32>, vector<16xi32>, vector<16xi32>], vector<16xf32>,
        %scatter3A_878 = arith.constant 4 : i32
        %scatter3A_879 = arith.constant 0 : i32
        %scatter3A_880 = arith.constant 0 : i32
        %scatter3A_881 = arith.constant 0 : i32
        %scatter3A_882 = tpu.memref_slice %arg7[%scatter3A_878, %scatter3A_879, %scatter3A_880, %scatter3A_881] : memref<5x8x8x133xf32, #tpu.memory_space<vmem>> -> memref<1x8x8x133xf32, #tpu.memory_space<vmem>>
        %scatter3A_883 = tpu.memref_squeeze %scatter3A_882 : memref<1x8x8x133xf32, #tpu.memory_space<vmem>> -> memref<8x8x133xf32, #tpu.memory_space<vmem>>
        tpu.vector_store_idx %scatter3A_883[%add3A_16, %and3A_5, %add3A_719], %mul3A_735 : memref<8x8x133xf32, #tpu.memory_space<vmem>>[vector<16xi32>, vector<16xi32>, vector<16xi32>], vector<16xf32>,
        %scatter3A_884 = arith.constant 4 : i32
        %scatter3A_885 = arith.constant 0 : i32
        %scatter3A_886 = arith.constant 0 : i32
        %scatter3A_887 = arith.constant 0 : i32
        %scatter3A_888 = tpu.memref_slice %arg7[%scatter3A_884, %scatter3A_885, %scatter3A_886, %scatter3A_887] : memref<5x8x8x133xf32, #tpu.memory_space<vmem>> -> memref<1x8x8x133xf32, #tpu.memory_space<vmem>>
        %scatter3A_889 = tpu.memref_squeeze %scatter3A_888 : memref<1x8x8x133xf32, #tpu.memory_space<vmem>> -> memref<8x8x133xf32, #tpu.memory_space<vmem>>
        tpu.vector_store_idx %scatter3A_889[%add3A_22, %and3A_5, %add3A_719], %mul3A_743 : memref<8x8x133xf32, #tpu.memory_space<vmem>>[vector<16xi32>, vector<16xi32>, vector<16xi32>], vector<16xf32>,
        %scatter3A_890 = arith.constant 4 : i32
        %scatter3A_891 = arith.constant 0 : i32
        %scatter3A_892 = arith.constant 0 : i32
        %scatter3A_893 = arith.constant 0 : i32
        %scatter3A_894 = tpu.memref_slice %arg7[%scatter3A_890, %scatter3A_891, %scatter3A_892, %scatter3A_893] : memref<5x8x8x133xf32, #tpu.memory_space<vmem>> -> memref<1x8x8x133xf32, #tpu.memory_space<vmem>>
        %scatter3A_895 = tpu.memref_squeeze %scatter3A_894 : memref<1x8x8x133xf32, #tpu.memory_space<vmem>> -> memref<8x8x133xf32, #tpu.memory_space<vmem>>
        tpu.vector_store_idx %scatter3A_895[%add3A_28, %and3A_5, %add3A_719], %mul3A_751 : memref<8x8x133xf32, #tpu.memory_space<vmem>>[vector<16xi32>, vector<16xi32>, vector<16xi32>], vector<16xf32>,
        %scatter3A_896 = arith.constant 4 : i32
        %scatter3A_897 = arith.constant 0 : i32
        %scatter3A_898 = arith.constant 0 : i32
        %scatter3A_899 = arith.constant 0 : i32
        %scatter3A_900 = tpu.memref_slice %arg7[%scatter3A_896, %scatter3A_897, %scatter3A_898, %scatter3A_899] : memref<5x8x8x133xf32, #tpu.memory_space<vmem>> -> memref<1x8x8x133xf32, #tpu.memory_space<vmem>>
        %scatter3A_901 = tpu.memref_squeeze %scatter3A_900 : memref<1x8x8x133xf32, #tpu.memory_space<vmem>> -> memref<8x8x133xf32, #tpu.memory_space<vmem>>
        tpu.vector_store_idx %scatter3A_901[%add3A_10, %and3A_5, %add3A_779], %mul3A_787 : memref<8x8x133xf32, #tpu.memory_space<vmem>>[vector<16xi32>, vector<16xi32>, vector<16xi32>], vector<16xf32>,
        %scatter3A_902 = arith.constant 4 : i32
        %scatter3A_903 = arith.constant 0 : i32
        %scatter3A_904 = arith.constant 0 : i32
        %scatter3A_905 = arith.constant 0 : i32
        %scatter3A_906 = tpu.memref_slice %arg7[%scatter3A_902, %scatter3A_903, %scatter3A_904, %scatter3A_905] : memref<5x8x8x133xf32, #tpu.memory_space<vmem>> -> memref<1x8x8x133xf32, #tpu.memory_space<vmem>>
        %scatter3A_907 = tpu.memref_squeeze %scatter3A_906 : memref<1x8x8x133xf32, #tpu.memory_space<vmem>> -> memref<8x8x133xf32, #tpu.memory_space<vmem>>
        tpu.vector_store_idx %scatter3A_907[%add3A_16, %and3A_5, %add3A_779], %mul3A_795 : memref<8x8x133xf32, #tpu.memory_space<vmem>>[vector<16xi32>, vector<16xi32>, vector<16xi32>], vector<16xf32>,
        %scatter3A_908 = arith.constant 4 : i32
        %scatter3A_909 = arith.constant 0 : i32
        %scatter3A_910 = arith.constant 0 : i32
        %scatter3A_911 = arith.constant 0 : i32
        %scatter3A_912 = tpu.memref_slice %arg7[%scatter3A_908, %scatter3A_909, %scatter3A_910, %scatter3A_911] : memref<5x8x8x133xf32, #tpu.memory_space<vmem>> -> memref<1x8x8x133xf32, #tpu.memory_space<vmem>>
        %scatter3A_913 = tpu.memref_squeeze %scatter3A_912 : memref<1x8x8x133xf32, #tpu.memory_space<vmem>> -> memref<8x8x133xf32, #tpu.memory_space<vmem>>
        tpu.vector_store_idx %scatter3A_913[%add3A_22, %and3A_5, %add3A_779], %mul3A_803 : memref<8x8x133xf32, #tpu.memory_space<vmem>>[vector<16xi32>, vector<16xi32>, vector<16xi32>], vector<16xf32>,
        %scatter3A_914 = arith.constant 4 : i32
        %scatter3A_915 = arith.constant 0 : i32
        %scatter3A_916 = arith.constant 0 : i32
        %scatter3A_917 = arith.constant 0 : i32
        %scatter3A_918 = tpu.memref_slice %arg7[%scatter3A_914, %scatter3A_915, %scatter3A_916, %scatter3A_917] : memref<5x8x8x133xf32, #tpu.memory_space<vmem>> -> memref<1x8x8x133xf32, #tpu.memory_space<vmem>>
        %scatter3A_919 = tpu.memref_squeeze %scatter3A_918 : memref<1x8x8x133xf32, #tpu.memory_space<vmem>> -> memref<8x8x133xf32, #tpu.memory_space<vmem>>
        tpu.vector_store_idx %scatter3A_919[%add3A_28, %and3A_5, %add3A_779], %mul3A_811 : memref<8x8x133xf32, #tpu.memory_space<vmem>>[vector<16xi32>, vector<16xi32>, vector<16xi32>], vector<16xf32>,
        %scatter3A_920 = arith.constant 4 : i32
        %scatter3A_921 = arith.constant 0 : i32
        %scatter3A_922 = arith.constant 0 : i32
        %scatter3A_923 = arith.constant 0 : i32
        %scatter3A_924 = tpu.memref_slice %arg7[%scatter3A_920, %scatter3A_921, %scatter3A_922, %scatter3A_923] : memref<5x8x8x133xf32, #tpu.memory_space<vmem>> -> memref<1x8x8x133xf32, #tpu.memory_space<vmem>>
        %scatter3A_925 = tpu.memref_squeeze %scatter3A_924 : memref<1x8x8x133xf32, #tpu.memory_space<vmem>> -> memref<8x8x133xf32, #tpu.memory_space<vmem>>
        tpu.vector_store_idx %scatter3A_925[%add3A_10, %and3A_5, %add3A_839], %mul3A_847 : memref<8x8x133xf32, #tpu.memory_space<vmem>>[vector<16xi32>, vector<16xi32>, vector<16xi32>], vector<16xf32>,
        %scatter3A_926 = arith.constant 4 : i32
        %scatter3A_927 = arith.constant 0 : i32
        %scatter3A_928 = arith.constant 0 : i32
        %scatter3A_929 = arith.constant 0 : i32
        %scatter3A_930 = tpu.memref_slice %arg7[%scatter3A_926, %scatter3A_927, %scatter3A_928, %scatter3A_929] : memref<5x8x8x133xf32, #tpu.memory_space<vmem>> -> memref<1x8x8x133xf32, #tpu.memory_space<vmem>>
        %scatter3A_931 = tpu.memref_squeeze %scatter3A_930 : memref<1x8x8x133xf32, #tpu.memory_space<vmem>> -> memref<8x8x133xf32, #tpu.memory_space<vmem>>
        tpu.vector_store_idx %scatter3A_931[%add3A_16, %and3A_5, %add3A_839], %mul3A_855 : memref<8x8x133xf32, #tpu.memory_space<vmem>>[vector<16xi32>, vector<16xi32>, vector<16xi32>], vector<16xf32>,
        %scatter3A_932 = arith.constant 4 : i32
        %scatter3A_933 = arith.constant 0 : i32
        %scatter3A_934 = arith.constant 0 : i32
        %scatter3A_935 = arith.constant 0 : i32
        %scatter3A_936 = tpu.memref_slice %arg7[%scatter3A_932, %scatter3A_933, %scatter3A_934, %scatter3A_935] : memref<5x8x8x133xf32, #tpu.memory_space<vmem>> -> memref<1x8x8x133xf32, #tpu.memory_space<vmem>>
        %scatter3A_937 = tpu.memref_squeeze %scatter3A_936 : memref<1x8x8x133xf32, #tpu.memory_space<vmem>> -> memref<8x8x133xf32, #tpu.memory_space<vmem>>
        tpu.vector_store_idx %scatter3A_937[%add3A_22, %and3A_5, %add3A_839], %mul3A_863 : memref<8x8x133xf32, #tpu.memory_space<vmem>>[vector<16xi32>, vector<16xi32>, vector<16xi32>], vector<16xf32>,
        %scatter3A_938 = arith.constant 4 : i32
        %scatter3A_939 = arith.constant 0 : i32
        %scatter3A_940 = arith.constant 0 : i32
        %scatter3A_941 = arith.constant 0 : i32
        %scatter3A_942 = tpu.memref_slice %arg7[%scatter3A_938, %scatter3A_939, %scatter3A_940, %scatter3A_941] : memref<5x8x8x133xf32, #tpu.memory_space<vmem>> -> memref<1x8x8x133xf32, #tpu.memory_space<vmem>>
        %scatter3A_943 = tpu.memref_squeeze %scatter3A_942 : memref<1x8x8x133xf32, #tpu.memory_space<vmem>> -> memref<8x8x133xf32, #tpu.memory_space<vmem>>
        tpu.vector_store_idx %scatter3A_943[%add3A_28, %and3A_5, %add3A_839], %mul3A_871 : memref<8x8x133xf32, #tpu.memory_space<vmem>>[vector<16xi32>, vector<16xi32>, vector<16xi32>], vector<16xf32>,
      }
      %scan3A_430 = arith.constant 16 : i32
      %dma_start3A_431 = arith.constant 4 : i32
      %dma_start3A_432 = arith.constant 0 : i32
      %dma_start3A_433 = arith.constant 0 : i32
      %dma_start3A_434 = arith.constant 0 : i32
      %dma_start3A_435 = tpu.memref_slice %arg7[%dma_start3A_431, %dma_start3A_432, %dma_start3A_433, %dma_start3A_434] : memref<5x8x8x133xf32, #tpu.memory_space<vmem>> -> memref<1x8x8x128xf32, #tpu.memory_space<vmem>>
      %dma_start3A_436 = tpu.memref_squeeze %dma_start3A_435 : memref<1x8x8x128xf32, #tpu.memory_space<vmem>> -> memref<8x8x128xf32, #tpu.memory_space<vmem>>
      %dma_start3A_437 = arith.constant 0 : i32
      %dma_start3A_438 = arith.constant 0 : i32
      %dma_start3A_439 = arith.constant 0 : i32
      %dma_start3A_440 = tpu.memref_slice %arg4[%add3A_409, %dma_start3A_437, %add3A, %dma_start3A_438, %dma_start3A_439] : memref<200x8x32x8x128xf32, #tpu.memory_space<hbm>> -> memref<1x8x1x8x128xf32, #tpu.memory_space<hbm>>
      %dma_start3A_441 = tpu.memref_squeeze %dma_start3A_440 : memref<1x8x1x8x128xf32, #tpu.memory_space<hbm>> -> memref<8x8x128xf32, #tpu.memory_space<hbm>>
      %dma_start3A_442 = arith.constant 0 : i32
      %dma_start3A_443 = arith.constant 0 : i32
      %dma_start3A_444 = arith.constant 0 : i32
      %dma_start3A_445 = tpu.memref_slice %arg4[%add3A_409, %dma_start3A_442, %add3A, %dma_start3A_443, %dma_start3A_444] : memref<200x8x32x8x128xf32, #tpu.memory_space<hbm>> -> memref<1x8x1x8x128xf32, #tpu.memory_space<hbm>>
      %dma_start3A_446 = tpu.memref_squeeze %dma_start3A_445 : memref<1x8x1x8x128xf32, #tpu.memory_space<hbm>> -> memref<8x8x128xf32, #tpu.memory_space<hbm>>
      %dma_start3A_447 = arith.constant 0 : i32
      %dma_start3A_448 = arith.constant 0 : i32
      %dma_start3A_449 = arith.constant 0 : i32
      %dma_start3A_450 = tpu.memref_slice %arg7[%dma_start3A_431, %dma_start3A_447, %dma_start3A_448, %dma_start3A_449] : memref<5x8x8x133xf32, #tpu.memory_space<vmem>> -> memref<1x8x8x128xf32, #tpu.memory_space<vmem>>
      %dma_start3A_451 = tpu.memref_squeeze %dma_start3A_450 : memref<1x8x8x128xf32, #tpu.memory_space<vmem>> -> memref<8x8x128xf32, #tpu.memory_space<vmem>>
      tpu.enqueue_dma source(%dma_start3A_451 : memref<8x8x128xf32, #tpu.memory_space<vmem>>) target(%dma_start3A_446 : memref<8x8x128xf32, #tpu.memory_space<hbm>>) target_semaphore(%arg9 : memref<!tpu.dma_semaphore, #tpu.memory_space<semaphore_mem>>)
      %add3A_452 = arith.constant 5 : i32
      %add3A_453 = arith.addi %add3A_409, %add3A_452 : i32
      %lt3A_454 = arith.constant 200 : i32
      %lt3A_455 = arith.cmpi slt, %add3A_453, %lt3A_454 : i32
      %convert_element_type3A_456 = arith.extui %lt3A_455 : i1 to i32
      %cond3A_457 = arith.constant 0 : i32
      %cond3A_458 = arith.cmpi ne, %convert_element_type3A_456, %cond3A_457 : i32
      scf.if %cond3A_458 {
        %add3A_459 = arith.constant 5 : i32
        %add3A_460 = arith.addi %add3A_409, %add3A_459 : i32
        %dma_start3A_461 = arith.constant 4 : i32
        %dma_start3A_462 = arith.constant 0 : i32
        %dma_start3A_463 = arith.constant 0 : i32
        %dma_start3A_464 = tpu.memref_slice %arg6[%dma_start3A_461, %dma_start3A_462, %dma_start3A_463] : memref<5x128x64xf32, #tpu.memory_space<vmem>> -> memref<1x128x64xf32, #tpu.memory_space<vmem>>
        %dma_start3A_465 = tpu.memref_squeeze %dma_start3A_464 : memref<1x128x64xf32, #tpu.memory_space<vmem>> -> memref<128x64xf32, #tpu.memory_space<vmem>>
        %dma_start3A_466 = arith.constant 0 : i32
        %dma_start3A_467 = tpu.memref_slice %arg5[%add3A_460, %dma_start3A_466] : memref<200x128xi32, #tpu.memory_space<vmem>> -> memref<1x128xi32, #tpu.memory_space<vmem>>
        %dma_start3A_468 = tpu.memref_squeeze %dma_start3A_467 : memref<1x128xi32, #tpu.memory_space<vmem>> -> memref<128xi32, #tpu.memory_space<vmem>>
        %dma_start3A_469 = arith.constant 0 : i32
        %dma_start3A_470 = arith.constant 0 : i32
        %dma_start3A_471 = tpu.memref_slice %arg3[%dma_start3A_469, %dma_start3A_470] : memref<100000x64xf32, #tpu.memory_space<hbm>> -> memref<100000x64xf32, #tpu.memory_space<hbm>>
        tpu.enqueue_indirect_dma source(%dma_start3A_471 : memref<100000x64xf32, #tpu.memory_space<hbm>>) target(%dma_start3A_465 : memref<128x64xf32, #tpu.memory_space<vmem>>) offsets(%dma_start3A_468 : memref<128xi32, #tpu.memory_space<vmem>>) semaphore(%arg8 : memref<!tpu.dma_semaphore, #tpu.memory_space<semaphore_mem>>)
      } else {
      }
    }
    %scan3A_91 = arith.constant 40 : i32
    %dma_wait3A = arith.constant 0 : i32
    %dma_wait3A_92 = arith.constant 195 : i32
    %dma_wait3A_93 = arith.constant 0 : i32
    %dma_wait3A_94 = arith.constant 0 : i32
    %dma_wait3A_95 = arith.constant 0 : i32
    %dma_wait3A_96 = tpu.memref_slice %arg7[%dma_wait3A, %dma_wait3A_93, %dma_wait3A_94, %dma_wait3A_95] : memref<5x8x8x133xf32, #tpu.memory_space<vmem>> -> memref<1x8x8x128xf32, #tpu.memory_space<vmem>>
    %dma_wait3A_97 = tpu.memref_squeeze %dma_wait3A_96 : memref<1x8x8x128xf32, #tpu.memory_space<vmem>> -> memref<8x8x128xf32, #tpu.memory_space<vmem>>
    %dma_wait3A_98 = arith.constant 0 : i32
    %dma_wait3A_99 = arith.constant 0 : i32
    %dma_wait3A_100 = arith.constant 0 : i32
    %dma_wait3A_101 = tpu.memref_slice %arg4[%dma_wait3A_92, %dma_wait3A_98, %add3A, %dma_wait3A_99, %dma_wait3A_100] : memref<200x8x32x8x128xf32, #tpu.memory_space<hbm>> -> memref<1x8x1x8x128xf32, #tpu.memory_space<hbm>>
    %dma_wait3A_102 = tpu.memref_squeeze %dma_wait3A_101 : memref<1x8x1x8x128xf32, #tpu.memory_space<hbm>> -> memref<8x8x128xf32, #tpu.memory_space<hbm>>
    %dma_wait3A_103 = arith.constant 0 : i32
    %dma_wait3A_104 = arith.constant 0 : i32
    %dma_wait3A_105 = arith.constant 0 : i32
    %dma_wait3A_106 = tpu.memref_slice %arg4[%dma_wait3A_92, %dma_wait3A_103, %add3A, %dma_wait3A_104, %dma_wait3A_105] : memref<200x8x32x8x128xf32, #tpu.memory_space<hbm>> -> memref<1x8x1x8x128xf32, #tpu.memory_space<hbm>>
    %dma_wait3A_107 = tpu.memref_squeeze %dma_wait3A_106 : memref<1x8x1x8x128xf32, #tpu.memory_space<hbm>> -> memref<8x8x128xf32, #tpu.memory_space<hbm>>
    %dma_wait3A_108 = arith.constant 0 : i32
    %dma_wait3A_109 = arith.constant 0 : i32
    %dma_wait3A_110 = arith.constant 0 : i32
    %dma_wait3A_111 = tpu.memref_slice %arg7[%dma_wait3A, %dma_wait3A_108, %dma_wait3A_109, %dma_wait3A_110] : memref<5x8x8x133xf32, #tpu.memory_space<vmem>> -> memref<1x8x8x128xf32, #tpu.memory_space<vmem>>
    %dma_wait3A_112 = tpu.memref_squeeze %dma_wait3A_111 : memref<1x8x8x128xf32, #tpu.memory_space<vmem>> -> memref<8x8x128xf32, #tpu.memory_space<vmem>>
    tpu.wait_dma2 semaphore(%arg9 : memref<!tpu.dma_semaphore, #tpu.memory_space<semaphore_mem>>) src(%dma_wait3A_112 : memref<8x8x128xf32, #tpu.memory_space<vmem>>) dst(%dma_wait3A_107 : memref<8x8x128xf32, #tpu.memory_space<hbm>>)
    %dma_wait3A_113 = arith.constant 1 : i32
    %dma_wait3A_114 = arith.constant 196 : i32
    %dma_wait3A_115 = arith.constant 0 : i32
    %dma_wait3A_116 = arith.constant 0 : i32
    %dma_wait3A_117 = arith.constant 0 : i32
    %dma_wait3A_118 = tpu.memref_slice %arg7[%dma_wait3A_113, %dma_wait3A_115, %dma_wait3A_116, %dma_wait3A_117] : memref<5x8x8x133xf32, #tpu.memory_space<vmem>> -> memref<1x8x8x128xf32, #tpu.memory_space<vmem>>
    %dma_wait3A_119 = tpu.memref_squeeze %dma_wait3A_118 : memref<1x8x8x128xf32, #tpu.memory_space<vmem>> -> memref<8x8x128xf32, #tpu.memory_space<vmem>>
    %dma_wait3A_120 = arith.constant 0 : i32
    %dma_wait3A_121 = arith.constant 0 : i32
    %dma_wait3A_122 = arith.constant 0 : i32
    %dma_wait3A_123 = tpu.memref_slice %arg4[%dma_wait3A_114, %dma_wait3A_120, %add3A, %dma_wait3A_121, %dma_wait3A_122] : memref<200x8x32x8x128xf32, #tpu.memory_space<hbm>> -> memref<1x8x1x8x128xf32, #tpu.memory_space<hbm>>
    %dma_wait3A_124 = tpu.memref_squeeze %dma_wait3A_123 : memref<1x8x1x8x128xf32, #tpu.memory_space<hbm>> -> memref<8x8x128xf32, #tpu.memory_space<hbm>>
    %dma_wait3A_125 = arith.constant 0 : i32
    %dma_wait3A_126 = arith.constant 0 : i32
    %dma_wait3A_127 = arith.constant 0 : i32
    %dma_wait3A_128 = tpu.memref_slice %arg4[%dma_wait3A_114, %dma_wait3A_125, %add3A, %dma_wait3A_126, %dma_wait3A_127] : memref<200x8x32x8x128xf32, #tpu.memory_space<hbm>> -> memref<1x8x1x8x128xf32, #tpu.memory_space<hbm>>
    %dma_wait3A_129 = tpu.memref_squeeze %dma_wait3A_128 : memref<1x8x1x8x128xf32, #tpu.memory_space<hbm>> -> memref<8x8x128xf32, #tpu.memory_space<hbm>>
    %dma_wait3A_130 = arith.constant 0 : i32
    %dma_wait3A_131 = arith.constant 0 : i32
    %dma_wait3A_132 = arith.constant 0 : i32
    %dma_wait3A_133 = tpu.memref_slice %arg7[%dma_wait3A_113, %dma_wait3A_130, %dma_wait3A_131, %dma_wait3A_132] : memref<5x8x8x133xf32, #tpu.memory_space<vmem>> -> memref<1x8x8x128xf32, #tpu.memory_space<vmem>>
    %dma_wait3A_134 = tpu.memref_squeeze %dma_wait3A_133 : memref<1x8x8x128xf32, #tpu.memory_space<vmem>> -> memref<8x8x128xf32, #tpu.memory_space<vmem>>
    tpu.wait_dma2 semaphore(%arg9 : memref<!tpu.dma_semaphore, #tpu.memory_space<semaphore_mem>>) src(%dma_wait3A_134 : memref<8x8x128xf32, #tpu.memory_space<vmem>>) dst(%dma_wait3A_129 : memref<8x8x128xf32, #tpu.memory_space<hbm>>)
    %dma_wait3A_135 = arith.constant 2 : i32
    %dma_wait3A_136 = arith.constant 197 : i32
    %dma_wait3A_137 = arith.constant 0 : i32
    %dma_wait3A_138 = arith.constant 0 : i32
    %dma_wait3A_139 = arith.constant 0 : i32
    %dma_wait3A_140 = tpu.memref_slice %arg7[%dma_wait3A_135, %dma_wait3A_137, %dma_wait3A_138, %dma_wait3A_139] : memref<5x8x8x133xf32, #tpu.memory_space<vmem>> -> memref<1x8x8x128xf32, #tpu.memory_space<vmem>>
    %dma_wait3A_141 = tpu.memref_squeeze %dma_wait3A_140 : memref<1x8x8x128xf32, #tpu.memory_space<vmem>> -> memref<8x8x128xf32, #tpu.memory_space<vmem>>
    %dma_wait3A_142 = arith.constant 0 : i32
    %dma_wait3A_143 = arith.constant 0 : i32
    %dma_wait3A_144 = arith.constant 0 : i32
    %dma_wait3A_145 = tpu.memref_slice %arg4[%dma_wait3A_136, %dma_wait3A_142, %add3A, %dma_wait3A_143, %dma_wait3A_144] : memref<200x8x32x8x128xf32, #tpu.memory_space<hbm>> -> memref<1x8x1x8x128xf32, #tpu.memory_space<hbm>>
    %dma_wait3A_146 = tpu.memref_squeeze %dma_wait3A_145 : memref<1x8x1x8x128xf32, #tpu.memory_space<hbm>> -> memref<8x8x128xf32, #tpu.memory_space<hbm>>
    %dma_wait3A_147 = arith.constant 0 : i32
    %dma_wait3A_148 = arith.constant 0 : i32
    %dma_wait3A_149 = arith.constant 0 : i32
    %dma_wait3A_150 = tpu.memref_slice %arg4[%dma_wait3A_136, %dma_wait3A_147, %add3A, %dma_wait3A_148, %dma_wait3A_149] : memref<200x8x32x8x128xf32, #tpu.memory_space<hbm>> -> memref<1x8x1x8x128xf32, #tpu.memory_space<hbm>>
    %dma_wait3A_151 = tpu.memref_squeeze %dma_wait3A_150 : memref<1x8x1x8x128xf32, #tpu.memory_space<hbm>> -> memref<8x8x128xf32, #tpu.memory_space<hbm>>
    %dma_wait3A_152 = arith.constant 0 : i32
    %dma_wait3A_153 = arith.constant 0 : i32
    %dma_wait3A_154 = arith.constant 0 : i32
    %dma_wait3A_155 = tpu.memref_slice %arg7[%dma_wait3A_135, %dma_wait3A_152, %dma_wait3A_153, %dma_wait3A_154] : memref<5x8x8x133xf32, #tpu.memory_space<vmem>> -> memref<1x8x8x128xf32, #tpu.memory_space<vmem>>
    %dma_wait3A_156 = tpu.memref_squeeze %dma_wait3A_155 : memref<1x8x8x128xf32, #tpu.memory_space<vmem>> -> memref<8x8x128xf32, #tpu.memory_space<vmem>>
    tpu.wait_dma2 semaphore(%arg9 : memref<!tpu.dma_semaphore, #tpu.memory_space<semaphore_mem>>) src(%dma_wait3A_156 : memref<8x8x128xf32, #tpu.memory_space<vmem>>) dst(%dma_wait3A_151 : memref<8x8x128xf32, #tpu.memory_space<hbm>>)
    %dma_wait3A_157 = arith.constant 3 : i32
    %dma_wait3A_158 = arith.constant 198 : i32
    %dma_wait3A_159 = arith.constant 0 : i32
    %dma_wait3A_160 = arith.constant 0 : i32
    %dma_wait3A_161 = arith.constant 0 : i32
    %dma_wait3A_162 = tpu.memref_slice %arg7[%dma_wait3A_157, %dma_wait3A_159, %dma_wait3A_160, %dma_wait3A_161] : memref<5x8x8x133xf32, #tpu.memory_space<vmem>> -> memref<1x8x8x128xf32, #tpu.memory_space<vmem>>
    %dma_wait3A_163 = tpu.memref_squeeze %dma_wait3A_162 : memref<1x8x8x128xf32, #tpu.memory_space<vmem>> -> memref<8x8x128xf32, #tpu.memory_space<vmem>>
    %dma_wait3A_164 = arith.constant 0 : i32
    %dma_wait3A_165 = arith.constant 0 : i32
    %dma_wait3A_166 = arith.constant 0 : i32
    %dma_wait3A_167 = tpu.memref_slice %arg4[%dma_wait3A_158, %dma_wait3A_164, %add3A, %dma_wait3A_165, %dma_wait3A_166] : memref<200x8x32x8x128xf32, #tpu.memory_space<hbm>> -> memref<1x8x1x8x128xf32, #tpu.memory_space<hbm>>
    %dma_wait3A_168 = tpu.memref_squeeze %dma_wait3A_167 : memref<1x8x1x8x128xf32, #tpu.memory_space<hbm>> -> memref<8x8x128xf32, #tpu.memory_space<hbm>>
    %dma_wait3A_169 = arith.constant 0 : i32
    %dma_wait3A_170 = arith.constant 0 : i32
    %dma_wait3A_171 = arith.constant 0 : i32
    %dma_wait3A_172 = tpu.memref_slice %arg4[%dma_wait3A_158, %dma_wait3A_169, %add3A, %dma_wait3A_170, %dma_wait3A_171] : memref<200x8x32x8x128xf32, #tpu.memory_space<hbm>> -> memref<1x8x1x8x128xf32, #tpu.memory_space<hbm>>
    %dma_wait3A_173 = tpu.memref_squeeze %dma_wait3A_172 : memref<1x8x1x8x128xf32, #tpu.memory_space<hbm>> -> memref<8x8x128xf32, #tpu.memory_space<hbm>>
    %dma_wait3A_174 = arith.constant 0 : i32
    %dma_wait3A_175 = arith.constant 0 : i32
    %dma_wait3A_176 = arith.constant 0 : i32
    %dma_wait3A_177 = tpu.memref_slice %arg7[%dma_wait3A_157, %dma_wait3A_174, %dma_wait3A_175, %dma_wait3A_176] : memref<5x8x8x133xf32, #tpu.memory_space<vmem>> -> memref<1x8x8x128xf32, #tpu.memory_space<vmem>>
    %dma_wait3A_178 = tpu.memref_squeeze %dma_wait3A_177 : memref<1x8x8x128xf32, #tpu.memory_space<vmem>> -> memref<8x8x128xf32, #tpu.memory_space<vmem>>
    tpu.wait_dma2 semaphore(%arg9 : memref<!tpu.dma_semaphore, #tpu.memory_space<semaphore_mem>>) src(%dma_wait3A_178 : memref<8x8x128xf32, #tpu.memory_space<vmem>>) dst(%dma_wait3A_173 : memref<8x8x128xf32, #tpu.memory_space<hbm>>)
    %dma_wait3A_179 = arith.constant 4 : i32
    %dma_wait3A_180 = arith.constant 199 : i32
    %dma_wait3A_181 = arith.constant 0 : i32
    %dma_wait3A_182 = arith.constant 0 : i32
    %dma_wait3A_183 = arith.constant 0 : i32
    %dma_wait3A_184 = tpu.memref_slice %arg7[%dma_wait3A_179, %dma_wait3A_181, %dma_wait3A_182, %dma_wait3A_183] : memref<5x8x8x133xf32, #tpu.memory_space<vmem>> -> memref<1x8x8x128xf32, #tpu.memory_space<vmem>>
    %dma_wait3A_185 = tpu.memref_squeeze %dma_wait3A_184 : memref<1x8x8x128xf32, #tpu.memory_space<vmem>> -> memref<8x8x128xf32, #tpu.memory_space<vmem>>
    %dma_wait3A_186 = arith.constant 0 : i32
    %dma_wait3A_187 = arith.constant 0 : i32
    %dma_wait3A_188 = arith.constant 0 : i32
    %dma_wait3A_189 = tpu.memref_slice %arg4[%dma_wait3A_180, %dma_wait3A_186, %add3A, %dma_wait3A_187, %dma_wait3A_188] : memref<200x8x32x8x128xf32, #tpu.memory_space<hbm>> -> memref<1x8x1x8x128xf32, #tpu.memory_space<hbm>>
    %dma_wait3A_190 = tpu.memref_squeeze %dma_wait3A_189 : memref<1x8x1x8x128xf32, #tpu.memory_space<hbm>> -> memref<8x8x128xf32, #tpu.memory_space<hbm>>
    %dma_wait3A_191 = arith.constant 0 : i32
    %dma_wait3A_192 = arith.constant 0 : i32
    %dma_wait3A_193 = arith.constant 0 : i32
    %dma_wait3A_194 = tpu.memref_slice %arg4[%dma_wait3A_180, %dma_wait3A_191, %add3A, %dma_wait3A_192, %dma_wait3A_193] : memref<200x8x32x8x128xf32, #tpu.memory_space<hbm>> -> memref<1x8x1x8x128xf32, #tpu.memory_space<hbm>>
    %dma_wait3A_195 = tpu.memref_squeeze %dma_wait3A_194 : memref<1x8x1x8x128xf32, #tpu.memory_space<hbm>> -> memref<8x8x128xf32, #tpu.memory_space<hbm>>
    %dma_wait3A_196 = arith.constant 0 : i32
    %dma_wait3A_197 = arith.constant 0 : i32
    %dma_wait3A_198 = arith.constant 0 : i32
    %dma_wait3A_199 = tpu.memref_slice %arg7[%dma_wait3A_179, %dma_wait3A_196, %dma_wait3A_197, %dma_wait3A_198] : memref<5x8x8x133xf32, #tpu.memory_space<vmem>> -> memref<1x8x8x128xf32, #tpu.memory_space<vmem>>
    %dma_wait3A_200 = tpu.memref_squeeze %dma_wait3A_199 : memref<1x8x8x128xf32, #tpu.memory_space<vmem>> -> memref<8x8x128xf32, #tpu.memory_space<vmem>>
    tpu.wait_dma2 semaphore(%arg9 : memref<!tpu.dma_semaphore, #tpu.memory_space<semaphore_mem>>) src(%dma_wait3A_200 : memref<8x8x128xf32, #tpu.memory_space<vmem>>) dst(%dma_wait3A_195 : memref<8x8x128xf32, #tpu.memory_space<hbm>>)
    return
  }
}

</mosaic_0001>

<sc_bundles>
// kernel: kernel.3.cloned.1.call-start
scs
__scs_entry_jumppad:
0x0: {  	(pc) =	sbr.rel $0x88, $3  }
0x1: {  	(tag) =	ssettag $0x0;
	lr =	simm.s32 $0x1  }
0x2: {  	[smem:$0x3F9F] =	sst lr;
	_ =	strace $0xD0000000  }
0x3: {  	_ = 	snop  }
0x4: {  	_ = 	snop  }
0x5: {  	_ = 	snop  }
0x6: {  	_ = 	snop  }
0x7: {  	_ = 	snop  }
__scs_overlays_trampoline_lowered:
0x8: {  	[smem:$0x3FAE] =	sst s0  }
0x9: {  	[smem:$0x3FAF] =	sst s1  }
0xa: {  	[smem:$0x3FB0] =	sst s2  }
0xb: {  	[smem:$0x3FB1] =	sst s3  }
0xc: {  	[smem:$0x3FB2] =	sst s4  }
0xd: {  	[smem:$0x3FB3] =	sst s5  }
0xe: {  	[smem:$0x3FB4] =	sst s6  }
0xf: {  	[smem:$0x3FB5] =	sst s7  }
0x10: {  	[smem:$0x3FB6] =	sst s8  }
0x11: {  	[smem:$0x3FB7] =	sst s9;
	s0 =	simm.s32 @!p0 $0x0  }
0x12: {  	s1 =	sld [smem:$0x3F9D];
	s0 =	simm.s32 @p0 $0x1  }
0x13: {  	[smem:$0x3FB8] =	sst s0;
	s0 =	simm.s32 @!p1 $0x0  }
0x14: {  	s2 =	sld [smem:$0x3F9C];
	s0 =	simm.s32 @p1 $0x1  }
0x15: {  	[smem:$0x3FB9] =	sst s0;
	s0 =	simm.s32 @!p2 $0x0  }
0x16: {  	s3 =	sld [smem:$0x3FDB];
	s0 =	simm.s32 @p2 $0x1  }
0x17: {  	s4 =	simm.s32 $0x1BF5;
	[smem:$0x3FBB] =	sst s0  }
0x18: {  	s0 =	sld [smem:$0x3F9E];
	_ =	swait.ge [sflag:s4], $0x0  }
0x19: {  	s7 =	sld [smem:$0x3F9F]  }
0x1a: {  	s8 =	sadd.s32 $0xFFFFE003, lr  }
0x1b: {  	s9 =	sadd.s32 $0xFFFFFEF7, lr;
	s5 =	simm.s32 $0xFFFFFFFF;
	p2 =	slt.u32 s8, $0xFFFFF086  }
0x1c: {  	p1 =	slt.u32 s9, $0xF7A;
	s5 =	simm.s32 @!p2 $0x0  }
0x1d: {  	s5 =	simm.s32 @p1 $0x1;
	p0 =	seq.s32 s7, s2  }
0x1e: {  	s7 =	smul.u32 @!p0 $0xF7A, s2;
	p2 =	seq.s32 @!p0 s5, $0x0  }
0x1f: {  	s9 =	smul.u32 $0xF7A, s1;
	s8 =	simm.s32 @!p0 $0x1BF5;
	p2 =	por !p2, p0  }
0x20: {  	[sflag:s8] =	ssyncset.s32 @!p0 $0xFFFFF086;
	s6 =	sadd.s32 @!p0 s3, s7;
	s7 =	simm.s32 @!p0 $0x108  }
0x21: {  	s3 =	sadd.s32 s3, s9;
	s6 =	sadd.s32 @!p0 $0x88, s6;
	s7 =	simm.s32 @p2 $0x1082  }
0x22: {  	[simem:s7], [sflag:s8] =	dma.local @!p0 [hbm:s6], $0xF7A  }
0x23: {  	s9 =	sor.u32 $0xD0000000, s2;
	s6 =	simm.s32 $0x108;
	_ =	swait.ge @!p0 [sflag:s8], $0x0  }
0x24: {  	s3 =	sadd.s32 $0x88, s3;
	s6 =	simm.s32 @!p1 $0x1082;
	[sflag:s4] =	ssyncset.s32 $0xFFFFF086  }
0x25: {  	[simem:s6], [sflag:s4] =	dma.local [hbm:s3], $0xF7A  }
0x26: {  	[smem:$0x3F9F] =	sst s1;
	(tag) =	ssettag s2;
	_ =	strace s9  }
0x27: {  	s1 =	sld [smem:$0x3FAF]  }
0x28: {  	s2 =	sld [smem:$0x3FB0]  }
0x29: {  	s4 =	sld [smem:$0x3FB2]  }
0x2a: {  	p0 =	seq.s32 s5, $0x0;
	s5 =	sld [smem:$0x3FB3]  }
0x2b: {  	s6 =	sld [smem:$0x3FB4]  }
0x2c: {  	s7 =	sld [smem:$0x3FB5]  }
0x2d: {  	s3 =	simm.s32 $0x108;
	s8 =	sld [smem:$0x3FB6]  }
0x2e: {  	s3 =	simm.s32 @!p0 $0x1082;
	s9 =	sld [smem:$0x3FB7]  }
0x2f: {  	lr =	sadd.s32 s0, s3;
	s0 =	sld [smem:$0x3FAE]  }
0x30: {  	s3 =	sld [smem:$0x3FB1]  }
0x31: {  	[smem:$0x3FBA] =	sst s10  }
0x32: {  	s10 =	sld [smem:$0x3FB8];
	_ =	sdelay $0x3  }
0x33: {  	p0 =	seq.s32 s10, $0x1;
	s10 =	sld [smem:$0x3FBA];
	_ =	sdelay $0x3  }
0x34: {  	[smem:$0x3FBA] =	sst s10  }
0x35: {  	s10 =	sld [smem:$0x3FB9];
	_ =	sdelay $0x3  }
0x36: {  	p1 =	seq.s32 s10, $0x1;
	s10 =	sld [smem:$0x3FBA];
	_ =	sdelay $0x3  }
0x37: {  	[smem:$0x3FBA] =	sst s10  }
0x38: {  	s10 =	sld [smem:$0x3FBB]  }
0x39: {  	_ = 	snop;
	(pc) =	sbr.ind lr, $3  }
0x3a: {  	_ = 	snop  }
0x3b: {  	_ = 	snop  }
0x3c: {  	p2 =	seq.s32 s10, $0x1;
	s10 =	sld [smem:$0x3FBA]  }
0x3d: {  	_ =	shalt  }
0x3e: {  	_ =	shalt  }
0x3f: {  	_ =	shalt  }
0x40: {  	_ =	shalt  }
0x41: {  	_ =	shalt  }
0x42: {  	_ =	shalt  }
0x43: {  	_ =	shalt  }
0x44: {  	_ =	shalt  }
0x45: {  	_ =	shalt  }
0x46: {  	_ =	shalt  }
0x47: {  	_ =	shalt  }
0x48: {  	_ =	shalt  }
0x49: {  	_ =	shalt  }
0x4a: {  	_ =	shalt  }
0x4b: {  	_ =	shalt  }
0x4c: {  	_ =	shalt  }
0x4d: {  	_ =	shalt  }
0x4e: {  	_ =	shalt  }
0x4f: {  	_ =	shalt  }
0x50: {  	_ =	shalt  }
0x51: {  	_ =	shalt  }
0x52: {  	_ =	shalt  }
0x53: {  	_ =	shalt  }
0x54: {  	_ =	shalt  }
0x55: {  	_ =	shalt  }
0x56: {  	_ =	shalt  }
0x57: {  	_ =	shalt  }
0x58: {  	_ =	shalt  }
0x59: {  	_ =	shalt  }
0x5a: {  	_ =	shalt  }
0x5b: {  	_ =	shalt  }
0x5c: {  	_ =	shalt  }
0x5d: {  	_ =	shalt  }
0x5e: {  	_ =	shalt  }
0x5f: {  	_ =	shalt  }
0x60: {  	_ =	shalt  }
0x61: {  	_ =	shalt  }
0x62: {  	_ =	shalt  }
0x63: {  	_ =	shalt  }
0x64: {  	_ =	shalt  }
0x65: {  	_ =	shalt  }
0x66: {  	_ =	shalt  }
0x67: {  	_ =	shalt  }
0x68: {  	_ =	shalt  }
0x69: {  	_ =	shalt  }
0x6a: {  	_ =	shalt  }
0x6b: {  	_ =	shalt  }
0x6c: {  	_ =	shalt  }
0x6d: {  	_ =	shalt  }
0x6e: {  	_ =	shalt  }
0x6f: {  	_ =	shalt  }
0x70: {  	_ =	shalt  }
0x71: {  	_ =	shalt  }
0x72: {  	_ =	shalt  }
0x73: {  	_ =	shalt  }
0x74: {  	_ =	shalt  }
0x75: {  	_ =	shalt  }
0x76: {  	_ =	shalt  }
0x77: {  	_ =	shalt  }
0x78: {  	_ =	shalt  }
0x79: {  	_ =	shalt  }
0x7a: {  	_ =	shalt  }
0x7b: {  	_ =	shalt  }
0x7c: {  	_ =	shalt  }
0x7d: {  	_ =	shalt  }
0x7e: {  	_ =	shalt  }
0x7f: {  	_ =	shalt  }
0x80: {  	_ =	shalt  }
0x81: {  	_ =	shalt  }
0x82: {  	_ =	shalt  }
0x83: {  	_ =	shalt  }
0x84: {  	_ =	shalt  }
0x85: {  	_ =	shalt  }
0x86: {  	_ =	shalt  }
0x87: {  	_ =	shalt  }
.Lfunc_end0:
.L_simem_size_0:
called_computation_lowered:
.L_overlay_start_0:
0x88: {  	s2 =	sld [smem:$0x3FD9]  }
0x89: {  	s3 =	sld [smem:$0x3FFE];
	_ =	sdelay $0x1  }
0x8a: {  	s1 =	srdreg.scid  }
0x8b: {  	s0 =	sand.u32 $0x1, s1  }
0x8c: {  	s17 =	sshll.u32 s0, $0xA;
	s2 =	sadd.s32 s3, s2  }
0x8d: {  	s2 =	sadd.s32 s2, s17  }
0x8e: {  	[smem:$0x3FC6] =	sst s2  }
0x8f: {  	_ = 	snop  }
0x90: {  	s2 =	sld [smem:$0x3FD0];
	(tm) =	ssettm $0x1  }
0x91: {  	s18 =	sld [smem:$0x3FFB];
	_ =	sdelay $0x3  }
0x92: {  	_ =	strace s18  }
0x93: {  	s3 =	sld [smem:$0x3FFC];
	_ =	sdelay $0x3  }
0x94: {  	_ =	strace s3  }
0x95: {  	s3 =	sld [smem:$0x3FFD];
	_ =	sdelay $0x3  }
0x96: {  	_ =	strace s3  }
0x97: {  	_ =	strace $0x8FFFFFFF  }
0x98: {  	s19 =	sld [smem:$0x3FDB];
	_ =	sdelay $0x1  }
0x99: {  	s4 =	simm.s32 $_scs_section_size  }
0x9a: {  	s5 =	simm.s32 $_size__tile_overlayer_lowered;
	s6 =	simm.s32 $_tile_overlayer_lowered  }
0x9b: {  	s22 =	simm.s32 $0x1BFF;
	s21 =	sshll.u32 s6, $0x1;
	s3 =	sadd.s32 s4, s19  }
0x9c: {  	s7 =	simm.s32 $0x0;
	s20 =	sshll.u32 s5, $0x1;
	s5 =	sadd.s32 s21, s3  }
0x9d: {  	[timem:s7], [sflag:s22] =	dma.local [hbm:s5], s20  }
0x9e: {  	_ =	swait.ge [sflag:s22], s20  }
0x9f: {  	s4 =	ssub.s32 $0x0, s20;
	[sflag:s22] =	ssyncset.done $0x0  }
0xa0: {  	[sflag:s22] =	ssyncadd.s32 s4;
	_ =	sdelay $0x1  }
0xa1: {  	s23 =	simm.s32 $0x1B8B  }
0xa2: {  	_ =	swait.ge [sflag:s23], $0x1  }
0xa3: {  	[sflag:s23] =	ssyncset.done $0x0  }
0xa4: {  	s25 =	simm.s32 $0x1B8E;
	s24 =	sld [smem:$0x3FFE];
	[sflag:s23] =	ssyncadd.s32 $0xFFFFFFFF  }
0xa5: {  	s26 =	simm.s32 $execute0_lowered;
	[smem:$0x3FD2] =	sst s25  }
0xa6: {  	s5 =	sshll.u32 s26, $0x1;
	_ =	strace $0x80000046;
	[dreg:$0x1] =	wrdreg $0xFFFFFFFF  }
0xa7: {  	s28 =	simm.s32 $_size_execute0_lowered;
	s3 =	sadd.s32 s3, s5;
	[dreg:$0x0] =	wrdreg $0x0  }
0xa8: {  	s5 =	sshll.u32 s28, $0x1;
	[dreg:$0x2] =	wrdreg s3  }
0xa9: {  	[dreg:$0x3] =	wrdreg s5  }
0xaa: {  	[dreg:$0x4] =	wrdreg $0xC0  }
0xab: {  	_ =	task [dreg:s7], $0x5FFFF  }
0xac: {  	[dreg:$0x1] =	wrdreg $0xFFFFFFFF  }
0xad: {  	[dreg:$0x0] =	wrdreg $0x60  }
0xae: {  	[dreg:$0x2] =	wrdreg s24  }
0xaf: {  	[dreg:$0x3] =	wrdreg s2  }
0xb0: {  	[dreg:$0x4] =	wrdreg $0x9  }
0xb1: {  	_ =	task.clear_ibuf [dreg:s7], $0x5FFFF;
	_ =	strace $0x90000046  }
0xb2: {  	s29 =	simm.s32 $0x9;
	_ =	strace $0x80000048  }
0xb3: {  	_ =	swait.ge [sflag:s29], $0x1  }
0xb4: {  	[sflag:s29] =	ssyncadd.s32 $0xFFFFFFFF  }
0xb5: {  	_ =	strace $0x90000048  }
0xb6: {  	_ =	sfence  }
0xb7: {  	s30 =	sld [smem:$0x0];
	_ =	sdelay $0x2  }
0xb8: {  	s31 =	sshll.u32 s1, $0xD;
	s1 =	sshrl.u32 s1, $0x2  }
0xb9: {  	s3 =	sand.u32 $0x4000, s31;
	s1 =	sadd.s32 s1, s30  }
0xba: {  	s0 =	sor.u32 s3, s0;
	s1 =	sshll.u32 s1, $0x11  }
0xbb: {  	s0 =	sor.u32 s1, s0  }
0xbc: {  	s0 =	sadd.s32 $0x8F2B, s0  }
0xbd: {  	[sflag:s0] =	ssyncadd.remote.s32 $0x1  }
0xbe: {  	_ =	sfence.sel $0xFFFF  }
0xbf: {  	[dreg:$0x0] =	wrdreg $0xFFFFFFFF;
	(pc) =	sbr.abs _section_cstart, $3  }
0xc0: {  	[dreg:$0x1] =	wrdreg $0xFFFFFFFF  }
0xc1: {  	_ =	task.clear_ibuf [dreg:s7], $0x2FFFF;
	_ =	strace $0x9FFFFFFF  }
0xc2: {  	(tm) =	ssettm $0x7FFFFFFF  }
0xc3: {  	_ =	shalt  }
tec
execute0_lowered:
.L_overlay_start_1:
0x0: {  	(tag) =	ssettag $0x1  }
0x1: {  	s0 =	rddreg [dreg:$0x0]  }
0x2: {  	s2 =	rddreg [dreg:$0x1];
	v0 =	vlaneseq.u32  }
0x3: {  	s1 =	srdreg.scid;
	s4 =	stileid.u32;
	s3 =	simm.s32 $0x0;
	v0 =	vmul.u32 $0x88, v0  }
0x4: {  	v1 =	vimm.s32 $0x0;
	vm0 =	vcmask $0x300;
	s12 =	simm.s32 $0x80;
	s14 =	simm.s32 $0x3;
	s15 =	simm.s32 $0x6400  }
0x5: {  	s16 =	simm.s32 $0x8400;
	s18 =	simm.s32 $0xA400;
	s20 =	simm.s32 $0xC400;
	v1 =	vsel vm0, $0x3, v1;
	v2 =	vadd.s32 $0x880, v0  }
0x6: {  	s22 =	simm.s32 $0xE400;
	s23 =	simm.s32 $0x1;
	s24 =	simm.s32 $0x10400;
	v3 =	vadd.s32 $0x1100, v0;
	v4 =	vadd.s32 $0x1980, v0;
	v5 =	vor.u32 $0x1, v0  }
0x7: {  	s28 =	simm.s32 $0x14800;
	s29 =	simm.s32 $0x16A00;
	s30 =	simm.s32 $0x18C00;
	v6 =	vadd.s32 $0x881, v0;
	v7 =	vadd.s32 $0x1101, v0;
	v8 =	vadd.s32 $0x1981, v0  }
0x8: {  	s31 =	simm.s32 $0x0;
	s1 =	sand.u32 $0x1, s1;
	s4 =	sshll.u32 s4, $0x1;
	v9 =	vor.u32 $0x2, v0;
	v10 =	vadd.s32 $0x882, v0;
	v11 =	vadd.s32 $0x1102, v0  }
0x9: {  	[smem:$0x7FF] =	sst s3;
	s5 =	sor.u32 s1, s4;
	s1 =	ssub.s32 $0x2, s1;
	v12 =	vadd.s32 $0x1982, v0;
	v13 =	vor.u32 $0x3, v0;
	v14 =	vadd.s32 $0x883, v0  }
0xa: {  	_ =	strace $0x80000047;
	s4 =	sshll.u32 s5, $0x4;
	s25 =	sshrl.u32 s1, $0x1;
	v15 =	vadd.s32 $0x1103, v0;
	v16 =	vadd.s32 $0x1983, v0;
	v17 =	vor.u32 $0x4, v0  }
.Ltmp0:
0xb: {  	v18 =	vadd.s32 $0x884, v0;
	v19 =	vadd.s32 $0x1104, v0;
	v20 =	vadd.s32 $0x1984, v0;
	s6 =	sadd.s32 s4, s0;
	s4 =	sadd.s32 $0x19400, s0;
	(pc) =	sbr.rel .LBB2_1-.Ltmp0, $4  }
0xc: {  	v21 =	vor.u32 $0x5, v0;
	v22 =	vadd.s32 $0x885, v0;
	v23 =	vadd.s32 $0x1105, v0;
	s0 =	ssub.s32 s1, s25;
	s25 =	simm.s32 $0x2;
	s26 =	sadd.s32 $0x400, s6  }
0xd: {  	v24 =	vadd.s32 $0x1985, v0;
	v25 =	vor.u32 $0x6, v0;
	v26 =	vadd.s32 $0x886, v0;
	s6 =	sshll.u32 s5, $0xA;
	s0 =	smax.u32 s0, $0x1;
	[dreg:$0x3] =	wrdreg s26  }
0xe: {  	v27 =	vadd.s32 $0x1106, v0;
	v28 =	vadd.s32 $0x1986, v0;
	v29 =	vor.u32 $0x7, v0;
	s7 =	sor.u32 $0x40000, s6;
	s8 =	sor.u32 $0x80000, s6;
	s9 =	sor.u32 $0xC0000, s6  }
0xf: {  	v30 =	vadd.s32 $0x887, v0;
	v31 =	vadd.s32 $0x1107, v0;
	v32 =	vadd.s32 $0x1987, v0;
	s10 =	sor.u32 $0x100000, s6;
	[dreg:$0x4] =	wrdreg s0;
	s26 =	simm.s32 $0x12600  }
.LBB2_40:
0x10: {  	_ =	swait.ge [sflag:s25], $0x2000  }
0x11: {  	[sflag:s25] =	ssyncset.done $0x0  }
0x12: {  	[sflag:s25] =	ssyncadd.s32 $0xFFFFE000  }
0x13: {  	_ =	swait.ge [sflag:s25], $0x2000  }
0x14: {  	[sflag:s25] =	ssyncset.done $0x0  }
0x15: {  	[sflag:s25] =	ssyncadd.s32 $0xFFFFE000  }
0x16: {  	_ =	swait.ge [sflag:s25], $0x2000  }
0x17: {  	[sflag:s25] =	ssyncset.done $0x0  }
0x18: {  	[sflag:s25] =	ssyncadd.s32 $0xFFFFE000  }
0x19: {  	_ =	swait.ge [sflag:s25], $0x2000  }
0x1a: {  	[sflag:s25] =	ssyncset.done $0x0  }
0x1b: {  	[sflag:s25] =	ssyncadd.s32 $0xFFFFE000  }
0x1c: {  	_ =	swait.ge [sflag:s25], $0x2000  }
0x1d: {  	s31 =	sadd.s32 $0x1, s31;
	s0 =	rddreg [dreg:$0x4]  }
0x1e: {  	p0 =	sne.s32 s31, s0  }
.Ltmp1:
0x1f: {  	_ = 	snop;
	(pc) =	sbr.rel @!p0 .LBB2_41-.Ltmp1, $3  }
0x20: {  	_ =	sdelay $0x1  }
0x21: {  	[sflag:s25] =	ssyncset.done $0x0  }
0x22: {  	[sflag:s25] =	ssyncadd.s32 $0xFFFFE000  }
.LBB2_1:
0x23: {  	s0 =	rddreg [dreg:$0x3];
	s1 =	simm.s32 $0x1000  }
0x24: {  	[tilespmem:s3], [sflag:$0x3] =	stream.strided.gather [hbm4b:s0+s12], $0x6400, s1, s12, $0x38;
	[tilespmem:$0x1AE00] =	vst v63  }
0x25: {  	_ =	swait.ge [sflag:s14], $0x6400  }
0x26: {  	[sflag:s14] =	ssyncset.done $0x0  }
0x27: {  	[sflag:s14] =	ssyncadd.s32 $0xFFFF9C00  }
0x28: {  	[tilespmem:s15], [sflag:$0x1] =	stream.indirect.gather [hbm4b:s4+s12], $0x40, s3, s12, $0xb8;
	[tilespmem:$0x1AE00] =	vst v63  }
0x29: {  	_ = 	snop  }
0x2a: {  	[tilespmem:s16], [sflag:$0x1] =	stream.indirect.gather [hbm4b:s4+s12], $0x40, s12, s12, $0xb8;
	[tilespmem:$0x1AE00] =	vst v63  }
0x2b: {  	s17 =	simm.s32 $0x100  }
0x2c: {  	[tilespmem:s18], [sflag:$0x1] =	stream.indirect.gather [hbm4b:s4+s12], $0x40, s17, s12, $0xb8;
	[tilespmem:$0x1AE00] =	vst v63  }
0x2d: {  	s19 =	simm.s32 $0x180  }
0x2e: {  	[tilespmem:s20], [sflag:$0x1] =	stream.indirect.gather [hbm4b:s4+s12], $0x40, s19, s12, $0xb8;
	[tilespmem:$0x1AE00] =	vst v63  }
0x2f: {  	s21 =	simm.s32 $0x200;
	s0 =	simm.s32 $0x0  }
0x30: {  	[tilespmem:s22], [sflag:$0x1] =	stream.indirect.gather [hbm4b:s4+s12], $0x40, s21, s12, $0xb8;
	[tilespmem:$0x1AE00] =	vst v63  }
.LBB2_2:
0x31: {  	_ =	swait.ge [sflag:s23], $0x2000  }
0x32: {  	p0 =	seq.s32 s0, $0x0;
	[sflag:s23] =	ssyncset.done $0x0  }
0x33: {  	s1 =	simm.s32 @!p0 $0x2;
	[sflag:s23] =	ssyncadd.s32 $0xFFFFE000  }
0x34: {  	_ =	swait.ge @!p0 [sflag:s1], $0x2000  }
0x35: {  	[sflag:s1] =	ssyncset.done @!p0 $0x0  }
0x36: {  	s13 =	simm.s32 $0x6500;
	[sflag:s1] =	ssyncadd.s32 @!p0 $0xFFFFE000;
	s1 =	simm.s32 $0x7  }
.LBB2_3:
0x37: {  	v33 =	vld [tilespmem:s13+$0xFFFFFF00];
	s5 =	sadd.s32 $0xFFFFFFF9, s1  }
0x38: {  	v34 =	vld [tilespmem:s13+$0xFFFFFF10];
	v35 =	vmov s5  }
0x39: {  	v36 =	vld [tilespmem:s13+$0xFFFFFF20];
	v35 =	vshrl.u32 v35, $0x3  }
0x3a: {  	v37 =	vld [tilespmem:s13+$0xFFFFFF30];
	v35 =	vshll.u32 v35, v1  }
0x3b: {  	v38 =	vld [tilespmem:s13+$0xFFFFFF40];
	v35 =	vbroadcast v35, $0x0  }
0x3c: {  	v39 =	vld [tilespmem:s13+$0xFFFFFF50]  }
0x3d: {  	v40 =	vld [tilespmem:s13+$0xFFFFFF60];
	v42 =	vadd.s32 v0, v35  }
0x3e: {  	v41 =	vld [tilespmem:s13+$0xFFFFFF70];
	s19 =	sadd.s32 $0xFFFFFFFA, s1;
	v44 =	vadd.s32 v2, v35  }
0x3f: {  	v43 =	vld [tilespmem:s13+$0xFFFFFF80];
	v47 =	vmov s19;
	v46 =	vadd.s32 v3, v35  }
0x40: {  	v45 =	vld [tilespmem:s13+$0xFFFFFF90];
	v47 =	vshrl.u32 v47, $0x3;
	v33 =	vmul.f32 $8.000000000e+00, v33;
	v35 =	vadd.s32 v4, v35  }
0x41: {  	v48 =	vld [tilespmem:s13+$0xFFFFFFA0];
	v55 =	vshll.u32 v47, v1;
	v34 =	vmul.f32 $8.000000000e+00, v34  }
0x42: {  	v49 =	vld [tilespmem:s13+$0xFFFFFFB0];
	v36 =	vmul.f32 $8.000000000e+00, v36;
	[tilespmem:v42+s24+$0x0] =	vst.idx.msk $0xffff, v33;
	v33 =	vbroadcast v55, $0x0  }
0x43: {  	v37 =	vmul.f32 $8.000000000e+00, v37;
	[tilespmem:v44+s24+$0x0] =	vst.idx.msk $0xffff, v34  }
0x44: {  	[tilespmem:v46+s24+$0x0] =	vst.idx.msk $0xffff, v36;
	v56 =	vadd.s32 v5, v33  }
0x45: {  	s21 =	sadd.s32 $0xFFFFFFFB, s1;
	v57 =	vadd.s32 v6, v33;
	[tilespmem:v35+s24+$0x0] =	vst.idx.msk $0xffff, v37  }
0x46: {  	v59 =	vmov s21;
	v58 =	vadd.s32 v7, v33;
	v35 =	vld [tilespmem:s13+$0xFFFFFFC0]  }
0x47: {  	v38 =	vmul.f32 $8.000000000e+00, v38;
	v44 =	vshrl.u32 v59, $0x3;
	v33 =	vadd.s32 v8, v33;
	v37 =	vld [tilespmem:s13+$0xFFFFFFD0]  }
0x48: {  	v39 =	vmul.f32 $8.000000000e+00, v39;
	v60 =	vshll.u32 v44, v1;
	v46 =	vld [tilespmem:s13+$0xFFFFFFE0]  }
0x49: {  	v40 =	vmul.f32 $8.000000000e+00, v40;
	v34 =	vbroadcast v60, $0x0;
	v47 =	vld [tilespmem:s13+$0xFFFFFFF0];
	[tilespmem:v56+s24+$0x0] =	vst.idx.msk $0xffff, v38  }
0x4a: {  	v61 =	vmul.f32 $8.000000000e+00, v41;
	[tilespmem:v57+s24+$0x0] =	vst.idx.msk $0xffff, v39  }
0x4b: {  	v62 =	vadd.s32 v9, v34;
	[tilespmem:v58+s24+$0x0] =	vst.idx.msk $0xffff, v40  }
0x4c: {  	s11 =	sadd.s32 $0xFFFFFFFC, s1;
	v63 =	vadd.s32 v10, v34;
	[tilespmem:v33+s24+$0x0] =	vst.idx.msk $0xffff, v61  }
0x4d: {  	v54 =	vmov s11;
	v52 =	vadd.s32 v11, v34;
	v36 =	vld [tilespmem:s13+$0x0]  }
0x4e: {  	v53 =	vmul.f32 $8.000000000e+00, v43;
	v42 =	vshrl.u32 v54, $0x3;
	v34 =	vadd.s32 v12, v34;
	v39 =	vld [tilespmem:s13+$0x10]  }
0x4f: {  	v56 =	vmul.f32 $8.000000000e+00, v45;
	v58 =	vshll.u32 v42, v1;
	v55 =	vld [tilespmem:s13+$0x20]  }
0x50: {  	v48 =	vmul.f32 $8.000000000e+00, v48;
	v33 =	vbroadcast v58, $0x0;
	v57 =	vld [tilespmem:s13+$0x30];
	[tilespmem:v62+s24+$0x0] =	vst.idx.msk $0xffff, v53  }
0x51: {  	v59 =	vmul.f32 $8.000000000e+00, v49;
	[tilespmem:v63+s24+$0x0] =	vst.idx.msk $0xffff, v56  }
0x52: {  	v60 =	vadd.s32 v13, v33;
	[tilespmem:v52+s24+$0x0] =	vst.idx.msk $0xffff, v48  }
0x53: {  	s17 =	sadd.s32 $0xFFFFFFFD, s1;
	v61 =	vadd.s32 v14, v33;
	[tilespmem:v34+s24+$0x0] =	vst.idx.msk $0xffff, v59  }
0x54: {  	v62 =	vadd.s32 v15, v33;
	v63 =	vmov s17;
	v38 =	vld [tilespmem:s13+$0x40]  }
0x55: {  	v35 =	vmul.f32 $8.000000000e+00, v35;
	v33 =	vadd.s32 v16, v33;
	v44 =	vshrl.u32 v63, $0x3;
	v41 =	vld [tilespmem:s13+$0x50]  }
0x56: {  	v37 =	vmul.f32 $8.000000000e+00, v37;
	v44 =	vshll.u32 v44, v1;
	v48 =	vld [tilespmem:s13+$0x60]  }
0x57: {  	v46 =	vmul.f32 $8.000000000e+00, v46;
	v49 =	vld [tilespmem:s13+$0x70];
	v34 =	vbroadcast v44, $0x0;
	[tilespmem:v60+s24+$0x0] =	vst.idx.msk $0xffff, v35  }
0x58: {  	v47 =	vmul.f32 $8.000000000e+00, v47;
	[tilespmem:v61+s24+$0x0] =	vst.idx.msk $0xffff, v37  }
0x59: {  	v50 =	vadd.s32 v17, v34;
	[tilespmem:v62+s24+$0x0] =	vst.idx.msk $0xffff, v46  }
0x5a: {  	s19 =	sadd.s32 $0xFFFFFFFE, s1;
	v51 =	vadd.s32 v18, v34;
	[tilespmem:v33+s24+$0x0] =	vst.idx.msk $0xffff, v47  }
0x5b: {  	v53 =	vmov s19;
	v52 =	vadd.s32 v19, v34;
	v35 =	vld [tilespmem:s13+$0x80]  }
0x5c: {  	v44 =	vshrl.u32 v53, $0x3;
	v36 =	vmul.f32 $8.000000000e+00, v36;
	v34 =	vadd.s32 v20, v34;
	v40 =	vld [tilespmem:s13+$0x90]  }
0x5d: {  	v39 =	vmul.f32 $8.000000000e+00, v39;
	v54 =	vshll.u32 v44, v1;
	v46 =	vld [tilespmem:s13+$0xA0]  }
0x5e: {  	s21 =	sadd.s32 $0xFFFFFFFF, s1;
	v43 =	vmul.f32 $8.000000000e+00, v55;
	v33 =	vbroadcast v54, $0x0;
	v47 =	vld [tilespmem:s13+$0xB0];
	[tilespmem:v50+s24+$0x0] =	vst.idx.msk $0xffff, v36  }
0x5f: {  	v56 =	vmov s21;
	v55 =	vmul.f32 $8.000000000e+00, v57;
	[tilespmem:v51+s24+$0x0] =	vst.idx.msk $0xffff, v39  }
0x60: {  	v58 =	vshrl.u32 v56, $0x3;
	v57 =	vadd.s32 v21, v33;
	[tilespmem:v52+s24+$0x0] =	vst.idx.msk $0xffff, v43  }
0x61: {  	v59 =	vadd.s32 v22, v33;
	v36 =	vshll.u32 v58, v1;
	[tilespmem:v34+s24+$0x0] =	vst.idx.msk $0xffff, v55  }
0x62: {  	v60 =	vadd.s32 v23, v33;
	v36 =	vbroadcast v36, $0x0;
	v37 =	vld [tilespmem:s13+$0xC0]  }
0x63: {  	v61 =	vmov s1;
	v38 =	vmul.f32 $8.000000000e+00, v38;
	v33 =	vadd.s32 v24, v33;
	v42 =	vld [tilespmem:s13+$0xD0]  }
0x64: {  	v44 =	vshrl.u32 v61, $0x3;
	v41 =	vmul.f32 $8.000000000e+00, v41;
	v51 =	vadd.s32 v25, v36;
	v45 =	vld [tilespmem:s13+$0xE0]  }
0x65: {  	v62 =	vmul.f32 $8.000000000e+00, v48;
	v44 =	vshll.u32 v44, v1;
	v63 =	vadd.s32 v26, v36;
	v50 =	vld [tilespmem:s13+$0xF0];
	[tilespmem:v57+s24+$0x0] =	vst.idx.msk $0xffff, v38  }
0x66: {  	v48 =	vmul.f32 $8.000000000e+00, v49;
	v44 =	vbroadcast v44, $0x0;
	v49 =	vadd.s32 v27, v36;
	[tilespmem:v59+s24+$0x0] =	vst.idx.msk $0xffff, v41  }
0x67: {  	v53 =	vadd.s32 v28, v36;
	v52 =	vmul.f32 $8.000000000e+00, v35;
	[tilespmem:v60+s24+$0x0] =	vst.idx.msk $0xffff, v62  }
0x68: {  	v55 =	vadd.s32 v29, v44;
	v54 =	vmul.f32 $8.000000000e+00, v40;
	[tilespmem:v33+s24+$0x0] =	vst.idx.msk $0xffff, v48  }
0x69: {  	v56 =	vmul.f32 $8.000000000e+00, v46;
	v57 =	vadd.s32 v30, v44;
	[tilespmem:v51+s24+$0x0] =	vst.idx.msk $0xffff, v52  }
0x6a: {  	v58 =	vmul.f32 $8.000000000e+00, v47;
	v59 =	vadd.s32 v31, v44;
	[tilespmem:v63+s24+$0x0] =	vst.idx.msk $0xffff, v54  }
0x6b: {  	p1 =	sne.s32 s1, $0x7F;
	v60 =	vadd.s32 v32, v44;
	v37 =	vmul.f32 $8.000000000e+00, v37;
	[tilespmem:v49+s24+$0x0] =	vst.idx.msk $0xffff, v56  }
.Ltmp2:
0x6c: {  	v61 =	vmul.f32 $8.000000000e+00, v42;
	[tilespmem:v53+s24+$0x0] =	vst.idx.msk $0xffff, v58;
	(pc) =	sbr.rel @p1 .LBB2_3-.Ltmp2, $4  }
0x6d: {  	v62 =	vmul.f32 $8.000000000e+00, v45;
	[tilespmem:v55+s24+$0x0] =	vst.idx.msk $0xffff, v37  }
0x6e: {  	v63 =	vmul.f32 $8.000000000e+00, v50;
	[tilespmem:v57+s24+$0x0] =	vst.idx.msk $0xffff, v61  }
0x6f: {  	[tilespmem:v59+s24+$0x0] =	vst.idx.msk $0xffff, v62  }
0x70: {  	s1 =	sadd.s32 $0x8, s1;
	s13 =	sadd.s32 $0x200, s13;
	[tilespmem:v60+s24+$0x0] =	vst.idx.msk $0xffff, v63  }
0x71: {  	s1 =	smul.u32 $0x140000, s0;
	_ =	sdelay $0x1  }
0x72: {  	s5 =	sor.u32 s6, s1  }
0x73: {  	s5 =	sshrl.u32 s5, $0x3  }
0x74: {  	s21 =	simm.s32 $0x10400;
	s17 =	sadd.s32 s2, s5  }
0x75: {  	[hbm4b:s17+s3] =	stream.linear.scatter [tilespmem:s21], [sflag:$0x2], $0x80, $0x38;
	[tilespmem:$0x1AE00] =	vst v63  }
0x76: {  	s11 =	simm.s32 $0x10488;
	s13 =	sadd.s32 $0x10, s17  }
0x77: {  	[hbm4b:s13+s3] =	stream.linear.scatter [tilespmem:s11], [sflag:$0x2], $0x80, $0x38;
	[tilespmem:$0x1AE00] =	vst v63  }
0x78: {  	s19 =	sadd.s32 $0x20, s17;
	s13 =	simm.s32 $0x10510  }
0x79: {  	[hbm4b:s19+s3] =	stream.linear.scatter [tilespmem:s13], [sflag:$0x2], $0x80, $0x38;
	[tilespmem:$0x1AE00] =	vst v63  }
0x7a: {  	s21 =	simm.s32 $0x10598;
	s11 =	sadd.s32 $0x30, s17  }
0x7b: {  	[hbm4b:s11+s3] =	stream.linear.scatter [tilespmem:s21], [sflag:$0x2], $0x80, $0x38;
	[tilespmem:$0x1AE00] =	vst v63  }
0x7c: {  	s13 =	simm.s32 $0x10620;
	s19 =	sadd.s32 $0x40, s17  }
0x7d: {  	[hbm4b:s19+s3] =	stream.linear.scatter [tilespmem:s13], [sflag:$0x2], $0x80, $0x38;
	[tilespmem:$0x1AE00] =	vst v63  }
0x7e: {  	s5 =	sadd.s32 $0x70, s17;
	s21 =	simm.s32 $0x106A8;
	s11 =	sadd.s32 $0x50, s17  }
0x7f: {  	[hbm4b:s11+s3] =	stream.linear.scatter [tilespmem:s21], [sflag:$0x2], $0x80, $0x38;
	[tilespmem:$0x1AE00] =	vst v63  }
0x80: {  	s19 =	simm.s32 $0x10730;
	s13 =	simm.s32 $0x440;
	s21 =	sadd.s32 $0x60, s17  }
0x81: {  	[hbm4b:s21+s3] =	stream.linear.scatter [tilespmem:s19], [sflag:$0x2], $0x80, $0x38;
	[tilespmem:$0x1AE00] =	vst v63  }
0x82: {  	s17 =	sadd.s32 $0x1000, s17;
	s19 =	simm.s32 $0x2200;
	s21 =	simm.s32 $0x107B8  }
.LBB2_5:
0x83: {  	[hbm4b:s5+s3] =	stream.linear.scatter [tilespmem:s21], [sflag:$0x2], $0x80, $0x38;
	[tilespmem:$0x1AE00] =	vst v63  }
0x84: {  	s5 =	smov.u32 s13;
	s13 =	smov.u32 s19  }
0x85: {  	s11 =	sadd.s32 $0x1100, s19;
	s13 =	sshra.s32 s13, $0x2;
	s21 =	sadd.s32 $0x10400, s5  }
0x86: {  	[hbm4b:s17+s3] =	stream.linear.scatter [tilespmem:s21], [sflag:$0x2], $0x80, $0x38;
	[tilespmem:$0x1AE00] =	vst v63  }
0x87: {  	p1 =	sne.s32 s19, $0x7700;
	s19 =	sadd.s32 $0x10488, s5;
	s21 =	sadd.s32 $0x10, s17  }
0x88: {  	[hbm4b:s21+s3] =	stream.linear.scatter [tilespmem:s19], [sflag:$0x2], $0x80, $0x38;
	[tilespmem:$0x1AE00] =	vst v63  }
0x89: {  	s19 =	sadd.s32 $0x10510, s5;
	s21 =	sadd.s32 $0x20, s17  }
0x8a: {  	[hbm4b:s21+s3] =	stream.linear.scatter [tilespmem:s19], [sflag:$0x2], $0x80, $0x38;
	[tilespmem:$0x1AE00] =	vst v63  }
0x8b: {  	s19 =	sadd.s32 $0x10598, s5;
	s21 =	sadd.s32 $0x30, s17  }
0x8c: {  	[hbm4b:s21+s3] =	stream.linear.scatter [tilespmem:s19], [sflag:$0x2], $0x80, $0x38;
	[tilespmem:$0x1AE00] =	vst v63  }
0x8d: {  	s19 =	sadd.s32 $0x10620, s5;
	s21 =	sadd.s32 $0x40, s17  }
0x8e: {  	[hbm4b:s21+s3] =	stream.linear.scatter [tilespmem:s19], [sflag:$0x2], $0x80, $0x38;
	[tilespmem:$0x1AE00] =	vst v63  }
0x8f: {  	s19 =	sadd.s32 $0x106A8, s5;
	s21 =	sadd.s32 $0x50, s17  }
0x90: {  	[hbm4b:s21+s3] =	stream.linear.scatter [tilespmem:s19], [sflag:$0x2], $0x80, $0x38;
	[tilespmem:$0x1AE00] =	vst v63  }
.Ltmp3:
0x91: {  	_ = 	snop;
	(pc) =	sbr.rel @p1 .LBB2_5-.Ltmp3, $4  }
0x92: {  	s19 =	sadd.s32 $0x10730, s5;
	s21 =	sadd.s32 $0x60, s17  }
0x93: {  	[hbm4b:s21+s3] =	stream.linear.scatter [tilespmem:s19], [sflag:$0x2], $0x80, $0x38;
	[tilespmem:$0x1AE00] =	vst v63  }
0x94: {  	s21 =	sadd.s32 $0x107B8, s5  }
0x95: {  	s5 =	sadd.s32 $0x70, s17;
	s17 =	sadd.s32 $0x1000, s17;
	s19 =	smov.u32 s11  }
0x96: {  	[hbm4b:s5+s3] =	stream.linear.scatter [tilespmem:s21], [sflag:$0x2], $0x80, $0x38;
	[tilespmem:$0x1AE00] =	vst v63  }
0x97: {  	s19 =	sadd.s32 $0x10400, s13  }
0x98: {  	[hbm4b:s17+s3] =	stream.linear.scatter [tilespmem:s19], [sflag:$0x2], $0x80, $0x38;
	[tilespmem:$0x1AE00] =	vst v63  }
0x99: {  	s21 =	sadd.s32 $0x10488, s13;
	s11 =	sadd.s32 $0x10, s17  }
0x9a: {  	[hbm4b:s11+s3] =	stream.linear.scatter [tilespmem:s21], [sflag:$0x2], $0x80, $0x38;
	[tilespmem:$0x1AE00] =	vst v63  }
0x9b: {  	s19 =	sadd.s32 $0x10510, s13;
	s21 =	sadd.s32 $0x20, s17  }
0x9c: {  	[hbm4b:s21+s3] =	stream.linear.scatter [tilespmem:s19], [sflag:$0x2], $0x80, $0x38;
	[tilespmem:$0x1AE00] =	vst v63  }
0x9d: {  	s19 =	sadd.s32 $0x10598, s13;
	s21 =	sadd.s32 $0x30, s17  }
0x9e: {  	[hbm4b:s21+s3] =	stream.linear.scatter [tilespmem:s19], [sflag:$0x2], $0x80, $0x38;
	[tilespmem:$0x1AE00] =	vst v63  }
0x9f: {  	s19 =	sadd.s32 $0x10620, s13;
	s21 =	sadd.s32 $0x40, s17  }
0xa0: {  	[hbm4b:s21+s3] =	stream.linear.scatter [tilespmem:s19], [sflag:$0x2], $0x80, $0x38;
	[tilespmem:$0x1AE00] =	vst v63  }
0xa1: {  	p1 =	sne.s32 s0, $0x27;
	s19 =	sadd.s32 $0x106A8, s13;
	s21 =	sadd.s32 $0x50, s17  }
0xa2: {  	[hbm4b:s21+s3] =	stream.linear.scatter [tilespmem:s19], [sflag:$0x2], $0x80, $0x38;
	[tilespmem:$0x1AE00] =	vst v63  }
.Ltmp4:
0xa3: {  	_ = 	snop;
	(pc) =	sbr.rel @p1 .LBB2_8-.Ltmp4, $4  }
0xa4: {  	s19 =	sadd.s32 $0x10730, s13;
	s21 =	sadd.s32 $0x60, s17  }
0xa5: {  	[hbm4b:s21+s3] =	stream.linear.scatter [tilespmem:s19], [sflag:$0x2], $0x80, $0x38;
	[tilespmem:$0x1AE00] =	vst v63  }
0xa6: {  	s19 =	sadd.s32 $0x107B8, s13;
	s21 =	sadd.s32 $0x70, s17  }
0xa7: {  	[hbm4b:s21+s3] =	stream.linear.scatter [tilespmem:s19], [sflag:$0x2], $0x80, $0x38;
	[tilespmem:$0x1AE00] =	vst v63  }
.Ltmp5:
0xa8: {  	(pc) =	sbr.rel .LBB2_9-.Ltmp5, $4  }
0xa9: {  	_ = 	snop  }
0xaa: {  	_ =	swait.ge [sflag:s23], $0x2000  }
0xab: {  	[sflag:s23] =	ssyncset.done $0x0  }
0xac: {  	[sflag:s23] =	ssyncadd.s32 $0xFFFFE000  }
.LBB2_8:
0xad: {  	s5 =	smul.u32 $0xA00, s0;
	_ =	sdelay $0x1  }
0xae: {  	s5 =	sshra.s32 s5, $0x2  }
.Ltmp6:
0xaf: {  	s5 =	sadd.s32 $0x280, s5;
	(pc) =	sbr.rel @p0 .LBB2_10-.Ltmp6, $4  }
0xb0: {  	[tilespmem:s15], [sflag:$0x1] =	stream.indirect.gather [hbm4b:s4+s12], $0x40, s5, s12, $0xb8;
	[tilespmem:$0x1AE00] =	vst v63  }
0xb1: {  	_ =	swait.ge [sflag:s23], $0x2000  }
0xb2: {  	[sflag:s23] =	ssyncset.done $0x0  }
0xb3: {  	[sflag:s23] =	ssyncadd.s32 $0xFFFFE000  }
.LBB2_9:
0xb4: {  	_ =	swait.ge [sflag:s25], $0x2000  }
0xb5: {  	[sflag:s25] =	ssyncset.done $0x0  }
0xb6: {  	[sflag:s25] =	ssyncadd.s32 $0xFFFFE000  }
.LBB2_10:
0xb7: {  	s13 =	simm.s32 $0x7;
	s17 =	simm.s32 $0x85F0  }
.LBB2_11:
0xb8: {  	v33 =	vld [tilespmem:s17+$0xFFFFFE10];
	s5 =	sadd.s32 $0xFFFFFFF9, s13  }
0xb9: {  	v34 =	vld [tilespmem:s17+$0xFFFFFE20];
	v35 =	vmov s5  }
0xba: {  	v36 =	vld [tilespmem:s17+$0xFFFFFE30];
	v35 =	vshrl.u32 v35, $0x3  }
0xbb: {  	v37 =	vld [tilespmem:s17+$0xFFFFFE40];
	v35 =	vshll.u32 v35, v1  }
0xbc: {  	v38 =	vld [tilespmem:s17+$0xFFFFFE50];
	v35 =	vbroadcast v35, $0x0  }
0xbd: {  	v39 =	vld [tilespmem:s17+$0xFFFFFE60]  }
0xbe: {  	v40 =	vld [tilespmem:s17+$0xFFFFFE70];
	v42 =	vadd.s32 v0, v35  }
0xbf: {  	v41 =	vld [tilespmem:s17+$0xFFFFFE80];
	s11 =	sadd.s32 $0xFFFFFFFA, s13;
	v44 =	vadd.s32 v2, v35  }
0xc0: {  	v43 =	vld [tilespmem:s17+$0xFFFFFE90];
	v47 =	vmov s11;
	v46 =	vadd.s32 v3, v35  }
0xc1: {  	v45 =	vld [tilespmem:s17+$0xFFFFFEA0];
	v47 =	vshrl.u32 v47, $0x3;
	v33 =	vmul.f32 $8.000000000e+00, v33;
	v35 =	vadd.s32 v4, v35  }
0xc2: {  	v48 =	vld [tilespmem:s17+$0xFFFFFEB0];
	v55 =	vshll.u32 v47, v1;
	v34 =	vmul.f32 $8.000000000e+00, v34  }
0xc3: {  	v49 =	vld [tilespmem:s17+$0xFFFFFEC0];
	v36 =	vmul.f32 $8.000000000e+00, v36;
	[tilespmem:v42+s26+$0x0] =	vst.idx.msk $0xffff, v33;
	v33 =	vbroadcast v55, $0x0  }
0xc4: {  	v37 =	vmul.f32 $8.000000000e+00, v37;
	[tilespmem:v44+s26+$0x0] =	vst.idx.msk $0xffff, v34  }
0xc5: {  	[tilespmem:v46+s26+$0x0] =	vst.idx.msk $0xffff, v36;
	v56 =	vadd.s32 v5, v33  }
0xc6: {  	s19 =	sadd.s32 $0xFFFFFFFB, s13;
	v57 =	vadd.s32 v6, v33;
	[tilespmem:v35+s26+$0x0] =	vst.idx.msk $0xffff, v37  }
0xc7: {  	v59 =	vmov s19;
	v58 =	vadd.s32 v7, v33;
	v35 =	vld [tilespmem:s17+$0xFFFFFED0]  }
0xc8: {  	v38 =	vmul.f32 $8.000000000e+00, v38;
	v44 =	vshrl.u32 v59, $0x3;
	v33 =	vadd.s32 v8, v33;
	v37 =	vld [tilespmem:s17+$0xFFFFFEE0]  }
0xc9: {  	v39 =	vmul.f32 $8.000000000e+00, v39;
	v60 =	vshll.u32 v44, v1;
	v46 =	vld [tilespmem:s17+$0xFFFFFEF0]  }
0xca: {  	v40 =	vmul.f32 $8.000000000e+00, v40;
	v34 =	vbroadcast v60, $0x0;
	v47 =	vld [tilespmem:s17+$0xFFFFFF00];
	[tilespmem:v56+s26+$0x0] =	vst.idx.msk $0xffff, v38  }
0xcb: {  	v61 =	vmul.f32 $8.000000000e+00, v41;
	[tilespmem:v57+s26+$0x0] =	vst.idx.msk $0xffff, v39  }
0xcc: {  	v62 =	vadd.s32 v9, v34;
	[tilespmem:v58+s26+$0x0] =	vst.idx.msk $0xffff, v40  }
0xcd: {  	s21 =	sadd.s32 $0xFFFFFFFC, s13;
	v63 =	vadd.s32 v10, v34;
	[tilespmem:v33+s26+$0x0] =	vst.idx.msk $0xffff, v61  }
0xce: {  	v54 =	vmov s21;
	v52 =	vadd.s32 v11, v34;
	v36 =	vld [tilespmem:s17+$0xFFFFFF10]  }
0xcf: {  	v53 =	vmul.f32 $8.000000000e+00, v43;
	v42 =	vshrl.u32 v54, $0x3;
	v34 =	vadd.s32 v12, v34;
	v39 =	vld [tilespmem:s17+$0xFFFFFF20]  }
0xd0: {  	v56 =	vmul.f32 $8.000000000e+00, v45;
	v58 =	vshll.u32 v42, v1;
	v55 =	vld [tilespmem:s17+$0xFFFFFF30]  }
0xd1: {  	v48 =	vmul.f32 $8.000000000e+00, v48;
	v33 =	vbroadcast v58, $0x0;
	v57 =	vld [tilespmem:s17+$0xFFFFFF40];
	[tilespmem:v62+s26+$0x0] =	vst.idx.msk $0xffff, v53  }
0xd2: {  	v59 =	vmul.f32 $8.000000000e+00, v49;
	[tilespmem:v63+s26+$0x0] =	vst.idx.msk $0xffff, v56  }
0xd3: {  	v60 =	vadd.s32 v13, v33;
	[tilespmem:v52+s26+$0x0] =	vst.idx.msk $0xffff, v48  }
0xd4: {  	s11 =	sadd.s32 $0xFFFFFFFD, s13;
	v61 =	vadd.s32 v14, v33;
	[tilespmem:v34+s26+$0x0] =	vst.idx.msk $0xffff, v59  }
0xd5: {  	v62 =	vadd.s32 v15, v33;
	v63 =	vmov s11;
	v38 =	vld [tilespmem:s17+$0xFFFFFF50]  }
0xd6: {  	v35 =	vmul.f32 $8.000000000e+00, v35;
	v33 =	vadd.s32 v16, v33;
	v44 =	vshrl.u32 v63, $0x3;
	v41 =	vld [tilespmem:s17+$0xFFFFFF60]  }
0xd7: {  	v37 =	vmul.f32 $8.000000000e+00, v37;
	v44 =	vshll.u32 v44, v1;
	v48 =	vld [tilespmem:s17+$0xFFFFFF70]  }
0xd8: {  	v46 =	vmul.f32 $8.000000000e+00, v46;
	v49 =	vld [tilespmem:s17+$0xFFFFFF80];
	v34 =	vbroadcast v44, $0x0;
	[tilespmem:v60+s26+$0x0] =	vst.idx.msk $0xffff, v35  }
0xd9: {  	v47 =	vmul.f32 $8.000000000e+00, v47;
	[tilespmem:v61+s26+$0x0] =	vst.idx.msk $0xffff, v37  }
0xda: {  	v50 =	vadd.s32 v17, v34;
	[tilespmem:v62+s26+$0x0] =	vst.idx.msk $0xffff, v46  }
0xdb: {  	s19 =	sadd.s32 $0xFFFFFFFE, s13;
	v51 =	vadd.s32 v18, v34;
	[tilespmem:v33+s26+$0x0] =	vst.idx.msk $0xffff, v47  }
0xdc: {  	v53 =	vmov s19;
	v52 =	vadd.s32 v19, v34;
	v35 =	vld [tilespmem:s17+$0xFFFFFF90]  }
0xdd: {  	v44 =	vshrl.u32 v53, $0x3;
	v36 =	vmul.f32 $8.000000000e+00, v36;
	v34 =	vadd.s32 v20, v34;
	v40 =	vld [tilespmem:s17+$0xFFFFFFA0]  }
0xde: {  	v39 =	vmul.f32 $8.000000000e+00, v39;
	v54 =	vshll.u32 v44, v1;
	v46 =	vld [tilespmem:s17+$0xFFFFFFB0]  }
0xdf: {  	s21 =	sadd.s32 $0xFFFFFFFF, s13;
	v43 =	vmul.f32 $8.000000000e+00, v55;
	v33 =	vbroadcast v54, $0x0;
	v47 =	vld [tilespmem:s17+$0xFFFFFFC0];
	[tilespmem:v50+s26+$0x0] =	vst.idx.msk $0xffff, v36  }
0xe0: {  	v56 =	vmov s21;
	v55 =	vmul.f32 $8.000000000e+00, v57;
	[tilespmem:v51+s26+$0x0] =	vst.idx.msk $0xffff, v39  }
0xe1: {  	v58 =	vshrl.u32 v56, $0x3;
	v57 =	vadd.s32 v21, v33;
	[tilespmem:v52+s26+$0x0] =	vst.idx.msk $0xffff, v43  }
0xe2: {  	v59 =	vadd.s32 v22, v33;
	v36 =	vshll.u32 v58, v1;
	[tilespmem:v34+s26+$0x0] =	vst.idx.msk $0xffff, v55  }
0xe3: {  	v60 =	vadd.s32 v23, v33;
	v36 =	vbroadcast v36, $0x0;
	v37 =	vld [tilespmem:s17+$0xFFFFFFD0]  }
0xe4: {  	v61 =	vmov s13;
	v38 =	vmul.f32 $8.000000000e+00, v38;
	v33 =	vadd.s32 v24, v33;
	v42 =	vld [tilespmem:s17+$0xFFFFFFE0]  }
0xe5: {  	v44 =	vshrl.u32 v61, $0x3;
	v41 =	vmul.f32 $8.000000000e+00, v41;
	v51 =	vadd.s32 v25, v36;
	v45 =	vld [tilespmem:s17+$0xFFFFFFF0]  }
0xe6: {  	v62 =	vmul.f32 $8.000000000e+00, v48;
	v44 =	vshll.u32 v44, v1;
	v63 =	vadd.s32 v26, v36;
	v50 =	vld [tilespmem:s17+$0x0];
	[tilespmem:v57+s26+$0x0] =	vst.idx.msk $0xffff, v38  }
0xe7: {  	v48 =	vmul.f32 $8.000000000e+00, v49;
	v44 =	vbroadcast v44, $0x0;
	v49 =	vadd.s32 v27, v36;
	[tilespmem:v59+s26+$0x0] =	vst.idx.msk $0xffff, v41  }
0xe8: {  	v53 =	vadd.s32 v28, v36;
	v52 =	vmul.f32 $8.000000000e+00, v35;
	[tilespmem:v60+s26+$0x0] =	vst.idx.msk $0xffff, v62  }
0xe9: {  	v55 =	vadd.s32 v29, v44;
	v54 =	vmul.f32 $8.000000000e+00, v40;
	[tilespmem:v33+s26+$0x0] =	vst.idx.msk $0xffff, v48  }
0xea: {  	v56 =	vmul.f32 $8.000000000e+00, v46;
	v57 =	vadd.s32 v30, v44;
	[tilespmem:v51+s26+$0x0] =	vst.idx.msk $0xffff, v52  }
0xeb: {  	v58 =	vmul.f32 $8.000000000e+00, v47;
	v59 =	vadd.s32 v31, v44;
	[tilespmem:v63+s26+$0x0] =	vst.idx.msk $0xffff, v54  }
0xec: {  	p2 =	sne.s32 s13, $0x7F;
	v60 =	vadd.s32 v32, v44;
	v37 =	vmul.f32 $8.000000000e+00, v37;
	[tilespmem:v49+s26+$0x0] =	vst.idx.msk $0xffff, v56  }
.Ltmp7:
0xed: {  	v61 =	vmul.f32 $8.000000000e+00, v42;
	[tilespmem:v53+s26+$0x0] =	vst.idx.msk $0xffff, v58;
	(pc) =	sbr.rel @p2 .LBB2_11-.Ltmp7, $4  }
0xee: {  	v62 =	vmul.f32 $8.000000000e+00, v45;
	[tilespmem:v55+s26+$0x0] =	vst.idx.msk $0xffff, v37  }
0xef: {  	v63 =	vmul.f32 $8.000000000e+00, v50;
	[tilespmem:v57+s26+$0x0] =	vst.idx.msk $0xffff, v61  }
0xf0: {  	[tilespmem:v59+s26+$0x0] =	vst.idx.msk $0xffff, v62  }
0xf1: {  	s13 =	sadd.s32 $0x8, s13;
	s17 =	sadd.s32 $0x200, s17;
	[tilespmem:v60+s26+$0x0] =	vst.idx.msk $0xffff, v63  }
0xf2: {  	s5 =	sadd.s32 s7, s1  }
0xf3: {  	s5 =	sshrl.u32 s5, $0x3  }
0xf4: {  	s13 =	simm.s32 $0x12600;
	s11 =	sadd.s32 s2, s5  }
0xf5: {  	[hbm4b:s11+s3] =	stream.linear.scatter [tilespmem:s13], [sflag:$0x2], $0x80, $0x38;
	[tilespmem:$0x1AE00] =	vst v63  }
0xf6: {  	s17 =	simm.s32 $0x12688;
	s13 =	sadd.s32 $0x10, s11  }
0xf7: {  	[hbm4b:s13+s3] =	stream.linear.scatter [tilespmem:s17], [sflag:$0x2], $0x80, $0x38;
	[tilespmem:$0x1AE00] =	vst v63  }
0xf8: {  	s19 =	simm.s32 $0x12710;
	s21 =	sadd.s32 $0x20, s11  }
0xf9: {  	[hbm4b:s21+s3] =	stream.linear.scatter [tilespmem:s19], [sflag:$0x2], $0x80, $0x38;
	[tilespmem:$0x1AE00] =	vst v63  }
0xfa: {  	s13 =	simm.s32 $0x12798;
	s17 =	sadd.s32 $0x30, s11  }
0xfb: {  	[hbm4b:s17+s3] =	stream.linear.scatter [tilespmem:s13], [sflag:$0x2], $0x80, $0x38;
	[tilespmem:$0x1AE00] =	vst v63  }
0xfc: {  	s19 =	simm.s32 $0x12820;
	s21 =	sadd.s32 $0x40, s11  }
0xfd: {  	[hbm4b:s21+s3] =	stream.linear.scatter [tilespmem:s19], [sflag:$0x2], $0x80, $0x38;
	[tilespmem:$0x1AE00] =	vst v63  }
0xfe: {  	s5 =	sadd.s32 $0x70, s11;
	s13 =	simm.s32 $0x128A8;
	s17 =	sadd.s32 $0x50, s11  }
0xff: {  	[hbm4b:s17+s3] =	stream.linear.scatter [tilespmem:s13], [sflag:$0x2], $0x80, $0x38;
	[tilespmem:$0x1AE00] =	vst v63  }
0x100: {  	s19 =	simm.s32 $0x12930;
	s21 =	sadd.s32 $0x60, s11;
	s13 =	simm.s32 $0x440  }
0x101: {  	[hbm4b:s21+s3] =	stream.linear.scatter [tilespmem:s19], [sflag:$0x2], $0x80, $0x38;
	[tilespmem:$0x1AE00] =	vst v63  }
0x102: {  	s17 =	sadd.s32 $0x1000, s11;
	s19 =	simm.s32 $0x2200;
	s21 =	simm.s32 $0x129B8  }
.LBB2_13:
0x103: {  	[hbm4b:s5+s3] =	stream.linear.scatter [tilespmem:s21], [sflag:$0x2], $0x80, $0x38;
	[tilespmem:$0x1AE00] =	vst v63  }
0x104: {  	s5 =	smov.u32 s13;
	s11 =	smov.u32 s19  }
0x105: {  	s13 =	sshra.s32 s11, $0x2;
	s11 =	sadd.s32 $0x1100, s19;
	s21 =	sadd.s32 $0x12600, s5  }
0x106: {  	[hbm4b:s17+s3] =	stream.linear.scatter [tilespmem:s21], [sflag:$0x2], $0x80, $0x38;
	[tilespmem:$0x1AE00] =	vst v63  }
0x107: {  	p2 =	sne.s32 s19, $0x7700;
	s19 =	sadd.s32 $0x12688, s5;
	s21 =	sadd.s32 $0x10, s17  }
0x108: {  	[hbm4b:s21+s3] =	stream.linear.scatter [tilespmem:s19], [sflag:$0x2], $0x80, $0x38;
	[tilespmem:$0x1AE00] =	vst v63  }
0x109: {  	s19 =	sadd.s32 $0x12710, s5;
	s21 =	sadd.s32 $0x20, s17  }
0x10a: {  	[hbm4b:s21+s3] =	stream.linear.scatter [tilespmem:s19], [sflag:$0x2], $0x80, $0x38;
	[tilespmem:$0x1AE00] =	vst v63  }
0x10b: {  	s19 =	sadd.s32 $0x12798, s5;
	s21 =	sadd.s32 $0x30, s17  }
0x10c: {  	[hbm4b:s21+s3] =	stream.linear.scatter [tilespmem:s19], [sflag:$0x2], $0x80, $0x38;
	[tilespmem:$0x1AE00] =	vst v63  }
0x10d: {  	s19 =	sadd.s32 $0x12820, s5;
	s21 =	sadd.s32 $0x40, s17  }
0x10e: {  	[hbm4b:s21+s3] =	stream.linear.scatter [tilespmem:s19], [sflag:$0x2], $0x80, $0x38;
	[tilespmem:$0x1AE00] =	vst v63  }
0x10f: {  	s19 =	sadd.s32 $0x128A8, s5;
	s21 =	sadd.s32 $0x50, s17  }
0x110: {  	[hbm4b:s21+s3] =	stream.linear.scatter [tilespmem:s19], [sflag:$0x2], $0x80, $0x38;
	[tilespmem:$0x1AE00] =	vst v63  }
.Ltmp8:
0x111: {  	_ = 	snop;
	(pc) =	sbr.rel @p2 .LBB2_13-.Ltmp8, $4  }
0x112: {  	s19 =	sadd.s32 $0x12930, s5;
	s21 =	sadd.s32 $0x60, s17  }
0x113: {  	[hbm4b:s21+s3] =	stream.linear.scatter [tilespmem:s19], [sflag:$0x2], $0x80, $0x38;
	[tilespmem:$0x1AE00] =	vst v63  }
0x114: {  	s21 =	sadd.s32 $0x129B8, s5  }
0x115: {  	s5 =	sadd.s32 $0x70, s17;
	s17 =	sadd.s32 $0x1000, s17;
	s19 =	smov.u32 s11  }
0x116: {  	[hbm4b:s5+s3] =	stream.linear.scatter [tilespmem:s21], [sflag:$0x2], $0x80, $0x38;
	[tilespmem:$0x1AE00] =	vst v63  }
0x117: {  	s19 =	sadd.s32 $0x12600, s13  }
0x118: {  	[hbm4b:s17+s3] =	stream.linear.scatter [tilespmem:s19], [sflag:$0x2], $0x80, $0x38;
	[tilespmem:$0x1AE00] =	vst v63  }
0x119: {  	s21 =	sadd.s32 $0x12688, s13;
	s11 =	sadd.s32 $0x10, s17  }
0x11a: {  	[hbm4b:s11+s3] =	stream.linear.scatter [tilespmem:s21], [sflag:$0x2], $0x80, $0x38;
	[tilespmem:$0x1AE00] =	vst v63  }
0x11b: {  	s19 =	sadd.s32 $0x12710, s13;
	s21 =	sadd.s32 $0x20, s17  }
0x11c: {  	[hbm4b:s21+s3] =	stream.linear.scatter [tilespmem:s19], [sflag:$0x2], $0x80, $0x38;
	[tilespmem:$0x1AE00] =	vst v63  }
0x11d: {  	s19 =	sadd.s32 $0x12798, s13;
	s21 =	sadd.s32 $0x30, s17  }
0x11e: {  	[hbm4b:s21+s3] =	stream.linear.scatter [tilespmem:s19], [sflag:$0x2], $0x80, $0x38;
	[tilespmem:$0x1AE00] =	vst v63  }
0x11f: {  	s19 =	sadd.s32 $0x12820, s13;
	s21 =	sadd.s32 $0x40, s17  }
0x120: {  	[hbm4b:s21+s3] =	stream.linear.scatter [tilespmem:s19], [sflag:$0x2], $0x80, $0x38;
	[tilespmem:$0x1AE00] =	vst v63  }
0x121: {  	s19 =	sadd.s32 $0x128A8, s13;
	s21 =	sadd.s32 $0x50, s17  }
0x122: {  	[hbm4b:s21+s3] =	stream.linear.scatter [tilespmem:s19], [sflag:$0x2], $0x80, $0x38;
	[tilespmem:$0x1AE00] =	vst v63  }
.Ltmp9:
0x123: {  	_ = 	snop;
	(pc) =	sbr.rel @p1 .LBB2_16-.Ltmp9, $4  }
0x124: {  	s19 =	sadd.s32 $0x12930, s13;
	s21 =	sadd.s32 $0x60, s17  }
0x125: {  	[hbm4b:s21+s3] =	stream.linear.scatter [tilespmem:s19], [sflag:$0x2], $0x80, $0x38;
	[tilespmem:$0x1AE00] =	vst v63  }
0x126: {  	s19 =	sadd.s32 $0x129B8, s13;
	s21 =	sadd.s32 $0x70, s17  }
0x127: {  	[hbm4b:s21+s3] =	stream.linear.scatter [tilespmem:s19], [sflag:$0x2], $0x80, $0x38;
	[tilespmem:$0x1AE00] =	vst v63  }
.Ltmp10:
0x128: {  	(pc) =	sbr.rel .LBB2_17-.Ltmp10, $4  }
0x129: {  	_ = 	snop  }
0x12a: {  	_ =	swait.ge [sflag:s23], $0x2000  }
0x12b: {  	[sflag:s23] =	ssyncset.done $0x0  }
0x12c: {  	[sflag:s23] =	ssyncadd.s32 $0xFFFFE000  }
.LBB2_16:
0x12d: {  	s5 =	smul.u32 $0xA00, s0;
	_ =	sdelay $0x1  }
0x12e: {  	s5 =	sshra.s32 s5, $0x2  }
.Ltmp11:
0x12f: {  	s5 =	sadd.s32 $0x300, s5;
	(pc) =	sbr.rel @p0 .LBB2_18-.Ltmp11, $4  }
0x130: {  	[tilespmem:s16], [sflag:$0x1] =	stream.indirect.gather [hbm4b:s4+s12], $0x40, s5, s12, $0xb8;
	[tilespmem:$0x1AE00] =	vst v63  }
0x131: {  	_ =	swait.ge [sflag:s23], $0x2000  }
0x132: {  	[sflag:s23] =	ssyncset.done $0x0  }
0x133: {  	[sflag:s23] =	ssyncadd.s32 $0xFFFFE000  }
.LBB2_17:
0x134: {  	_ =	swait.ge [sflag:s25], $0x2000  }
0x135: {  	[sflag:s25] =	ssyncset.done $0x0  }
0x136: {  	[sflag:s25] =	ssyncadd.s32 $0xFFFFE000  }
.LBB2_18:
0x137: {  	s13 =	simm.s32 $0x0  }
0x138: {  	s5 =	simm.s32 $0x0;
	v33 =	vld [tilespmem:s13+$0xA4B0]  }
0x139: {  	v34 =	vld [tilespmem:s13+$0xA4A0];
	v35 =	vmov s5  }
0x13a: {  	v36 =	vld [tilespmem:s13+$0xA490];
	v35 =	vshrl.u32 v35, $0x3  }
0x13b: {  	v37 =	vld [tilespmem:s13+$0xA480];
	v35 =	vshll.u32 v35, v1  }
0x13c: {  	v39 =	vld [tilespmem:s13+$0xA400];
	v35 =	vbroadcast v35, $0x0  }
0x13d: {  	v40 =	vld [tilespmem:s13+$0xA410]  }
0x13e: {  	v41 =	vld [tilespmem:s13+$0xA420];
	v42 =	vadd.s32 v0, v35  }
0x13f: {  	s19 =	simm.s32 $0x1;
	v43 =	vld [tilespmem:s13+$0xA430];
	v44 =	vadd.s32 v2, v35  }
0x140: {  	v38 =	vld [tilespmem:s13+$0xA470];
	v47 =	vmov s19;
	v46 =	vadd.s32 v3, v35  }
0x141: {  	v45 =	vld [tilespmem:s13+$0xA460];
	v47 =	vshrl.u32 v47, $0x3;
	v39 =	vmul.f32 $8.000000000e+00, v39;
	v35 =	vadd.s32 v4, v35  }
0x142: {  	v48 =	vld [tilespmem:s13+$0xA450];
	v57 =	vshll.u32 v47, v1;
	v40 =	vmul.f32 $8.000000000e+00, v40  }
0x143: {  	v49 =	vld [tilespmem:s13+$0xA440];
	v41 =	vmul.f32 $8.000000000e+00, v41;
	[tilespmem:v42+s28+$0x0] =	vst.idx.msk $0xffff, v39;
	v39 =	vbroadcast v57, $0x0  }
0x144: {  	v58 =	vmul.f32 $8.000000000e+00, v43;
	[tilespmem:v44+s28+$0x0] =	vst.idx.msk $0xffff, v40  }
0x145: {  	[tilespmem:v46+s28+$0x0] =	vst.idx.msk $0xffff, v41;
	v59 =	vadd.s32 v5, v39  }
0x146: {  	s21 =	simm.s32 $0x2;
	v60 =	vadd.s32 v6, v39;
	[tilespmem:v35+s28+$0x0] =	vst.idx.msk $0xffff, v58  }
0x147: {  	v63 =	vmov s21;
	v61 =	vadd.s32 v7, v39;
	v40 =	vld [tilespmem:s13+$0xA4F0]  }
0x148: {  	v62 =	vmul.f32 $8.000000000e+00, v49;
	v39 =	vadd.s32 v8, v39;
	v46 =	vshrl.u32 v63, $0x3;
	v42 =	vld [tilespmem:s13+$0xA4E0]  }
0x149: {  	v48 =	vmul.f32 $8.000000000e+00, v48;
	v53 =	vshll.u32 v46, v1;
	v52 =	vld [tilespmem:s13+$0xA4C0]  }
0x14a: {  	v45 =	vmul.f32 $8.000000000e+00, v45;
	v49 =	vld [tilespmem:s13+$0xA4D0];
	v35 =	vbroadcast v53, $0x0;
	[tilespmem:v59+s28+$0x0] =	vst.idx.msk $0xffff, v62  }
0x14b: {  	v38 =	vmul.f32 $8.000000000e+00, v38;
	[tilespmem:v60+s28+$0x0] =	vst.idx.msk $0xffff, v48  }
0x14c: {  	v54 =	vadd.s32 v9, v35;
	[tilespmem:v61+s28+$0x0] =	vst.idx.msk $0xffff, v45  }
0x14d: {  	s11 =	simm.s32 $0x3;
	v55 =	vadd.s32 v10, v35;
	[tilespmem:v39+s28+$0x0] =	vst.idx.msk $0xffff, v38  }
0x14e: {  	v57 =	vmov s11;
	v56 =	vadd.s32 v11, v35;
	v41 =	vld [tilespmem:s13+$0xA500]  }
0x14f: {  	v37 =	vmul.f32 $8.000000000e+00, v37;
	v35 =	vadd.s32 v12, v35;
	v45 =	vshrl.u32 v57, $0x3;
	v43 =	vld [tilespmem:s13+$0xA510]  }
0x150: {  	v36 =	vmul.f32 $8.000000000e+00, v36;
	v58 =	vshll.u32 v45, v1;
	v46 =	vld [tilespmem:s13+$0xA530]  }
0x151: {  	v34 =	vmul.f32 $8.000000000e+00, v34;
	v48 =	vld [tilespmem:s13+$0xA520];
	[tilespmem:v54+s28+$0x0] =	vst.idx.msk $0xffff, v37;
	v37 =	vbroadcast v58, $0x0  }
0x152: {  	v33 =	vmul.f32 $8.000000000e+00, v33;
	[tilespmem:v55+s28+$0x0] =	vst.idx.msk $0xffff, v36  }
0x153: {  	[tilespmem:v56+s28+$0x0] =	vst.idx.msk $0xffff, v34;
	v59 =	vadd.s32 v13, v37  }
0x154: {  	s17 =	simm.s32 $0x4;
	v60 =	vadd.s32 v14, v37;
	[tilespmem:v35+s28+$0x0] =	vst.idx.msk $0xffff, v33  }
0x155: {  	v63 =	vmov s17;
	v61 =	vadd.s32 v15, v37;
	v34 =	vld [tilespmem:s13+$0xA550]  }
0x156: {  	v62 =	vmul.f32 $8.000000000e+00, v52;
	v45 =	vshrl.u32 v63, $0x3;
	v52 =	vadd.s32 v16, v37;
	v36 =	vld [tilespmem:s13+$0xA540]  }
0x157: {  	v49 =	vmul.f32 $8.000000000e+00, v49;
	v53 =	vshll.u32 v45, v1;
	v35 =	vld [tilespmem:s13+$0xA570]  }
0x158: {  	v42 =	vmul.f32 $8.000000000e+00, v42;
	v33 =	vbroadcast v53, $0x0;
	v37 =	vld [tilespmem:s13+$0xA560];
	[tilespmem:v59+s28+$0x0] =	vst.idx.msk $0xffff, v62  }
0x159: {  	v40 =	vmul.f32 $8.000000000e+00, v40;
	[tilespmem:v60+s28+$0x0] =	vst.idx.msk $0xffff, v49  }
0x15a: {  	v54 =	vadd.s32 v17, v33;
	[tilespmem:v61+s28+$0x0] =	vst.idx.msk $0xffff, v42  }
0x15b: {  	s19 =	simm.s32 $0x5;
	v55 =	vadd.s32 v18, v33;
	[tilespmem:v52+s28+$0x0] =	vst.idx.msk $0xffff, v40  }
0x15c: {  	v56 =	vmov s19;
	v57 =	vadd.s32 v19, v33;
	v39 =	vld [tilespmem:s13+$0xA580]  }
0x15d: {  	s17 =	simm.s32 $0x7;
	v58 =	vmul.f32 $8.000000000e+00, v41;
	v50 =	vadd.s32 v20, v33;
	v59 =	vshrl.u32 v56, $0x3;
	v40 =	vld [tilespmem:s13+$0xA590]  }
0x15e: {  	v43 =	vmul.f32 $8.000000000e+00, v43;
	v60 =	vmov s17;
	v33 =	vshll.u32 v59, v1;
	v38 =	vld [tilespmem:s13+$0xA5B0]  }
0x15f: {  	s21 =	simm.s32 $0x6;
	v48 =	vmul.f32 $8.000000000e+00, v48;
	v51 =	vshrl.u32 v60, $0x3;
	v45 =	vbroadcast v33, $0x0;
	v41 =	vld [tilespmem:s13+$0xA5A0];
	[tilespmem:v54+s28+$0x0] =	vst.idx.msk $0xffff, v58  }
0x160: {  	v46 =	vmul.f32 $8.000000000e+00, v46;
	v62 =	vmov s21;
	v61 =	vshll.u32 v51, v1;
	[tilespmem:v55+s28+$0x0] =	vst.idx.msk $0xffff, v43  }
0x161: {  	v63 =	vshrl.u32 v62, $0x3;
	v42 =	vadd.s32 v23, v45;
	v44 =	vadd.s32 v22, v45;
	[tilespmem:v57+s28+$0x0] =	vst.idx.msk $0xffff, v48  }
0x162: {  	s19 =	simm.s32 $0x800;
	v33 =	vbroadcast v61, $0x0;
	v43 =	vadd.s32 v21, v45;
	[tilespmem:v50+s28+$0x0] =	vst.idx.msk $0xffff, v46;
	v46 =	vshll.u32 v63, v1  }
.LBB2_19:
0x163: {  	p2 =	sne.s32 s19, $0x7800  }
0x164: {  	v47 =	vld [tilespmem:s13+$0xA5C0];
	v46 =	vbroadcast v46, $0x0;
	s17 =	sadd.s32 $0x8, s17;
	s5 =	smov.u32 s19;
	s19 =	sadd.s32 $0x800, s19  }
0x165: {  	v36 =	vmul.f32 $8.000000000e+00, v36;
	v45 =	vadd.s32 v24, v45;
	v48 =	vmov s17;
	v49 =	vld [tilespmem:s13+$0xA5F0]  }
0x166: {  	v34 =	vmul.f32 $8.000000000e+00, v34;
	v48 =	vshrl.u32 v48, $0x3;
	v50 =	vld [tilespmem:s13+$0xA5E0];
	v51 =	vadd.s32 v25, v46  }
0x167: {  	v37 =	vmul.f32 $8.000000000e+00, v37;
	v53 =	vadd.s32 v26, v46;
	v48 =	vshll.u32 v48, v1;
	v52 =	vld [tilespmem:s13+$0xA5D0]  }
0x168: {  	v35 =	vmul.f32 $8.000000000e+00, v35;
	v48 =	vbroadcast v48, $0x0;
	[tilespmem:v43+s28+$0x0] =	vst.idx.msk $0xffff, v36;
	v36 =	vadd.s32 v27, v46  }
0x169: {  	v39 =	vmul.f32 $8.000000000e+00, v39;
	[tilespmem:v44+s28+$0x0] =	vst.idx.msk $0xffff, v34;
	v34 =	vadd.s32 v28, v46  }
0x16a: {  	v40 =	vmul.f32 $8.000000000e+00, v40;
	[tilespmem:v42+s28+$0x0] =	vst.idx.msk $0xffff, v37;
	v37 =	vadd.s32 v29, v33  }
0x16b: {  	v41 =	vmul.f32 $8.000000000e+00, v41;
	[tilespmem:v45+s28+$0x0] =	vst.idx.msk $0xffff, v35;
	v35 =	vadd.s32 v30, v33  }
0x16c: {  	v38 =	vmul.f32 $8.000000000e+00, v38;
	[tilespmem:v51+s28+$0x0] =	vst.idx.msk $0xffff, v39;
	v39 =	vadd.s32 v31, v33  }
0x16d: {  	v42 =	vmul.f32 $8.000000000e+00, v47;
	[tilespmem:v53+s28+$0x0] =	vst.idx.msk $0xffff, v40;
	v40 =	vadd.s32 v32, v33;
	v33 =	vmov v48  }
0x16e: {  	v43 =	vmul.f32 $8.000000000e+00, v52;
	[tilespmem:v36+s28+$0x0] =	vst.idx.msk $0xffff, v41  }
0x16f: {  	v36 =	vmul.f32 $8.000000000e+00, v50;
	[tilespmem:v34+s28+$0x0] =	vst.idx.msk $0xffff, v38  }
0x170: {  	v34 =	vmul.f32 $8.000000000e+00, v49;
	[tilespmem:v37+s28+$0x0] =	vst.idx.msk $0xffff, v42  }
0x171: {  	[tilespmem:v35+s28+$0x0] =	vst.idx.msk $0xffff, v43  }
0x172: {  	[tilespmem:v39+s28+$0x0] =	vst.idx.msk $0xffff, v36  }
0x173: {  	s13 =	sshra.s32 s5, $0x2;
	[tilespmem:v40+s28+$0x0] =	vst.idx.msk $0xffff, v34  }
0x174: {  	v34 =	vld [tilespmem:s13+$0xA4B0]  }
0x175: {  	s5 =	sadd.s32 $0xFFFFFFF9, s17;
	v35 =	vld [tilespmem:s13+$0xA4A0]  }
0x176: {  	v36 =	vmov s5;
	v37 =	vld [tilespmem:s13+$0xA490]  }
0x177: {  	v36 =	vshrl.u32 v36, $0x3;
	v38 =	vld [tilespmem:s13+$0xA480]  }
0x178: {  	v36 =	vshll.u32 v36, v1;
	v39 =	vld [tilespmem:s13+$0xA470]  }
0x179: {  	v36 =	vbroadcast v36, $0x0;
	v40 =	vld [tilespmem:s13+$0xA400]  }
0x17a: {  	v41 =	vld [tilespmem:s13+$0xA410]  }
0x17b: {  	v43 =	vadd.s32 v0, v36;
	v42 =	vld [tilespmem:s13+$0xA420]  }
0x17c: {  	v45 =	vadd.s32 v2, v36;
	v44 =	vld [tilespmem:s13+$0xA430]  }
0x17d: {  	s5 =	sadd.s32 $0xFFFFFFFA, s17;
	v47 =	vadd.s32 v3, v36;
	v46 =	vld [tilespmem:s13+$0xA460]  }
0x17e: {  	v48 =	vmov s5;
	v36 =	vadd.s32 v4, v36;
	v40 =	vmul.f32 $8.000000000e+00, v40;
	v49 =	vld [tilespmem:s13+$0xA450]  }
0x17f: {  	v48 =	vshrl.u32 v48, $0x3;
	v41 =	vmul.f32 $8.000000000e+00, v41;
	v50 =	vld [tilespmem:s13+$0xA440]  }
0x180: {  	v42 =	vmul.f32 $8.000000000e+00, v42;
	[tilespmem:v43+s28+$0x0] =	vst.idx.msk $0xffff, v40;
	v40 =	vshll.u32 v48, v1  }
0x181: {  	v43 =	vmul.f32 $8.000000000e+00, v44;
	[tilespmem:v45+s28+$0x0] =	vst.idx.msk $0xffff, v41;
	v40 =	vbroadcast v40, $0x0  }
0x182: {  	[tilespmem:v47+s28+$0x0] =	vst.idx.msk $0xffff, v42  }
0x183: {  	[tilespmem:v36+s28+$0x0] =	vst.idx.msk $0xffff, v43;
	v36 =	vadd.s32 v5, v40  }
0x184: {  	v42 =	vadd.s32 v6, v40;
	v41 =	vld [tilespmem:s13+$0xA4F0]  }
0x185: {  	s5 =	sadd.s32 $0xFFFFFFFB, s17;
	v44 =	vadd.s32 v7, v40;
	v43 =	vld [tilespmem:s13+$0xA4E0]  }
0x186: {  	v47 =	vmov s5;
	v40 =	vadd.s32 v8, v40;
	v45 =	vmul.f32 $8.000000000e+00, v50;
	v48 =	vld [tilespmem:s13+$0xA4C0]  }
0x187: {  	v49 =	vmul.f32 $8.000000000e+00, v49;
	v47 =	vshrl.u32 v47, $0x3;
	v50 =	vld [tilespmem:s13+$0xA4D0]  }
0x188: {  	v46 =	vmul.f32 $8.000000000e+00, v46;
	[tilespmem:v36+s28+$0x0] =	vst.idx.msk $0xffff, v45;
	v36 =	vshll.u32 v47, v1  }
0x189: {  	v39 =	vmul.f32 $8.000000000e+00, v39;
	[tilespmem:v42+s28+$0x0] =	vst.idx.msk $0xffff, v49;
	v36 =	vbroadcast v36, $0x0  }
0x18a: {  	[tilespmem:v44+s28+$0x0] =	vst.idx.msk $0xffff, v46  }
0x18b: {  	[tilespmem:v40+s28+$0x0] =	vst.idx.msk $0xffff, v39;
	v39 =	vadd.s32 v9, v36  }
0x18c: {  	v40 =	vadd.s32 v10, v36;
	v42 =	vld [tilespmem:s13+$0xA500]  }
0x18d: {  	s5 =	sadd.s32 $0xFFFFFFFC, s17;
	v45 =	vadd.s32 v11, v36;
	v44 =	vld [tilespmem:s13+$0xA510]  }
0x18e: {  	v38 =	vmul.f32 $8.000000000e+00, v38;
	v46 =	vmov s5;
	v36 =	vadd.s32 v12, v36;
	v47 =	vld [tilespmem:s13+$0xA530]  }
0x18f: {  	v37 =	vmul.f32 $8.000000000e+00, v37;
	v46 =	vshrl.u32 v46, $0x3;
	v49 =	vld [tilespmem:s13+$0xA520]  }
0x190: {  	v35 =	vmul.f32 $8.000000000e+00, v35;
	[tilespmem:v39+s28+$0x0] =	vst.idx.msk $0xffff, v38;
	v38 =	vshll.u32 v46, v1  }
0x191: {  	v34 =	vmul.f32 $8.000000000e+00, v34;
	[tilespmem:v40+s28+$0x0] =	vst.idx.msk $0xffff, v37;
	v37 =	vbroadcast v38, $0x0  }
0x192: {  	[tilespmem:v45+s28+$0x0] =	vst.idx.msk $0xffff, v35  }
0x193: {  	[tilespmem:v36+s28+$0x0] =	vst.idx.msk $0xffff, v34;
	v38 =	vadd.s32 v13, v37  }
0x194: {  	v39 =	vadd.s32 v14, v37;
	v34 =	vld [tilespmem:s13+$0xA550]  }
0x195: {  	s5 =	sadd.s32 $0xFFFFFFFD, s17;
	v40 =	vadd.s32 v15, v37;
	v36 =	vld [tilespmem:s13+$0xA540]  }
0x196: {  	v46 =	vmov s5;
	v45 =	vmul.f32 $8.000000000e+00, v48;
	v48 =	vadd.s32 v16, v37;
	v35 =	vld [tilespmem:s13+$0xA570]  }
0x197: {  	v50 =	vmul.f32 $8.000000000e+00, v50;
	v46 =	vshrl.u32 v46, $0x3;
	v37 =	vld [tilespmem:s13+$0xA560]  }
0x198: {  	v43 =	vmul.f32 $8.000000000e+00, v43;
	[tilespmem:v38+s28+$0x0] =	vst.idx.msk $0xffff, v45;
	v38 =	vshll.u32 v46, v1  }
0x199: {  	v41 =	vmul.f32 $8.000000000e+00, v41;
	[tilespmem:v39+s28+$0x0] =	vst.idx.msk $0xffff, v50;
	v45 =	vbroadcast v38, $0x0  }
0x19a: {  	[tilespmem:v40+s28+$0x0] =	vst.idx.msk $0xffff, v43  }
0x19b: {  	[tilespmem:v48+s28+$0x0] =	vst.idx.msk $0xffff, v41;
	v43 =	vadd.s32 v17, v45  }
0x19c: {  	s5 =	sadd.s32 $0xFFFFFFFE, s17;
	v46 =	vadd.s32 v18, v45;
	v39 =	vld [tilespmem:s13+$0xA580]  }
0x19d: {  	v41 =	vmov s5;
	v48 =	vadd.s32 v19, v45;
	v40 =	vld [tilespmem:s13+$0xA590]  }
0x19e: {  	v42 =	vmul.f32 $8.000000000e+00, v42;
	v50 =	vadd.s32 v20, v45;
	v45 =	vshrl.u32 v41, $0x3;
	v38 =	vld [tilespmem:s13+$0xA5B0]  }
.Ltmp12:
0x19f: {  	v44 =	vmul.f32 $8.000000000e+00, v44;
	v45 =	vshll.u32 v45, v1;
	v41 =	vld [tilespmem:s13+$0xA5A0];
	(pc) =	sbr.rel @p2 .LBB2_19-.Ltmp12, $4  }
0x1a0: {  	v49 =	vmul.f32 $8.000000000e+00, v49;
	s5 =	sadd.s32 $0xFFFFFFFF, s17;
	v45 =	vbroadcast v45, $0x0;
	[tilespmem:v43+s28+$0x0] =	vst.idx.msk $0xffff, v42  }
0x1a1: {  	v47 =	vmul.f32 $8.000000000e+00, v47;
	v51 =	vmov s5;
	[tilespmem:v46+s28+$0x0] =	vst.idx.msk $0xffff, v44  }
0x1a2: {  	v43 =	vadd.s32 v21, v45;
	v42 =	vadd.s32 v23, v45;
	v46 =	vshrl.u32 v51, $0x3;
	[tilespmem:v48+s28+$0x0] =	vst.idx.msk $0xffff, v49  }
0x1a3: {  	v44 =	vadd.s32 v22, v45;
	v46 =	vshll.u32 v46, v1;
	[tilespmem:v50+s28+$0x0] =	vst.idx.msk $0xffff, v47  }
0x1a4: {  	_ = 	snop  }
0x1a5: {  	v47 =	vld [tilespmem:s13+$0xA5C0];
	v46 =	vbroadcast v46, $0x0  }
0x1a6: {  	v48 =	vld [tilespmem:s13+$0xA5F0];
	v36 =	vmul.f32 $8.000000000e+00, v36;
	v45 =	vadd.s32 v24, v45  }
0x1a7: {  	v49 =	vld [tilespmem:s13+$0xA5E0];
	v34 =	vmul.f32 $8.000000000e+00, v34;
	v50 =	vadd.s32 v25, v46  }
0x1a8: {  	v51 =	vld [tilespmem:s13+$0xA5D0];
	v37 =	vmul.f32 $8.000000000e+00, v37;
	v52 =	vadd.s32 v26, v46;
	[tilespmem:v43+s28+$0x0] =	vst.idx.msk $0xffff, v36  }
0x1a9: {  	v35 =	vmul.f32 $8.000000000e+00, v35;
	v63 =	vadd.s32 v27, v46;
	[tilespmem:v44+s28+$0x0] =	vst.idx.msk $0xffff, v34  }
0x1aa: {  	v46 =	vadd.s32 v28, v46;
	v44 =	vmul.f32 $8.000000000e+00, v39;
	[tilespmem:v42+s28+$0x0] =	vst.idx.msk $0xffff, v37  }
0x1ab: {  	v53 =	vmul.f32 $8.000000000e+00, v40;
	v54 =	vadd.s32 v29, v33;
	[tilespmem:v45+s28+$0x0] =	vst.idx.msk $0xffff, v35  }
0x1ac: {  	v55 =	vmul.f32 $8.000000000e+00, v41;
	v56 =	vadd.s32 v30, v33;
	[tilespmem:v50+s28+$0x0] =	vst.idx.msk $0xffff, v44  }
0x1ad: {  	v57 =	vmul.f32 $8.000000000e+00, v38;
	v58 =	vadd.s32 v31, v33;
	[tilespmem:v52+s28+$0x0] =	vst.idx.msk $0xffff, v53  }
0x1ae: {  	v60 =	vadd.s32 v32, v33;
	v59 =	vmul.f32 $8.000000000e+00, v47;
	[tilespmem:v63+s28+$0x0] =	vst.idx.msk $0xffff, v55  }
0x1af: {  	v61 =	vmul.f32 $8.000000000e+00, v51;
	[tilespmem:v46+s28+$0x0] =	vst.idx.msk $0xffff, v57  }
0x1b0: {  	v62 =	vmul.f32 $8.000000000e+00, v49;
	[tilespmem:v54+s28+$0x0] =	vst.idx.msk $0xffff, v59  }
0x1b1: {  	s5 =	sadd.s32 s8, s1;
	v63 =	vmul.f32 $8.000000000e+00, v48;
	[tilespmem:v56+s28+$0x0] =	vst.idx.msk $0xffff, v61  }
0x1b2: {  	s5 =	sshrl.u32 s5, $0x3;
	[tilespmem:v58+s28+$0x0] =	vst.idx.msk $0xffff, v62  }
0x1b3: {  	s21 =	simm.s32 $0x14800;
	s11 =	sadd.s32 s2, s5;
	[tilespmem:v60+s28+$0x0] =	vst.idx.msk $0xffff, v63  }
0x1b4: {  	[hbm4b:s11+s3] =	stream.linear.scatter [tilespmem:s21], [sflag:$0x2], $0x80, $0x38;
	[tilespmem:$0x1AE00] =	vst v63  }
0x1b5: {  	s13 =	simm.s32 $0x14888;
	s17 =	sadd.s32 $0x10, s11  }
0x1b6: {  	[hbm4b:s17+s3] =	stream.linear.scatter [tilespmem:s13], [sflag:$0x2], $0x80, $0x38;
	[tilespmem:$0x1AE00] =	vst v63  }
0x1b7: {  	s19 =	simm.s32 $0x14910;
	s21 =	sadd.s32 $0x20, s11  }
0x1b8: {  	[hbm4b:s21+s3] =	stream.linear.scatter [tilespmem:s19], [sflag:$0x2], $0x80, $0x38;
	[tilespmem:$0x1AE00] =	vst v63  }
0x1b9: {  	s13 =	simm.s32 $0x14998;
	s17 =	sadd.s32 $0x30, s11  }
0x1ba: {  	[hbm4b:s17+s3] =	stream.linear.scatter [tilespmem:s13], [sflag:$0x2], $0x80, $0x38;
	[tilespmem:$0x1AE00] =	vst v63  }
0x1bb: {  	s19 =	simm.s32 $0x14A20;
	s21 =	sadd.s32 $0x40, s11  }
0x1bc: {  	[hbm4b:s21+s3] =	stream.linear.scatter [tilespmem:s19], [sflag:$0x2], $0x80, $0x38;
	[tilespmem:$0x1AE00] =	vst v63  }
0x1bd: {  	s5 =	sadd.s32 $0x70, s11;
	s13 =	simm.s32 $0x14AA8;
	s17 =	sadd.s32 $0x50, s11  }
0x1be: {  	[hbm4b:s17+s3] =	stream.linear.scatter [tilespmem:s13], [sflag:$0x2], $0x80, $0x38;
	[tilespmem:$0x1AE00] =	vst v63  }
0x1bf: {  	s19 =	simm.s32 $0x14B30;
	s21 =	sadd.s32 $0x60, s11;
	s13 =	simm.s32 $0x440  }
0x1c0: {  	[hbm4b:s21+s3] =	stream.linear.scatter [tilespmem:s19], [sflag:$0x2], $0x80, $0x38;
	[tilespmem:$0x1AE00] =	vst v63  }
0x1c1: {  	s17 =	sadd.s32 $0x1000, s11;
	s19 =	simm.s32 $0x2200;
	s21 =	simm.s32 $0x14BB8  }
.LBB2_21:
0x1c2: {  	[hbm4b:s5+s3] =	stream.linear.scatter [tilespmem:s21], [sflag:$0x2], $0x80, $0x38;
	[tilespmem:$0x1AE00] =	vst v63  }
0x1c3: {  	s5 =	smov.u32 s13;
	s11 =	smov.u32 s19  }
0x1c4: {  	s13 =	sshra.s32 s11, $0x2;
	s11 =	sadd.s32 $0x1100, s19;
	s21 =	sadd.s32 $0x14800, s5  }
0x1c5: {  	[hbm4b:s17+s3] =	stream.linear.scatter [tilespmem:s21], [sflag:$0x2], $0x80, $0x38;
	[tilespmem:$0x1AE00] =	vst v63  }
0x1c6: {  	p2 =	sne.s32 s19, $0x7700;
	s19 =	sadd.s32 $0x14888, s5;
	s21 =	sadd.s32 $0x10, s17  }
0x1c7: {  	[hbm4b:s21+s3] =	stream.linear.scatter [tilespmem:s19], [sflag:$0x2], $0x80, $0x38;
	[tilespmem:$0x1AE00] =	vst v63  }
0x1c8: {  	s19 =	sadd.s32 $0x14910, s5;
	s21 =	sadd.s32 $0x20, s17  }
0x1c9: {  	[hbm4b:s21+s3] =	stream.linear.scatter [tilespmem:s19], [sflag:$0x2], $0x80, $0x38;
	[tilespmem:$0x1AE00] =	vst v63  }
0x1ca: {  	s19 =	sadd.s32 $0x14998, s5;
	s21 =	sadd.s32 $0x30, s17  }
0x1cb: {  	[hbm4b:s21+s3] =	stream.linear.scatter [tilespmem:s19], [sflag:$0x2], $0x80, $0x38;
	[tilespmem:$0x1AE00] =	vst v63  }
0x1cc: {  	s19 =	sadd.s32 $0x14A20, s5;
	s21 =	sadd.s32 $0x40, s17  }
0x1cd: {  	[hbm4b:s21+s3] =	stream.linear.scatter [tilespmem:s19], [sflag:$0x2], $0x80, $0x38;
	[tilespmem:$0x1AE00] =	vst v63  }
0x1ce: {  	s19 =	sadd.s32 $0x14AA8, s5;
	s21 =	sadd.s32 $0x50, s17  }
0x1cf: {  	[hbm4b:s21+s3] =	stream.linear.scatter [tilespmem:s19], [sflag:$0x2], $0x80, $0x38;
	[tilespmem:$0x1AE00] =	vst v63  }
.Ltmp13:
0x1d0: {  	_ = 	snop;
	(pc) =	sbr.rel @p2 .LBB2_21-.Ltmp13, $4  }
0x1d1: {  	s19 =	sadd.s32 $0x14B30, s5;
	s21 =	sadd.s32 $0x60, s17  }
0x1d2: {  	[hbm4b:s21+s3] =	stream.linear.scatter [tilespmem:s19], [sflag:$0x2], $0x80, $0x38;
	[tilespmem:$0x1AE00] =	vst v63  }
0x1d3: {  	s21 =	sadd.s32 $0x14BB8, s5  }
0x1d4: {  	s5 =	sadd.s32 $0x70, s17;
	s17 =	sadd.s32 $0x1000, s17;
	s19 =	smov.u32 s11  }
0x1d5: {  	[hbm4b:s5+s3] =	stream.linear.scatter [tilespmem:s21], [sflag:$0x2], $0x80, $0x38;
	[tilespmem:$0x1AE00] =	vst v63  }
0x1d6: {  	s19 =	sadd.s32 $0x14800, s13  }
0x1d7: {  	[hbm4b:s17+s3] =	stream.linear.scatter [tilespmem:s19], [sflag:$0x2], $0x80, $0x38;
	[tilespmem:$0x1AE00] =	vst v63  }
0x1d8: {  	s21 =	sadd.s32 $0x14888, s13;
	s11 =	sadd.s32 $0x10, s17  }
0x1d9: {  	[hbm4b:s11+s3] =	stream.linear.scatter [tilespmem:s21], [sflag:$0x2], $0x80, $0x38;
	[tilespmem:$0x1AE00] =	vst v63  }
0x1da: {  	s19 =	sadd.s32 $0x14910, s13;
	s21 =	sadd.s32 $0x20, s17  }
0x1db: {  	[hbm4b:s21+s3] =	stream.linear.scatter [tilespmem:s19], [sflag:$0x2], $0x80, $0x38;
	[tilespmem:$0x1AE00] =	vst v63  }
0x1dc: {  	s19 =	sadd.s32 $0x14998, s13;
	s21 =	sadd.s32 $0x30, s17  }
0x1dd: {  	[hbm4b:s21+s3] =	stream.linear.scatter [tilespmem:s19], [sflag:$0x2], $0x80, $0x38;
	[tilespmem:$0x1AE00] =	vst v63  }
0x1de: {  	s19 =	sadd.s32 $0x14A20, s13;
	s21 =	sadd.s32 $0x40, s17  }
0x1df: {  	[hbm4b:s21+s3] =	stream.linear.scatter [tilespmem:s19], [sflag:$0x2], $0x80, $0x38;
	[tilespmem:$0x1AE00] =	vst v63  }
0x1e0: {  	s19 =	sadd.s32 $0x14AA8, s13;
	s21 =	sadd.s32 $0x50, s17  }
0x1e1: {  	[hbm4b:s21+s3] =	stream.linear.scatter [tilespmem:s19], [sflag:$0x2], $0x80, $0x38;
	[tilespmem:$0x1AE00] =	vst v63  }
.Ltmp14:
0x1e2: {  	_ = 	snop;
	(pc) =	sbr.rel @p1 .LBB2_24-.Ltmp14, $4  }
0x1e3: {  	s19 =	sadd.s32 $0x14B30, s13;
	s21 =	sadd.s32 $0x60, s17  }
0x1e4: {  	[hbm4b:s21+s3] =	stream.linear.scatter [tilespmem:s19], [sflag:$0x2], $0x80, $0x38;
	[tilespmem:$0x1AE00] =	vst v63  }
0x1e5: {  	s19 =	sadd.s32 $0x14BB8, s13;
	s21 =	sadd.s32 $0x70, s17  }
0x1e6: {  	[hbm4b:s21+s3] =	stream.linear.scatter [tilespmem:s19], [sflag:$0x2], $0x80, $0x38;
	[tilespmem:$0x1AE00] =	vst v63  }
.Ltmp15:
0x1e7: {  	(pc) =	sbr.rel .LBB2_25-.Ltmp15, $4  }
0x1e8: {  	_ = 	snop  }
0x1e9: {  	_ =	swait.ge [sflag:s23], $0x2000  }
0x1ea: {  	[sflag:s23] =	ssyncset.done $0x0  }
0x1eb: {  	[sflag:s23] =	ssyncadd.s32 $0xFFFFE000  }
.LBB2_24:
0x1ec: {  	s5 =	smul.u32 $0xA00, s0;
	_ =	sdelay $0x1  }
0x1ed: {  	s5 =	sshra.s32 s5, $0x2  }
.Ltmp16:
0x1ee: {  	s5 =	sadd.s32 $0x380, s5;
	(pc) =	sbr.rel @p0 .LBB2_26-.Ltmp16, $4  }
0x1ef: {  	[tilespmem:s18], [sflag:$0x1] =	stream.indirect.gather [hbm4b:s4+s12], $0x40, s5, s12, $0xb8;
	[tilespmem:$0x1AE00] =	vst v63  }
0x1f0: {  	_ =	swait.ge [sflag:s23], $0x2000  }
0x1f1: {  	[sflag:s23] =	ssyncset.done $0x0  }
0x1f2: {  	[sflag:s23] =	ssyncadd.s32 $0xFFFFE000  }
.LBB2_25:
0x1f3: {  	_ =	swait.ge [sflag:s25], $0x2000  }
0x1f4: {  	[sflag:s25] =	ssyncset.done $0x0  }
0x1f5: {  	[sflag:s25] =	ssyncadd.s32 $0xFFFFE000  }
.LBB2_26:
0x1f6: {  	s13 =	simm.s32 $0x0  }
0x1f7: {  	s5 =	simm.s32 $0x0;
	v33 =	vld [tilespmem:s13+$0xC4B0]  }
0x1f8: {  	v34 =	vld [tilespmem:s13+$0xC4A0];
	v35 =	vmov s5  }
0x1f9: {  	v36 =	vld [tilespmem:s13+$0xC490];
	v35 =	vshrl.u32 v35, $0x3  }
0x1fa: {  	v37 =	vld [tilespmem:s13+$0xC480];
	v35 =	vshll.u32 v35, v1  }
0x1fb: {  	v39 =	vld [tilespmem:s13+$0xC400];
	v35 =	vbroadcast v35, $0x0  }
0x1fc: {  	v40 =	vld [tilespmem:s13+$0xC410]  }
0x1fd: {  	v41 =	vld [tilespmem:s13+$0xC420];
	v42 =	vadd.s32 v0, v35  }
0x1fe: {  	s19 =	simm.s32 $0x1;
	v43 =	vld [tilespmem:s13+$0xC430];
	v44 =	vadd.s32 v2, v35  }
0x1ff: {  	v38 =	vld [tilespmem:s13+$0xC470];
	v47 =	vmov s19;
	v46 =	vadd.s32 v3, v35  }
0x200: {  	v45 =	vld [tilespmem:s13+$0xC460];
	v47 =	vshrl.u32 v47, $0x3;
	v39 =	vmul.f32 $8.000000000e+00, v39;
	v35 =	vadd.s32 v4, v35  }
0x201: {  	v48 =	vld [tilespmem:s13+$0xC450];
	v57 =	vshll.u32 v47, v1;
	v40 =	vmul.f32 $8.000000000e+00, v40  }
0x202: {  	v49 =	vld [tilespmem:s13+$0xC440];
	v41 =	vmul.f32 $8.000000000e+00, v41;
	[tilespmem:v42+s29+$0x0] =	vst.idx.msk $0xffff, v39;
	v39 =	vbroadcast v57, $0x0  }
0x203: {  	v58 =	vmul.f32 $8.000000000e+00, v43;
	[tilespmem:v44+s29+$0x0] =	vst.idx.msk $0xffff, v40  }
0x204: {  	[tilespmem:v46+s29+$0x0] =	vst.idx.msk $0xffff, v41;
	v59 =	vadd.s32 v5, v39  }
0x205: {  	s21 =	simm.s32 $0x2;
	v60 =	vadd.s32 v6, v39;
	[tilespmem:v35+s29+$0x0] =	vst.idx.msk $0xffff, v58  }
0x206: {  	v63 =	vmov s21;
	v61 =	vadd.s32 v7, v39;
	v40 =	vld [tilespmem:s13+$0xC4F0]  }
0x207: {  	v62 =	vmul.f32 $8.000000000e+00, v49;
	v39 =	vadd.s32 v8, v39;
	v46 =	vshrl.u32 v63, $0x3;
	v42 =	vld [tilespmem:s13+$0xC4E0]  }
0x208: {  	v48 =	vmul.f32 $8.000000000e+00, v48;
	v53 =	vshll.u32 v46, v1;
	v52 =	vld [tilespmem:s13+$0xC4C0]  }
0x209: {  	v45 =	vmul.f32 $8.000000000e+00, v45;
	v49 =	vld [tilespmem:s13+$0xC4D0];
	v35 =	vbroadcast v53, $0x0;
	[tilespmem:v59+s29+$0x0] =	vst.idx.msk $0xffff, v62  }
0x20a: {  	v38 =	vmul.f32 $8.000000000e+00, v38;
	[tilespmem:v60+s29+$0x0] =	vst.idx.msk $0xffff, v48  }
0x20b: {  	v54 =	vadd.s32 v9, v35;
	[tilespmem:v61+s29+$0x0] =	vst.idx.msk $0xffff, v45  }
0x20c: {  	s11 =	simm.s32 $0x3;
	v55 =	vadd.s32 v10, v35;
	[tilespmem:v39+s29+$0x0] =	vst.idx.msk $0xffff, v38  }
0x20d: {  	v57 =	vmov s11;
	v56 =	vadd.s32 v11, v35;
	v41 =	vld [tilespmem:s13+$0xC500]  }
0x20e: {  	v37 =	vmul.f32 $8.000000000e+00, v37;
	v35 =	vadd.s32 v12, v35;
	v45 =	vshrl.u32 v57, $0x3;
	v43 =	vld [tilespmem:s13+$0xC510]  }
0x20f: {  	v36 =	vmul.f32 $8.000000000e+00, v36;
	v58 =	vshll.u32 v45, v1;
	v46 =	vld [tilespmem:s13+$0xC530]  }
0x210: {  	v34 =	vmul.f32 $8.000000000e+00, v34;
	v48 =	vld [tilespmem:s13+$0xC520];
	[tilespmem:v54+s29+$0x0] =	vst.idx.msk $0xffff, v37;
	v37 =	vbroadcast v58, $0x0  }
0x211: {  	v33 =	vmul.f32 $8.000000000e+00, v33;
	[tilespmem:v55+s29+$0x0] =	vst.idx.msk $0xffff, v36  }
0x212: {  	[tilespmem:v56+s29+$0x0] =	vst.idx.msk $0xffff, v34;
	v59 =	vadd.s32 v13, v37  }
0x213: {  	s17 =	simm.s32 $0x4;
	v60 =	vadd.s32 v14, v37;
	[tilespmem:v35+s29+$0x0] =	vst.idx.msk $0xffff, v33  }
0x214: {  	v63 =	vmov s17;
	v61 =	vadd.s32 v15, v37;
	v34 =	vld [tilespmem:s13+$0xC550]  }
0x215: {  	v62 =	vmul.f32 $8.000000000e+00, v52;
	v45 =	vshrl.u32 v63, $0x3;
	v52 =	vadd.s32 v16, v37;
	v36 =	vld [tilespmem:s13+$0xC540]  }
0x216: {  	v49 =	vmul.f32 $8.000000000e+00, v49;
	v53 =	vshll.u32 v45, v1;
	v35 =	vld [tilespmem:s13+$0xC570]  }
0x217: {  	v42 =	vmul.f32 $8.000000000e+00, v42;
	v33 =	vbroadcast v53, $0x0;
	v37 =	vld [tilespmem:s13+$0xC560];
	[tilespmem:v59+s29+$0x0] =	vst.idx.msk $0xffff, v62  }
0x218: {  	v40 =	vmul.f32 $8.000000000e+00, v40;
	[tilespmem:v60+s29+$0x0] =	vst.idx.msk $0xffff, v49  }
0x219: {  	v54 =	vadd.s32 v17, v33;
	[tilespmem:v61+s29+$0x0] =	vst.idx.msk $0xffff, v42  }
0x21a: {  	s19 =	simm.s32 $0x5;
	v55 =	vadd.s32 v18, v33;
	[tilespmem:v52+s29+$0x0] =	vst.idx.msk $0xffff, v40  }
0x21b: {  	v56 =	vmov s19;
	v57 =	vadd.s32 v19, v33;
	v39 =	vld [tilespmem:s13+$0xC580]  }
0x21c: {  	s17 =	simm.s32 $0x7;
	v58 =	vmul.f32 $8.000000000e+00, v41;
	v50 =	vadd.s32 v20, v33;
	v59 =	vshrl.u32 v56, $0x3;
	v40 =	vld [tilespmem:s13+$0xC590]  }
0x21d: {  	v43 =	vmul.f32 $8.000000000e+00, v43;
	v60 =	vmov s17;
	v33 =	vshll.u32 v59, v1;
	v38 =	vld [tilespmem:s13+$0xC5B0]  }
0x21e: {  	s21 =	simm.s32 $0x6;
	v48 =	vmul.f32 $8.000000000e+00, v48;
	v51 =	vshrl.u32 v60, $0x3;
	v45 =	vbroadcast v33, $0x0;
	v41 =	vld [tilespmem:s13+$0xC5A0];
	[tilespmem:v54+s29+$0x0] =	vst.idx.msk $0xffff, v58  }
0x21f: {  	v46 =	vmul.f32 $8.000000000e+00, v46;
	v62 =	vmov s21;
	v61 =	vshll.u32 v51, v1;
	[tilespmem:v55+s29+$0x0] =	vst.idx.msk $0xffff, v43  }
0x220: {  	v63 =	vshrl.u32 v62, $0x3;
	v42 =	vadd.s32 v23, v45;
	v44 =	vadd.s32 v22, v45;
	[tilespmem:v57+s29+$0x0] =	vst.idx.msk $0xffff, v48  }
0x221: {  	s19 =	simm.s32 $0x800;
	v33 =	vbroadcast v61, $0x0;
	v43 =	vadd.s32 v21, v45;
	[tilespmem:v50+s29+$0x0] =	vst.idx.msk $0xffff, v46;
	v46 =	vshll.u32 v63, v1  }
.LBB2_27:
0x222: {  	p2 =	sne.s32 s19, $0x7800  }
0x223: {  	v47 =	vld [tilespmem:s13+$0xC5C0];
	v46 =	vbroadcast v46, $0x0;
	s17 =	sadd.s32 $0x8, s17;
	s5 =	smov.u32 s19;
	s19 =	sadd.s32 $0x800, s19  }
0x224: {  	v36 =	vmul.f32 $8.000000000e+00, v36;
	v45 =	vadd.s32 v24, v45;
	v48 =	vmov s17;
	v49 =	vld [tilespmem:s13+$0xC5F0]  }
0x225: {  	v34 =	vmul.f32 $8.000000000e+00, v34;
	v48 =	vshrl.u32 v48, $0x3;
	v50 =	vld [tilespmem:s13+$0xC5E0];
	v51 =	vadd.s32 v25, v46  }
0x226: {  	v37 =	vmul.f32 $8.000000000e+00, v37;
	v53 =	vadd.s32 v26, v46;
	v48 =	vshll.u32 v48, v1;
	v52 =	vld [tilespmem:s13+$0xC5D0]  }
0x227: {  	v35 =	vmul.f32 $8.000000000e+00, v35;
	v48 =	vbroadcast v48, $0x0;
	[tilespmem:v43+s29+$0x0] =	vst.idx.msk $0xffff, v36;
	v36 =	vadd.s32 v27, v46  }
0x228: {  	v39 =	vmul.f32 $8.000000000e+00, v39;
	[tilespmem:v44+s29+$0x0] =	vst.idx.msk $0xffff, v34;
	v34 =	vadd.s32 v28, v46  }
0x229: {  	v40 =	vmul.f32 $8.000000000e+00, v40;
	[tilespmem:v42+s29+$0x0] =	vst.idx.msk $0xffff, v37;
	v37 =	vadd.s32 v29, v33  }
0x22a: {  	v41 =	vmul.f32 $8.000000000e+00, v41;
	[tilespmem:v45+s29+$0x0] =	vst.idx.msk $0xffff, v35;
	v35 =	vadd.s32 v30, v33  }
0x22b: {  	v38 =	vmul.f32 $8.000000000e+00, v38;
	[tilespmem:v51+s29+$0x0] =	vst.idx.msk $0xffff, v39;
	v39 =	vadd.s32 v31, v33  }
0x22c: {  	v42 =	vmul.f32 $8.000000000e+00, v47;
	[tilespmem:v53+s29+$0x0] =	vst.idx.msk $0xffff, v40;
	v40 =	vadd.s32 v32, v33;
	v33 =	vmov v48  }
0x22d: {  	v43 =	vmul.f32 $8.000000000e+00, v52;
	[tilespmem:v36+s29+$0x0] =	vst.idx.msk $0xffff, v41  }
0x22e: {  	v36 =	vmul.f32 $8.000000000e+00, v50;
	[tilespmem:v34+s29+$0x0] =	vst.idx.msk $0xffff, v38  }
0x22f: {  	v34 =	vmul.f32 $8.000000000e+00, v49;
	[tilespmem:v37+s29+$0x0] =	vst.idx.msk $0xffff, v42  }
0x230: {  	[tilespmem:v35+s29+$0x0] =	vst.idx.msk $0xffff, v43  }
0x231: {  	[tilespmem:v39+s29+$0x0] =	vst.idx.msk $0xffff, v36  }
0x232: {  	s13 =	sshra.s32 s5, $0x2;
	[tilespmem:v40+s29+$0x0] =	vst.idx.msk $0xffff, v34  }
0x233: {  	v34 =	vld [tilespmem:s13+$0xC4B0]  }
0x234: {  	s5 =	sadd.s32 $0xFFFFFFF9, s17;
	v35 =	vld [tilespmem:s13+$0xC4A0]  }
0x235: {  	v36 =	vmov s5;
	v37 =	vld [tilespmem:s13+$0xC490]  }
0x236: {  	v36 =	vshrl.u32 v36, $0x3;
	v38 =	vld [tilespmem:s13+$0xC480]  }
0x237: {  	v36 =	vshll.u32 v36, v1;
	v39 =	vld [tilespmem:s13+$0xC470]  }
0x238: {  	v36 =	vbroadcast v36, $0x0;
	v40 =	vld [tilespmem:s13+$0xC400]  }
0x239: {  	v41 =	vld [tilespmem:s13+$0xC410]  }
0x23a: {  	v43 =	vadd.s32 v0, v36;
	v42 =	vld [tilespmem:s13+$0xC420]  }
0x23b: {  	v45 =	vadd.s32 v2, v36;
	v44 =	vld [tilespmem:s13+$0xC430]  }
0x23c: {  	s5 =	sadd.s32 $0xFFFFFFFA, s17;
	v47 =	vadd.s32 v3, v36;
	v46 =	vld [tilespmem:s13+$0xC460]  }
0x23d: {  	v48 =	vmov s5;
	v36 =	vadd.s32 v4, v36;
	v40 =	vmul.f32 $8.000000000e+00, v40;
	v49 =	vld [tilespmem:s13+$0xC450]  }
0x23e: {  	v48 =	vshrl.u32 v48, $0x3;
	v41 =	vmul.f32 $8.000000000e+00, v41;
	v50 =	vld [tilespmem:s13+$0xC440]  }
0x23f: {  	v42 =	vmul.f32 $8.000000000e+00, v42;
	[tilespmem:v43+s29+$0x0] =	vst.idx.msk $0xffff, v40;
	v40 =	vshll.u32 v48, v1  }
0x240: {  	v43 =	vmul.f32 $8.000000000e+00, v44;
	[tilespmem:v45+s29+$0x0] =	vst.idx.msk $0xffff, v41;
	v40 =	vbroadcast v40, $0x0  }
0x241: {  	[tilespmem:v47+s29+$0x0] =	vst.idx.msk $0xffff, v42  }
0x242: {  	[tilespmem:v36+s29+$0x0] =	vst.idx.msk $0xffff, v43;
	v36 =	vadd.s32 v5, v40  }
0x243: {  	v42 =	vadd.s32 v6, v40;
	v41 =	vld [tilespmem:s13+$0xC4F0]  }
0x244: {  	s5 =	sadd.s32 $0xFFFFFFFB, s17;
	v44 =	vadd.s32 v7, v40;
	v43 =	vld [tilespmem:s13+$0xC4E0]  }
0x245: {  	v47 =	vmov s5;
	v40 =	vadd.s32 v8, v40;
	v45 =	vmul.f32 $8.000000000e+00, v50;
	v48 =	vld [tilespmem:s13+$0xC4C0]  }
0x246: {  	v49 =	vmul.f32 $8.000000000e+00, v49;
	v47 =	vshrl.u32 v47, $0x3;
	v50 =	vld [tilespmem:s13+$0xC4D0]  }
0x247: {  	v46 =	vmul.f32 $8.000000000e+00, v46;
	[tilespmem:v36+s29+$0x0] =	vst.idx.msk $0xffff, v45;
	v36 =	vshll.u32 v47, v1  }
0x248: {  	v39 =	vmul.f32 $8.000000000e+00, v39;
	[tilespmem:v42+s29+$0x0] =	vst.idx.msk $0xffff, v49;
	v36 =	vbroadcast v36, $0x0  }
0x249: {  	[tilespmem:v44+s29+$0x0] =	vst.idx.msk $0xffff, v46  }
0x24a: {  	[tilespmem:v40+s29+$0x0] =	vst.idx.msk $0xffff, v39;
	v39 =	vadd.s32 v9, v36  }
0x24b: {  	v40 =	vadd.s32 v10, v36;
	v42 =	vld [tilespmem:s13+$0xC500]  }
0x24c: {  	s5 =	sadd.s32 $0xFFFFFFFC, s17;
	v45 =	vadd.s32 v11, v36;
	v44 =	vld [tilespmem:s13+$0xC510]  }
0x24d: {  	v38 =	vmul.f32 $8.000000000e+00, v38;
	v46 =	vmov s5;
	v36 =	vadd.s32 v12, v36;
	v47 =	vld [tilespmem:s13+$0xC530]  }
0x24e: {  	v37 =	vmul.f32 $8.000000000e+00, v37;
	v46 =	vshrl.u32 v46, $0x3;
	v49 =	vld [tilespmem:s13+$0xC520]  }
0x24f: {  	v35 =	vmul.f32 $8.000000000e+00, v35;
	[tilespmem:v39+s29+$0x0] =	vst.idx.msk $0xffff, v38;
	v38 =	vshll.u32 v46, v1  }
0x250: {  	v34 =	vmul.f32 $8.000000000e+00, v34;
	[tilespmem:v40+s29+$0x0] =	vst.idx.msk $0xffff, v37;
	v37 =	vbroadcast v38, $0x0  }
0x251: {  	[tilespmem:v45+s29+$0x0] =	vst.idx.msk $0xffff, v35  }
0x252: {  	[tilespmem:v36+s29+$0x0] =	vst.idx.msk $0xffff, v34;
	v38 =	vadd.s32 v13, v37  }
0x253: {  	v39 =	vadd.s32 v14, v37;
	v34 =	vld [tilespmem:s13+$0xC550]  }
0x254: {  	s5 =	sadd.s32 $0xFFFFFFFD, s17;
	v40 =	vadd.s32 v15, v37;
	v36 =	vld [tilespmem:s13+$0xC540]  }
0x255: {  	v46 =	vmov s5;
	v45 =	vmul.f32 $8.000000000e+00, v48;
	v48 =	vadd.s32 v16, v37;
	v35 =	vld [tilespmem:s13+$0xC570]  }
0x256: {  	v50 =	vmul.f32 $8.000000000e+00, v50;
	v46 =	vshrl.u32 v46, $0x3;
	v37 =	vld [tilespmem:s13+$0xC560]  }
0x257: {  	v43 =	vmul.f32 $8.000000000e+00, v43;
	[tilespmem:v38+s29+$0x0] =	vst.idx.msk $0xffff, v45;
	v38 =	vshll.u32 v46, v1  }
0x258: {  	v41 =	vmul.f32 $8.000000000e+00, v41;
	[tilespmem:v39+s29+$0x0] =	vst.idx.msk $0xffff, v50;
	v45 =	vbroadcast v38, $0x0  }
0x259: {  	[tilespmem:v40+s29+$0x0] =	vst.idx.msk $0xffff, v43  }
0x25a: {  	[tilespmem:v48+s29+$0x0] =	vst.idx.msk $0xffff, v41;
	v43 =	vadd.s32 v17, v45  }
0x25b: {  	s5 =	sadd.s32 $0xFFFFFFFE, s17;
	v46 =	vadd.s32 v18, v45;
	v39 =	vld [tilespmem:s13+$0xC580]  }
0x25c: {  	v41 =	vmov s5;
	v48 =	vadd.s32 v19, v45;
	v40 =	vld [tilespmem:s13+$0xC590]  }
0x25d: {  	v42 =	vmul.f32 $8.000000000e+00, v42;
	v50 =	vadd.s32 v20, v45;
	v45 =	vshrl.u32 v41, $0x3;
	v38 =	vld [tilespmem:s13+$0xC5B0]  }
.Ltmp17:
0x25e: {  	v44 =	vmul.f32 $8.000000000e+00, v44;
	v45 =	vshll.u32 v45, v1;
	v41 =	vld [tilespmem:s13+$0xC5A0];
	(pc) =	sbr.rel @p2 .LBB2_27-.Ltmp17, $4  }
0x25f: {  	v49 =	vmul.f32 $8.000000000e+00, v49;
	s5 =	sadd.s32 $0xFFFFFFFF, s17;
	v45 =	vbroadcast v45, $0x0;
	[tilespmem:v43+s29+$0x0] =	vst.idx.msk $0xffff, v42  }
0x260: {  	v47 =	vmul.f32 $8.000000000e+00, v47;
	v51 =	vmov s5;
	[tilespmem:v46+s29+$0x0] =	vst.idx.msk $0xffff, v44  }
0x261: {  	v43 =	vadd.s32 v21, v45;
	v42 =	vadd.s32 v23, v45;
	v46 =	vshrl.u32 v51, $0x3;
	[tilespmem:v48+s29+$0x0] =	vst.idx.msk $0xffff, v49  }
0x262: {  	v44 =	vadd.s32 v22, v45;
	v46 =	vshll.u32 v46, v1;
	[tilespmem:v50+s29+$0x0] =	vst.idx.msk $0xffff, v47  }
0x263: {  	_ = 	snop  }
0x264: {  	v47 =	vld [tilespmem:s13+$0xC5C0];
	v46 =	vbroadcast v46, $0x0  }
0x265: {  	v48 =	vld [tilespmem:s13+$0xC5F0];
	v36 =	vmul.f32 $8.000000000e+00, v36;
	v45 =	vadd.s32 v24, v45  }
0x266: {  	v49 =	vld [tilespmem:s13+$0xC5E0];
	v34 =	vmul.f32 $8.000000000e+00, v34;
	v50 =	vadd.s32 v25, v46  }
0x267: {  	v51 =	vld [tilespmem:s13+$0xC5D0];
	v37 =	vmul.f32 $8.000000000e+00, v37;
	v52 =	vadd.s32 v26, v46;
	[tilespmem:v43+s29+$0x0] =	vst.idx.msk $0xffff, v36  }
0x268: {  	v35 =	vmul.f32 $8.000000000e+00, v35;
	v63 =	vadd.s32 v27, v46;
	[tilespmem:v44+s29+$0x0] =	vst.idx.msk $0xffff, v34  }
0x269: {  	v46 =	vadd.s32 v28, v46;
	v44 =	vmul.f32 $8.000000000e+00, v39;
	[tilespmem:v42+s29+$0x0] =	vst.idx.msk $0xffff, v37  }
0x26a: {  	v53 =	vmul.f32 $8.000000000e+00, v40;
	v54 =	vadd.s32 v29, v33;
	[tilespmem:v45+s29+$0x0] =	vst.idx.msk $0xffff, v35  }
0x26b: {  	v55 =	vmul.f32 $8.000000000e+00, v41;
	v56 =	vadd.s32 v30, v33;
	[tilespmem:v50+s29+$0x0] =	vst.idx.msk $0xffff, v44  }
0x26c: {  	v57 =	vmul.f32 $8.000000000e+00, v38;
	v58 =	vadd.s32 v31, v33;
	[tilespmem:v52+s29+$0x0] =	vst.idx.msk $0xffff, v53  }
0x26d: {  	v60 =	vadd.s32 v32, v33;
	v59 =	vmul.f32 $8.000000000e+00, v47;
	[tilespmem:v63+s29+$0x0] =	vst.idx.msk $0xffff, v55  }
0x26e: {  	v61 =	vmul.f32 $8.000000000e+00, v51;
	[tilespmem:v46+s29+$0x0] =	vst.idx.msk $0xffff, v57  }
0x26f: {  	v62 =	vmul.f32 $8.000000000e+00, v49;
	[tilespmem:v54+s29+$0x0] =	vst.idx.msk $0xffff, v59  }
0x270: {  	s5 =	sadd.s32 s9, s1;
	v63 =	vmul.f32 $8.000000000e+00, v48;
	[tilespmem:v56+s29+$0x0] =	vst.idx.msk $0xffff, v61  }
0x271: {  	s5 =	sshrl.u32 s5, $0x3;
	[tilespmem:v58+s29+$0x0] =	vst.idx.msk $0xffff, v62  }
0x272: {  	s21 =	simm.s32 $0x16A00;
	s11 =	sadd.s32 s2, s5;
	[tilespmem:v60+s29+$0x0] =	vst.idx.msk $0xffff, v63  }
0x273: {  	[hbm4b:s11+s3] =	stream.linear.scatter [tilespmem:s21], [sflag:$0x2], $0x80, $0x38;
	[tilespmem:$0x1AE00] =	vst v63  }
0x274: {  	s13 =	simm.s32 $0x16A88;
	s17 =	sadd.s32 $0x10, s11  }
0x275: {  	[hbm4b:s17+s3] =	stream.linear.scatter [tilespmem:s13], [sflag:$0x2], $0x80, $0x38;
	[tilespmem:$0x1AE00] =	vst v63  }
0x276: {  	s19 =	simm.s32 $0x16B10;
	s21 =	sadd.s32 $0x20, s11  }
0x277: {  	[hbm4b:s21+s3] =	stream.linear.scatter [tilespmem:s19], [sflag:$0x2], $0x80, $0x38;
	[tilespmem:$0x1AE00] =	vst v63  }
0x278: {  	s13 =	simm.s32 $0x16B98;
	s17 =	sadd.s32 $0x30, s11  }
0x279: {  	[hbm4b:s17+s3] =	stream.linear.scatter [tilespmem:s13], [sflag:$0x2], $0x80, $0x38;
	[tilespmem:$0x1AE00] =	vst v63  }
0x27a: {  	s19 =	simm.s32 $0x16C20;
	s21 =	sadd.s32 $0x40, s11  }
0x27b: {  	[hbm4b:s21+s3] =	stream.linear.scatter [tilespmem:s19], [sflag:$0x2], $0x80, $0x38;
	[tilespmem:$0x1AE00] =	vst v63  }
0x27c: {  	s5 =	sadd.s32 $0x70, s11;
	s13 =	simm.s32 $0x16CA8;
	s17 =	sadd.s32 $0x50, s11  }
0x27d: {  	[hbm4b:s17+s3] =	stream.linear.scatter [tilespmem:s13], [sflag:$0x2], $0x80, $0x38;
	[tilespmem:$0x1AE00] =	vst v63  }
0x27e: {  	s19 =	simm.s32 $0x16D30;
	s21 =	sadd.s32 $0x60, s11;
	s13 =	simm.s32 $0x440  }
0x27f: {  	[hbm4b:s21+s3] =	stream.linear.scatter [tilespmem:s19], [sflag:$0x2], $0x80, $0x38;
	[tilespmem:$0x1AE00] =	vst v63  }
0x280: {  	s17 =	sadd.s32 $0x1000, s11;
	s19 =	simm.s32 $0x2200;
	s21 =	simm.s32 $0x16DB8  }
.LBB2_29:
0x281: {  	[hbm4b:s5+s3] =	stream.linear.scatter [tilespmem:s21], [sflag:$0x2], $0x80, $0x38;
	[tilespmem:$0x1AE00] =	vst v63  }
0x282: {  	s5 =	smov.u32 s13;
	s11 =	smov.u32 s19  }
0x283: {  	s13 =	sshra.s32 s11, $0x2;
	s11 =	sadd.s32 $0x1100, s19;
	s21 =	sadd.s32 $0x16A00, s5  }
0x284: {  	[hbm4b:s17+s3] =	stream.linear.scatter [tilespmem:s21], [sflag:$0x2], $0x80, $0x38;
	[tilespmem:$0x1AE00] =	vst v63  }
0x285: {  	p2 =	sne.s32 s19, $0x7700;
	s19 =	sadd.s32 $0x16A88, s5;
	s21 =	sadd.s32 $0x10, s17  }
0x286: {  	[hbm4b:s21+s3] =	stream.linear.scatter [tilespmem:s19], [sflag:$0x2], $0x80, $0x38;
	[tilespmem:$0x1AE00] =	vst v63  }
0x287: {  	s19 =	sadd.s32 $0x16B10, s5;
	s21 =	sadd.s32 $0x20, s17  }
0x288: {  	[hbm4b:s21+s3] =	stream.linear.scatter [tilespmem:s19], [sflag:$0x2], $0x80, $0x38;
	[tilespmem:$0x1AE00] =	vst v63  }
0x289: {  	s19 =	sadd.s32 $0x16B98, s5;
	s21 =	sadd.s32 $0x30, s17  }
0x28a: {  	[hbm4b:s21+s3] =	stream.linear.scatter [tilespmem:s19], [sflag:$0x2], $0x80, $0x38;
	[tilespmem:$0x1AE00] =	vst v63  }
0x28b: {  	s19 =	sadd.s32 $0x16C20, s5;
	s21 =	sadd.s32 $0x40, s17  }
0x28c: {  	[hbm4b:s21+s3] =	stream.linear.scatter [tilespmem:s19], [sflag:$0x2], $0x80, $0x38;
	[tilespmem:$0x1AE00] =	vst v63  }
0x28d: {  	s19 =	sadd.s32 $0x16CA8, s5;
	s21 =	sadd.s32 $0x50, s17  }
0x28e: {  	[hbm4b:s21+s3] =	stream.linear.scatter [tilespmem:s19], [sflag:$0x2], $0x80, $0x38;
	[tilespmem:$0x1AE00] =	vst v63  }
.Ltmp18:
0x28f: {  	_ = 	snop;
	(pc) =	sbr.rel @p2 .LBB2_29-.Ltmp18, $4  }
0x290: {  	s19 =	sadd.s32 $0x16D30, s5;
	s21 =	sadd.s32 $0x60, s17  }
0x291: {  	[hbm4b:s21+s3] =	stream.linear.scatter [tilespmem:s19], [sflag:$0x2], $0x80, $0x38;
	[tilespmem:$0x1AE00] =	vst v63  }
0x292: {  	s21 =	sadd.s32 $0x16DB8, s5  }
0x293: {  	s5 =	sadd.s32 $0x70, s17;
	s17 =	sadd.s32 $0x1000, s17;
	s19 =	smov.u32 s11  }
0x294: {  	[hbm4b:s5+s3] =	stream.linear.scatter [tilespmem:s21], [sflag:$0x2], $0x80, $0x38;
	[tilespmem:$0x1AE00] =	vst v63  }
0x295: {  	s19 =	sadd.s32 $0x16A00, s13  }
0x296: {  	[hbm4b:s17+s3] =	stream.linear.scatter [tilespmem:s19], [sflag:$0x2], $0x80, $0x38;
	[tilespmem:$0x1AE00] =	vst v63  }
0x297: {  	s21 =	sadd.s32 $0x16A88, s13;
	s11 =	sadd.s32 $0x10, s17  }
0x298: {  	[hbm4b:s11+s3] =	stream.linear.scatter [tilespmem:s21], [sflag:$0x2], $0x80, $0x38;
	[tilespmem:$0x1AE00] =	vst v63  }
0x299: {  	s19 =	sadd.s32 $0x16B10, s13;
	s21 =	sadd.s32 $0x20, s17  }
0x29a: {  	[hbm4b:s21+s3] =	stream.linear.scatter [tilespmem:s19], [sflag:$0x2], $0x80, $0x38;
	[tilespmem:$0x1AE00] =	vst v63  }
0x29b: {  	s19 =	sadd.s32 $0x16B98, s13;
	s21 =	sadd.s32 $0x30, s17  }
0x29c: {  	[hbm4b:s21+s3] =	stream.linear.scatter [tilespmem:s19], [sflag:$0x2], $0x80, $0x38;
	[tilespmem:$0x1AE00] =	vst v63  }
0x29d: {  	s19 =	sadd.s32 $0x16C20, s13;
	s21 =	sadd.s32 $0x40, s17  }
0x29e: {  	[hbm4b:s21+s3] =	stream.linear.scatter [tilespmem:s19], [sflag:$0x2], $0x80, $0x38;
	[tilespmem:$0x1AE00] =	vst v63  }
0x29f: {  	s19 =	sadd.s32 $0x16CA8, s13;
	s21 =	sadd.s32 $0x50, s17  }
0x2a0: {  	[hbm4b:s21+s3] =	stream.linear.scatter [tilespmem:s19], [sflag:$0x2], $0x80, $0x38;
	[tilespmem:$0x1AE00] =	vst v63  }
.Ltmp19:
0x2a1: {  	_ = 	snop;
	(pc) =	sbr.rel @p1 .LBB2_32-.Ltmp19, $4  }
0x2a2: {  	s19 =	sadd.s32 $0x16D30, s13;
	s21 =	sadd.s32 $0x60, s17  }
0x2a3: {  	[hbm4b:s21+s3] =	stream.linear.scatter [tilespmem:s19], [sflag:$0x2], $0x80, $0x38;
	[tilespmem:$0x1AE00] =	vst v63  }
0x2a4: {  	s19 =	sadd.s32 $0x16DB8, s13;
	s21 =	sadd.s32 $0x70, s17  }
0x2a5: {  	[hbm4b:s21+s3] =	stream.linear.scatter [tilespmem:s19], [sflag:$0x2], $0x80, $0x38;
	[tilespmem:$0x1AE00] =	vst v63  }
.Ltmp20:
0x2a6: {  	(pc) =	sbr.rel .LBB2_33-.Ltmp20, $4  }
0x2a7: {  	_ = 	snop  }
0x2a8: {  	_ =	swait.ge [sflag:s23], $0x2000  }
0x2a9: {  	[sflag:s23] =	ssyncset.done $0x0  }
0x2aa: {  	[sflag:s23] =	ssyncadd.s32 $0xFFFFE000  }
.LBB2_32:
0x2ab: {  	s5 =	smul.u32 $0xA00, s0;
	_ =	sdelay $0x1  }
0x2ac: {  	s5 =	sshra.s32 s5, $0x2  }
.Ltmp21:
0x2ad: {  	s5 =	sadd.s32 $0x400, s5;
	(pc) =	sbr.rel @p0 .LBB2_34-.Ltmp21, $4  }
0x2ae: {  	[tilespmem:s20], [sflag:$0x1] =	stream.indirect.gather [hbm4b:s4+s12], $0x40, s5, s12, $0xb8;
	[tilespmem:$0x1AE00] =	vst v63  }
0x2af: {  	_ =	swait.ge [sflag:s23], $0x2000  }
0x2b0: {  	[sflag:s23] =	ssyncset.done $0x0  }
0x2b1: {  	[sflag:s23] =	ssyncadd.s32 $0xFFFFE000  }
.LBB2_33:
0x2b2: {  	_ =	swait.ge [sflag:s25], $0x2000  }
0x2b3: {  	[sflag:s25] =	ssyncset.done $0x0  }
0x2b4: {  	[sflag:s25] =	ssyncadd.s32 $0xFFFFE000  }
.LBB2_34:
0x2b5: {  	s13 =	simm.s32 $0x0  }
0x2b6: {  	s5 =	simm.s32 $0x0;
	v33 =	vld [tilespmem:s13+$0xE4B0]  }
0x2b7: {  	v34 =	vld [tilespmem:s13+$0xE4A0];
	v35 =	vmov s5  }
0x2b8: {  	v36 =	vld [tilespmem:s13+$0xE490];
	v35 =	vshrl.u32 v35, $0x3  }
0x2b9: {  	v37 =	vld [tilespmem:s13+$0xE480];
	v35 =	vshll.u32 v35, v1  }
0x2ba: {  	v39 =	vld [tilespmem:s13+$0xE400];
	v35 =	vbroadcast v35, $0x0  }
0x2bb: {  	v40 =	vld [tilespmem:s13+$0xE410]  }
0x2bc: {  	v41 =	vld [tilespmem:s13+$0xE420];
	v42 =	vadd.s32 v0, v35  }
0x2bd: {  	s19 =	simm.s32 $0x1;
	v43 =	vld [tilespmem:s13+$0xE430];
	v44 =	vadd.s32 v2, v35  }
0x2be: {  	v38 =	vld [tilespmem:s13+$0xE470];
	v47 =	vmov s19;
	v46 =	vadd.s32 v3, v35  }
0x2bf: {  	v45 =	vld [tilespmem:s13+$0xE460];
	v47 =	vshrl.u32 v47, $0x3;
	v39 =	vmul.f32 $8.000000000e+00, v39;
	v35 =	vadd.s32 v4, v35  }
0x2c0: {  	v48 =	vld [tilespmem:s13+$0xE450];
	v57 =	vshll.u32 v47, v1;
	v40 =	vmul.f32 $8.000000000e+00, v40  }
0x2c1: {  	v49 =	vld [tilespmem:s13+$0xE440];
	v41 =	vmul.f32 $8.000000000e+00, v41;
	[tilespmem:v42+s30+$0x0] =	vst.idx.msk $0xffff, v39;
	v39 =	vbroadcast v57, $0x0  }
0x2c2: {  	v58 =	vmul.f32 $8.000000000e+00, v43;
	[tilespmem:v44+s30+$0x0] =	vst.idx.msk $0xffff, v40  }
0x2c3: {  	[tilespmem:v46+s30+$0x0] =	vst.idx.msk $0xffff, v41;
	v59 =	vadd.s32 v5, v39  }
0x2c4: {  	s21 =	simm.s32 $0x2;
	v60 =	vadd.s32 v6, v39;
	[tilespmem:v35+s30+$0x0] =	vst.idx.msk $0xffff, v58  }
0x2c5: {  	v63 =	vmov s21;
	v61 =	vadd.s32 v7, v39;
	v40 =	vld [tilespmem:s13+$0xE4F0]  }
0x2c6: {  	v62 =	vmul.f32 $8.000000000e+00, v49;
	v39 =	vadd.s32 v8, v39;
	v46 =	vshrl.u32 v63, $0x3;
	v42 =	vld [tilespmem:s13+$0xE4E0]  }
0x2c7: {  	v48 =	vmul.f32 $8.000000000e+00, v48;
	v53 =	vshll.u32 v46, v1;
	v52 =	vld [tilespmem:s13+$0xE4C0]  }
0x2c8: {  	v45 =	vmul.f32 $8.000000000e+00, v45;
	v49 =	vld [tilespmem:s13+$0xE4D0];
	v35 =	vbroadcast v53, $0x0;
	[tilespmem:v59+s30+$0x0] =	vst.idx.msk $0xffff, v62  }
0x2c9: {  	v38 =	vmul.f32 $8.000000000e+00, v38;
	[tilespmem:v60+s30+$0x0] =	vst.idx.msk $0xffff, v48  }
0x2ca: {  	v54 =	vadd.s32 v9, v35;
	[tilespmem:v61+s30+$0x0] =	vst.idx.msk $0xffff, v45  }
0x2cb: {  	s11 =	simm.s32 $0x3;
	v55 =	vadd.s32 v10, v35;
	[tilespmem:v39+s30+$0x0] =	vst.idx.msk $0xffff, v38  }
0x2cc: {  	v57 =	vmov s11;
	v56 =	vadd.s32 v11, v35;
	v41 =	vld [tilespmem:s13+$0xE500]  }
0x2cd: {  	v37 =	vmul.f32 $8.000000000e+00, v37;
	v35 =	vadd.s32 v12, v35;
	v45 =	vshrl.u32 v57, $0x3;
	v43 =	vld [tilespmem:s13+$0xE510]  }
0x2ce: {  	v36 =	vmul.f32 $8.000000000e+00, v36;
	v58 =	vshll.u32 v45, v1;
	v46 =	vld [tilespmem:s13+$0xE530]  }
0x2cf: {  	v34 =	vmul.f32 $8.000000000e+00, v34;
	v48 =	vld [tilespmem:s13+$0xE520];
	[tilespmem:v54+s30+$0x0] =	vst.idx.msk $0xffff, v37;
	v37 =	vbroadcast v58, $0x0  }
0x2d0: {  	v33 =	vmul.f32 $8.000000000e+00, v33;
	[tilespmem:v55+s30+$0x0] =	vst.idx.msk $0xffff, v36  }
0x2d1: {  	[tilespmem:v56+s30+$0x0] =	vst.idx.msk $0xffff, v34;
	v59 =	vadd.s32 v13, v37  }
0x2d2: {  	s17 =	simm.s32 $0x4;
	v60 =	vadd.s32 v14, v37;
	[tilespmem:v35+s30+$0x0] =	vst.idx.msk $0xffff, v33  }
0x2d3: {  	v63 =	vmov s17;
	v61 =	vadd.s32 v15, v37;
	v34 =	vld [tilespmem:s13+$0xE550]  }
0x2d4: {  	v62 =	vmul.f32 $8.000000000e+00, v52;
	v45 =	vshrl.u32 v63, $0x3;
	v52 =	vadd.s32 v16, v37;
	v36 =	vld [tilespmem:s13+$0xE540]  }
0x2d5: {  	v49 =	vmul.f32 $8.000000000e+00, v49;
	v53 =	vshll.u32 v45, v1;
	v35 =	vld [tilespmem:s13+$0xE570]  }
0x2d6: {  	v42 =	vmul.f32 $8.000000000e+00, v42;
	v33 =	vbroadcast v53, $0x0;
	v37 =	vld [tilespmem:s13+$0xE560];
	[tilespmem:v59+s30+$0x0] =	vst.idx.msk $0xffff, v62  }
0x2d7: {  	v40 =	vmul.f32 $8.000000000e+00, v40;
	[tilespmem:v60+s30+$0x0] =	vst.idx.msk $0xffff, v49  }
0x2d8: {  	v54 =	vadd.s32 v17, v33;
	[tilespmem:v61+s30+$0x0] =	vst.idx.msk $0xffff, v42  }
0x2d9: {  	s19 =	simm.s32 $0x5;
	v55 =	vadd.s32 v18, v33;
	[tilespmem:v52+s30+$0x0] =	vst.idx.msk $0xffff, v40  }
0x2da: {  	v56 =	vmov s19;
	v57 =	vadd.s32 v19, v33;
	v39 =	vld [tilespmem:s13+$0xE580]  }
0x2db: {  	s17 =	simm.s32 $0x7;
	v58 =	vmul.f32 $8.000000000e+00, v41;
	v50 =	vadd.s32 v20, v33;
	v59 =	vshrl.u32 v56, $0x3;
	v40 =	vld [tilespmem:s13+$0xE590]  }
0x2dc: {  	v43 =	vmul.f32 $8.000000000e+00, v43;
	v60 =	vmov s17;
	v33 =	vshll.u32 v59, v1;
	v38 =	vld [tilespmem:s13+$0xE5B0]  }
0x2dd: {  	s21 =	simm.s32 $0x6;
	v48 =	vmul.f32 $8.000000000e+00, v48;
	v51 =	vshrl.u32 v60, $0x3;
	v45 =	vbroadcast v33, $0x0;
	v41 =	vld [tilespmem:s13+$0xE5A0];
	[tilespmem:v54+s30+$0x0] =	vst.idx.msk $0xffff, v58  }
0x2de: {  	v46 =	vmul.f32 $8.000000000e+00, v46;
	v62 =	vmov s21;
	v61 =	vshll.u32 v51, v1;
	[tilespmem:v55+s30+$0x0] =	vst.idx.msk $0xffff, v43  }
0x2df: {  	v63 =	vshrl.u32 v62, $0x3;
	v42 =	vadd.s32 v23, v45;
	v44 =	vadd.s32 v22, v45;
	[tilespmem:v57+s30+$0x0] =	vst.idx.msk $0xffff, v48  }
0x2e0: {  	s19 =	simm.s32 $0x800;
	v33 =	vbroadcast v61, $0x0;
	v43 =	vadd.s32 v21, v45;
	[tilespmem:v50+s30+$0x0] =	vst.idx.msk $0xffff, v46;
	v46 =	vshll.u32 v63, v1  }
.LBB2_35:
0x2e1: {  	p0 =	sne.s32 s19, $0x7800  }
0x2e2: {  	v47 =	vld [tilespmem:s13+$0xE5C0];
	v46 =	vbroadcast v46, $0x0;
	s17 =	sadd.s32 $0x8, s17;
	s5 =	smov.u32 s19;
	s19 =	sadd.s32 $0x800, s19  }
0x2e3: {  	v36 =	vmul.f32 $8.000000000e+00, v36;
	v45 =	vadd.s32 v24, v45;
	v48 =	vmov s17;
	v49 =	vld [tilespmem:s13+$0xE5F0]  }
0x2e4: {  	v34 =	vmul.f32 $8.000000000e+00, v34;
	v48 =	vshrl.u32 v48, $0x3;
	v50 =	vld [tilespmem:s13+$0xE5E0];
	v51 =	vadd.s32 v25, v46  }
0x2e5: {  	v37 =	vmul.f32 $8.000000000e+00, v37;
	v53 =	vadd.s32 v26, v46;
	v48 =	vshll.u32 v48, v1;
	v52 =	vld [tilespmem:s13+$0xE5D0]  }
0x2e6: {  	v35 =	vmul.f32 $8.000000000e+00, v35;
	v48 =	vbroadcast v48, $0x0;
	[tilespmem:v43+s30+$0x0] =	vst.idx.msk $0xffff, v36;
	v36 =	vadd.s32 v27, v46  }
0x2e7: {  	v39 =	vmul.f32 $8.000000000e+00, v39;
	[tilespmem:v44+s30+$0x0] =	vst.idx.msk $0xffff, v34;
	v34 =	vadd.s32 v28, v46  }
0x2e8: {  	v40 =	vmul.f32 $8.000000000e+00, v40;
	[tilespmem:v42+s30+$0x0] =	vst.idx.msk $0xffff, v37;
	v37 =	vadd.s32 v29, v33  }
0x2e9: {  	v41 =	vmul.f32 $8.000000000e+00, v41;
	[tilespmem:v45+s30+$0x0] =	vst.idx.msk $0xffff, v35;
	v35 =	vadd.s32 v30, v33  }
0x2ea: {  	v38 =	vmul.f32 $8.000000000e+00, v38;
	[tilespmem:v51+s30+$0x0] =	vst.idx.msk $0xffff, v39;
	v39 =	vadd.s32 v31, v33  }
0x2eb: {  	v42 =	vmul.f32 $8.000000000e+00, v47;
	[tilespmem:v53+s30+$0x0] =	vst.idx.msk $0xffff, v40;
	v40 =	vadd.s32 v32, v33;
	v33 =	vmov v48  }
0x2ec: {  	v43 =	vmul.f32 $8.000000000e+00, v52;
	[tilespmem:v36+s30+$0x0] =	vst.idx.msk $0xffff, v41  }
0x2ed: {  	v36 =	vmul.f32 $8.000000000e+00, v50;
	[tilespmem:v34+s30+$0x0] =	vst.idx.msk $0xffff, v38  }
0x2ee: {  	v34 =	vmul.f32 $8.000000000e+00, v49;
	[tilespmem:v37+s30+$0x0] =	vst.idx.msk $0xffff, v42  }
0x2ef: {  	[tilespmem:v35+s30+$0x0] =	vst.idx.msk $0xffff, v43  }
0x2f0: {  	[tilespmem:v39+s30+$0x0] =	vst.idx.msk $0xffff, v36  }
0x2f1: {  	s13 =	sshra.s32 s5, $0x2;
	[tilespmem:v40+s30+$0x0] =	vst.idx.msk $0xffff, v34  }
0x2f2: {  	v34 =	vld [tilespmem:s13+$0xE4B0]  }
0x2f3: {  	s5 =	sadd.s32 $0xFFFFFFF9, s17;
	v35 =	vld [tilespmem:s13+$0xE4A0]  }
0x2f4: {  	v36 =	vmov s5;
	v37 =	vld [tilespmem:s13+$0xE490]  }
0x2f5: {  	v36 =	vshrl.u32 v36, $0x3;
	v38 =	vld [tilespmem:s13+$0xE480]  }
0x2f6: {  	v36 =	vshll.u32 v36, v1;
	v39 =	vld [tilespmem:s13+$0xE470]  }
0x2f7: {  	v36 =	vbroadcast v36, $0x0;
	v40 =	vld [tilespmem:s13+$0xE400]  }
0x2f8: {  	v41 =	vld [tilespmem:s13+$0xE410]  }
0x2f9: {  	v43 =	vadd.s32 v0, v36;
	v42 =	vld [tilespmem:s13+$0xE420]  }
0x2fa: {  	v45 =	vadd.s32 v2, v36;
	v44 =	vld [tilespmem:s13+$0xE430]  }
0x2fb: {  	s5 =	sadd.s32 $0xFFFFFFFA, s17;
	v47 =	vadd.s32 v3, v36;
	v46 =	vld [tilespmem:s13+$0xE460]  }
0x2fc: {  	v48 =	vmov s5;
	v36 =	vadd.s32 v4, v36;
	v40 =	vmul.f32 $8.000000000e+00, v40;
	v49 =	vld [tilespmem:s13+$0xE450]  }
0x2fd: {  	v48 =	vshrl.u32 v48, $0x3;
	v41 =	vmul.f32 $8.000000000e+00, v41;
	v50 =	vld [tilespmem:s13+$0xE440]  }
0x2fe: {  	v42 =	vmul.f32 $8.000000000e+00, v42;
	[tilespmem:v43+s30+$0x0] =	vst.idx.msk $0xffff, v40;
	v40 =	vshll.u32 v48, v1  }
0x2ff: {  	v43 =	vmul.f32 $8.000000000e+00, v44;
	[tilespmem:v45+s30+$0x0] =	vst.idx.msk $0xffff, v41;
	v40 =	vbroadcast v40, $0x0  }
0x300: {  	[tilespmem:v47+s30+$0x0] =	vst.idx.msk $0xffff, v42  }
0x301: {  	[tilespmem:v36+s30+$0x0] =	vst.idx.msk $0xffff, v43;
	v36 =	vadd.s32 v5, v40  }
0x302: {  	v42 =	vadd.s32 v6, v40;
	v41 =	vld [tilespmem:s13+$0xE4F0]  }
0x303: {  	s5 =	sadd.s32 $0xFFFFFFFB, s17;
	v44 =	vadd.s32 v7, v40;
	v43 =	vld [tilespmem:s13+$0xE4E0]  }
0x304: {  	v47 =	vmov s5;
	v40 =	vadd.s32 v8, v40;
	v45 =	vmul.f32 $8.000000000e+00, v50;
	v48 =	vld [tilespmem:s13+$0xE4C0]  }
0x305: {  	v49 =	vmul.f32 $8.000000000e+00, v49;
	v47 =	vshrl.u32 v47, $0x3;
	v50 =	vld [tilespmem:s13+$0xE4D0]  }
0x306: {  	v46 =	vmul.f32 $8.000000000e+00, v46;
	[tilespmem:v36+s30+$0x0] =	vst.idx.msk $0xffff, v45;
	v36 =	vshll.u32 v47, v1  }
0x307: {  	v39 =	vmul.f32 $8.000000000e+00, v39;
	[tilespmem:v42+s30+$0x0] =	vst.idx.msk $0xffff, v49;
	v36 =	vbroadcast v36, $0x0  }
0x308: {  	[tilespmem:v44+s30+$0x0] =	vst.idx.msk $0xffff, v46  }
0x309: {  	[tilespmem:v40+s30+$0x0] =	vst.idx.msk $0xffff, v39;
	v39 =	vadd.s32 v9, v36  }
0x30a: {  	v40 =	vadd.s32 v10, v36;
	v42 =	vld [tilespmem:s13+$0xE500]  }
0x30b: {  	s5 =	sadd.s32 $0xFFFFFFFC, s17;
	v45 =	vadd.s32 v11, v36;
	v44 =	vld [tilespmem:s13+$0xE510]  }
0x30c: {  	v38 =	vmul.f32 $8.000000000e+00, v38;
	v46 =	vmov s5;
	v36 =	vadd.s32 v12, v36;
	v47 =	vld [tilespmem:s13+$0xE530]  }
0x30d: {  	v37 =	vmul.f32 $8.000000000e+00, v37;
	v46 =	vshrl.u32 v46, $0x3;
	v49 =	vld [tilespmem:s13+$0xE520]  }
0x30e: {  	v35 =	vmul.f32 $8.000000000e+00, v35;
	[tilespmem:v39+s30+$0x0] =	vst.idx.msk $0xffff, v38;
	v38 =	vshll.u32 v46, v1  }
0x30f: {  	v34 =	vmul.f32 $8.000000000e+00, v34;
	[tilespmem:v40+s30+$0x0] =	vst.idx.msk $0xffff, v37;
	v37 =	vbroadcast v38, $0x0  }
0x310: {  	[tilespmem:v45+s30+$0x0] =	vst.idx.msk $0xffff, v35  }
0x311: {  	[tilespmem:v36+s30+$0x0] =	vst.idx.msk $0xffff, v34;
	v38 =	vadd.s32 v13, v37  }
0x312: {  	v39 =	vadd.s32 v14, v37;
	v34 =	vld [tilespmem:s13+$0xE550]  }
0x313: {  	s5 =	sadd.s32 $0xFFFFFFFD, s17;
	v40 =	vadd.s32 v15, v37;
	v36 =	vld [tilespmem:s13+$0xE540]  }
0x314: {  	v46 =	vmov s5;
	v45 =	vmul.f32 $8.000000000e+00, v48;
	v48 =	vadd.s32 v16, v37;
	v35 =	vld [tilespmem:s13+$0xE570]  }
0x315: {  	v50 =	vmul.f32 $8.000000000e+00, v50;
	v46 =	vshrl.u32 v46, $0x3;
	v37 =	vld [tilespmem:s13+$0xE560]  }
0x316: {  	v43 =	vmul.f32 $8.000000000e+00, v43;
	[tilespmem:v38+s30+$0x0] =	vst.idx.msk $0xffff, v45;
	v38 =	vshll.u32 v46, v1  }
0x317: {  	v41 =	vmul.f32 $8.000000000e+00, v41;
	[tilespmem:v39+s30+$0x0] =	vst.idx.msk $0xffff, v50;
	v45 =	vbroadcast v38, $0x0  }
0x318: {  	[tilespmem:v40+s30+$0x0] =	vst.idx.msk $0xffff, v43  }
0x319: {  	[tilespmem:v48+s30+$0x0] =	vst.idx.msk $0xffff, v41;
	v43 =	vadd.s32 v17, v45  }
0x31a: {  	s5 =	sadd.s32 $0xFFFFFFFE, s17;
	v46 =	vadd.s32 v18, v45;
	v39 =	vld [tilespmem:s13+$0xE580]  }
0x31b: {  	v41 =	vmov s5;
	v48 =	vadd.s32 v19, v45;
	v40 =	vld [tilespmem:s13+$0xE590]  }
0x31c: {  	v42 =	vmul.f32 $8.000000000e+00, v42;
	v50 =	vadd.s32 v20, v45;
	v45 =	vshrl.u32 v41, $0x3;
	v38 =	vld [tilespmem:s13+$0xE5B0]  }
.Ltmp22:
0x31d: {  	v44 =	vmul.f32 $8.000000000e+00, v44;
	v45 =	vshll.u32 v45, v1;
	v41 =	vld [tilespmem:s13+$0xE5A0];
	(pc) =	sbr.rel @p0 .LBB2_35-.Ltmp22, $4  }
0x31e: {  	v49 =	vmul.f32 $8.000000000e+00, v49;
	s5 =	sadd.s32 $0xFFFFFFFF, s17;
	v45 =	vbroadcast v45, $0x0;
	[tilespmem:v43+s30+$0x0] =	vst.idx.msk $0xffff, v42  }
0x31f: {  	v47 =	vmul.f32 $8.000000000e+00, v47;
	v51 =	vmov s5;
	[tilespmem:v46+s30+$0x0] =	vst.idx.msk $0xffff, v44  }
0x320: {  	v43 =	vadd.s32 v21, v45;
	v42 =	vadd.s32 v23, v45;
	v46 =	vshrl.u32 v51, $0x3;
	[tilespmem:v48+s30+$0x0] =	vst.idx.msk $0xffff, v49  }
0x321: {  	v44 =	vadd.s32 v22, v45;
	v46 =	vshll.u32 v46, v1;
	[tilespmem:v50+s30+$0x0] =	vst.idx.msk $0xffff, v47  }
0x322: {  	_ = 	snop  }
0x323: {  	v47 =	vld [tilespmem:s13+$0xE5C0];
	v46 =	vbroadcast v46, $0x0  }
0x324: {  	v48 =	vld [tilespmem:s13+$0xE5F0];
	v36 =	vmul.f32 $8.000000000e+00, v36;
	v45 =	vadd.s32 v24, v45  }
0x325: {  	v49 =	vld [tilespmem:s13+$0xE5E0];
	v34 =	vmul.f32 $8.000000000e+00, v34;
	v50 =	vadd.s32 v25, v46  }
0x326: {  	v51 =	vld [tilespmem:s13+$0xE5D0];
	v37 =	vmul.f32 $8.000000000e+00, v37;
	v52 =	vadd.s32 v26, v46;
	[tilespmem:v43+s30+$0x0] =	vst.idx.msk $0xffff, v36  }
0x327: {  	v35 =	vmul.f32 $8.000000000e+00, v35;
	v63 =	vadd.s32 v27, v46;
	[tilespmem:v44+s30+$0x0] =	vst.idx.msk $0xffff, v34  }
0x328: {  	v46 =	vadd.s32 v28, v46;
	v44 =	vmul.f32 $8.000000000e+00, v39;
	[tilespmem:v42+s30+$0x0] =	vst.idx.msk $0xffff, v37  }
0x329: {  	v53 =	vmul.f32 $8.000000000e+00, v40;
	v54 =	vadd.s32 v29, v33;
	[tilespmem:v45+s30+$0x0] =	vst.idx.msk $0xffff, v35  }
0x32a: {  	v55 =	vmul.f32 $8.000000000e+00, v41;
	v56 =	vadd.s32 v30, v33;
	[tilespmem:v50+s30+$0x0] =	vst.idx.msk $0xffff, v44  }
0x32b: {  	v57 =	vmul.f32 $8.000000000e+00, v38;
	v58 =	vadd.s32 v31, v33;
	[tilespmem:v52+s30+$0x0] =	vst.idx.msk $0xffff, v53  }
0x32c: {  	v60 =	vadd.s32 v32, v33;
	v59 =	vmul.f32 $8.000000000e+00, v47;
	[tilespmem:v63+s30+$0x0] =	vst.idx.msk $0xffff, v55  }
0x32d: {  	v61 =	vmul.f32 $8.000000000e+00, v51;
	[tilespmem:v46+s30+$0x0] =	vst.idx.msk $0xffff, v57  }
0x32e: {  	v62 =	vmul.f32 $8.000000000e+00, v49;
	[tilespmem:v54+s30+$0x0] =	vst.idx.msk $0xffff, v59  }
0x32f: {  	s1 =	sadd.s32 s10, s1;
	v63 =	vmul.f32 $8.000000000e+00, v48;
	[tilespmem:v56+s30+$0x0] =	vst.idx.msk $0xffff, v61  }
0x330: {  	s1 =	sshrl.u32 s1, $0x3;
	[tilespmem:v58+s30+$0x0] =	vst.idx.msk $0xffff, v62  }
0x331: {  	s13 =	simm.s32 $0x18C00;
	s11 =	sadd.s32 s2, s1;
	[tilespmem:v60+s30+$0x0] =	vst.idx.msk $0xffff, v63  }
0x332: {  	[hbm4b:s11+s3] =	stream.linear.scatter [tilespmem:s13], [sflag:$0x2], $0x80, $0x38;
	[tilespmem:$0x1AE00] =	vst v63  }
0x333: {  	s17 =	simm.s32 $0x18C88;
	s5 =	sadd.s32 $0x10, s11  }
0x334: {  	[hbm4b:s5+s3] =	stream.linear.scatter [tilespmem:s17], [sflag:$0x2], $0x80, $0x38;
	[tilespmem:$0x1AE00] =	vst v63  }
0x335: {  	s19 =	simm.s32 $0x18D10;
	s21 =	sadd.s32 $0x20, s11  }
0x336: {  	[hbm4b:s21+s3] =	stream.linear.scatter [tilespmem:s19], [sflag:$0x2], $0x80, $0x38;
	[tilespmem:$0x1AE00] =	vst v63  }
0x337: {  	s13 =	simm.s32 $0x18D98;
	s17 =	sadd.s32 $0x30, s11  }
0x338: {  	[hbm4b:s17+s3] =	stream.linear.scatter [tilespmem:s13], [sflag:$0x2], $0x80, $0x38;
	[tilespmem:$0x1AE00] =	vst v63  }
0x339: {  	s19 =	simm.s32 $0x18E20;
	s21 =	sadd.s32 $0x40, s11  }
0x33a: {  	[hbm4b:s21+s3] =	stream.linear.scatter [tilespmem:s19], [sflag:$0x2], $0x80, $0x38;
	[tilespmem:$0x1AE00] =	vst v63  }
0x33b: {  	s1 =	simm.s32 $0x440;
	s13 =	simm.s32 $0x18EA8;
	s17 =	sadd.s32 $0x50, s11  }
0x33c: {  	[hbm4b:s17+s3] =	stream.linear.scatter [tilespmem:s13], [sflag:$0x2], $0x80, $0x38;
	[tilespmem:$0x1AE00] =	vst v63  }
0x33d: {  	s5 =	sadd.s32 $0x70, s11;
	s19 =	simm.s32 $0x18F30;
	s21 =	sadd.s32 $0x60, s11  }
0x33e: {  	[hbm4b:s21+s3] =	stream.linear.scatter [tilespmem:s19], [sflag:$0x2], $0x80, $0x38;
	[tilespmem:$0x1AE00] =	vst v63  }
0x33f: {  	s17 =	simm.s32 $0x2200;
	s13 =	sadd.s32 $0x1000, s11;
	s19 =	simm.s32 $0x18FB8  }
.LBB2_37:
0x340: {  	[hbm4b:s5+s3] =	stream.linear.scatter [tilespmem:s19], [sflag:$0x2], $0x80, $0x38;
	[tilespmem:$0x1AE00] =	vst v63  }
0x341: {  	s5 =	smov.u32 s1;
	s1 =	smov.u32 s17  }
0x342: {  	s11 =	sadd.s32 $0x1100, s17;
	s1 =	sshra.s32 s1, $0x2;
	s19 =	sadd.s32 $0x18C00, s5  }
0x343: {  	[hbm4b:s13+s3] =	stream.linear.scatter [tilespmem:s19], [sflag:$0x2], $0x80, $0x38;
	[tilespmem:$0x1AE00] =	vst v63  }
0x344: {  	p0 =	sne.s32 s17, $0x7700;
	s17 =	sadd.s32 $0x18C88, s5;
	s19 =	sadd.s32 $0x10, s13  }
0x345: {  	[hbm4b:s19+s3] =	stream.linear.scatter [tilespmem:s17], [sflag:$0x2], $0x80, $0x38;
	[tilespmem:$0x1AE00] =	vst v63  }
0x346: {  	s17 =	sadd.s32 $0x18D10, s5;
	s19 =	sadd.s32 $0x20, s13  }
0x347: {  	[hbm4b:s19+s3] =	stream.linear.scatter [tilespmem:s17], [sflag:$0x2], $0x80, $0x38;
	[tilespmem:$0x1AE00] =	vst v63  }
0x348: {  	s17 =	sadd.s32 $0x18D98, s5;
	s19 =	sadd.s32 $0x30, s13  }
0x349: {  	[hbm4b:s19+s3] =	stream.linear.scatter [tilespmem:s17], [sflag:$0x2], $0x80, $0x38;
	[tilespmem:$0x1AE00] =	vst v63  }
0x34a: {  	s17 =	sadd.s32 $0x18E20, s5;
	s19 =	sadd.s32 $0x40, s13  }
0x34b: {  	[hbm4b:s19+s3] =	stream.linear.scatter [tilespmem:s17], [sflag:$0x2], $0x80, $0x38;
	[tilespmem:$0x1AE00] =	vst v63  }
0x34c: {  	s17 =	sadd.s32 $0x18EA8, s5;
	s19 =	sadd.s32 $0x50, s13  }
0x34d: {  	[hbm4b:s19+s3] =	stream.linear.scatter [tilespmem:s17], [sflag:$0x2], $0x80, $0x38;
	[tilespmem:$0x1AE00] =	vst v63  }
.Ltmp23:
0x34e: {  	_ = 	snop;
	(pc) =	sbr.rel @p0 .LBB2_37-.Ltmp23, $4  }
0x34f: {  	s17 =	sadd.s32 $0x18F30, s5;
	s19 =	sadd.s32 $0x60, s13  }
0x350: {  	[hbm4b:s19+s3] =	stream.linear.scatter [tilespmem:s17], [sflag:$0x2], $0x80, $0x38;
	[tilespmem:$0x1AE00] =	vst v63  }
0x351: {  	s19 =	sadd.s32 $0x18FB8, s5  }
0x352: {  	s5 =	sadd.s32 $0x70, s13;
	s13 =	sadd.s32 $0x1000, s13;
	s17 =	smov.u32 s11  }
0x353: {  	[hbm4b:s5+s3] =	stream.linear.scatter [tilespmem:s19], [sflag:$0x2], $0x80, $0x38;
	[tilespmem:$0x1AE00] =	vst v63  }
0x354: {  	s19 =	sadd.s32 $0x18C00, s1  }
0x355: {  	[hbm4b:s13+s3] =	stream.linear.scatter [tilespmem:s19], [sflag:$0x2], $0x80, $0x38;
	[tilespmem:$0x1AE00] =	vst v63  }
0x356: {  	s21 =	sadd.s32 $0x18C88, s1;
	s11 =	sadd.s32 $0x10, s13  }
0x357: {  	[hbm4b:s11+s3] =	stream.linear.scatter [tilespmem:s21], [sflag:$0x2], $0x80, $0x38;
	[tilespmem:$0x1AE00] =	vst v63  }
0x358: {  	s17 =	sadd.s32 $0x20, s13;
	s11 =	sadd.s32 $0x18D10, s1  }
0x359: {  	[hbm4b:s17+s3] =	stream.linear.scatter [tilespmem:s11], [sflag:$0x2], $0x80, $0x38;
	[tilespmem:$0x1AE00] =	vst v63  }
0x35a: {  	s19 =	sadd.s32 $0x18D98, s1;
	s21 =	sadd.s32 $0x30, s13  }
0x35b: {  	[hbm4b:s21+s3] =	stream.linear.scatter [tilespmem:s19], [sflag:$0x2], $0x80, $0x38;
	[tilespmem:$0x1AE00] =	vst v63  }
0x35c: {  	s11 =	sadd.s32 $0x18E20, s1;
	s17 =	sadd.s32 $0x40, s13  }
0x35d: {  	[hbm4b:s17+s3] =	stream.linear.scatter [tilespmem:s11], [sflag:$0x2], $0x80, $0x38;
	[tilespmem:$0x1AE00] =	vst v63  }
0x35e: {  	p0 =	seq.s32 s0, $0x27;
	s19 =	sadd.s32 $0x18EA8, s1;
	s21 =	sadd.s32 $0x50, s13  }
0x35f: {  	[hbm4b:s21+s3] =	stream.linear.scatter [tilespmem:s19], [sflag:$0x2], $0x80, $0x38;
	[tilespmem:$0x1AE00] =	vst v63  }
.Ltmp24:
0x360: {  	_ = 	snop;
	(pc) =	sbr.rel @p0 .LBB2_40-.Ltmp24, $4  }
0x361: {  	s11 =	sadd.s32 $0x18F30, s1;
	s17 =	sadd.s32 $0x60, s13  }
0x362: {  	[hbm4b:s17+s3] =	stream.linear.scatter [tilespmem:s11], [sflag:$0x2], $0x80, $0x38;
	[tilespmem:$0x1AE00] =	vst v63  }
0x363: {  	s19 =	sadd.s32 $0x18FB8, s1;
	s21 =	sadd.s32 $0x70, s13  }
0x364: {  	[hbm4b:s21+s3] =	stream.linear.scatter [tilespmem:s19], [sflag:$0x2], $0x80, $0x38;
	[tilespmem:$0x1AE00] =	vst v63  }
0x365: {  	s1 =	smul.u32 $0xA00, s0  }
.Ltmp25:
0x366: {  	_ = 	snop;
	(pc) =	sbr.rel .LBB2_2-.Ltmp25, $4  }
0x367: {  	_ = 	snop  }
0x368: {  	s1 =	sshra.s32 s1, $0x2  }
0x369: {  	s0 =	sadd.s32 $0x1, s0;
	s1 =	sadd.s32 $0x480, s1  }
0x36a: {  	[tilespmem:s22], [sflag:$0x1] =	stream.indirect.gather [hbm4b:s4+s12], $0x40, s1, s12, $0xb8;
	[tilespmem:$0x1AE00] =	vst v63  }
.LBB2_41:
0x36b: {  	_ =	sfence.sel $0x180000  }
0x36c: {  	[bflag:$0x0] =	sbarrier.arrive $0xFFFF  }
0x36d: {  	_ =	strace $0x90000047  }
0x36e: {  	s0 =	stileid.u32;
	[bflag:$0x2] =	sbarrier.arrive $0xFFFF  }
0x36f: {  	p0 =	sne.s32 s0, $0x0;
	s0 =	rddreg [dreg:$0x2]  }
0x370: {  	s0 =	sadd.s32 @!p0 $0x100000, s0  }
0x371: {  	[sflag:s0] =	ssyncadd.tile.s32 @!p0 $0x1;
	_ =	shalt  }
.Lfunc_end2:
_tile_overlayer_lowered:
.L_overlay_start_2:
0x372: {  	(tag) =	ssettag $0x2  }
0x373: {  	s0 =	rddreg [dreg:$0x0];
	s2 =	stileid.u32  }
0x374: {  	s1 =	rddreg [dreg:$0x1];
	p0 =	sne.s32 s2, $0x0  }
0x375: {  	s3 =	rddreg [dreg:$0x2];
	[bflag:$0x3] =	sbarrier.arrive $0xFFFF;
	s2 =	simm.s32 @!p0 $0x1C03  }
0x376: {  	[timem:s3], [sflag:s2] =	dma.local @!p0 [hbm:s0], s1  }
0x377: {  	s0 =	simm.s32 @!p0 $0x3  }
0x378: {  	_ =	swait.ge @!p0 [sflag:s0], s1  }
0x379: {  	s1 =	ssub.s32 @!p0 $0x0, s1;
	[sflag:s0] =	ssyncset.done @!p0 $0x0  }
0x37a: {  	[sflag:s0] =	ssyncadd.s32 @!p0 s1  }
0x37b: {  	[bflag:$0x3] =	sbarrier.arrive $0xFFFF  }
0x37c: {  	_ =	shalt  }

</sc_bundles>
